<compile_context>
chip_gen: v7x
topology: tpu7x:2x2x1
jax: 0.10.2.dev20260603
libtpu: 0.0.44.dev20260713+nightly
codegen_flags: <defaults>
</compile_context>

<pallas_src>
import functools

import jax
import jax.numpy as jnp
from jax import lax
from jax.experimental import pallas as pl
from jax.experimental.pallas import tpu as pltpu
from jax.experimental.pallas import tpu_sc as plsc

N = 50000
NPAD = 51200
E = 800000
F_IN = 128
H = 64
HH = 32
OUT = 2
NC, NS = 2, 16
K = 400
CHUNKS = E // (NS * K)
ROWS_PER_TILE = NPAD // NS
EMB_ROWS = NPAD // (NC * NS)
RB = 1000
GRID = N // RB

_mesh = plsc.VectorSubcoreMesh(
    core_axis_name="c", subcore_axis_name="s", num_cores=NC, num_subcores=NS)
_sc_params = pltpu.CompilerParams(use_tc_tiling_on_sc=False)


KC = 2000
CCHUNKS = E // (NS * KC)


EMB_CH = 400
EMB_NCH = EMB_ROWS // EMB_CH


def _prep_body(emb_hbm, ids_hbm, eife_hbm, eief_hbm,
               xe_hbm, cnt2_hbm,
               ids_v, rows_v, dst_v, ones_v, zb_v, cacc, sem):
    c = lax.axis_index("c")
    s = lax.axis_index("s")
    r0 = s * ROWS_PER_TILE

    def fill(i, carry):
        ones_v[pl.ds(i * 16, 16)] = jnp.full((16,), 1.0, jnp.float32)
        zb_v[pl.ds(i * 16, 16)] = jnp.zeros((16,), jnp.float32)
        return carry

    lax.fori_loop(0, KC // 16, fill, 0)
    for kk in range(ROWS_PER_TILE // KC):
        pltpu.sync_copy(zb_v, cacc.at[pl.ds(r0 + kk * KC, KC)])
    pltpu.sync_copy(zb_v.at[pl.ds(0, ROWS_PER_TILE % KC)],
                    cacc.at[pl.ds(r0 + (ROWS_PER_TILE // KC) * KC,
                                  ROWS_PER_TILE % KC)])
    w = s * NC + c
    base = w * EMB_ROWS
    nch = jnp.where(w == NC * NS - 1, 1, EMB_NCH)

    def emb_chunk(j, carry):
        off = base + j * EMB_CH
        pltpu.sync_copy(ids_hbm.at[pl.ds(off, EMB_CH)], ids_v)
        pltpu.async_copy(emb_hbm.at[ids_v], rows_v, sem).wait()
        pltpu.sync_copy(rows_v, xe_hbm.at[pl.ds(off, EMB_CH)])
        return carry

    plsc.subcore_barrier()
    lax.fori_loop(0, nch, emb_chunk, 0)

    ebase = s * (E // NS)

    def count_loop(ei_hbm):
        def chunk(j, carry):
            off = ebase + j * KC
            pltpu.sync_copy(ei_hbm.at[1].at[pl.ds(off, KC)], dst_v)
            pltpu.sync_copy(ones_v, cacc.at[dst_v], add=True)
            return carry

        lax.fori_loop(0, CCHUNKS, chunk, 0)

    @pl.when(c == 0)
    def _():
        count_loop(eife_hbm)

    @pl.when(c == 1)
    def _():
        count_loop(eief_hbm)

    plsc.subcore_barrier()
    pltpu.sync_copy(cacc.at[pl.ds(r0, ROWS_PER_TILE)],
                    cnt2_hbm.at[c].at[pl.ds(r0, ROWS_PER_TILE)])


_prep = functools.partial(
    pl.kernel,
    out_type=(jax.ShapeDtypeStruct((N, H), jnp.float32),
              jax.ShapeDtypeStruct((NC, NPAD), jnp.float32)),
    mesh=_mesh,
    scratch_types=[
        pltpu.VMEM((EMB_CH,), jnp.int32),
        pltpu.VMEM((EMB_CH, H), jnp.float32),
        pltpu.VMEM((KC,), jnp.int32),
        pltpu.VMEM((KC,), jnp.float32),
        pltpu.VMEM((KC,), jnp.float32),
        pltpu.VMEM_SHARED((NPAD,), jnp.float32),
        pltpu.SemaphoreType.DMA,
    ],
    compiler_params=_sc_params,
)(_prep_body)


def _conv_phase(c, s, tab_hbm, ei_hbm, out_hbm,
                srcA, dstA, srcB, dstB, rowsA, rowsB, acc,
                semGA, semGB, semIB):
    r0 = s * ROWS_PER_TILE

    def zrow(r, carry):
        z = jnp.zeros((16,), jnp.float32)
        rowsA[r, pl.ds(0, 16)] = z
        rowsA[r, pl.ds(16, 16)] = z
        return carry

    lax.fori_loop(0, K, zrow, 0)
    for kk in range(ROWS_PER_TILE // K):
        pltpu.sync_copy(rowsA, acc.at[pl.ds(r0 + kk * K, K)])
    plsc.subcore_barrier()

    ebase = s * (E // NS)

    def idx_off(j):
        return pl.ds(ebase + j * K, K)

    src_hbm = ei_hbm.at[0]
    dst_hbm = ei_hbm.at[1]
    pltpu.sync_copy(src_hbm.at[idx_off(0)], srcA)
    pltpu.sync_copy(dst_hbm.at[idx_off(0)], dstA)
    pltpu.async_copy(tab_hbm.at[c].at[srcA], rowsA, semGA)
    pltpu.async_copy(src_hbm.at[idx_off(1)], srcB, semIB)
    pltpu.async_copy(dst_hbm.at[idx_off(1)], dstB, semIB)

    def pair(i, carry):
        jB = 2 * i + 1
        jA2 = 2 * i + 2
        jB2 = 2 * i + 3
        pltpu.make_async_copy(src_hbm.at[idx_off(jB)], srcB, semIB).wait()
        pltpu.make_async_copy(dst_hbm.at[idx_off(jB)], dstB, semIB).wait()
        pltpu.async_copy(tab_hbm.at[c].at[srcB], rowsB, semGB)
        pltpu.make_async_copy(tab_hbm.at[c].at[srcA], rowsA, semGA).wait()
        pltpu.sync_copy(rowsA, acc.at[dstA], add=True)
        pltpu.sync_copy(src_hbm.at[idx_off(jA2)], srcA)
        pltpu.sync_copy(dst_hbm.at[idx_off(jA2)], dstA)
        pltpu.async_copy(tab_hbm.at[c].at[srcA], rowsA, semGA)
        pltpu.make_async_copy(tab_hbm.at[c].at[srcB], rowsB, semGB).wait()
        pltpu.sync_copy(rowsB, acc.at[dstB], add=True)

        @pl.when(jB2 < CHUNKS)
        def _():
            pltpu.async_copy(src_hbm.at[idx_off(jB2)], srcB, semIB)
            pltpu.async_copy(dst_hbm.at[idx_off(jB2)], dstB, semIB)

        return carry

    lax.fori_loop(0, (CHUNKS - 1) // 2, pair, 0)
    pltpu.make_async_copy(tab_hbm.at[c].at[srcA], rowsA, semGA).wait()
    pltpu.sync_copy(rowsA, acc.at[dstA], add=True)

    plsc.subcore_barrier()
    pltpu.sync_copy(acc.at[pl.ds(r0, ROWS_PER_TILE)],
                    out_hbm.at[c].at[pl.ds(r0, ROWS_PER_TILE)])


_conv_scratch = [
    pltpu.VMEM((K,), jnp.int32),
    pltpu.VMEM((K,), jnp.int32),
    pltpu.VMEM((K,), jnp.int32),
    pltpu.VMEM((K,), jnp.int32),
    pltpu.VMEM((K, HH), jnp.float32),
    pltpu.VMEM((K, HH), jnp.float32),
    pltpu.VMEM_SHARED((NPAD, HH), jnp.float32),
    pltpu.SemaphoreType.DMA,
    pltpu.SemaphoreType.DMA,
    pltpu.SemaphoreType.DMA,
]


def _conv_body(order_hbm, tab_hbm, ei_hbm, out_hbm, *scr):
    del order_hbm
    c = lax.axis_index("c")
    s = lax.axis_index("s")
    _conv_phase(c, s, tab_hbm, ei_hbm, out_hbm, *scr)


_seg_sum = functools.partial(
    pl.kernel,
    out_type=jax.ShapeDtypeStruct((NC, NPAD, HH), jnp.float32),
    mesh=_mesh,
    scratch_types=list(_conv_scratch),
    compiler_params=_sc_params,
)(_conv_body)





def _tc1_body(x_ref, w_ref, b_ref, wl_ref, xf_ref, g_ref):
    xf = jnp.dot(x_ref[...], w_ref[...],
                 preferred_element_type=jnp.float32) + b_ref[...]
    g = jnp.dot(xf, wl_ref[...], preferred_element_type=jnp.float32)
    xf_ref[...] = xf
    g_ref[0] = g[:, :HH]
    g_ref[1] = g[:, HH:]


def _tc1(x, w, b, wl):
    return pl.pallas_call(
        _tc1_body,
        grid=(GRID,),
        in_specs=[
            pl.BlockSpec((RB, F_IN), lambda i: (i, 0)),
            pl.BlockSpec((F_IN, H), lambda i: (0, 0)),
            pl.BlockSpec((1, H), lambda i: (0, 0)),
            pl.BlockSpec((H, H), lambda i: (0, 0)),
        ],
        out_specs=[
            pl.BlockSpec((RB, H), lambda i: (i, 0)),
            pl.BlockSpec((NC, RB, HH), lambda i: (0, i, 0)),
        ],
        out_shape=[
            jax.ShapeDtypeStruct((N, H), jnp.float32),
            jax.ShapeDtypeStruct((NC, N, HH), jnp.float32),
        ],
    )(x, w, b, wl)


def _tc2_body(xe_ref, wl_ref, wr_ref, b_ref, g_ref, xr_ref):
    xe = xe_ref[...]
    g = jnp.dot(xe, wl_ref[...], preferred_element_type=jnp.float32)
    g_ref[0] = g[:, :HH]
    g_ref[1] = g[:, HH:]
    xr_ref[...] = jnp.dot(xe, wr_ref[...],
                          preferred_element_type=jnp.float32) + b_ref[...]


def _tc2(xe, wl, wr, b):
    return pl.pallas_call(
        _tc2_body,
        grid=(GRID,),
        in_specs=[
            pl.BlockSpec((RB, H), lambda i: (i, 0)),
            pl.BlockSpec((H, H), lambda i: (0, 0)),
            pl.BlockSpec((H, H), lambda i: (0, 0)),
            pl.BlockSpec((1, H), lambda i: (0, 0)),
        ],
        out_specs=[
            pl.BlockSpec((NC, RB, HH), lambda i: (0, i, 0)),
            pl.BlockSpec((RB, H), lambda i: (i, 0)),
        ],
        out_shape=[
            jax.ShapeDtypeStruct((NC, N, HH), jnp.float32),
            jax.ShapeDtypeStruct((N, H), jnp.float32),
        ],
    )(xe, wl, wr, b)


def _mean(s_ref, cnt_ref):
    summed = jnp.concatenate([s_ref[0], s_ref[1]], axis=1)
    return summed / jnp.maximum(cnt_ref[...], 1.0)


def _tc3a_body(s1_ref, cfe_ref, xr1_ref, wl2_ref, g3_ref):
    e1 = jnp.maximum(_mean(s1_ref, cfe_ref) + xr1_ref[...], 0.0)
    g3 = jnp.dot(e1, wl2_ref[...], preferred_element_type=jnp.float32)
    g3_ref[0] = g3[:, :HH]
    g3_ref[1] = g3[:, HH:]


def _tc3a(s1, cfe, xr1, wl2):
    return pl.pallas_call(
        _tc3a_body,
        grid=(GRID,),
        in_specs=[
            pl.BlockSpec((NC, RB, HH), lambda i: (0, i, 0)),
            pl.BlockSpec((RB, 1), lambda i: (i, 0)),
            pl.BlockSpec((RB, H), lambda i: (i, 0)),
            pl.BlockSpec((H, H), lambda i: (0, 0)),
        ],
        out_specs=pl.BlockSpec((NC, RB, HH), lambda i: (0, i, 0)),
        out_shape=jax.ShapeDtypeStruct((NC, N, HH), jnp.float32),
    )(s1, cfe, xr1, wl2)


def _tc4_body(s3_ref, s2_ref, cef_ref, xf_ref, wr1_ref, b1_ref, wr2_ref,
              b2_ref, w_ref, b_ref, out_ref):
    f1 = jnp.maximum(
        _mean(s2_ref, cef_ref)
        + jnp.dot(xf_ref[...], wr1_ref[...], preferred_element_type=jnp.float32)
        + b1_ref[...], 0.0)
    fr = jnp.dot(f1, wr2_ref[...],
                 preferred_element_type=jnp.float32) + b2_ref[...]
    f2 = jnp.maximum(_mean(s3_ref, cef_ref) + fr, 0.0)
    out_ref[...] = jnp.dot(f2, w_ref[...],
                           preferred_element_type=jnp.float32)[:, :OUT] + b_ref[...]


def _tc4(s3, s2, cef, xf, wr1, b1, wr2, b2, w_pad, b):
    half = pl.BlockSpec((NC, RB, HH), lambda i: (0, i, 0))
    rows = pl.BlockSpec((RB, H), lambda i: (i, 0))
    wspec = pl.BlockSpec((H, H), lambda i: (0, 0))
    bspec = pl.BlockSpec((1, H), lambda i: (0, 0))
    return pl.pallas_call(
        _tc4_body,
        grid=(GRID,),
        in_specs=[half, half,
                  pl.BlockSpec((RB, 1), lambda i: (i, 0)),
                  rows, wspec, bspec, wspec, bspec,
                  pl.BlockSpec((H, 128), lambda i: (0, 0)),
                  pl.BlockSpec((1, OUT), lambda i: (0, 0))],
        out_specs=pl.BlockSpec((RB, OUT), lambda i: (i, 0)),
        out_shape=jax.ShapeDtypeStruct((N, OUT), jnp.float32),
    )(s3, s2, cef, xf, wr1, b1, wr2, b2, w_pad, b)


def kernel(x_flow, entity_ids, edge_index_fe, edge_index_ef, flow_W, flow_b,
           emb, c1fe_Wl, c1fe_Wr, c1fe_b, c1ef_Wl, c1ef_Wr, c1ef_b,
           c2fe_Wl, c2fe_Wr, c2fe_b, c2ef_Wl, c2ef_Wr, c2ef_b, cls_W, cls_b):
    ids = entity_ids.astype(jnp.int32)
    eife = edge_index_fe.astype(jnp.int32)
    eief = edge_index_ef.astype(jnp.int32)
    xe, cnt2 = _prep(emb, ids, eife, eief)
    cnt_fe = cnt2[0].reshape(NPAD, 1)
    cnt_ef = cnt2[1].reshape(NPAD, 1)
    xf, g1 = _tc1(x_flow, flow_W, flow_b.reshape(1, H), c1fe_Wl)
    g2, xr1 = _tc2(xe, c1ef_Wl, c1fe_Wr, c1fe_b.reshape(1, H))

    s1 = _seg_sum(cnt2, g1, eife)
    s2 = _seg_sum(cnt2, g2, eief)

    g3 = _tc3a(s1, cnt_fe, xr1, c2ef_Wl)

    s3 = _seg_sum(cnt2, g3, eief)

    w_pad = jnp.pad(cls_W, ((0, 0), (0, 128 - OUT)))
    return _tc4(s3, s2, cnt_ef, xf, c1ef_Wr, c1ef_b.reshape(1, H),
                c2ef_Wr, c2ef_b.reshape(1, H), w_pad, cls_b.reshape(1, OUT))

# --- scband reference (transcript-rebuilt; emitter-appended) ---
"""Pipeline reference for scband-xg-nid-model-23063974379794 (READ-ONLY COPY).

The authoritative reference and input builder live on the scoring server;
editing this copy changes nothing except your own understanding.
"""

import jax, jax.numpy as jnp
import numpy as np

N_FLOW = 50000
N_ENT = 50000
E = 800000
F_IN = 128
H = 64
VOCAB = 100000
OUT = 2


def setup_inputs(seed: int = 0):
    key = jax.random.key(seed)
    ks = jax.random.split(key, 32)
    s = 0.05
    inp = {}
    inp["x_flow"] = jax.random.normal(ks[0], (N_FLOW, F_IN), dtype=jnp.float32)
    inp["entity_ids"] = jax.random.randint(ks[1], (N_ENT,), 0, VOCAB)
    inp["edge_index_fe"] = jnp.stack([
        jax.random.randint(ks[2], (E,), 0, N_FLOW),
        jax.random.randint(ks[3], (E,), 0, N_ENT),
    ])
    inp["edge_index_ef"] = jnp.stack([
        jax.random.randint(ks[4], (E,), 0, N_ENT),
        jax.random.randint(ks[5], (E,), 0, N_FLOW),
    ])
    inp["flow_W"] = jax.random.normal(ks[6], (F_IN, H), dtype=jnp.float32) * s
    inp["flow_b"] = jnp.zeros((H,), dtype=jnp.float32)
    inp["emb"] = jax.random.normal(ks[7], (VOCAB, H), dtype=jnp.float32) * s
    for i, nm in enumerate(["c1fe", "c1ef", "c2fe", "c2ef"]):
        inp[nm + "_Wl"] = jax.random.normal(ks[8 + 2 * i], (H, H), dtype=jnp.float32) * s
        inp[nm + "_Wr"] = jax.random.normal(ks[9 + 2 * i], (H, H), dtype=jnp.float32) * s
        inp[nm + "_b"] = jnp.zeros((H,), dtype=jnp.float32)
    inp["cls_W"] = jax.random.normal(ks[20], (H, OUT), dtype=jnp.float32) * s
    inp["cls_b"] = jnp.zeros((OUT,), dtype=jnp.float32)
    return inp


def _sage(x_src, x_dst, ei, Wl, Wr, b):
    # PyG SAGEConv with bipartite input (x_src, x_dst): mean-aggregate neighbor
    # messages, linear on aggregate (lin_l) + linear on root/dst (lin_r) + bias.
    src = ei[0]
    dst = ei[1]
    msg = jnp.take(x_src, src, axis=0)                      # gather  [E, H]
    n = x_dst.shape[0]
    summed = jax.ops.segment_sum(msg, dst, num_segments=n)  # scatter-add
    cnt = jax.ops.segment_sum(jnp.ones((ei.shape[1],), dtype=x_src.dtype), dst, num_segments=n)
    mean = summed / jnp.maximum(cnt, 1.0)[:, None]
    return mean @ Wl + x_dst @ Wr + b


def reference(x_flow, entity_ids, edge_index_fe, edge_index_ef, flow_W, flow_b, emb,
              c1fe_Wl, c1fe_Wr, c1fe_b, c1ef_Wl, c1ef_Wr, c1ef_b,
              c2fe_Wl, c2fe_Wr, c2fe_b, c2ef_Wl, c2ef_Wr, c2ef_b,
              cls_W, cls_b):
    # flow_lin + entity embedding lookup
    xf = x_flow @ flow_W + flow_b
    xe = jnp.take(emb, entity_ids, axis=0)
    # conv1 (HeteroConv, aggr='sum': each dst type has one incoming relation)
    e1 = jax.nn.relu(_sage(xf, xe, edge_index_fe, c1fe_Wl, c1fe_Wr, c1fe_b))
    f1 = jax.nn.relu(_sage(xe, xf, edge_index_ef, c1ef_Wl, c1ef_Wr, c1ef_b))
    # dropout p=0.2 is identity in eval mode
    # conv2: only the 'flow' output feeds the classifier (entity output unused)
    f2 = jax.nn.relu(_sage(e1, f1, edge_index_ef, c2ef_Wl, c2ef_Wr, c2ef_b))
    return f2 @ cls_W + cls_b

if __name__ == "__main__":
    import jax
    _d = setup_inputs()
    print(jax.jit(kernel)(*tuple(_d.values())))

</pallas_src>

<mosaic_0001>
#map = affine_map<(d0, d1) -> (0, 0)>
#map1 = affine_map<(d0, d1) -> (0, 0, 0)>
module attributes {stable_mosaic.version = 14 : i64} {
  func.func @_conv_body(%arg0: i32, %arg1: i32, %arg2: memref<2x51200xf32, #tpu.memory_space<hbm>>, %arg3: memref<2x50000x32xf32, #tpu.memory_space<hbm>>, %arg4: memref<2x800000xi32, #tpu.memory_space<hbm>>, %arg5: memref<2x51200x32xf32, #tpu.memory_space<hbm>>, %arg6: memref<400xi32, #tpu.memory_space<vmem>>, %arg7: memref<400xi32, #tpu.memory_space<vmem>>, %arg8: memref<400xi32, #tpu.memory_space<vmem>>, %arg9: memref<400xi32, #tpu.memory_space<vmem>>, %arg10: memref<400x32xf32, #tpu.memory_space<vmem>>, %arg11: memref<400x32xf32, #tpu.memory_space<vmem>>, %arg12: memref<51200x32xf32, #tpu.memory_space<vmem_shared>>, %arg13: memref<!tpu.dma_semaphore, #tpu.memory_space<semaphore_mem>>, %arg14: memref<!tpu.dma_semaphore, #tpu.memory_space<semaphore_mem>>, %arg15: memref<!tpu.dma_semaphore, #tpu.memory_space<semaphore_mem>>) attributes {dimension_semantics = [#tpu.dimension_semantics<core_parallel>, #tpu.dimension_semantics<subcore_parallel>], iteration_bounds = array<i64: 2, 16>, scalar_prefetch = 0 : i64, scratch_operands = 10 : i64, tpu.core_type = #tpu.core_type<sc_vector_subcore>, window_params = [{transform_indices = #map}, {transform_indices = #map1}, {transform_indices = #map}, {transform_indices = #map1}]} {
    %mul3A = arith.constant 3200 : i32
    %mul3A_0 = arith.muli %arg1, %mul3A : i32
    %scan3A = arith.constant 0 : i32
    %scan3A_1 = arith.constant 0 : i32
    %scan3A_2 = arith.constant 400 : i32
    %scan3A_3 = arith.addi %scan3A_1, %scan3A_2 : i32
    %scan3A_4 = arith.constant 1 : i32
    scf.for %scan3A_71 = %scan3A_1 to %scan3A_3 step %scan3A_4  : i32 {
      %broadcast_in_dim3A = arith.constant 0.000000e+00 : f32
      %broadcast_in_dim3A_72 = vector.broadcast %broadcast_in_dim3A : f32 to vector<16xf32>
      %swap3A = arith.index_cast %scan3A_71 : i32 to index
      %swap3A_73 = arith.constant 0 : index
      %swap3A_74 = tpu.vector_load %arg10[%swap3A, %swap3A_73] {strides = array<i32>} : memref<400x32xf32, #tpu.memory_space<vmem>>, vector<1x16xf32>,
      %swap3A_75 = vector.shape_cast %swap3A_74 : vector<1x16xf32> to vector<16xf32>
      %swap3A_76 = vector.shape_cast %broadcast_in_dim3A_72 : vector<16xf32> to vector<1x16xf32>
      tpu.vector_store %arg10[%swap3A, %swap3A_73], %swap3A_76 {strides = array<i32>} : memref<400x32xf32, #tpu.memory_space<vmem>>, vector<1x16xf32>,
      %swap3A_77 = arith.index_cast %scan3A_71 : i32 to index
      %swap3A_78 = arith.constant 16 : index
      %swap3A_79 = tpu.vector_load %arg10[%swap3A_77, %swap3A_78] {strides = array<i32>} : memref<400x32xf32, #tpu.memory_space<vmem>>, vector<1x16xf32>,
      %swap3A_80 = vector.shape_cast %swap3A_79 : vector<1x16xf32> to vector<16xf32>
      %swap3A_81 = vector.shape_cast %broadcast_in_dim3A_72 : vector<16xf32> to vector<1x16xf32>
      tpu.vector_store %arg10[%swap3A_77, %swap3A_78], %swap3A_81 {strides = array<i32>} : memref<400x32xf32, #tpu.memory_space<vmem>>, vector<1x16xf32>,
    }
    %scan3A_5 = arith.constant 400 : i32
    %add3A = arith.constant 0 : i32
    %add3A_6 = arith.addi %mul3A_0, %add3A : i32
    "tpu.region"() ({
      %run_scoped3A_71 = tpu.sem_alloc : memref<!tpu.dma_semaphore, #tpu.memory_space<semaphore_mem>>
      %dma_start3A_72 = arith.constant 0 : i32
      %dma_start3A_73 = tpu.memref_slice %arg12[%add3A_6, %dma_start3A_72] : memref<51200x32xf32, #tpu.memory_space<vmem_shared>> -> memref<400x32xf32, #tpu.memory_space<vmem_shared>>
      %dma_start3A_74 = arith.constant 0 : i32
      %dma_start3A_75 = tpu.memref_slice %arg12[%add3A_6, %dma_start3A_74] : memref<51200x32xf32, #tpu.memory_space<vmem_shared>> -> memref<400x32xf32, #tpu.memory_space<vmem_shared>>
      tpu.enqueue_dma source(%arg10 : memref<400x32xf32, #tpu.memory_space<vmem>>) target(%dma_start3A_75 : memref<400x32xf32, #tpu.memory_space<vmem_shared>>) target_semaphore(%run_scoped3A_71 : memref<!tpu.dma_semaphore, #tpu.memory_space<semaphore_mem>>)
      %dma_wait3A_76 = arith.constant 0 : i32
      %dma_wait3A_77 = tpu.memref_slice %arg12[%add3A_6, %dma_wait3A_76] : memref<51200x32xf32, #tpu.memory_space<vmem_shared>> -> memref<400x32xf32, #tpu.memory_space<vmem_shared>>
      %dma_wait3A_78 = arith.constant 0 : i32
      %dma_wait3A_79 = tpu.memref_slice %arg12[%add3A_6, %dma_wait3A_78] : memref<51200x32xf32, #tpu.memory_space<vmem_shared>> -> memref<400x32xf32, #tpu.memory_space<vmem_shared>>
      tpu.wait_dma2 semaphore(%run_scoped3A_71 : memref<!tpu.dma_semaphore, #tpu.memory_space<semaphore_mem>>) src(%arg10 : memref<400x32xf32, #tpu.memory_space<vmem>>) dst(%dma_wait3A_79 : memref<400x32xf32, #tpu.memory_space<vmem_shared>>)
      tpu.yield
    }) : () -> ()
    %add3A_7 = arith.constant 400 : i32
    %add3A_8 = arith.addi %mul3A_0, %add3A_7 : i32
    "tpu.region"() ({
      %run_scoped3A_71 = tpu.sem_alloc : memref<!tpu.dma_semaphore, #tpu.memory_space<semaphore_mem>>
      %dma_start3A_72 = arith.constant 0 : i32
      %dma_start3A_73 = tpu.memref_slice %arg12[%add3A_8, %dma_start3A_72] : memref<51200x32xf32, #tpu.memory_space<vmem_shared>> -> memref<400x32xf32, #tpu.memory_space<vmem_shared>>
      %dma_start3A_74 = arith.constant 0 : i32
      %dma_start3A_75 = tpu.memref_slice %arg12[%add3A_8, %dma_start3A_74] : memref<51200x32xf32, #tpu.memory_space<vmem_shared>> -> memref<400x32xf32, #tpu.memory_space<vmem_shared>>
      tpu.enqueue_dma source(%arg10 : memref<400x32xf32, #tpu.memory_space<vmem>>) target(%dma_start3A_75 : memref<400x32xf32, #tpu.memory_space<vmem_shared>>) target_semaphore(%run_scoped3A_71 : memref<!tpu.dma_semaphore, #tpu.memory_space<semaphore_mem>>)
      %dma_wait3A_76 = arith.constant 0 : i32
      %dma_wait3A_77 = tpu.memref_slice %arg12[%add3A_8, %dma_wait3A_76] : memref<51200x32xf32, #tpu.memory_space<vmem_shared>> -> memref<400x32xf32, #tpu.memory_space<vmem_shared>>
      %dma_wait3A_78 = arith.constant 0 : i32
      %dma_wait3A_79 = tpu.memref_slice %arg12[%add3A_8, %dma_wait3A_78] : memref<51200x32xf32, #tpu.memory_space<vmem_shared>> -> memref<400x32xf32, #tpu.memory_space<vmem_shared>>
      tpu.wait_dma2 semaphore(%run_scoped3A_71 : memref<!tpu.dma_semaphore, #tpu.memory_space<semaphore_mem>>) src(%arg10 : memref<400x32xf32, #tpu.memory_space<vmem>>) dst(%dma_wait3A_79 : memref<400x32xf32, #tpu.memory_space<vmem_shared>>)
      tpu.yield
    }) : () -> ()
    %add3A_9 = arith.constant 800 : i32
    %add3A_10 = arith.addi %mul3A_0, %add3A_9 : i32
    "tpu.region"() ({
      %run_scoped3A_71 = tpu.sem_alloc : memref<!tpu.dma_semaphore, #tpu.memory_space<semaphore_mem>>
      %dma_start3A_72 = arith.constant 0 : i32
      %dma_start3A_73 = tpu.memref_slice %arg12[%add3A_10, %dma_start3A_72] : memref<51200x32xf32, #tpu.memory_space<vmem_shared>> -> memref<400x32xf32, #tpu.memory_space<vmem_shared>>
      %dma_start3A_74 = arith.constant 0 : i32
      %dma_start3A_75 = tpu.memref_slice %arg12[%add3A_10, %dma_start3A_74] : memref<51200x32xf32, #tpu.memory_space<vmem_shared>> -> memref<400x32xf32, #tpu.memory_space<vmem_shared>>
      tpu.enqueue_dma source(%arg10 : memref<400x32xf32, #tpu.memory_space<vmem>>) target(%dma_start3A_75 : memref<400x32xf32, #tpu.memory_space<vmem_shared>>) target_semaphore(%run_scoped3A_71 : memref<!tpu.dma_semaphore, #tpu.memory_space<semaphore_mem>>)
      %dma_wait3A_76 = arith.constant 0 : i32
      %dma_wait3A_77 = tpu.memref_slice %arg12[%add3A_10, %dma_wait3A_76] : memref<51200x32xf32, #tpu.memory_space<vmem_shared>> -> memref<400x32xf32, #tpu.memory_space<vmem_shared>>
      %dma_wait3A_78 = arith.constant 0 : i32
      %dma_wait3A_79 = tpu.memref_slice %arg12[%add3A_10, %dma_wait3A_78] : memref<51200x32xf32, #tpu.memory_space<vmem_shared>> -> memref<400x32xf32, #tpu.memory_space<vmem_shared>>
      tpu.wait_dma2 semaphore(%run_scoped3A_71 : memref<!tpu.dma_semaphore, #tpu.memory_space<semaphore_mem>>) src(%arg10 : memref<400x32xf32, #tpu.memory_space<vmem>>) dst(%dma_wait3A_79 : memref<400x32xf32, #tpu.memory_space<vmem_shared>>)
      tpu.yield
    }) : () -> ()
    %add3A_11 = arith.constant 1200 : i32
    %add3A_12 = arith.addi %mul3A_0, %add3A_11 : i32
    "tpu.region"() ({
      %run_scoped3A_71 = tpu.sem_alloc : memref<!tpu.dma_semaphore, #tpu.memory_space<semaphore_mem>>
      %dma_start3A_72 = arith.constant 0 : i32
      %dma_start3A_73 = tpu.memref_slice %arg12[%add3A_12, %dma_start3A_72] : memref<51200x32xf32, #tpu.memory_space<vmem_shared>> -> memref<400x32xf32, #tpu.memory_space<vmem_shared>>
      %dma_start3A_74 = arith.constant 0 : i32
      %dma_start3A_75 = tpu.memref_slice %arg12[%add3A_12, %dma_start3A_74] : memref<51200x32xf32, #tpu.memory_space<vmem_shared>> -> memref<400x32xf32, #tpu.memory_space<vmem_shared>>
      tpu.enqueue_dma source(%arg10 : memref<400x32xf32, #tpu.memory_space<vmem>>) target(%dma_start3A_75 : memref<400x32xf32, #tpu.memory_space<vmem_shared>>) target_semaphore(%run_scoped3A_71 : memref<!tpu.dma_semaphore, #tpu.memory_space<semaphore_mem>>)
      %dma_wait3A_76 = arith.constant 0 : i32
      %dma_wait3A_77 = tpu.memref_slice %arg12[%add3A_12, %dma_wait3A_76] : memref<51200x32xf32, #tpu.memory_space<vmem_shared>> -> memref<400x32xf32, #tpu.memory_space<vmem_shared>>
      %dma_wait3A_78 = arith.constant 0 : i32
      %dma_wait3A_79 = tpu.memref_slice %arg12[%add3A_12, %dma_wait3A_78] : memref<51200x32xf32, #tpu.memory_space<vmem_shared>> -> memref<400x32xf32, #tpu.memory_space<vmem_shared>>
      tpu.wait_dma2 semaphore(%run_scoped3A_71 : memref<!tpu.dma_semaphore, #tpu.memory_space<semaphore_mem>>) src(%arg10 : memref<400x32xf32, #tpu.memory_space<vmem>>) dst(%dma_wait3A_79 : memref<400x32xf32, #tpu.memory_space<vmem_shared>>)
      tpu.yield
    }) : () -> ()
    %add3A_13 = arith.constant 1600 : i32
    %add3A_14 = arith.addi %mul3A_0, %add3A_13 : i32
    "tpu.region"() ({
      %run_scoped3A_71 = tpu.sem_alloc : memref<!tpu.dma_semaphore, #tpu.memory_space<semaphore_mem>>
      %dma_start3A_72 = arith.constant 0 : i32
      %dma_start3A_73 = tpu.memref_slice %arg12[%add3A_14, %dma_start3A_72] : memref<51200x32xf32, #tpu.memory_space<vmem_shared>> -> memref<400x32xf32, #tpu.memory_space<vmem_shared>>
      %dma_start3A_74 = arith.constant 0 : i32
      %dma_start3A_75 = tpu.memref_slice %arg12[%add3A_14, %dma_start3A_74] : memref<51200x32xf32, #tpu.memory_space<vmem_shared>> -> memref<400x32xf32, #tpu.memory_space<vmem_shared>>
      tpu.enqueue_dma source(%arg10 : memref<400x32xf32, #tpu.memory_space<vmem>>) target(%dma_start3A_75 : memref<400x32xf32, #tpu.memory_space<vmem_shared>>) target_semaphore(%run_scoped3A_71 : memref<!tpu.dma_semaphore, #tpu.memory_space<semaphore_mem>>)
      %dma_wait3A_76 = arith.constant 0 : i32
      %dma_wait3A_77 = tpu.memref_slice %arg12[%add3A_14, %dma_wait3A_76] : memref<51200x32xf32, #tpu.memory_space<vmem_shared>> -> memref<400x32xf32, #tpu.memory_space<vmem_shared>>
      %dma_wait3A_78 = arith.constant 0 : i32
      %dma_wait3A_79 = tpu.memref_slice %arg12[%add3A_14, %dma_wait3A_78] : memref<51200x32xf32, #tpu.memory_space<vmem_shared>> -> memref<400x32xf32, #tpu.memory_space<vmem_shared>>
      tpu.wait_dma2 semaphore(%run_scoped3A_71 : memref<!tpu.dma_semaphore, #tpu.memory_space<semaphore_mem>>) src(%arg10 : memref<400x32xf32, #tpu.memory_space<vmem>>) dst(%dma_wait3A_79 : memref<400x32xf32, #tpu.memory_space<vmem_shared>>)
      tpu.yield
    }) : () -> ()
    %add3A_15 = arith.constant 2000 : i32
    %add3A_16 = arith.addi %mul3A_0, %add3A_15 : i32
    "tpu.region"() ({
      %run_scoped3A_71 = tpu.sem_alloc : memref<!tpu.dma_semaphore, #tpu.memory_space<semaphore_mem>>
      %dma_start3A_72 = arith.constant 0 : i32
      %dma_start3A_73 = tpu.memref_slice %arg12[%add3A_16, %dma_start3A_72] : memref<51200x32xf32, #tpu.memory_space<vmem_shared>> -> memref<400x32xf32, #tpu.memory_space<vmem_shared>>
      %dma_start3A_74 = arith.constant 0 : i32
      %dma_start3A_75 = tpu.memref_slice %arg12[%add3A_16, %dma_start3A_74] : memref<51200x32xf32, #tpu.memory_space<vmem_shared>> -> memref<400x32xf32, #tpu.memory_space<vmem_shared>>
      tpu.enqueue_dma source(%arg10 : memref<400x32xf32, #tpu.memory_space<vmem>>) target(%dma_start3A_75 : memref<400x32xf32, #tpu.memory_space<vmem_shared>>) target_semaphore(%run_scoped3A_71 : memref<!tpu.dma_semaphore, #tpu.memory_space<semaphore_mem>>)
      %dma_wait3A_76 = arith.constant 0 : i32
      %dma_wait3A_77 = tpu.memref_slice %arg12[%add3A_16, %dma_wait3A_76] : memref<51200x32xf32, #tpu.memory_space<vmem_shared>> -> memref<400x32xf32, #tpu.memory_space<vmem_shared>>
      %dma_wait3A_78 = arith.constant 0 : i32
      %dma_wait3A_79 = tpu.memref_slice %arg12[%add3A_16, %dma_wait3A_78] : memref<51200x32xf32, #tpu.memory_space<vmem_shared>> -> memref<400x32xf32, #tpu.memory_space<vmem_shared>>
      tpu.wait_dma2 semaphore(%run_scoped3A_71 : memref<!tpu.dma_semaphore, #tpu.memory_space<semaphore_mem>>) src(%arg10 : memref<400x32xf32, #tpu.memory_space<vmem>>) dst(%dma_wait3A_79 : memref<400x32xf32, #tpu.memory_space<vmem_shared>>)
      tpu.yield
    }) : () -> ()
    %add3A_17 = arith.constant 2400 : i32
    %add3A_18 = arith.addi %mul3A_0, %add3A_17 : i32
    "tpu.region"() ({
      %run_scoped3A_71 = tpu.sem_alloc : memref<!tpu.dma_semaphore, #tpu.memory_space<semaphore_mem>>
      %dma_start3A_72 = arith.constant 0 : i32
      %dma_start3A_73 = tpu.memref_slice %arg12[%add3A_18, %dma_start3A_72] : memref<51200x32xf32, #tpu.memory_space<vmem_shared>> -> memref<400x32xf32, #tpu.memory_space<vmem_shared>>
      %dma_start3A_74 = arith.constant 0 : i32
      %dma_start3A_75 = tpu.memref_slice %arg12[%add3A_18, %dma_start3A_74] : memref<51200x32xf32, #tpu.memory_space<vmem_shared>> -> memref<400x32xf32, #tpu.memory_space<vmem_shared>>
      tpu.enqueue_dma source(%arg10 : memref<400x32xf32, #tpu.memory_space<vmem>>) target(%dma_start3A_75 : memref<400x32xf32, #tpu.memory_space<vmem_shared>>) target_semaphore(%run_scoped3A_71 : memref<!tpu.dma_semaphore, #tpu.memory_space<semaphore_mem>>)
      %dma_wait3A_76 = arith.constant 0 : i32
      %dma_wait3A_77 = tpu.memref_slice %arg12[%add3A_18, %dma_wait3A_76] : memref<51200x32xf32, #tpu.memory_space<vmem_shared>> -> memref<400x32xf32, #tpu.memory_space<vmem_shared>>
      %dma_wait3A_78 = arith.constant 0 : i32
      %dma_wait3A_79 = tpu.memref_slice %arg12[%add3A_18, %dma_wait3A_78] : memref<51200x32xf32, #tpu.memory_space<vmem_shared>> -> memref<400x32xf32, #tpu.memory_space<vmem_shared>>
      tpu.wait_dma2 semaphore(%run_scoped3A_71 : memref<!tpu.dma_semaphore, #tpu.memory_space<semaphore_mem>>) src(%arg10 : memref<400x32xf32, #tpu.memory_space<vmem>>) dst(%dma_wait3A_79 : memref<400x32xf32, #tpu.memory_space<vmem_shared>>)
      tpu.yield
    }) : () -> ()
    %add3A_19 = arith.constant 2800 : i32
    %add3A_20 = arith.addi %mul3A_0, %add3A_19 : i32
    "tpu.region"() ({
      %run_scoped3A_71 = tpu.sem_alloc : memref<!tpu.dma_semaphore, #tpu.memory_space<semaphore_mem>>
      %dma_start3A_72 = arith.constant 0 : i32
      %dma_start3A_73 = tpu.memref_slice %arg12[%add3A_20, %dma_start3A_72] : memref<51200x32xf32, #tpu.memory_space<vmem_shared>> -> memref<400x32xf32, #tpu.memory_space<vmem_shared>>
      %dma_start3A_74 = arith.constant 0 : i32
      %dma_start3A_75 = tpu.memref_slice %arg12[%add3A_20, %dma_start3A_74] : memref<51200x32xf32, #tpu.memory_space<vmem_shared>> -> memref<400x32xf32, #tpu.memory_space<vmem_shared>>
      tpu.enqueue_dma source(%arg10 : memref<400x32xf32, #tpu.memory_space<vmem>>) target(%dma_start3A_75 : memref<400x32xf32, #tpu.memory_space<vmem_shared>>) target_semaphore(%run_scoped3A_71 : memref<!tpu.dma_semaphore, #tpu.memory_space<semaphore_mem>>)
      %dma_wait3A_76 = arith.constant 0 : i32
      %dma_wait3A_77 = tpu.memref_slice %arg12[%add3A_20, %dma_wait3A_76] : memref<51200x32xf32, #tpu.memory_space<vmem_shared>> -> memref<400x32xf32, #tpu.memory_space<vmem_shared>>
      %dma_wait3A_78 = arith.constant 0 : i32
      %dma_wait3A_79 = tpu.memref_slice %arg12[%add3A_20, %dma_wait3A_78] : memref<51200x32xf32, #tpu.memory_space<vmem_shared>> -> memref<400x32xf32, #tpu.memory_space<vmem_shared>>
      tpu.wait_dma2 semaphore(%run_scoped3A_71 : memref<!tpu.dma_semaphore, #tpu.memory_space<semaphore_mem>>) src(%arg10 : memref<400x32xf32, #tpu.memory_space<vmem>>) dst(%dma_wait3A_79 : memref<400x32xf32, #tpu.memory_space<vmem_shared>>)
      tpu.yield
    }) : () -> ()
    %barrier3A = arith.constant 0 : index
    tpu.barrier barrier_id(%barrier3A)
    %mul3A_21 = arith.constant 50000 : i32
    %mul3A_22 = arith.muli %arg1, %mul3A_21 : i32
    %add3A_23 = arith.constant 0 : i32
    %add3A_24 = arith.addi %mul3A_22, %add3A_23 : i32
    %run_scoped3A = arith.constant 0 : i32
    "tpu.region"() ({
      %run_scoped3A_71 = tpu.sem_alloc : memref<!tpu.dma_semaphore, #tpu.memory_space<semaphore_mem>>
      %dma_start3A_72 = arith.constant 0 : i32
      %dma_start3A_73 = tpu.memref_slice %arg4[%run_scoped3A, %dma_start3A_72] : memref<2x800000xi32, #tpu.memory_space<hbm>> -> memref<1x800000xi32, #tpu.memory_space<hbm>>
      %dma_start3A_74 = tpu.memref_squeeze %dma_start3A_73 : memref<1x800000xi32, #tpu.memory_space<hbm>> -> memref<800000xi32, #tpu.memory_space<hbm>>
      %dma_start3A_75 = tpu.memref_slice %dma_start3A_74[%add3A_24] : memref<800000xi32, #tpu.memory_space<hbm>> -> memref<400xi32, #tpu.memory_space<hbm>>
      %dma_start3A_76 = arith.constant 0 : i32
      %dma_start3A_77 = tpu.memref_slice %arg4[%run_scoped3A, %dma_start3A_76] : memref<2x800000xi32, #tpu.memory_space<hbm>> -> memref<1x800000xi32, #tpu.memory_space<hbm>>
      %dma_start3A_78 = tpu.memref_squeeze %dma_start3A_77 : memref<1x800000xi32, #tpu.memory_space<hbm>> -> memref<800000xi32, #tpu.memory_space<hbm>>
      %dma_start3A_79 = tpu.memref_slice %dma_start3A_78[%add3A_24] : memref<800000xi32, #tpu.memory_space<hbm>> -> memref<400xi32, #tpu.memory_space<hbm>>
      tpu.enqueue_dma source(%dma_start3A_79 : memref<400xi32, #tpu.memory_space<hbm>>) target(%arg6 : memref<400xi32, #tpu.memory_space<vmem>>) target_semaphore(%run_scoped3A_71 : memref<!tpu.dma_semaphore, #tpu.memory_space<semaphore_mem>>)
      %dma_wait3A_80 = arith.constant 0 : i32
      %dma_wait3A_81 = tpu.memref_slice %arg4[%run_scoped3A, %dma_wait3A_80] : memref<2x800000xi32, #tpu.memory_space<hbm>> -> memref<1x800000xi32, #tpu.memory_space<hbm>>
      %dma_wait3A_82 = tpu.memref_squeeze %dma_wait3A_81 : memref<1x800000xi32, #tpu.memory_space<hbm>> -> memref<800000xi32, #tpu.memory_space<hbm>>
      %dma_wait3A_83 = tpu.memref_slice %dma_wait3A_82[%add3A_24] : memref<800000xi32, #tpu.memory_space<hbm>> -> memref<400xi32, #tpu.memory_space<hbm>>
      %dma_wait3A_84 = arith.constant 0 : i32
      %dma_wait3A_85 = tpu.memref_slice %arg4[%run_scoped3A, %dma_wait3A_84] : memref<2x800000xi32, #tpu.memory_space<hbm>> -> memref<1x800000xi32, #tpu.memory_space<hbm>>
      %dma_wait3A_86 = tpu.memref_squeeze %dma_wait3A_85 : memref<1x800000xi32, #tpu.memory_space<hbm>> -> memref<800000xi32, #tpu.memory_space<hbm>>
      %dma_wait3A_87 = tpu.memref_slice %dma_wait3A_86[%add3A_24] : memref<800000xi32, #tpu.memory_space<hbm>> -> memref<400xi32, #tpu.memory_space<hbm>>
      tpu.wait_dma2 semaphore(%run_scoped3A_71 : memref<!tpu.dma_semaphore, #tpu.memory_space<semaphore_mem>>) src(%dma_wait3A_87 : memref<400xi32, #tpu.memory_space<hbm>>) dst(%arg6 : memref<400xi32, #tpu.memory_space<vmem>>)
      tpu.yield
    }) : () -> ()
    %add3A_25 = arith.constant 0 : i32
    %add3A_26 = arith.addi %mul3A_22, %add3A_25 : i32
    %run_scoped3A_27 = arith.constant 1 : i32
    "tpu.region"() ({
      %run_scoped3A_71 = tpu.sem_alloc : memref<!tpu.dma_semaphore, #tpu.memory_space<semaphore_mem>>
      %dma_start3A_72 = arith.constant 0 : i32
      %dma_start3A_73 = tpu.memref_slice %arg4[%run_scoped3A_27, %dma_start3A_72] : memref<2x800000xi32, #tpu.memory_space<hbm>> -> memref<1x800000xi32, #tpu.memory_space<hbm>>
      %dma_start3A_74 = tpu.memref_squeeze %dma_start3A_73 : memref<1x800000xi32, #tpu.memory_space<hbm>> -> memref<800000xi32, #tpu.memory_space<hbm>>
      %dma_start3A_75 = tpu.memref_slice %dma_start3A_74[%add3A_26] : memref<800000xi32, #tpu.memory_space<hbm>> -> memref<400xi32, #tpu.memory_space<hbm>>
      %dma_start3A_76 = arith.constant 0 : i32
      %dma_start3A_77 = tpu.memref_slice %arg4[%run_scoped3A_27, %dma_start3A_76] : memref<2x800000xi32, #tpu.memory_space<hbm>> -> memref<1x800000xi32, #tpu.memory_space<hbm>>
      %dma_start3A_78 = tpu.memref_squeeze %dma_start3A_77 : memref<1x800000xi32, #tpu.memory_space<hbm>> -> memref<800000xi32, #tpu.memory_space<hbm>>
      %dma_start3A_79 = tpu.memref_slice %dma_start3A_78[%add3A_26] : memref<800000xi32, #tpu.memory_space<hbm>> -> memref<400xi32, #tpu.memory_space<hbm>>
      tpu.enqueue_dma source(%dma_start3A_79 : memref<400xi32, #tpu.memory_space<hbm>>) target(%arg7 : memref<400xi32, #tpu.memory_space<vmem>>) target_semaphore(%run_scoped3A_71 : memref<!tpu.dma_semaphore, #tpu.memory_space<semaphore_mem>>)
      %dma_wait3A_80 = arith.constant 0 : i32
      %dma_wait3A_81 = tpu.memref_slice %arg4[%run_scoped3A_27, %dma_wait3A_80] : memref<2x800000xi32, #tpu.memory_space<hbm>> -> memref<1x800000xi32, #tpu.memory_space<hbm>>
      %dma_wait3A_82 = tpu.memref_squeeze %dma_wait3A_81 : memref<1x800000xi32, #tpu.memory_space<hbm>> -> memref<800000xi32, #tpu.memory_space<hbm>>
      %dma_wait3A_83 = tpu.memref_slice %dma_wait3A_82[%add3A_26] : memref<800000xi32, #tpu.memory_space<hbm>> -> memref<400xi32, #tpu.memory_space<hbm>>
      %dma_wait3A_84 = arith.constant 0 : i32
      %dma_wait3A_85 = tpu.memref_slice %arg4[%run_scoped3A_27, %dma_wait3A_84] : memref<2x800000xi32, #tpu.memory_space<hbm>> -> memref<1x800000xi32, #tpu.memory_space<hbm>>
      %dma_wait3A_86 = tpu.memref_squeeze %dma_wait3A_85 : memref<1x800000xi32, #tpu.memory_space<hbm>> -> memref<800000xi32, #tpu.memory_space<hbm>>
      %dma_wait3A_87 = tpu.memref_slice %dma_wait3A_86[%add3A_26] : memref<800000xi32, #tpu.memory_space<hbm>> -> memref<400xi32, #tpu.memory_space<hbm>>
      tpu.wait_dma2 semaphore(%run_scoped3A_71 : memref<!tpu.dma_semaphore, #tpu.memory_space<semaphore_mem>>) src(%dma_wait3A_87 : memref<400xi32, #tpu.memory_space<hbm>>) dst(%arg7 : memref<400xi32, #tpu.memory_space<vmem>>)
      tpu.yield
    }) : () -> ()
    %dma_start3A = arith.constant 0 : i32
    %dma_start3A_28 = arith.constant 0 : i32
    %dma_start3A_29 = tpu.memref_slice %arg3[%arg0, %dma_start3A, %dma_start3A_28] : memref<2x50000x32xf32, #tpu.memory_space<hbm>> -> memref<1x50000x32xf32, #tpu.memory_space<hbm>>
    %dma_start3A_30 = tpu.memref_squeeze %dma_start3A_29 : memref<1x50000x32xf32, #tpu.memory_space<hbm>> -> memref<50000x32xf32, #tpu.memory_space<hbm>>
    %dma_start3A_31 = arith.constant 0 : i32
    %dma_start3A_32 = arith.constant 0 : i32
    %dma_start3A_33 = tpu.memref_slice %dma_start3A_30[%dma_start3A_31, %dma_start3A_32] : memref<50000x32xf32, #tpu.memory_space<hbm>> -> memref<50000x32xf32, #tpu.memory_space<hbm>>
    tpu.enqueue_indirect_dma source(%dma_start3A_33 : memref<50000x32xf32, #tpu.memory_space<hbm>>) target(%arg10 : memref<400x32xf32, #tpu.memory_space<vmem>>) offsets(%arg6 : memref<400xi32, #tpu.memory_space<vmem>>) semaphore(%arg13 : memref<!tpu.dma_semaphore, #tpu.memory_space<semaphore_mem>>)
    %add3A_34 = arith.constant 400 : i32
    %add3A_35 = arith.addi %mul3A_22, %add3A_34 : i32
    %dma_start3A_36 = arith.constant 0 : i32
    %dma_start3A_37 = arith.constant 0 : i32
    %dma_start3A_38 = tpu.memref_slice %arg4[%dma_start3A_36, %dma_start3A_37] : memref<2x800000xi32, #tpu.memory_space<hbm>> -> memref<1x800000xi32, #tpu.memory_space<hbm>>
    %dma_start3A_39 = tpu.memref_squeeze %dma_start3A_38 : memref<1x800000xi32, #tpu.memory_space<hbm>> -> memref<800000xi32, #tpu.memory_space<hbm>>
    %dma_start3A_40 = tpu.memref_slice %dma_start3A_39[%add3A_35] : memref<800000xi32, #tpu.memory_space<hbm>> -> memref<400xi32, #tpu.memory_space<hbm>>
    %dma_start3A_41 = arith.constant 0 : i32
    %dma_start3A_42 = tpu.memref_slice %arg4[%dma_start3A_36, %dma_start3A_41] : memref<2x800000xi32, #tpu.memory_space<hbm>> -> memref<1x800000xi32, #tpu.memory_space<hbm>>
    %dma_start3A_43 = tpu.memref_squeeze %dma_start3A_42 : memref<1x800000xi32, #tpu.memory_space<hbm>> -> memref<800000xi32, #tpu.memory_space<hbm>>
    %dma_start3A_44 = tpu.memref_slice %dma_start3A_43[%add3A_35] : memref<800000xi32, #tpu.memory_space<hbm>> -> memref<400xi32, #tpu.memory_space<hbm>>
    tpu.enqueue_dma source(%dma_start3A_44 : memref<400xi32, #tpu.memory_space<hbm>>) target(%arg8 : memref<400xi32, #tpu.memory_space<vmem>>) target_semaphore(%arg15 : memref<!tpu.dma_semaphore, #tpu.memory_space<semaphore_mem>>)
    %add3A_45 = arith.constant 400 : i32
    %add3A_46 = arith.addi %mul3A_22, %add3A_45 : i32
    %dma_start3A_47 = arith.constant 1 : i32
    %dma_start3A_48 = arith.constant 0 : i32
    %dma_start3A_49 = tpu.memref_slice %arg4[%dma_start3A_47, %dma_start3A_48] : memref<2x800000xi32, #tpu.memory_space<hbm>> -> memref<1x800000xi32, #tpu.memory_space<hbm>>
    %dma_start3A_50 = tpu.memref_squeeze %dma_start3A_49 : memref<1x800000xi32, #tpu.memory_space<hbm>> -> memref<800000xi32, #tpu.memory_space<hbm>>
    %dma_start3A_51 = tpu.memref_slice %dma_start3A_50[%add3A_46] : memref<800000xi32, #tpu.memory_space<hbm>> -> memref<400xi32, #tpu.memory_space<hbm>>
    %dma_start3A_52 = arith.constant 0 : i32
    %dma_start3A_53 = tpu.memref_slice %arg4[%dma_start3A_47, %dma_start3A_52] : memref<2x800000xi32, #tpu.memory_space<hbm>> -> memref<1x800000xi32, #tpu.memory_space<hbm>>
    %dma_start3A_54 = tpu.memref_squeeze %dma_start3A_53 : memref<1x800000xi32, #tpu.memory_space<hbm>> -> memref<800000xi32, #tpu.memory_space<hbm>>
    %dma_start3A_55 = tpu.memref_slice %dma_start3A_54[%add3A_46] : memref<800000xi32, #tpu.memory_space<hbm>> -> memref<400xi32, #tpu.memory_space<hbm>>
    tpu.enqueue_dma source(%dma_start3A_55 : memref<400xi32, #tpu.memory_space<hbm>>) target(%arg9 : memref<400xi32, #tpu.memory_space<vmem>>) target_semaphore(%arg15 : memref<!tpu.dma_semaphore, #tpu.memory_space<semaphore_mem>>)
    %scan3A_56 = arith.constant 0 : i32
    %scan3A_57 = arith.constant 0 : i32
    %scan3A_58 = arith.constant 1 : i32
    %scan3A_59 = arith.constant 0 : i32
    %scan3A_60 = arith.constant 62 : i32
    %scan3A_61 = arith.addi %scan3A_59, %scan3A_60 : i32
    %scan3A_62 = arith.constant 1 : i32
    scf.for %scan3A_71 = %scan3A_59 to %scan3A_61 step %scan3A_62  : i32 {
      %mul3A_72 = arith.constant 2 : i32
      %mul3A_73 = arith.muli %mul3A_72, %scan3A_71 : i32
      %add3A_74 = arith.constant 1 : i32
      %add3A_75 = arith.addi %mul3A_73, %add3A_74 : i32
      %mul3A_76 = arith.constant 2 : i32
      %mul3A_77 = arith.muli %mul3A_76, %scan3A_71 : i32
      %add3A_78 = arith.constant 2 : i32
      %add3A_79 = arith.addi %mul3A_77, %add3A_78 : i32
      %mul3A_80 = arith.constant 2 : i32
      %mul3A_81 = arith.muli %mul3A_80, %scan3A_71 : i32
      %add3A_82 = arith.constant 3 : i32
      %add3A_83 = arith.addi %mul3A_81, %add3A_82 : i32
      %mul3A_84 = arith.constant 400 : i32
      %mul3A_85 = arith.muli %add3A_75, %mul3A_84 : i32
      %add3A_86 = arith.addi %mul3A_22, %mul3A_85 : i32
      %dma_wait3A_87 = arith.constant 0 : i32
      %dma_wait3A_88 = tpu.memref_slice %arg4[%scan3A_57, %dma_wait3A_87] : memref<2x800000xi32, #tpu.memory_space<hbm>> -> memref<1x800000xi32, #tpu.memory_space<hbm>>
      %dma_wait3A_89 = tpu.memref_squeeze %dma_wait3A_88 : memref<1x800000xi32, #tpu.memory_space<hbm>> -> memref<800000xi32, #tpu.memory_space<hbm>>
      %dma_wait3A_90 = tpu.memref_slice %dma_wait3A_89[%add3A_86] : memref<800000xi32, #tpu.memory_space<hbm>> -> memref<400xi32, #tpu.memory_space<hbm>>
      %dma_wait3A_91 = arith.constant 0 : i32
      %dma_wait3A_92 = tpu.memref_slice %arg4[%scan3A_57, %dma_wait3A_91] : memref<2x800000xi32, #tpu.memory_space<hbm>> -> memref<1x800000xi32, #tpu.memory_space<hbm>>
      %dma_wait3A_93 = tpu.memref_squeeze %dma_wait3A_92 : memref<1x800000xi32, #tpu.memory_space<hbm>> -> memref<800000xi32, #tpu.memory_space<hbm>>
      %dma_wait3A_94 = tpu.memref_slice %dma_wait3A_93[%add3A_86] : memref<800000xi32, #tpu.memory_space<hbm>> -> memref<400xi32, #tpu.memory_space<hbm>>
      tpu.wait_dma2 semaphore(%arg15 : memref<!tpu.dma_semaphore, #tpu.memory_space<semaphore_mem>>) src(%dma_wait3A_94 : memref<400xi32, #tpu.memory_space<hbm>>) dst(%arg8 : memref<400xi32, #tpu.memory_space<vmem>>)
      %mul3A_95 = arith.constant 400 : i32
      %mul3A_96 = arith.muli %add3A_75, %mul3A_95 : i32
      %add3A_97 = arith.addi %mul3A_22, %mul3A_96 : i32
      %dma_wait3A_98 = arith.constant 0 : i32
      %dma_wait3A_99 = tpu.memref_slice %arg4[%scan3A_58, %dma_wait3A_98] : memref<2x800000xi32, #tpu.memory_space<hbm>> -> memref<1x800000xi32, #tpu.memory_space<hbm>>
      %dma_wait3A_100 = tpu.memref_squeeze %dma_wait3A_99 : memref<1x800000xi32, #tpu.memory_space<hbm>> -> memref<800000xi32, #tpu.memory_space<hbm>>
      %dma_wait3A_101 = tpu.memref_slice %dma_wait3A_100[%add3A_97] : memref<800000xi32, #tpu.memory_space<hbm>> -> memref<400xi32, #tpu.memory_space<hbm>>
      %dma_wait3A_102 = arith.constant 0 : i32
      %dma_wait3A_103 = tpu.memref_slice %arg4[%scan3A_58, %dma_wait3A_102] : memref<2x800000xi32, #tpu.memory_space<hbm>> -> memref<1x800000xi32, #tpu.memory_space<hbm>>
      %dma_wait3A_104 = tpu.memref_squeeze %dma_wait3A_103 : memref<1x800000xi32, #tpu.memory_space<hbm>> -> memref<800000xi32, #tpu.memory_space<hbm>>
      %dma_wait3A_105 = tpu.memref_slice %dma_wait3A_104[%add3A_97] : memref<800000xi32, #tpu.memory_space<hbm>> -> memref<400xi32, #tpu.memory_space<hbm>>
      tpu.wait_dma2 semaphore(%arg15 : memref<!tpu.dma_semaphore, #tpu.memory_space<semaphore_mem>>) src(%dma_wait3A_105 : memref<400xi32, #tpu.memory_space<hbm>>) dst(%arg9 : memref<400xi32, #tpu.memory_space<vmem>>)
      %dma_start3A_106 = arith.constant 0 : i32
      %dma_start3A_107 = arith.constant 0 : i32
      %dma_start3A_108 = tpu.memref_slice %arg3[%arg0, %dma_start3A_106, %dma_start3A_107] : memref<2x50000x32xf32, #tpu.memory_space<hbm>> -> memref<1x50000x32xf32, #tpu.memory_space<hbm>>
      %dma_start3A_109 = tpu.memref_squeeze %dma_start3A_108 : memref<1x50000x32xf32, #tpu.memory_space<hbm>> -> memref<50000x32xf32, #tpu.memory_space<hbm>>
      %dma_start3A_110 = arith.constant 0 : i32
      %dma_start3A_111 = arith.constant 0 : i32
      %dma_start3A_112 = tpu.memref_slice %dma_start3A_109[%dma_start3A_110, %dma_start3A_111] : memref<50000x32xf32, #tpu.memory_space<hbm>> -> memref<50000x32xf32, #tpu.memory_space<hbm>>
      tpu.enqueue_indirect_dma source(%dma_start3A_112 : memref<50000x32xf32, #tpu.memory_space<hbm>>) target(%arg11 : memref<400x32xf32, #tpu.memory_space<vmem>>) offsets(%arg8 : memref<400xi32, #tpu.memory_space<vmem>>) semaphore(%arg14 : memref<!tpu.dma_semaphore, #tpu.memory_space<semaphore_mem>>)
      %dma_wait3A_113 = arith.constant 0 : i32
      %dma_wait3A_114 = arith.constant 0 : i32
      %dma_wait3A_115 = tpu.memref_slice %arg3[%arg0, %dma_wait3A_113, %dma_wait3A_114] : memref<2x50000x32xf32, #tpu.memory_space<hbm>> -> memref<1x50000x32xf32, #tpu.memory_space<hbm>>
      %dma_wait3A_116 = tpu.memref_squeeze %dma_wait3A_115 : memref<1x50000x32xf32, #tpu.memory_space<hbm>> -> memref<50000x32xf32, #tpu.memory_space<hbm>>
      %dma_wait3A_117 = arith.constant 0 : i32
      %dma_wait3A_118 = arith.constant 0 : i32
      %dma_wait3A_119 = tpu.memref_slice %dma_wait3A_116[%dma_wait3A_117, %dma_wait3A_118] : memref<50000x32xf32, #tpu.memory_space<hbm>> -> memref<50000x32xf32, #tpu.memory_space<hbm>>
      tpu.wait_indirect_dma semaphore(%arg13 : memref<!tpu.dma_semaphore, #tpu.memory_space<semaphore_mem>>) src(%dma_wait3A_119 : memref<50000x32xf32, #tpu.memory_space<hbm>>) dst(%arg10 : memref<400x32xf32, #tpu.memory_space<vmem>>)
      "tpu.region"() ({
        %run_scoped3A_142 = tpu.sem_alloc : memref<!tpu.dma_semaphore, #tpu.memory_space<semaphore_mem>>
        %dma_start3A_143 = arith.constant 0 : i32
        %dma_start3A_144 = arith.constant 0 : i32
        %dma_start3A_145 = tpu.memref_slice %arg12[%dma_start3A_143, %dma_start3A_144] : memref<51200x32xf32, #tpu.memory_space<vmem_shared>> -> memref<51200x32xf32, #tpu.memory_space<vmem_shared>>
        tpu.enqueue_indirect_dma source(%arg10 : memref<400x32xf32, #tpu.memory_space<vmem>>) target(%dma_start3A_145 : memref<51200x32xf32, #tpu.memory_space<vmem_shared>>) offsets(%arg7 : memref<400xi32, #tpu.memory_space<vmem>>) semaphore(%run_scoped3A_142 : memref<!tpu.dma_semaphore, #tpu.memory_space<semaphore_mem>>) {add = true}
        %dma_wait3A_146 = arith.constant 0 : i32
        %dma_wait3A_147 = arith.constant 0 : i32
        %dma_wait3A_148 = tpu.memref_slice %arg12[%dma_wait3A_146, %dma_wait3A_147] : memref<51200x32xf32, #tpu.memory_space<vmem_shared>> -> memref<51200x32xf32, #tpu.memory_space<vmem_shared>>
        tpu.wait_indirect_dma semaphore(%run_scoped3A_142 : memref<!tpu.dma_semaphore, #tpu.memory_space<semaphore_mem>>) src(%arg10 : memref<400x32xf32, #tpu.memory_space<vmem>>) dst(%dma_wait3A_148 : memref<51200x32xf32, #tpu.memory_space<vmem_shared>>)
        tpu.yield
      }) : () -> ()
      %mul3A_120 = arith.constant 400 : i32
      %mul3A_121 = arith.muli %add3A_79, %mul3A_120 : i32
      %add3A_122 = arith.addi %mul3A_22, %mul3A_121 : i32
      "tpu.region"() ({
        %run_scoped3A_142 = tpu.sem_alloc : memref<!tpu.dma_semaphore, #tpu.memory_space<semaphore_mem>>
        %dma_start3A_143 = arith.constant 0 : i32
        %dma_start3A_144 = tpu.memref_slice %arg4[%scan3A_57, %dma_start3A_143] : memref<2x800000xi32, #tpu.memory_space<hbm>> -> memref<1x800000xi32, #tpu.memory_space<hbm>>
        %dma_start3A_145 = tpu.memref_squeeze %dma_start3A_144 : memref<1x800000xi32, #tpu.memory_space<hbm>> -> memref<800000xi32, #tpu.memory_space<hbm>>
        %dma_start3A_146 = tpu.memref_slice %dma_start3A_145[%add3A_122] : memref<800000xi32, #tpu.memory_space<hbm>> -> memref<400xi32, #tpu.memory_space<hbm>>
        %dma_start3A_147 = arith.constant 0 : i32
        %dma_start3A_148 = tpu.memref_slice %arg4[%scan3A_57, %dma_start3A_147] : memref<2x800000xi32, #tpu.memory_space<hbm>> -> memref<1x800000xi32, #tpu.memory_space<hbm>>
        %dma_start3A_149 = tpu.memref_squeeze %dma_start3A_148 : memref<1x800000xi32, #tpu.memory_space<hbm>> -> memref<800000xi32, #tpu.memory_space<hbm>>
        %dma_start3A_150 = tpu.memref_slice %dma_start3A_149[%add3A_122] : memref<800000xi32, #tpu.memory_space<hbm>> -> memref<400xi32, #tpu.memory_space<hbm>>
        tpu.enqueue_dma source(%dma_start3A_150 : memref<400xi32, #tpu.memory_space<hbm>>) target(%arg6 : memref<400xi32, #tpu.memory_space<vmem>>) target_semaphore(%run_scoped3A_142 : memref<!tpu.dma_semaphore, #tpu.memory_space<semaphore_mem>>)
        %dma_wait3A_151 = arith.constant 0 : i32
        %dma_wait3A_152 = tpu.memref_slice %arg4[%scan3A_57, %dma_wait3A_151] : memref<2x800000xi32, #tpu.memory_space<hbm>> -> memref<1x800000xi32, #tpu.memory_space<hbm>>
        %dma_wait3A_153 = tpu.memref_squeeze %dma_wait3A_152 : memref<1x800000xi32, #tpu.memory_space<hbm>> -> memref<800000xi32, #tpu.memory_space<hbm>>
        %dma_wait3A_154 = tpu.memref_slice %dma_wait3A_153[%add3A_122] : memref<800000xi32, #tpu.memory_space<hbm>> -> memref<400xi32, #tpu.memory_space<hbm>>
        %dma_wait3A_155 = arith.constant 0 : i32
        %dma_wait3A_156 = tpu.memref_slice %arg4[%scan3A_57, %dma_wait3A_155] : memref<2x800000xi32, #tpu.memory_space<hbm>> -> memref<1x800000xi32, #tpu.memory_space<hbm>>
        %dma_wait3A_157 = tpu.memref_squeeze %dma_wait3A_156 : memref<1x800000xi32, #tpu.memory_space<hbm>> -> memref<800000xi32, #tpu.memory_space<hbm>>
        %dma_wait3A_158 = tpu.memref_slice %dma_wait3A_157[%add3A_122] : memref<800000xi32, #tpu.memory_space<hbm>> -> memref<400xi32, #tpu.memory_space<hbm>>
        tpu.wait_dma2 semaphore(%run_scoped3A_142 : memref<!tpu.dma_semaphore, #tpu.memory_space<semaphore_mem>>) src(%dma_wait3A_158 : memref<400xi32, #tpu.memory_space<hbm>>) dst(%arg6 : memref<400xi32, #tpu.memory_space<vmem>>)
        tpu.yield
      }) : () -> ()
      %mul3A_123 = arith.constant 400 : i32
      %mul3A_124 = arith.muli %add3A_79, %mul3A_123 : i32
      %add3A_125 = arith.addi %mul3A_22, %mul3A_124 : i32
      "tpu.region"() ({
        %run_scoped3A_142 = tpu.sem_alloc : memref<!tpu.dma_semaphore, #tpu.memory_space<semaphore_mem>>
        %dma_start3A_143 = arith.constant 0 : i32
        %dma_start3A_144 = tpu.memref_slice %arg4[%scan3A_58, %dma_start3A_143] : memref<2x800000xi32, #tpu.memory_space<hbm>> -> memref<1x800000xi32, #tpu.memory_space<hbm>>
        %dma_start3A_145 = tpu.memref_squeeze %dma_start3A_144 : memref<1x800000xi32, #tpu.memory_space<hbm>> -> memref<800000xi32, #tpu.memory_space<hbm>>
        %dma_start3A_146 = tpu.memref_slice %dma_start3A_145[%add3A_125] : memref<800000xi32, #tpu.memory_space<hbm>> -> memref<400xi32, #tpu.memory_space<hbm>>
        %dma_start3A_147 = arith.constant 0 : i32
        %dma_start3A_148 = tpu.memref_slice %arg4[%scan3A_58, %dma_start3A_147] : memref<2x800000xi32, #tpu.memory_space<hbm>> -> memref<1x800000xi32, #tpu.memory_space<hbm>>
        %dma_start3A_149 = tpu.memref_squeeze %dma_start3A_148 : memref<1x800000xi32, #tpu.memory_space<hbm>> -> memref<800000xi32, #tpu.memory_space<hbm>>
        %dma_start3A_150 = tpu.memref_slice %dma_start3A_149[%add3A_125] : memref<800000xi32, #tpu.memory_space<hbm>> -> memref<400xi32, #tpu.memory_space<hbm>>
        tpu.enqueue_dma source(%dma_start3A_150 : memref<400xi32, #tpu.memory_space<hbm>>) target(%arg7 : memref<400xi32, #tpu.memory_space<vmem>>) target_semaphore(%run_scoped3A_142 : memref<!tpu.dma_semaphore, #tpu.memory_space<semaphore_mem>>)
        %dma_wait3A_151 = arith.constant 0 : i32
        %dma_wait3A_152 = tpu.memref_slice %arg4[%scan3A_58, %dma_wait3A_151] : memref<2x800000xi32, #tpu.memory_space<hbm>> -> memref<1x800000xi32, #tpu.memory_space<hbm>>
        %dma_wait3A_153 = tpu.memref_squeeze %dma_wait3A_152 : memref<1x800000xi32, #tpu.memory_space<hbm>> -> memref<800000xi32, #tpu.memory_space<hbm>>
        %dma_wait3A_154 = tpu.memref_slice %dma_wait3A_153[%add3A_125] : memref<800000xi32, #tpu.memory_space<hbm>> -> memref<400xi32, #tpu.memory_space<hbm>>
        %dma_wait3A_155 = arith.constant 0 : i32
        %dma_wait3A_156 = tpu.memref_slice %arg4[%scan3A_58, %dma_wait3A_155] : memref<2x800000xi32, #tpu.memory_space<hbm>> -> memref<1x800000xi32, #tpu.memory_space<hbm>>
        %dma_wait3A_157 = tpu.memref_squeeze %dma_wait3A_156 : memref<1x800000xi32, #tpu.memory_space<hbm>> -> memref<800000xi32, #tpu.memory_space<hbm>>
        %dma_wait3A_158 = tpu.memref_slice %dma_wait3A_157[%add3A_125] : memref<800000xi32, #tpu.memory_space<hbm>> -> memref<400xi32, #tpu.memory_space<hbm>>
        tpu.wait_dma2 semaphore(%run_scoped3A_142 : memref<!tpu.dma_semaphore, #tpu.memory_space<semaphore_mem>>) src(%dma_wait3A_158 : memref<400xi32, #tpu.memory_space<hbm>>) dst(%arg7 : memref<400xi32, #tpu.memory_space<vmem>>)
        tpu.yield
      }) : () -> ()
      %dma_start3A_126 = arith.constant 0 : i32
      %dma_start3A_127 = arith.constant 0 : i32
      %dma_start3A_128 = tpu.memref_slice %arg3[%arg0, %dma_start3A_126, %dma_start3A_127] : memref<2x50000x32xf32, #tpu.memory_space<hbm>> -> memref<1x50000x32xf32, #tpu.memory_space<hbm>>
      %dma_start3A_129 = tpu.memref_squeeze %dma_start3A_128 : memref<1x50000x32xf32, #tpu.memory_space<hbm>> -> memref<50000x32xf32, #tpu.memory_space<hbm>>
      %dma_start3A_130 = arith.constant 0 : i32
      %dma_start3A_131 = arith.constant 0 : i32
      %dma_start3A_132 = tpu.memref_slice %dma_start3A_129[%dma_start3A_130, %dma_start3A_131] : memref<50000x32xf32, #tpu.memory_space<hbm>> -> memref<50000x32xf32, #tpu.memory_space<hbm>>
      tpu.enqueue_indirect_dma source(%dma_start3A_132 : memref<50000x32xf32, #tpu.memory_space<hbm>>) target(%arg10 : memref<400x32xf32, #tpu.memory_space<vmem>>) offsets(%arg6 : memref<400xi32, #tpu.memory_space<vmem>>) semaphore(%arg13 : memref<!tpu.dma_semaphore, #tpu.memory_space<semaphore_mem>>)
      %dma_wait3A_133 = arith.constant 0 : i32
      %dma_wait3A_134 = arith.constant 0 : i32
      %dma_wait3A_135 = tpu.memref_slice %arg3[%arg0, %dma_wait3A_133, %dma_wait3A_134] : memref<2x50000x32xf32, #tpu.memory_space<hbm>> -> memref<1x50000x32xf32, #tpu.memory_space<hbm>>
      %dma_wait3A_136 = tpu.memref_squeeze %dma_wait3A_135 : memref<1x50000x32xf32, #tpu.memory_space<hbm>> -> memref<50000x32xf32, #tpu.memory_space<hbm>>
      %dma_wait3A_137 = arith.constant 0 : i32
      %dma_wait3A_138 = arith.constant 0 : i32
      %dma_wait3A_139 = tpu.memref_slice %dma_wait3A_136[%dma_wait3A_137, %dma_wait3A_138] : memref<50000x32xf32, #tpu.memory_space<hbm>> -> memref<50000x32xf32, #tpu.memory_space<hbm>>
      tpu.wait_indirect_dma semaphore(%arg14 : memref<!tpu.dma_semaphore, #tpu.memory_space<semaphore_mem>>) src(%dma_wait3A_139 : memref<50000x32xf32, #tpu.memory_space<hbm>>) dst(%arg11 : memref<400x32xf32, #tpu.memory_space<vmem>>)
      "tpu.region"() ({
        %run_scoped3A_142 = tpu.sem_alloc : memref<!tpu.dma_semaphore, #tpu.memory_space<semaphore_mem>>
        %dma_start3A_143 = arith.constant 0 : i32
        %dma_start3A_144 = arith.constant 0 : i32
        %dma_start3A_145 = tpu.memref_slice %arg12[%dma_start3A_143, %dma_start3A_144] : memref<51200x32xf32, #tpu.memory_space<vmem_shared>> -> memref<51200x32xf32, #tpu.memory_space<vmem_shared>>
        tpu.enqueue_indirect_dma source(%arg11 : memref<400x32xf32, #tpu.memory_space<vmem>>) target(%dma_start3A_145 : memref<51200x32xf32, #tpu.memory_space<vmem_shared>>) offsets(%arg9 : memref<400xi32, #tpu.memory_space<vmem>>) semaphore(%run_scoped3A_142 : memref<!tpu.dma_semaphore, #tpu.memory_space<semaphore_mem>>) {add = true}
        %dma_wait3A_146 = arith.constant 0 : i32
        %dma_wait3A_147 = arith.constant 0 : i32
        %dma_wait3A_148 = tpu.memref_slice %arg12[%dma_wait3A_146, %dma_wait3A_147] : memref<51200x32xf32, #tpu.memory_space<vmem_shared>> -> memref<51200x32xf32, #tpu.memory_space<vmem_shared>>
        tpu.wait_indirect_dma semaphore(%run_scoped3A_142 : memref<!tpu.dma_semaphore, #tpu.memory_space<semaphore_mem>>) src(%arg11 : memref<400x32xf32, #tpu.memory_space<vmem>>) dst(%dma_wait3A_148 : memref<51200x32xf32, #tpu.memory_space<vmem_shared>>)
        tpu.yield
      }) : () -> ()
      %lt3A = arith.constant 125 : i32
      %lt3A_140 = arith.cmpi slt, %add3A_83, %lt3A : i32
      %convert_element_type3A = arith.extui %lt3A_140 : i1 to i32
      %cond3A = arith.constant 0 : i32
      %cond3A_141 = arith.cmpi ne, %convert_element_type3A, %cond3A : i32
      scf.if %cond3A_141 {
        %mul3A_142 = arith.constant 400 : i32
        %mul3A_143 = arith.muli %add3A_83, %mul3A_142 : i32
        %add3A_144 = arith.addi %mul3A_22, %mul3A_143 : i32
        %dma_start3A_145 = arith.constant 0 : i32
        %dma_start3A_146 = tpu.memref_slice %arg4[%scan3A_57, %dma_start3A_145] : memref<2x800000xi32, #tpu.memory_space<hbm>> -> memref<1x800000xi32, #tpu.memory_space<hbm>>
        %dma_start3A_147 = tpu.memref_squeeze %dma_start3A_146 : memref<1x800000xi32, #tpu.memory_space<hbm>> -> memref<800000xi32, #tpu.memory_space<hbm>>
        %dma_start3A_148 = tpu.memref_slice %dma_start3A_147[%add3A_144] : memref<800000xi32, #tpu.memory_space<hbm>> -> memref<400xi32, #tpu.memory_space<hbm>>
        %dma_start3A_149 = arith.constant 0 : i32
        %dma_start3A_150 = tpu.memref_slice %arg4[%scan3A_57, %dma_start3A_149] : memref<2x800000xi32, #tpu.memory_space<hbm>> -> memref<1x800000xi32, #tpu.memory_space<hbm>>
        %dma_start3A_151 = tpu.memref_squeeze %dma_start3A_150 : memref<1x800000xi32, #tpu.memory_space<hbm>> -> memref<800000xi32, #tpu.memory_space<hbm>>
        %dma_start3A_152 = tpu.memref_slice %dma_start3A_151[%add3A_144] : memref<800000xi32, #tpu.memory_space<hbm>> -> memref<400xi32, #tpu.memory_space<hbm>>
        tpu.enqueue_dma source(%dma_start3A_152 : memref<400xi32, #tpu.memory_space<hbm>>) target(%arg8 : memref<400xi32, #tpu.memory_space<vmem>>) target_semaphore(%arg15 : memref<!tpu.dma_semaphore, #tpu.memory_space<semaphore_mem>>)
        %mul3A_153 = arith.constant 400 : i32
        %mul3A_154 = arith.muli %add3A_83, %mul3A_153 : i32
        %add3A_155 = arith.addi %mul3A_22, %mul3A_154 : i32
        %dma_start3A_156 = arith.constant 0 : i32
        %dma_start3A_157 = tpu.memref_slice %arg4[%scan3A_58, %dma_start3A_156] : memref<2x800000xi32, #tpu.memory_space<hbm>> -> memref<1x800000xi32, #tpu.memory_space<hbm>>
        %dma_start3A_158 = tpu.memref_squeeze %dma_start3A_157 : memref<1x800000xi32, #tpu.memory_space<hbm>> -> memref<800000xi32, #tpu.memory_space<hbm>>
        %dma_start3A_159 = tpu.memref_slice %dma_start3A_158[%add3A_155] : memref<800000xi32, #tpu.memory_space<hbm>> -> memref<400xi32, #tpu.memory_space<hbm>>
        %dma_start3A_160 = arith.constant 0 : i32
        %dma_start3A_161 = tpu.memref_slice %arg4[%scan3A_58, %dma_start3A_160] : memref<2x800000xi32, #tpu.memory_space<hbm>> -> memref<1x800000xi32, #tpu.memory_space<hbm>>
        %dma_start3A_162 = tpu.memref_squeeze %dma_start3A_161 : memref<1x800000xi32, #tpu.memory_space<hbm>> -> memref<800000xi32, #tpu.memory_space<hbm>>
        %dma_start3A_163 = tpu.memref_slice %dma_start3A_162[%add3A_155] : memref<800000xi32, #tpu.memory_space<hbm>> -> memref<400xi32, #tpu.memory_space<hbm>>
        tpu.enqueue_dma source(%dma_start3A_163 : memref<400xi32, #tpu.memory_space<hbm>>) target(%arg9 : memref<400xi32, #tpu.memory_space<vmem>>) target_semaphore(%arg15 : memref<!tpu.dma_semaphore, #tpu.memory_space<semaphore_mem>>)
      } else {
      }
    }
    %scan3A_63 = arith.constant 62 : i32
    %dma_wait3A = arith.constant 0 : i32
    %dma_wait3A_64 = arith.constant 0 : i32
    %dma_wait3A_65 = tpu.memref_slice %arg3[%arg0, %dma_wait3A, %dma_wait3A_64] : memref<2x50000x32xf32, #tpu.memory_space<hbm>> -> memref<1x50000x32xf32, #tpu.memory_space<hbm>>
    %dma_wait3A_66 = tpu.memref_squeeze %dma_wait3A_65 : memref<1x50000x32xf32, #tpu.memory_space<hbm>> -> memref<50000x32xf32, #tpu.memory_space<hbm>>
    %dma_wait3A_67 = arith.constant 0 : i32
    %dma_wait3A_68 = arith.constant 0 : i32
    %dma_wait3A_69 = tpu.memref_slice %dma_wait3A_66[%dma_wait3A_67, %dma_wait3A_68] : memref<50000x32xf32, #tpu.memory_space<hbm>> -> memref<50000x32xf32, #tpu.memory_space<hbm>>
    tpu.wait_indirect_dma semaphore(%arg13 : memref<!tpu.dma_semaphore, #tpu.memory_space<semaphore_mem>>) src(%dma_wait3A_69 : memref<50000x32xf32, #tpu.memory_space<hbm>>) dst(%arg10 : memref<400x32xf32, #tpu.memory_space<vmem>>)
    "tpu.region"() ({
      %run_scoped3A_71 = tpu.sem_alloc : memref<!tpu.dma_semaphore, #tpu.memory_space<semaphore_mem>>
      %dma_start3A_72 = arith.constant 0 : i32
      %dma_start3A_73 = arith.constant 0 : i32
      %dma_start3A_74 = tpu.memref_slice %arg12[%dma_start3A_72, %dma_start3A_73] : memref<51200x32xf32, #tpu.memory_space<vmem_shared>> -> memref<51200x32xf32, #tpu.memory_space<vmem_shared>>
      tpu.enqueue_indirect_dma source(%arg10 : memref<400x32xf32, #tpu.memory_space<vmem>>) target(%dma_start3A_74 : memref<51200x32xf32, #tpu.memory_space<vmem_shared>>) offsets(%arg7 : memref<400xi32, #tpu.memory_space<vmem>>) semaphore(%run_scoped3A_71 : memref<!tpu.dma_semaphore, #tpu.memory_space<semaphore_mem>>) {add = true}
      %dma_wait3A_75 = arith.constant 0 : i32
      %dma_wait3A_76 = arith.constant 0 : i32
      %dma_wait3A_77 = tpu.memref_slice %arg12[%dma_wait3A_75, %dma_wait3A_76] : memref<51200x32xf32, #tpu.memory_space<vmem_shared>> -> memref<51200x32xf32, #tpu.memory_space<vmem_shared>>
      tpu.wait_indirect_dma semaphore(%run_scoped3A_71 : memref<!tpu.dma_semaphore, #tpu.memory_space<semaphore_mem>>) src(%arg10 : memref<400x32xf32, #tpu.memory_space<vmem>>) dst(%dma_wait3A_77 : memref<51200x32xf32, #tpu.memory_space<vmem_shared>>)
      tpu.yield
    }) : () -> ()
    %barrier3A_70 = arith.constant 0 : index
    tpu.barrier barrier_id(%barrier3A_70)
    "tpu.region"() ({
      %run_scoped3A_71 = tpu.sem_alloc : memref<!tpu.dma_semaphore, #tpu.memory_space<semaphore_mem>>
      %dma_start3A_72 = arith.constant 0 : i32
      %dma_start3A_73 = arith.constant 0 : i32
      %dma_start3A_74 = tpu.memref_slice %arg5[%arg0, %dma_start3A_72, %dma_start3A_73] : memref<2x51200x32xf32, #tpu.memory_space<hbm>> -> memref<1x51200x32xf32, #tpu.memory_space<hbm>>
      %dma_start3A_75 = tpu.memref_squeeze %dma_start3A_74 : memref<1x51200x32xf32, #tpu.memory_space<hbm>> -> memref<51200x32xf32, #tpu.memory_space<hbm>>
      %dma_start3A_76 = arith.constant 0 : i32
      %dma_start3A_77 = tpu.memref_slice %dma_start3A_75[%mul3A_0, %dma_start3A_76] : memref<51200x32xf32, #tpu.memory_space<hbm>> -> memref<3200x32xf32, #tpu.memory_space<hbm>>
      %dma_start3A_78 = arith.constant 0 : i32
      %dma_start3A_79 = tpu.memref_slice %arg12[%mul3A_0, %dma_start3A_78] : memref<51200x32xf32, #tpu.memory_space<vmem_shared>> -> memref<3200x32xf32, #tpu.memory_space<vmem_shared>>
      tpu.enqueue_dma source(%dma_start3A_79 : memref<3200x32xf32, #tpu.memory_space<vmem_shared>>) target(%dma_start3A_77 : memref<3200x32xf32, #tpu.memory_space<hbm>>) target_semaphore(%run_scoped3A_71 : memref<!tpu.dma_semaphore, #tpu.memory_space<semaphore_mem>>)
      %dma_wait3A_80 = arith.constant 0 : i32
      %dma_wait3A_81 = arith.constant 0 : i32
      %dma_wait3A_82 = tpu.memref_slice %arg5[%arg0, %dma_wait3A_80, %dma_wait3A_81] : memref<2x51200x32xf32, #tpu.memory_space<hbm>> -> memref<1x51200x32xf32, #tpu.memory_space<hbm>>
      %dma_wait3A_83 = tpu.memref_squeeze %dma_wait3A_82 : memref<1x51200x32xf32, #tpu.memory_space<hbm>> -> memref<51200x32xf32, #tpu.memory_space<hbm>>
      %dma_wait3A_84 = arith.constant 0 : i32
      %dma_wait3A_85 = tpu.memref_slice %dma_wait3A_83[%mul3A_0, %dma_wait3A_84] : memref<51200x32xf32, #tpu.memory_space<hbm>> -> memref<3200x32xf32, #tpu.memory_space<hbm>>
      %dma_wait3A_86 = arith.constant 0 : i32
      %dma_wait3A_87 = tpu.memref_slice %arg12[%mul3A_0, %dma_wait3A_86] : memref<51200x32xf32, #tpu.memory_space<vmem_shared>> -> memref<3200x32xf32, #tpu.memory_space<vmem_shared>>
      tpu.wait_dma2 semaphore(%run_scoped3A_71 : memref<!tpu.dma_semaphore, #tpu.memory_space<semaphore_mem>>) src(%dma_wait3A_87 : memref<3200x32xf32, #tpu.memory_space<vmem_shared>>) dst(%dma_wait3A_85 : memref<3200x32xf32, #tpu.memory_space<hbm>>)
      tpu.yield
    }) : () -> ()
    return
  }
}

#map = affine_map<(d0, d1) -> (0, 0)>
#map1 = affine_map<(d0, d1) -> (0, 0, 0)>
module attributes {stable_mosaic.version = 14 : i64} {
  func.func @_conv_body(%arg0: i32, %arg1: i32, %arg2: memref<2x51200xf32, #tpu.memory_space<hbm>>, %arg3: memref<2x50000x32xf32, #tpu.memory_space<hbm>>, %arg4: memref<2x800000xi32, #tpu.memory_space<hbm>>, %arg5: memref<2x51200x32xf32, #tpu.memory_space<hbm>>, %arg6: memref<400xi32, #tpu.memory_space<vmem>>, %arg7: memref<400xi32, #tpu.memory_space<vmem>>, %arg8: memref<400xi32, #tpu.memory_space<vmem>>, %arg9: memref<400xi32, #tpu.memory_space<vmem>>, %arg10: memref<400x32xf32, #tpu.memory_space<vmem>>, %arg11: memref<400x32xf32, #tpu.memory_space<vmem>>, %arg12: memref<51200x32xf32, #tpu.memory_space<vmem_shared>>, %arg13: memref<!tpu.dma_semaphore, #tpu.memory_space<semaphore_mem>>, %arg14: memref<!tpu.dma_semaphore, #tpu.memory_space<semaphore_mem>>, %arg15: memref<!tpu.dma_semaphore, #tpu.memory_space<semaphore_mem>>) attributes {dimension_semantics = [#tpu.dimension_semantics<core_parallel>, #tpu.dimension_semantics<subcore_parallel>], iteration_bounds = array<i64: 2, 16>, scalar_prefetch = 0 : i64, scratch_operands = 10 : i64, tpu.core_type = #tpu.core_type<sc_vector_subcore>, window_params = [{transform_indices = #map}, {transform_indices = #map1}, {transform_indices = #map}, {transform_indices = #map1}]} {
    %mul3A = arith.constant 3200 : i32
    %mul3A_0 = arith.muli %arg1, %mul3A : i32
    %scan3A = arith.constant 0 : i32
    %scan3A_1 = arith.constant 0 : i32
    %scan3A_2 = arith.constant 400 : i32
    %scan3A_3 = arith.addi %scan3A_1, %scan3A_2 : i32
    %scan3A_4 = arith.constant 1 : i32
    scf.for %scan3A_71 = %scan3A_1 to %scan3A_3 step %scan3A_4  : i32 {
      %broadcast_in_dim3A = arith.constant 0.000000e+00 : f32
      %broadcast_in_dim3A_72 = vector.broadcast %broadcast_in_dim3A : f32 to vector<16xf32>
      %swap3A = arith.index_cast %scan3A_71 : i32 to index
      %swap3A_73 = arith.constant 0 : index
      %swap3A_74 = tpu.vector_load %arg10[%swap3A, %swap3A_73] {strides = array<i32>} : memref<400x32xf32, #tpu.memory_space<vmem>>, vector<1x16xf32>,
      %swap3A_75 = vector.shape_cast %swap3A_74 : vector<1x16xf32> to vector<16xf32>
      %swap3A_76 = vector.shape_cast %broadcast_in_dim3A_72 : vector<16xf32> to vector<1x16xf32>
      tpu.vector_store %arg10[%swap3A, %swap3A_73], %swap3A_76 {strides = array<i32>} : memref<400x32xf32, #tpu.memory_space<vmem>>, vector<1x16xf32>,
      %swap3A_77 = arith.index_cast %scan3A_71 : i32 to index
      %swap3A_78 = arith.constant 16 : index
      %swap3A_79 = tpu.vector_load %arg10[%swap3A_77, %swap3A_78] {strides = array<i32>} : memref<400x32xf32, #tpu.memory_space<vmem>>, vector<1x16xf32>,
      %swap3A_80 = vector.shape_cast %swap3A_79 : vector<1x16xf32> to vector<16xf32>
      %swap3A_81 = vector.shape_cast %broadcast_in_dim3A_72 : vector<16xf32> to vector<1x16xf32>
      tpu.vector_store %arg10[%swap3A_77, %swap3A_78], %swap3A_81 {strides = array<i32>} : memref<400x32xf32, #tpu.memory_space<vmem>>, vector<1x16xf32>,
    }
    %scan3A_5 = arith.constant 400 : i32
    %add3A = arith.constant 0 : i32
    %add3A_6 = arith.addi %mul3A_0, %add3A : i32
    "tpu.region"() ({
      %run_scoped3A_71 = tpu.sem_alloc : memref<!tpu.dma_semaphore, #tpu.memory_space<semaphore_mem>>
      %dma_start3A_72 = arith.constant 0 : i32
      %dma_start3A_73 = tpu.memref_slice %arg12[%add3A_6, %dma_start3A_72] : memref<51200x32xf32, #tpu.memory_space<vmem_shared>> -> memref<400x32xf32, #tpu.memory_space<vmem_shared>>
      %dma_start3A_74 = arith.constant 0 : i32
      %dma_start3A_75 = tpu.memref_slice %arg12[%add3A_6, %dma_start3A_74] : memref<51200x32xf32, #tpu.memory_space<vmem_shared>> -> memref<400x32xf32, #tpu.memory_space<vmem_shared>>
      tpu.enqueue_dma source(%arg10 : memref<400x32xf32, #tpu.memory_space<vmem>>) target(%dma_start3A_75 : memref<400x32xf32, #tpu.memory_space<vmem_shared>>) target_semaphore(%run_scoped3A_71 : memref<!tpu.dma_semaphore, #tpu.memory_space<semaphore_mem>>)
      %dma_wait3A_76 = arith.constant 0 : i32
      %dma_wait3A_77 = tpu.memref_slice %arg12[%add3A_6, %dma_wait3A_76] : memref<51200x32xf32, #tpu.memory_space<vmem_shared>> -> memref<400x32xf32, #tpu.memory_space<vmem_shared>>
      %dma_wait3A_78 = arith.constant 0 : i32
      %dma_wait3A_79 = tpu.memref_slice %arg12[%add3A_6, %dma_wait3A_78] : memref<51200x32xf32, #tpu.memory_space<vmem_shared>> -> memref<400x32xf32, #tpu.memory_space<vmem_shared>>
      tpu.wait_dma2 semaphore(%run_scoped3A_71 : memref<!tpu.dma_semaphore, #tpu.memory_space<semaphore_mem>>) src(%arg10 : memref<400x32xf32, #tpu.memory_space<vmem>>) dst(%dma_wait3A_79 : memref<400x32xf32, #tpu.memory_space<vmem_shared>>)
      tpu.yield
    }) : () -> ()
    %add3A_7 = arith.constant 400 : i32
    %add3A_8 = arith.addi %mul3A_0, %add3A_7 : i32
    "tpu.region"() ({
      %run_scoped3A_71 = tpu.sem_alloc : memref<!tpu.dma_semaphore, #tpu.memory_space<semaphore_mem>>
      %dma_start3A_72 = arith.constant 0 : i32
      %dma_start3A_73 = tpu.memref_slice %arg12[%add3A_8, %dma_start3A_72] : memref<51200x32xf32, #tpu.memory_space<vmem_shared>> -> memref<400x32xf32, #tpu.memory_space<vmem_shared>>
      %dma_start3A_74 = arith.constant 0 : i32
      %dma_start3A_75 = tpu.memref_slice %arg12[%add3A_8, %dma_start3A_74] : memref<51200x32xf32, #tpu.memory_space<vmem_shared>> -> memref<400x32xf32, #tpu.memory_space<vmem_shared>>
      tpu.enqueue_dma source(%arg10 : memref<400x32xf32, #tpu.memory_space<vmem>>) target(%dma_start3A_75 : memref<400x32xf32, #tpu.memory_space<vmem_shared>>) target_semaphore(%run_scoped3A_71 : memref<!tpu.dma_semaphore, #tpu.memory_space<semaphore_mem>>)
      %dma_wait3A_76 = arith.constant 0 : i32
      %dma_wait3A_77 = tpu.memref_slice %arg12[%add3A_8, %dma_wait3A_76] : memref<51200x32xf32, #tpu.memory_space<vmem_shared>> -> memref<400x32xf32, #tpu.memory_space<vmem_shared>>
      %dma_wait3A_78 = arith.constant 0 : i32
      %dma_wait3A_79 = tpu.memref_slice %arg12[%add3A_8, %dma_wait3A_78] : memref<51200x32xf32, #tpu.memory_space<vmem_shared>> -> memref<400x32xf32, #tpu.memory_space<vmem_shared>>
      tpu.wait_dma2 semaphore(%run_scoped3A_71 : memref<!tpu.dma_semaphore, #tpu.memory_space<semaphore_mem>>) src(%arg10 : memref<400x32xf32, #tpu.memory_space<vmem>>) dst(%dma_wait3A_79 : memref<400x32xf32, #tpu.memory_space<vmem_shared>>)
      tpu.yield
    }) : () -> ()
    %add3A_9 = arith.constant 800 : i32
    %add3A_10 = arith.addi %mul3A_0, %add3A_9 : i32
    "tpu.region"() ({
      %run_scoped3A_71 = tpu.sem_alloc : memref<!tpu.dma_semaphore, #tpu.memory_space<semaphore_mem>>
      %dma_start3A_72 = arith.constant 0 : i32
      %dma_start3A_73 = tpu.memref_slice %arg12[%add3A_10, %dma_start3A_72] : memref<51200x32xf32, #tpu.memory_space<vmem_shared>> -> memref<400x32xf32, #tpu.memory_space<vmem_shared>>
      %dma_start3A_74 = arith.constant 0 : i32
      %dma_start3A_75 = tpu.memref_slice %arg12[%add3A_10, %dma_start3A_74] : memref<51200x32xf32, #tpu.memory_space<vmem_shared>> -> memref<400x32xf32, #tpu.memory_space<vmem_shared>>
      tpu.enqueue_dma source(%arg10 : memref<400x32xf32, #tpu.memory_space<vmem>>) target(%dma_start3A_75 : memref<400x32xf32, #tpu.memory_space<vmem_shared>>) target_semaphore(%run_scoped3A_71 : memref<!tpu.dma_semaphore, #tpu.memory_space<semaphore_mem>>)
      %dma_wait3A_76 = arith.constant 0 : i32
      %dma_wait3A_77 = tpu.memref_slice %arg12[%add3A_10, %dma_wait3A_76] : memref<51200x32xf32, #tpu.memory_space<vmem_shared>> -> memref<400x32xf32, #tpu.memory_space<vmem_shared>>
      %dma_wait3A_78 = arith.constant 0 : i32
      %dma_wait3A_79 = tpu.memref_slice %arg12[%add3A_10, %dma_wait3A_78] : memref<51200x32xf32, #tpu.memory_space<vmem_shared>> -> memref<400x32xf32, #tpu.memory_space<vmem_shared>>
      tpu.wait_dma2 semaphore(%run_scoped3A_71 : memref<!tpu.dma_semaphore, #tpu.memory_space<semaphore_mem>>) src(%arg10 : memref<400x32xf32, #tpu.memory_space<vmem>>) dst(%dma_wait3A_79 : memref<400x32xf32, #tpu.memory_space<vmem_shared>>)
      tpu.yield
    }) : () -> ()
    %add3A_11 = arith.constant 1200 : i32
    %add3A_12 = arith.addi %mul3A_0, %add3A_11 : i32
    "tpu.region"() ({
      %run_scoped3A_71 = tpu.sem_alloc : memref<!tpu.dma_semaphore, #tpu.memory_space<semaphore_mem>>
      %dma_start3A_72 = arith.constant 0 : i32
      %dma_start3A_73 = tpu.memref_slice %arg12[%add3A_12, %dma_start3A_72] : memref<51200x32xf32, #tpu.memory_space<vmem_shared>> -> memref<400x32xf32, #tpu.memory_space<vmem_shared>>
      %dma_start3A_74 = arith.constant 0 : i32
      %dma_start3A_75 = tpu.memref_slice %arg12[%add3A_12, %dma_start3A_74] : memref<51200x32xf32, #tpu.memory_space<vmem_shared>> -> memref<400x32xf32, #tpu.memory_space<vmem_shared>>
      tpu.enqueue_dma source(%arg10 : memref<400x32xf32, #tpu.memory_space<vmem>>) target(%dma_start3A_75 : memref<400x32xf32, #tpu.memory_space<vmem_shared>>) target_semaphore(%run_scoped3A_71 : memref<!tpu.dma_semaphore, #tpu.memory_space<semaphore_mem>>)
      %dma_wait3A_76 = arith.constant 0 : i32
      %dma_wait3A_77 = tpu.memref_slice %arg12[%add3A_12, %dma_wait3A_76] : memref<51200x32xf32, #tpu.memory_space<vmem_shared>> -> memref<400x32xf32, #tpu.memory_space<vmem_shared>>
      %dma_wait3A_78 = arith.constant 0 : i32
      %dma_wait3A_79 = tpu.memref_slice %arg12[%add3A_12, %dma_wait3A_78] : memref<51200x32xf32, #tpu.memory_space<vmem_shared>> -> memref<400x32xf32, #tpu.memory_space<vmem_shared>>
      tpu.wait_dma2 semaphore(%run_scoped3A_71 : memref<!tpu.dma_semaphore, #tpu.memory_space<semaphore_mem>>) src(%arg10 : memref<400x32xf32, #tpu.memory_space<vmem>>) dst(%dma_wait3A_79 : memref<400x32xf32, #tpu.memory_space<vmem_shared>>)
      tpu.yield
    }) : () -> ()
    %add3A_13 = arith.constant 1600 : i32
    %add3A_14 = arith.addi %mul3A_0, %add3A_13 : i32
    "tpu.region"() ({
      %run_scoped3A_71 = tpu.sem_alloc : memref<!tpu.dma_semaphore, #tpu.memory_space<semaphore_mem>>
      %dma_start3A_72 = arith.constant 0 : i32
      %dma_start3A_73 = tpu.memref_slice %arg12[%add3A_14, %dma_start3A_72] : memref<51200x32xf32, #tpu.memory_space<vmem_shared>> -> memref<400x32xf32, #tpu.memory_space<vmem_shared>>
      %dma_start3A_74 = arith.constant 0 : i32
      %dma_start3A_75 = tpu.memref_slice %arg12[%add3A_14, %dma_start3A_74] : memref<51200x32xf32, #tpu.memory_space<vmem_shared>> -> memref<400x32xf32, #tpu.memory_space<vmem_shared>>
      tpu.enqueue_dma source(%arg10 : memref<400x32xf32, #tpu.memory_space<vmem>>) target(%dma_start3A_75 : memref<400x32xf32, #tpu.memory_space<vmem_shared>>) target_semaphore(%run_scoped3A_71 : memref<!tpu.dma_semaphore, #tpu.memory_space<semaphore_mem>>)
      %dma_wait3A_76 = arith.constant 0 : i32
      %dma_wait3A_77 = tpu.memref_slice %arg12[%add3A_14, %dma_wait3A_76] : memref<51200x32xf32, #tpu.memory_space<vmem_shared>> -> memref<400x32xf32, #tpu.memory_space<vmem_shared>>
      %dma_wait3A_78 = arith.constant 0 : i32
      %dma_wait3A_79 = tpu.memref_slice %arg12[%add3A_14, %dma_wait3A_78] : memref<51200x32xf32, #tpu.memory_space<vmem_shared>> -> memref<400x32xf32, #tpu.memory_space<vmem_shared>>
      tpu.wait_dma2 semaphore(%run_scoped3A_71 : memref<!tpu.dma_semaphore, #tpu.memory_space<semaphore_mem>>) src(%arg10 : memref<400x32xf32, #tpu.memory_space<vmem>>) dst(%dma_wait3A_79 : memref<400x32xf32, #tpu.memory_space<vmem_shared>>)
      tpu.yield
    }) : () -> ()
    %add3A_15 = arith.constant 2000 : i32
    %add3A_16 = arith.addi %mul3A_0, %add3A_15 : i32
    "tpu.region"() ({
      %run_scoped3A_71 = tpu.sem_alloc : memref<!tpu.dma_semaphore, #tpu.memory_space<semaphore_mem>>
      %dma_start3A_72 = arith.constant 0 : i32
      %dma_start3A_73 = tpu.memref_slice %arg12[%add3A_16, %dma_start3A_72] : memref<51200x32xf32, #tpu.memory_space<vmem_shared>> -> memref<400x32xf32, #tpu.memory_space<vmem_shared>>
      %dma_start3A_74 = arith.constant 0 : i32
      %dma_start3A_75 = tpu.memref_slice %arg12[%add3A_16, %dma_start3A_74] : memref<51200x32xf32, #tpu.memory_space<vmem_shared>> -> memref<400x32xf32, #tpu.memory_space<vmem_shared>>
      tpu.enqueue_dma source(%arg10 : memref<400x32xf32, #tpu.memory_space<vmem>>) target(%dma_start3A_75 : memref<400x32xf32, #tpu.memory_space<vmem_shared>>) target_semaphore(%run_scoped3A_71 : memref<!tpu.dma_semaphore, #tpu.memory_space<semaphore_mem>>)
      %dma_wait3A_76 = arith.constant 0 : i32
      %dma_wait3A_77 = tpu.memref_slice %arg12[%add3A_16, %dma_wait3A_76] : memref<51200x32xf32, #tpu.memory_space<vmem_shared>> -> memref<400x32xf32, #tpu.memory_space<vmem_shared>>
      %dma_wait3A_78 = arith.constant 0 : i32
      %dma_wait3A_79 = tpu.memref_slice %arg12[%add3A_16, %dma_wait3A_78] : memref<51200x32xf32, #tpu.memory_space<vmem_shared>> -> memref<400x32xf32, #tpu.memory_space<vmem_shared>>
      tpu.wait_dma2 semaphore(%run_scoped3A_71 : memref<!tpu.dma_semaphore, #tpu.memory_space<semaphore_mem>>) src(%arg10 : memref<400x32xf32, #tpu.memory_space<vmem>>) dst(%dma_wait3A_79 : memref<400x32xf32, #tpu.memory_space<vmem_shared>>)
      tpu.yield
    }) : () -> ()
    %add3A_17 = arith.constant 2400 : i32
    %add3A_18 = arith.addi %mul3A_0, %add3A_17 : i32
    "tpu.region"() ({
      %run_scoped3A_71 = tpu.sem_alloc : memref<!tpu.dma_semaphore, #tpu.memory_space<semaphore_mem>>
      %dma_start3A_72 = arith.constant 0 : i32
      %dma_start3A_73 = tpu.memref_slice %arg12[%add3A_18, %dma_start3A_72] : memref<51200x32xf32, #tpu.memory_space<vmem_shared>> -> memref<400x32xf32, #tpu.memory_space<vmem_shared>>
      %dma_start3A_74 = arith.constant 0 : i32
      %dma_start3A_75 = tpu.memref_slice %arg12[%add3A_18, %dma_start3A_74] : memref<51200x32xf32, #tpu.memory_space<vmem_shared>> -> memref<400x32xf32, #tpu.memory_space<vmem_shared>>
      tpu.enqueue_dma source(%arg10 : memref<400x32xf32, #tpu.memory_space<vmem>>) target(%dma_start3A_75 : memref<400x32xf32, #tpu.memory_space<vmem_shared>>) target_semaphore(%run_scoped3A_71 : memref<!tpu.dma_semaphore, #tpu.memory_space<semaphore_mem>>)
      %dma_wait3A_76 = arith.constant 0 : i32
      %dma_wait3A_77 = tpu.memref_slice %arg12[%add3A_18, %dma_wait3A_76] : memref<51200x32xf32, #tpu.memory_space<vmem_shared>> -> memref<400x32xf32, #tpu.memory_space<vmem_shared>>
      %dma_wait3A_78 = arith.constant 0 : i32
      %dma_wait3A_79 = tpu.memref_slice %arg12[%add3A_18, %dma_wait3A_78] : memref<51200x32xf32, #tpu.memory_space<vmem_shared>> -> memref<400x32xf32, #tpu.memory_space<vmem_shared>>
      tpu.wait_dma2 semaphore(%run_scoped3A_71 : memref<!tpu.dma_semaphore, #tpu.memory_space<semaphore_mem>>) src(%arg10 : memref<400x32xf32, #tpu.memory_space<vmem>>) dst(%dma_wait3A_79 : memref<400x32xf32, #tpu.memory_space<vmem_shared>>)
      tpu.yield
    }) : () -> ()
    %add3A_19 = arith.constant 2800 : i32
    %add3A_20 = arith.addi %mul3A_0, %add3A_19 : i32
    "tpu.region"() ({
      %run_scoped3A_71 = tpu.sem_alloc : memref<!tpu.dma_semaphore, #tpu.memory_space<semaphore_mem>>
      %dma_start3A_72 = arith.constant 0 : i32
      %dma_start3A_73 = tpu.memref_slice %arg12[%add3A_20, %dma_start3A_72] : memref<51200x32xf32, #tpu.memory_space<vmem_shared>> -> memref<400x32xf32, #tpu.memory_space<vmem_shared>>
      %dma_start3A_74 = arith.constant 0 : i32
      %dma_start3A_75 = tpu.memref_slice %arg12[%add3A_20, %dma_start3A_74] : memref<51200x32xf32, #tpu.memory_space<vmem_shared>> -> memref<400x32xf32, #tpu.memory_space<vmem_shared>>
      tpu.enqueue_dma source(%arg10 : memref<400x32xf32, #tpu.memory_space<vmem>>) target(%dma_start3A_75 : memref<400x32xf32, #tpu.memory_space<vmem_shared>>) target_semaphore(%run_scoped3A_71 : memref<!tpu.dma_semaphore, #tpu.memory_space<semaphore_mem>>)
      %dma_wait3A_76 = arith.constant 0 : i32
      %dma_wait3A_77 = tpu.memref_slice %arg12[%add3A_20, %dma_wait3A_76] : memref<51200x32xf32, #tpu.memory_space<vmem_shared>> -> memref<400x32xf32, #tpu.memory_space<vmem_shared>>
      %dma_wait3A_78 = arith.constant 0 : i32
      %dma_wait3A_79 = tpu.memref_slice %arg12[%add3A_20, %dma_wait3A_78] : memref<51200x32xf32, #tpu.memory_space<vmem_shared>> -> memref<400x32xf32, #tpu.memory_space<vmem_shared>>
      tpu.wait_dma2 semaphore(%run_scoped3A_71 : memref<!tpu.dma_semaphore, #tpu.memory_space<semaphore_mem>>) src(%arg10 : memref<400x32xf32, #tpu.memory_space<vmem>>) dst(%dma_wait3A_79 : memref<400x32xf32, #tpu.memory_space<vmem_shared>>)
      tpu.yield
    }) : () -> ()
    %barrier3A = arith.constant 0 : index
    tpu.barrier barrier_id(%barrier3A)
    %mul3A_21 = arith.constant 50000 : i32
    %mul3A_22 = arith.muli %arg1, %mul3A_21 : i32
    %add3A_23 = arith.constant 0 : i32
    %add3A_24 = arith.addi %mul3A_22, %add3A_23 : i32
    %run_scoped3A = arith.constant 0 : i32
    "tpu.region"() ({
      %run_scoped3A_71 = tpu.sem_alloc : memref<!tpu.dma_semaphore, #tpu.memory_space<semaphore_mem>>
      %dma_start3A_72 = arith.constant 0 : i32
      %dma_start3A_73 = tpu.memref_slice %arg4[%run_scoped3A, %dma_start3A_72] : memref<2x800000xi32, #tpu.memory_space<hbm>> -> memref<1x800000xi32, #tpu.memory_space<hbm>>
      %dma_start3A_74 = tpu.memref_squeeze %dma_start3A_73 : memref<1x800000xi32, #tpu.memory_space<hbm>> -> memref<800000xi32, #tpu.memory_space<hbm>>
      %dma_start3A_75 = tpu.memref_slice %dma_start3A_74[%add3A_24] : memref<800000xi32, #tpu.memory_space<hbm>> -> memref<400xi32, #tpu.memory_space<hbm>>
      %dma_start3A_76 = arith.constant 0 : i32
      %dma_start3A_77 = tpu.memref_slice %arg4[%run_scoped3A, %dma_start3A_76] : memref<2x800000xi32, #tpu.memory_space<hbm>> -> memref<1x800000xi32, #tpu.memory_space<hbm>>
      %dma_start3A_78 = tpu.memref_squeeze %dma_start3A_77 : memref<1x800000xi32, #tpu.memory_space<hbm>> -> memref<800000xi32, #tpu.memory_space<hbm>>
      %dma_start3A_79 = tpu.memref_slice %dma_start3A_78[%add3A_24] : memref<800000xi32, #tpu.memory_space<hbm>> -> memref<400xi32, #tpu.memory_space<hbm>>
      tpu.enqueue_dma source(%dma_start3A_79 : memref<400xi32, #tpu.memory_space<hbm>>) target(%arg6 : memref<400xi32, #tpu.memory_space<vmem>>) target_semaphore(%run_scoped3A_71 : memref<!tpu.dma_semaphore, #tpu.memory_space<semaphore_mem>>)
      %dma_wait3A_80 = arith.constant 0 : i32
      %dma_wait3A_81 = tpu.memref_slice %arg4[%run_scoped3A, %dma_wait3A_80] : memref<2x800000xi32, #tpu.memory_space<hbm>> -> memref<1x800000xi32, #tpu.memory_space<hbm>>
      %dma_wait3A_82 = tpu.memref_squeeze %dma_wait3A_81 : memref<1x800000xi32, #tpu.memory_space<hbm>> -> memref<800000xi32, #tpu.memory_space<hbm>>
      %dma_wait3A_83 = tpu.memref_slice %dma_wait3A_82[%add3A_24] : memref<800000xi32, #tpu.memory_space<hbm>> -> memref<400xi32, #tpu.memory_space<hbm>>
      %dma_wait3A_84 = arith.constant 0 : i32
      %dma_wait3A_85 = tpu.memref_slice %arg4[%run_scoped3A, %dma_wait3A_84] : memref<2x800000xi32, #tpu.memory_space<hbm>> -> memref<1x800000xi32, #tpu.memory_space<hbm>>
      %dma_wait3A_86 = tpu.memref_squeeze %dma_wait3A_85 : memref<1x800000xi32, #tpu.memory_space<hbm>> -> memref<800000xi32, #tpu.memory_space<hbm>>
      %dma_wait3A_87 = tpu.memref_slice %dma_wait3A_86[%add3A_24] : memref<800000xi32, #tpu.memory_space<hbm>> -> memref<400xi32, #tpu.memory_space<hbm>>
      tpu.wait_dma2 semaphore(%run_scoped3A_71 : memref<!tpu.dma_semaphore, #tpu.memory_space<semaphore_mem>>) src(%dma_wait3A_87 : memref<400xi32, #tpu.memory_space<hbm>>) dst(%arg6 : memref<400xi32, #tpu.memory_space<vmem>>)
      tpu.yield
    }) : () -> ()
    %add3A_25 = arith.constant 0 : i32
    %add3A_26 = arith.addi %mul3A_22, %add3A_25 : i32
    %run_scoped3A_27 = arith.constant 1 : i32
    "tpu.region"() ({
      %run_scoped3A_71 = tpu.sem_alloc : memref<!tpu.dma_semaphore, #tpu.memory_space<semaphore_mem>>
      %dma_start3A_72 = arith.constant 0 : i32
      %dma_start3A_73 = tpu.memref_slice %arg4[%run_scoped3A_27, %dma_start3A_72] : memref<2x800000xi32, #tpu.memory_space<hbm>> -> memref<1x800000xi32, #tpu.memory_space<hbm>>
      %dma_start3A_74 = tpu.memref_squeeze %dma_start3A_73 : memref<1x800000xi32, #tpu.memory_space<hbm>> -> memref<800000xi32, #tpu.memory_space<hbm>>
      %dma_start3A_75 = tpu.memref_slice %dma_start3A_74[%add3A_26] : memref<800000xi32, #tpu.memory_space<hbm>> -> memref<400xi32, #tpu.memory_space<hbm>>
      %dma_start3A_76 = arith.constant 0 : i32
      %dma_start3A_77 = tpu.memref_slice %arg4[%run_scoped3A_27, %dma_start3A_76] : memref<2x800000xi32, #tpu.memory_space<hbm>> -> memref<1x800000xi32, #tpu.memory_space<hbm>>
      %dma_start3A_78 = tpu.memref_squeeze %dma_start3A_77 : memref<1x800000xi32, #tpu.memory_space<hbm>> -> memref<800000xi32, #tpu.memory_space<hbm>>
      %dma_start3A_79 = tpu.memref_slice %dma_start3A_78[%add3A_26] : memref<800000xi32, #tpu.memory_space<hbm>> -> memref<400xi32, #tpu.memory_space<hbm>>
      tpu.enqueue_dma source(%dma_start3A_79 : memref<400xi32, #tpu.memory_space<hbm>>) target(%arg7 : memref<400xi32, #tpu.memory_space<vmem>>) target_semaphore(%run_scoped3A_71 : memref<!tpu.dma_semaphore, #tpu.memory_space<semaphore_mem>>)
      %dma_wait3A_80 = arith.constant 0 : i32
      %dma_wait3A_81 = tpu.memref_slice %arg4[%run_scoped3A_27, %dma_wait3A_80] : memref<2x800000xi32, #tpu.memory_space<hbm>> -> memref<1x800000xi32, #tpu.memory_space<hbm>>
      %dma_wait3A_82 = tpu.memref_squeeze %dma_wait3A_81 : memref<1x800000xi32, #tpu.memory_space<hbm>> -> memref<800000xi32, #tpu.memory_space<hbm>>
      %dma_wait3A_83 = tpu.memref_slice %dma_wait3A_82[%add3A_26] : memref<800000xi32, #tpu.memory_space<hbm>> -> memref<400xi32, #tpu.memory_space<hbm>>
      %dma_wait3A_84 = arith.constant 0 : i32
      %dma_wait3A_85 = tpu.memref_slice %arg4[%run_scoped3A_27, %dma_wait3A_84] : memref<2x800000xi32, #tpu.memory_space<hbm>> -> memref<1x800000xi32, #tpu.memory_space<hbm>>
      %dma_wait3A_86 = tpu.memref_squeeze %dma_wait3A_85 : memref<1x800000xi32, #tpu.memory_space<hbm>> -> memref<800000xi32, #tpu.memory_space<hbm>>
      %dma_wait3A_87 = tpu.memref_slice %dma_wait3A_86[%add3A_26] : memref<800000xi32, #tpu.memory_space<hbm>> -> memref<400xi32, #tpu.memory_space<hbm>>
      tpu.wait_dma2 semaphore(%run_scoped3A_71 : memref<!tpu.dma_semaphore, #tpu.memory_space<semaphore_mem>>) src(%dma_wait3A_87 : memref<400xi32, #tpu.memory_space<hbm>>) dst(%arg7 : memref<400xi32, #tpu.memory_space<vmem>>)
      tpu.yield
    }) : () -> ()
    %dma_start3A = arith.constant 0 : i32
    %dma_start3A_28 = arith.constant 0 : i32
    %dma_start3A_29 = tpu.memref_slice %arg3[%arg0, %dma_start3A, %dma_start3A_28] : memref<2x50000x32xf32, #tpu.memory_space<hbm>> -> memref<1x50000x32xf32, #tpu.memory_space<hbm>>
    %dma_start3A_30 = tpu.memref_squeeze %dma_start3A_29 : memref<1x50000x32xf32, #tpu.memory_space<hbm>> -> memref<50000x32xf32, #tpu.memory_space<hbm>>
    %dma_start3A_31 = arith.constant 0 : i32
    %dma_start3A_32 = arith.constant 0 : i32
    %dma_start3A_33 = tpu.memref_slice %dma_start3A_30[%dma_start3A_31, %dma_start3A_32] : memref<50000x32xf32, #tpu.memory_space<hbm>> -> memref<50000x32xf32, #tpu.memory_space<hbm>>
    tpu.enqueue_indirect_dma source(%dma_start3A_33 : memref<50000x32xf32, #tpu.memory_space<hbm>>) target(%arg10 : memref<400x32xf32, #tpu.memory_space<vmem>>) offsets(%arg6 : memref<400xi32, #tpu.memory_space<vmem>>) semaphore(%arg13 : memref<!tpu.dma_semaphore, #tpu.memory_space<semaphore_mem>>)
    %add3A_34 = arith.constant 400 : i32
    %add3A_35 = arith.addi %mul3A_22, %add3A_34 : i32
    %dma_start3A_36 = arith.constant 0 : i32
    %dma_start3A_37 = arith.constant 0 : i32
    %dma_start3A_38 = tpu.memref_slice %arg4[%dma_start3A_36, %dma_start3A_37] : memref<2x800000xi32, #tpu.memory_space<hbm>> -> memref<1x800000xi32, #tpu.memory_space<hbm>>
    %dma_start3A_39 = tpu.memref_squeeze %dma_start3A_38 : memref<1x800000xi32, #tpu.memory_space<hbm>> -> memref<800000xi32, #tpu.memory_space<hbm>>
    %dma_start3A_40 = tpu.memref_slice %dma_start3A_39[%add3A_35] : memref<800000xi32, #tpu.memory_space<hbm>> -> memref<400xi32, #tpu.memory_space<hbm>>
    %dma_start3A_41 = arith.constant 0 : i32
    %dma_start3A_42 = tpu.memref_slice %arg4[%dma_start3A_36, %dma_start3A_41] : memref<2x800000xi32, #tpu.memory_space<hbm>> -> memref<1x800000xi32, #tpu.memory_space<hbm>>
    %dma_start3A_43 = tpu.memref_squeeze %dma_start3A_42 : memref<1x800000xi32, #tpu.memory_space<hbm>> -> memref<800000xi32, #tpu.memory_space<hbm>>
    %dma_start3A_44 = tpu.memref_slice %dma_start3A_43[%add3A_35] : memref<800000xi32, #tpu.memory_space<hbm>> -> memref<400xi32, #tpu.memory_space<hbm>>
    tpu.enqueue_dma source(%dma_start3A_44 : memref<400xi32, #tpu.memory_space<hbm>>) target(%arg8 : memref<400xi32, #tpu.memory_space<vmem>>) target_semaphore(%arg15 : memref<!tpu.dma_semaphore, #tpu.memory_space<semaphore_mem>>)
    %add3A_45 = arith.constant 400 : i32
    %add3A_46 = arith.addi %mul3A_22, %add3A_45 : i32
    %dma_start3A_47 = arith.constant 1 : i32
    %dma_start3A_48 = arith.constant 0 : i32
    %dma_start3A_49 = tpu.memref_slice %arg4[%dma_start3A_47, %dma_start3A_48] : memref<2x800000xi32, #tpu.memory_space<hbm>> -> memref<1x800000xi32, #tpu.memory_space<hbm>>
    %dma_start3A_50 = tpu.memref_squeeze %dma_start3A_49 : memref<1x800000xi32, #tpu.memory_space<hbm>> -> memref<800000xi32, #tpu.memory_space<hbm>>
    %dma_start3A_51 = tpu.memref_slice %dma_start3A_50[%add3A_46] : memref<800000xi32, #tpu.memory_space<hbm>> -> memref<400xi32, #tpu.memory_space<hbm>>
    %dma_start3A_52 = arith.constant 0 : i32
    %dma_start3A_53 = tpu.memref_slice %arg4[%dma_start3A_47, %dma_start3A_52] : memref<2x800000xi32, #tpu.memory_space<hbm>> -> memref<1x800000xi32, #tpu.memory_space<hbm>>
    %dma_start3A_54 = tpu.memref_squeeze %dma_start3A_53 : memref<1x800000xi32, #tpu.memory_space<hbm>> -> memref<800000xi32, #tpu.memory_space<hbm>>
    %dma_start3A_55 = tpu.memref_slice %dma_start3A_54[%add3A_46] : memref<800000xi32, #tpu.memory_space<hbm>> -> memref<400xi32, #tpu.memory_space<hbm>>
    tpu.enqueue_dma source(%dma_start3A_55 : memref<400xi32, #tpu.memory_space<hbm>>) target(%arg9 : memref<400xi32, #tpu.memory_space<vmem>>) target_semaphore(%arg15 : memref<!tpu.dma_semaphore, #tpu.memory_space<semaphore_mem>>)
    %scan3A_56 = arith.constant 0 : i32
    %scan3A_57 = arith.constant 0 : i32
    %scan3A_58 = arith.constant 1 : i32
    %scan3A_59 = arith.constant 0 : i32
    %scan3A_60 = arith.constant 62 : i32
    %scan3A_61 = arith.addi %scan3A_59, %scan3A_60 : i32
    %scan3A_62 = arith.constant 1 : i32
    scf.for %scan3A_71 = %scan3A_59 to %scan3A_61 step %scan3A_62  : i32 {
      %mul3A_72 = arith.constant 2 : i32
      %mul3A_73 = arith.muli %mul3A_72, %scan3A_71 : i32
      %add3A_74 = arith.constant 1 : i32
      %add3A_75 = arith.addi %mul3A_73, %add3A_74 : i32
      %mul3A_76 = arith.constant 2 : i32
      %mul3A_77 = arith.muli %mul3A_76, %scan3A_71 : i32
      %add3A_78 = arith.constant 2 : i32
      %add3A_79 = arith.addi %mul3A_77, %add3A_78 : i32
      %mul3A_80 = arith.constant 2 : i32
      %mul3A_81 = arith.muli %mul3A_80, %scan3A_71 : i32
      %add3A_82 = arith.constant 3 : i32
      %add3A_83 = arith.addi %mul3A_81, %add3A_82 : i32
      %mul3A_84 = arith.constant 400 : i32
      %mul3A_85 = arith.muli %add3A_75, %mul3A_84 : i32
      %add3A_86 = arith.addi %mul3A_22, %mul3A_85 : i32
      %dma_wait3A_87 = arith.constant 0 : i32
      %dma_wait3A_88 = tpu.memref_slice %arg4[%scan3A_57, %dma_wait3A_87] : memref<2x800000xi32, #tpu.memory_space<hbm>> -> memref<1x800000xi32, #tpu.memory_space<hbm>>
      %dma_wait3A_89 = tpu.memref_squeeze %dma_wait3A_88 : memref<1x800000xi32, #tpu.memory_space<hbm>> -> memref<800000xi32, #tpu.memory_space<hbm>>
      %dma_wait3A_90 = tpu.memref_slice %dma_wait3A_89[%add3A_86] : memref<800000xi32, #tpu.memory_space<hbm>> -> memref<400xi32, #tpu.memory_space<hbm>>
      %dma_wait3A_91 = arith.constant 0 : i32
      %dma_wait3A_92 = tpu.memref_slice %arg4[%scan3A_57, %dma_wait3A_91] : memref<2x800000xi32, #tpu.memory_space<hbm>> -> memref<1x800000xi32, #tpu.memory_space<hbm>>
      %dma_wait3A_93 = tpu.memref_squeeze %dma_wait3A_92 : memref<1x800000xi32, #tpu.memory_space<hbm>> -> memref<800000xi32, #tpu.memory_space<hbm>>
      %dma_wait3A_94 = tpu.memref_slice %dma_wait3A_93[%add3A_86] : memref<800000xi32, #tpu.memory_space<hbm>> -> memref<400xi32, #tpu.memory_space<hbm>>
      tpu.wait_dma2 semaphore(%arg15 : memref<!tpu.dma_semaphore, #tpu.memory_space<semaphore_mem>>) src(%dma_wait3A_94 : memref<400xi32, #tpu.memory_space<hbm>>) dst(%arg8 : memref<400xi32, #tpu.memory_space<vmem>>)
      %mul3A_95 = arith.constant 400 : i32
      %mul3A_96 = arith.muli %add3A_75, %mul3A_95 : i32
      %add3A_97 = arith.addi %mul3A_22, %mul3A_96 : i32
      %dma_wait3A_98 = arith.constant 0 : i32
      %dma_wait3A_99 = tpu.memref_slice %arg4[%scan3A_58, %dma_wait3A_98] : memref<2x800000xi32, #tpu.memory_space<hbm>> -> memref<1x800000xi32, #tpu.memory_space<hbm>>
      %dma_wait3A_100 = tpu.memref_squeeze %dma_wait3A_99 : memref<1x800000xi32, #tpu.memory_space<hbm>> -> memref<800000xi32, #tpu.memory_space<hbm>>
      %dma_wait3A_101 = tpu.memref_slice %dma_wait3A_100[%add3A_97] : memref<800000xi32, #tpu.memory_space<hbm>> -> memref<400xi32, #tpu.memory_space<hbm>>
      %dma_wait3A_102 = arith.constant 0 : i32
      %dma_wait3A_103 = tpu.memref_slice %arg4[%scan3A_58, %dma_wait3A_102] : memref<2x800000xi32, #tpu.memory_space<hbm>> -> memref<1x800000xi32, #tpu.memory_space<hbm>>
      %dma_wait3A_104 = tpu.memref_squeeze %dma_wait3A_103 : memref<1x800000xi32, #tpu.memory_space<hbm>> -> memref<800000xi32, #tpu.memory_space<hbm>>
      %dma_wait3A_105 = tpu.memref_slice %dma_wait3A_104[%add3A_97] : memref<800000xi32, #tpu.memory_space<hbm>> -> memref<400xi32, #tpu.memory_space<hbm>>
      tpu.wait_dma2 semaphore(%arg15 : memref<!tpu.dma_semaphore, #tpu.memory_space<semaphore_mem>>) src(%dma_wait3A_105 : memref<400xi32, #tpu.memory_space<hbm>>) dst(%arg9 : memref<400xi32, #tpu.memory_space<vmem>>)
      %dma_start3A_106 = arith.constant 0 : i32
      %dma_start3A_107 = arith.constant 0 : i32
      %dma_start3A_108 = tpu.memref_slice %arg3[%arg0, %dma_start3A_106, %dma_start3A_107] : memref<2x50000x32xf32, #tpu.memory_space<hbm>> -> memref<1x50000x32xf32, #tpu.memory_space<hbm>>
      %dma_start3A_109 = tpu.memref_squeeze %dma_start3A_108 : memref<1x50000x32xf32, #tpu.memory_space<hbm>> -> memref<50000x32xf32, #tpu.memory_space<hbm>>
      %dma_start3A_110 = arith.constant 0 : i32
      %dma_start3A_111 = arith.constant 0 : i32
      %dma_start3A_112 = tpu.memref_slice %dma_start3A_109[%dma_start3A_110, %dma_start3A_111] : memref<50000x32xf32, #tpu.memory_space<hbm>> -> memref<50000x32xf32, #tpu.memory_space<hbm>>
      tpu.enqueue_indirect_dma source(%dma_start3A_112 : memref<50000x32xf32, #tpu.memory_space<hbm>>) target(%arg11 : memref<400x32xf32, #tpu.memory_space<vmem>>) offsets(%arg8 : memref<400xi32, #tpu.memory_space<vmem>>) semaphore(%arg14 : memref<!tpu.dma_semaphore, #tpu.memory_space<semaphore_mem>>)
      %dma_wait3A_113 = arith.constant 0 : i32
      %dma_wait3A_114 = arith.constant 0 : i32
      %dma_wait3A_115 = tpu.memref_slice %arg3[%arg0, %dma_wait3A_113, %dma_wait3A_114] : memref<2x50000x32xf32, #tpu.memory_space<hbm>> -> memref<1x50000x32xf32, #tpu.memory_space<hbm>>
      %dma_wait3A_116 = tpu.memref_squeeze %dma_wait3A_115 : memref<1x50000x32xf32, #tpu.memory_space<hbm>> -> memref<50000x32xf32, #tpu.memory_space<hbm>>
      %dma_wait3A_117 = arith.constant 0 : i32
      %dma_wait3A_118 = arith.constant 0 : i32
      %dma_wait3A_119 = tpu.memref_slice %dma_wait3A_116[%dma_wait3A_117, %dma_wait3A_118] : memref<50000x32xf32, #tpu.memory_space<hbm>> -> memref<50000x32xf32, #tpu.memory_space<hbm>>
      tpu.wait_indirect_dma semaphore(%arg13 : memref<!tpu.dma_semaphore, #tpu.memory_space<semaphore_mem>>) src(%dma_wait3A_119 : memref<50000x32xf32, #tpu.memory_space<hbm>>) dst(%arg10 : memref<400x32xf32, #tpu.memory_space<vmem>>)
      "tpu.region"() ({
        %run_scoped3A_142 = tpu.sem_alloc : memref<!tpu.dma_semaphore, #tpu.memory_space<semaphore_mem>>
        %dma_start3A_143 = arith.constant 0 : i32
        %dma_start3A_144 = arith.constant 0 : i32
        %dma_start3A_145 = tpu.memref_slice %arg12[%dma_start3A_143, %dma_start3A_144] : memref<51200x32xf32, #tpu.memory_space<vmem_shared>> -> memref<51200x32xf32, #tpu.memory_space<vmem_shared>>
        tpu.enqueue_indirect_dma source(%arg10 : memref<400x32xf32, #tpu.memory_space<vmem>>) target(%dma_start3A_145 : memref<51200x32xf32, #tpu.memory_space<vmem_shared>>) offsets(%arg7 : memref<400xi32, #tpu.memory_space<vmem>>) semaphore(%run_scoped3A_142 : memref<!tpu.dma_semaphore, #tpu.memory_space<semaphore_mem>>) {add = true}
        %dma_wait3A_146 = arith.constant 0 : i32
        %dma_wait3A_147 = arith.constant 0 : i32
        %dma_wait3A_148 = tpu.memref_slice %arg12[%dma_wait3A_146, %dma_wait3A_147] : memref<51200x32xf32, #tpu.memory_space<vmem_shared>> -> memref<51200x32xf32, #tpu.memory_space<vmem_shared>>
        tpu.wait_indirect_dma semaphore(%run_scoped3A_142 : memref<!tpu.dma_semaphore, #tpu.memory_space<semaphore_mem>>) src(%arg10 : memref<400x32xf32, #tpu.memory_space<vmem>>) dst(%dma_wait3A_148 : memref<51200x32xf32, #tpu.memory_space<vmem_shared>>)
        tpu.yield
      }) : () -> ()
      %mul3A_120 = arith.constant 400 : i32
      %mul3A_121 = arith.muli %add3A_79, %mul3A_120 : i32
      %add3A_122 = arith.addi %mul3A_22, %mul3A_121 : i32
      "tpu.region"() ({
        %run_scoped3A_142 = tpu.sem_alloc : memref<!tpu.dma_semaphore, #tpu.memory_space<semaphore_mem>>
        %dma_start3A_143 = arith.constant 0 : i32
        %dma_start3A_144 = tpu.memref_slice %arg4[%scan3A_57, %dma_start3A_143] : memref<2x800000xi32, #tpu.memory_space<hbm>> -> memref<1x800000xi32, #tpu.memory_space<hbm>>
        %dma_start3A_145 = tpu.memref_squeeze %dma_start3A_144 : memref<1x800000xi32, #tpu.memory_space<hbm>> -> memref<800000xi32, #tpu.memory_space<hbm>>
        %dma_start3A_146 = tpu.memref_slice %dma_start3A_145[%add3A_122] : memref<800000xi32, #tpu.memory_space<hbm>> -> memref<400xi32, #tpu.memory_space<hbm>>
        %dma_start3A_147 = arith.constant 0 : i32
        %dma_start3A_148 = tpu.memref_slice %arg4[%scan3A_57, %dma_start3A_147] : memref<2x800000xi32, #tpu.memory_space<hbm>> -> memref<1x800000xi32, #tpu.memory_space<hbm>>
        %dma_start3A_149 = tpu.memref_squeeze %dma_start3A_148 : memref<1x800000xi32, #tpu.memory_space<hbm>> -> memref<800000xi32, #tpu.memory_space<hbm>>
        %dma_start3A_150 = tpu.memref_slice %dma_start3A_149[%add3A_122] : memref<800000xi32, #tpu.memory_space<hbm>> -> memref<400xi32, #tpu.memory_space<hbm>>
        tpu.enqueue_dma source(%dma_start3A_150 : memref<400xi32, #tpu.memory_space<hbm>>) target(%arg6 : memref<400xi32, #tpu.memory_space<vmem>>) target_semaphore(%run_scoped3A_142 : memref<!tpu.dma_semaphore, #tpu.memory_space<semaphore_mem>>)
        %dma_wait3A_151 = arith.constant 0 : i32
        %dma_wait3A_152 = tpu.memref_slice %arg4[%scan3A_57, %dma_wait3A_151] : memref<2x800000xi32, #tpu.memory_space<hbm>> -> memref<1x800000xi32, #tpu.memory_space<hbm>>
        %dma_wait3A_153 = tpu.memref_squeeze %dma_wait3A_152 : memref<1x800000xi32, #tpu.memory_space<hbm>> -> memref<800000xi32, #tpu.memory_space<hbm>>
        %dma_wait3A_154 = tpu.memref_slice %dma_wait3A_153[%add3A_122] : memref<800000xi32, #tpu.memory_space<hbm>> -> memref<400xi32, #tpu.memory_space<hbm>>
        %dma_wait3A_155 = arith.constant 0 : i32
        %dma_wait3A_156 = tpu.memref_slice %arg4[%scan3A_57, %dma_wait3A_155] : memref<2x800000xi32, #tpu.memory_space<hbm>> -> memref<1x800000xi32, #tpu.memory_space<hbm>>
        %dma_wait3A_157 = tpu.memref_squeeze %dma_wait3A_156 : memref<1x800000xi32, #tpu.memory_space<hbm>> -> memref<800000xi32, #tpu.memory_space<hbm>>
        %dma_wait3A_158 = tpu.memref_slice %dma_wait3A_157[%add3A_122] : memref<800000xi32, #tpu.memory_space<hbm>> -> memref<400xi32, #tpu.memory_space<hbm>>
        tpu.wait_dma2 semaphore(%run_scoped3A_142 : memref<!tpu.dma_semaphore, #tpu.memory_space<semaphore_mem>>) src(%dma_wait3A_158 : memref<400xi32, #tpu.memory_space<hbm>>) dst(%arg6 : memref<400xi32, #tpu.memory_space<vmem>>)
        tpu.yield
      }) : () -> ()
      %mul3A_123 = arith.constant 400 : i32
      %mul3A_124 = arith.muli %add3A_79, %mul3A_123 : i32
      %add3A_125 = arith.addi %mul3A_22, %mul3A_124 : i32
      "tpu.region"() ({
        %run_scoped3A_142 = tpu.sem_alloc : memref<!tpu.dma_semaphore, #tpu.memory_space<semaphore_mem>>
        %dma_start3A_143 = arith.constant 0 : i32
        %dma_start3A_144 = tpu.memref_slice %arg4[%scan3A_58, %dma_start3A_143] : memref<2x800000xi32, #tpu.memory_space<hbm>> -> memref<1x800000xi32, #tpu.memory_space<hbm>>
        %dma_start3A_145 = tpu.memref_squeeze %dma_start3A_144 : memref<1x800000xi32, #tpu.memory_space<hbm>> -> memref<800000xi32, #tpu.memory_space<hbm>>
        %dma_start3A_146 = tpu.memref_slice %dma_start3A_145[%add3A_125] : memref<800000xi32, #tpu.memory_space<hbm>> -> memref<400xi32, #tpu.memory_space<hbm>>
        %dma_start3A_147 = arith.constant 0 : i32
        %dma_start3A_148 = tpu.memref_slice %arg4[%scan3A_58, %dma_start3A_147] : memref<2x800000xi32, #tpu.memory_space<hbm>> -> memref<1x800000xi32, #tpu.memory_space<hbm>>
        %dma_start3A_149 = tpu.memref_squeeze %dma_start3A_148 : memref<1x800000xi32, #tpu.memory_space<hbm>> -> memref<800000xi32, #tpu.memory_space<hbm>>
        %dma_start3A_150 = tpu.memref_slice %dma_start3A_149[%add3A_125] : memref<800000xi32, #tpu.memory_space<hbm>> -> memref<400xi32, #tpu.memory_space<hbm>>
        tpu.enqueue_dma source(%dma_start3A_150 : memref<400xi32, #tpu.memory_space<hbm>>) target(%arg7 : memref<400xi32, #tpu.memory_space<vmem>>) target_semaphore(%run_scoped3A_142 : memref<!tpu.dma_semaphore, #tpu.memory_space<semaphore_mem>>)
        %dma_wait3A_151 = arith.constant 0 : i32
        %dma_wait3A_152 = tpu.memref_slice %arg4[%scan3A_58, %dma_wait3A_151] : memref<2x800000xi32, #tpu.memory_space<hbm>> -> memref<1x800000xi32, #tpu.memory_space<hbm>>
        %dma_wait3A_153 = tpu.memref_squeeze %dma_wait3A_152 : memref<1x800000xi32, #tpu.memory_space<hbm>> -> memref<800000xi32, #tpu.memory_space<hbm>>
        %dma_wait3A_154 = tpu.memref_slice %dma_wait3A_153[%add3A_125] : memref<800000xi32, #tpu.memory_space<hbm>> -> memref<400xi32, #tpu.memory_space<hbm>>
        %dma_wait3A_155 = arith.constant 0 : i32
        %dma_wait3A_156 = tpu.memref_slice %arg4[%scan3A_58, %dma_wait3A_155] : memref<2x800000xi32, #tpu.memory_space<hbm>> -> memref<1x800000xi32, #tpu.memory_space<hbm>>
        %dma_wait3A_157 = tpu.memref_squeeze %dma_wait3A_156 : memref<1x800000xi32, #tpu.memory_space<hbm>> -> memref<800000xi32, #tpu.memory_space<hbm>>
        %dma_wait3A_158 = tpu.memref_slice %dma_wait3A_157[%add3A_125] : memref<800000xi32, #tpu.memory_space<hbm>> -> memref<400xi32, #tpu.memory_space<hbm>>
        tpu.wait_dma2 semaphore(%run_scoped3A_142 : memref<!tpu.dma_semaphore, #tpu.memory_space<semaphore_mem>>) src(%dma_wait3A_158 : memref<400xi32, #tpu.memory_space<hbm>>) dst(%arg7 : memref<400xi32, #tpu.memory_space<vmem>>)
        tpu.yield
      }) : () -> ()
      %dma_start3A_126 = arith.constant 0 : i32
      %dma_start3A_127 = arith.constant 0 : i32
      %dma_start3A_128 = tpu.memref_slice %arg3[%arg0, %dma_start3A_126, %dma_start3A_127] : memref<2x50000x32xf32, #tpu.memory_space<hbm>> -> memref<1x50000x32xf32, #tpu.memory_space<hbm>>
      %dma_start3A_129 = tpu.memref_squeeze %dma_start3A_128 : memref<1x50000x32xf32, #tpu.memory_space<hbm>> -> memref<50000x32xf32, #tpu.memory_space<hbm>>
      %dma_start3A_130 = arith.constant 0 : i32
      %dma_start3A_131 = arith.constant 0 : i32
      %dma_start3A_132 = tpu.memref_slice %dma_start3A_129[%dma_start3A_130, %dma_start3A_131] : memref<50000x32xf32, #tpu.memory_space<hbm>> -> memref<50000x32xf32, #tpu.memory_space<hbm>>
      tpu.enqueue_indirect_dma source(%dma_start3A_132 : memref<50000x32xf32, #tpu.memory_space<hbm>>) target(%arg10 : memref<400x32xf32, #tpu.memory_space<vmem>>) offsets(%arg6 : memref<400xi32, #tpu.memory_space<vmem>>) semaphore(%arg13 : memref<!tpu.dma_semaphore, #tpu.memory_space<semaphore_mem>>)
      %dma_wait3A_133 = arith.constant 0 : i32
      %dma_wait3A_134 = arith.constant 0 : i32
      %dma_wait3A_135 = tpu.memref_slice %arg3[%arg0, %dma_wait3A_133, %dma_wait3A_134] : memref<2x50000x32xf32, #tpu.memory_space<hbm>> -> memref<1x50000x32xf32, #tpu.memory_space<hbm>>
      %dma_wait3A_136 = tpu.memref_squeeze %dma_wait3A_135 : memref<1x50000x32xf32, #tpu.memory_space<hbm>> -> memref<50000x32xf32, #tpu.memory_space<hbm>>
      %dma_wait3A_137 = arith.constant 0 : i32
      %dma_wait3A_138 = arith.constant 0 : i32
      %dma_wait3A_139 = tpu.memref_slice %dma_wait3A_136[%dma_wait3A_137, %dma_wait3A_138] : memref<50000x32xf32, #tpu.memory_space<hbm>> -> memref<50000x32xf32, #tpu.memory_space<hbm>>
      tpu.wait_indirect_dma semaphore(%arg14 : memref<!tpu.dma_semaphore, #tpu.memory_space<semaphore_mem>>) src(%dma_wait3A_139 : memref<50000x32xf32, #tpu.memory_space<hbm>>) dst(%arg11 : memref<400x32xf32, #tpu.memory_space<vmem>>)
      "tpu.region"() ({
        %run_scoped3A_142 = tpu.sem_alloc : memref<!tpu.dma_semaphore, #tpu.memory_space<semaphore_mem>>
        %dma_start3A_143 = arith.constant 0 : i32
        %dma_start3A_144 = arith.constant 0 : i32
        %dma_start3A_145 = tpu.memref_slice %arg12[%dma_start3A_143, %dma_start3A_144] : memref<51200x32xf32, #tpu.memory_space<vmem_shared>> -> memref<51200x32xf32, #tpu.memory_space<vmem_shared>>
        tpu.enqueue_indirect_dma source(%arg11 : memref<400x32xf32, #tpu.memory_space<vmem>>) target(%dma_start3A_145 : memref<51200x32xf32, #tpu.memory_space<vmem_shared>>) offsets(%arg9 : memref<400xi32, #tpu.memory_space<vmem>>) semaphore(%run_scoped3A_142 : memref<!tpu.dma_semaphore, #tpu.memory_space<semaphore_mem>>) {add = true}
        %dma_wait3A_146 = arith.constant 0 : i32
        %dma_wait3A_147 = arith.constant 0 : i32
        %dma_wait3A_148 = tpu.memref_slice %arg12[%dma_wait3A_146, %dma_wait3A_147] : memref<51200x32xf32, #tpu.memory_space<vmem_shared>> -> memref<51200x32xf32, #tpu.memory_space<vmem_shared>>
        tpu.wait_indirect_dma semaphore(%run_scoped3A_142 : memref<!tpu.dma_semaphore, #tpu.memory_space<semaphore_mem>>) src(%arg11 : memref<400x32xf32, #tpu.memory_space<vmem>>) dst(%dma_wait3A_148 : memref<51200x32xf32, #tpu.memory_space<vmem_shared>>)
        tpu.yield
      }) : () -> ()
      %lt3A = arith.constant 125 : i32
      %lt3A_140 = arith.cmpi slt, %add3A_83, %lt3A : i32
      %convert_element_type3A = arith.extui %lt3A_140 : i1 to i32
      %cond3A = arith.constant 0 : i32
      %cond3A_141 = arith.cmpi ne, %convert_element_type3A, %cond3A : i32
      scf.if %cond3A_141 {
        %mul3A_142 = arith.constant 400 : i32
        %mul3A_143 = arith.muli %add3A_83, %mul3A_142 : i32
        %add3A_144 = arith.addi %mul3A_22, %mul3A_143 : i32
        %dma_start3A_145 = arith.constant 0 : i32
        %dma_start3A_146 = tpu.memref_slice %arg4[%scan3A_57, %dma_start3A_145] : memref<2x800000xi32, #tpu.memory_space<hbm>> -> memref<1x800000xi32, #tpu.memory_space<hbm>>
        %dma_start3A_147 = tpu.memref_squeeze %dma_start3A_146 : memref<1x800000xi32, #tpu.memory_space<hbm>> -> memref<800000xi32, #tpu.memory_space<hbm>>
        %dma_start3A_148 = tpu.memref_slice %dma_start3A_147[%add3A_144] : memref<800000xi32, #tpu.memory_space<hbm>> -> memref<400xi32, #tpu.memory_space<hbm>>
        %dma_start3A_149 = arith.constant 0 : i32
        %dma_start3A_150 = tpu.memref_slice %arg4[%scan3A_57, %dma_start3A_149] : memref<2x800000xi32, #tpu.memory_space<hbm>> -> memref<1x800000xi32, #tpu.memory_space<hbm>>
        %dma_start3A_151 = tpu.memref_squeeze %dma_start3A_150 : memref<1x800000xi32, #tpu.memory_space<hbm>> -> memref<800000xi32, #tpu.memory_space<hbm>>
        %dma_start3A_152 = tpu.memref_slice %dma_start3A_151[%add3A_144] : memref<800000xi32, #tpu.memory_space<hbm>> -> memref<400xi32, #tpu.memory_space<hbm>>
        tpu.enqueue_dma source(%dma_start3A_152 : memref<400xi32, #tpu.memory_space<hbm>>) target(%arg8 : memref<400xi32, #tpu.memory_space<vmem>>) target_semaphore(%arg15 : memref<!tpu.dma_semaphore, #tpu.memory_space<semaphore_mem>>)
        %mul3A_153 = arith.constant 400 : i32
        %mul3A_154 = arith.muli %add3A_83, %mul3A_153 : i32
        %add3A_155 = arith.addi %mul3A_22, %mul3A_154 : i32
        %dma_start3A_156 = arith.constant 0 : i32
        %dma_start3A_157 = tpu.memref_slice %arg4[%scan3A_58, %dma_start3A_156] : memref<2x800000xi32, #tpu.memory_space<hbm>> -> memref<1x800000xi32, #tpu.memory_space<hbm>>
        %dma_start3A_158 = tpu.memref_squeeze %dma_start3A_157 : memref<1x800000xi32, #tpu.memory_space<hbm>> -> memref<800000xi32, #tpu.memory_space<hbm>>
        %dma_start3A_159 = tpu.memref_slice %dma_start3A_158[%add3A_155] : memref<800000xi32, #tpu.memory_space<hbm>> -> memref<400xi32, #tpu.memory_space<hbm>>
        %dma_start3A_160 = arith.constant 0 : i32
        %dma_start3A_161 = tpu.memref_slice %arg4[%scan3A_58, %dma_start3A_160] : memref<2x800000xi32, #tpu.memory_space<hbm>> -> memref<1x800000xi32, #tpu.memory_space<hbm>>
        %dma_start3A_162 = tpu.memref_squeeze %dma_start3A_161 : memref<1x800000xi32, #tpu.memory_space<hbm>> -> memref<800000xi32, #tpu.memory_space<hbm>>
        %dma_start3A_163 = tpu.memref_slice %dma_start3A_162[%add3A_155] : memref<800000xi32, #tpu.memory_space<hbm>> -> memref<400xi32, #tpu.memory_space<hbm>>
        tpu.enqueue_dma source(%dma_start3A_163 : memref<400xi32, #tpu.memory_space<hbm>>) target(%arg9 : memref<400xi32, #tpu.memory_space<vmem>>) target_semaphore(%arg15 : memref<!tpu.dma_semaphore, #tpu.memory_space<semaphore_mem>>)
      } else {
      }
    }
    %scan3A_63 = arith.constant 62 : i32
    %dma_wait3A = arith.constant 0 : i32
    %dma_wait3A_64 = arith.constant 0 : i32
    %dma_wait3A_65 = tpu.memref_slice %arg3[%arg0, %dma_wait3A, %dma_wait3A_64] : memref<2x50000x32xf32, #tpu.memory_space<hbm>> -> memref<1x50000x32xf32, #tpu.memory_space<hbm>>
    %dma_wait3A_66 = tpu.memref_squeeze %dma_wait3A_65 : memref<1x50000x32xf32, #tpu.memory_space<hbm>> -> memref<50000x32xf32, #tpu.memory_space<hbm>>
    %dma_wait3A_67 = arith.constant 0 : i32
    %dma_wait3A_68 = arith.constant 0 : i32
    %dma_wait3A_69 = tpu.memref_slice %dma_wait3A_66[%dma_wait3A_67, %dma_wait3A_68] : memref<50000x32xf32, #tpu.memory_space<hbm>> -> memref<50000x32xf32, #tpu.memory_space<hbm>>
    tpu.wait_indirect_dma semaphore(%arg13 : memref<!tpu.dma_semaphore, #tpu.memory_space<semaphore_mem>>) src(%dma_wait3A_69 : memref<50000x32xf32, #tpu.memory_space<hbm>>) dst(%arg10 : memref<400x32xf32, #tpu.memory_space<vmem>>)
    "tpu.region"() ({
      %run_scoped3A_71 = tpu.sem_alloc : memref<!tpu.dma_semaphore, #tpu.memory_space<semaphore_mem>>
      %dma_start3A_72 = arith.constant 0 : i32
      %dma_start3A_73 = arith.constant 0 : i32
      %dma_start3A_74 = tpu.memref_slice %arg12[%dma_start3A_72, %dma_start3A_73] : memref<51200x32xf32, #tpu.memory_space<vmem_shared>> -> memref<51200x32xf32, #tpu.memory_space<vmem_shared>>
      tpu.enqueue_indirect_dma source(%arg10 : memref<400x32xf32, #tpu.memory_space<vmem>>) target(%dma_start3A_74 : memref<51200x32xf32, #tpu.memory_space<vmem_shared>>) offsets(%arg7 : memref<400xi32, #tpu.memory_space<vmem>>) semaphore(%run_scoped3A_71 : memref<!tpu.dma_semaphore, #tpu.memory_space<semaphore_mem>>) {add = true}
      %dma_wait3A_75 = arith.constant 0 : i32
      %dma_wait3A_76 = arith.constant 0 : i32
      %dma_wait3A_77 = tpu.memref_slice %arg12[%dma_wait3A_75, %dma_wait3A_76] : memref<51200x32xf32, #tpu.memory_space<vmem_shared>> -> memref<51200x32xf32, #tpu.memory_space<vmem_shared>>
      tpu.wait_indirect_dma semaphore(%run_scoped3A_71 : memref<!tpu.dma_semaphore, #tpu.memory_space<semaphore_mem>>) src(%arg10 : memref<400x32xf32, #tpu.memory_space<vmem>>) dst(%dma_wait3A_77 : memref<51200x32xf32, #tpu.memory_space<vmem_shared>>)
      tpu.yield
    }) : () -> ()
    %barrier3A_70 = arith.constant 0 : index
    tpu.barrier barrier_id(%barrier3A_70)
    "tpu.region"() ({
      %run_scoped3A_71 = tpu.sem_alloc : memref<!tpu.dma_semaphore, #tpu.memory_space<semaphore_mem>>
      %dma_start3A_72 = arith.constant 0 : i32
      %dma_start3A_73 = arith.constant 0 : i32
      %dma_start3A_74 = tpu.memref_slice %arg5[%arg0, %dma_start3A_72, %dma_start3A_73] : memref<2x51200x32xf32, #tpu.memory_space<hbm>> -> memref<1x51200x32xf32, #tpu.memory_space<hbm>>
      %dma_start3A_75 = tpu.memref_squeeze %dma_start3A_74 : memref<1x51200x32xf32, #tpu.memory_space<hbm>> -> memref<51200x32xf32, #tpu.memory_space<hbm>>
      %dma_start3A_76 = arith.constant 0 : i32
      %dma_start3A_77 = tpu.memref_slice %dma_start3A_75[%mul3A_0, %dma_start3A_76] : memref<51200x32xf32, #tpu.memory_space<hbm>> -> memref<3200x32xf32, #tpu.memory_space<hbm>>
      %dma_start3A_78 = arith.constant 0 : i32
      %dma_start3A_79 = tpu.memref_slice %arg12[%mul3A_0, %dma_start3A_78] : memref<51200x32xf32, #tpu.memory_space<vmem_shared>> -> memref<3200x32xf32, #tpu.memory_space<vmem_shared>>
      tpu.enqueue_dma source(%dma_start3A_79 : memref<3200x32xf32, #tpu.memory_space<vmem_shared>>) target(%dma_start3A_77 : memref<3200x32xf32, #tpu.memory_space<hbm>>) target_semaphore(%run_scoped3A_71 : memref<!tpu.dma_semaphore, #tpu.memory_space<semaphore_mem>>)
      %dma_wait3A_80 = arith.constant 0 : i32
      %dma_wait3A_81 = arith.constant 0 : i32
      %dma_wait3A_82 = tpu.memref_slice %arg5[%arg0, %dma_wait3A_80, %dma_wait3A_81] : memref<2x51200x32xf32, #tpu.memory_space<hbm>> -> memref<1x51200x32xf32, #tpu.memory_space<hbm>>
      %dma_wait3A_83 = tpu.memref_squeeze %dma_wait3A_82 : memref<1x51200x32xf32, #tpu.memory_space<hbm>> -> memref<51200x32xf32, #tpu.memory_space<hbm>>
      %dma_wait3A_84 = arith.constant 0 : i32
      %dma_wait3A_85 = tpu.memref_slice %dma_wait3A_83[%mul3A_0, %dma_wait3A_84] : memref<51200x32xf32, #tpu.memory_space<hbm>> -> memref<3200x32xf32, #tpu.memory_space<hbm>>
      %dma_wait3A_86 = arith.constant 0 : i32
      %dma_wait3A_87 = tpu.memref_slice %arg12[%mul3A_0, %dma_wait3A_86] : memref<51200x32xf32, #tpu.memory_space<vmem_shared>> -> memref<3200x32xf32, #tpu.memory_space<vmem_shared>>
      tpu.wait_dma2 semaphore(%run_scoped3A_71 : memref<!tpu.dma_semaphore, #tpu.memory_space<semaphore_mem>>) src(%dma_wait3A_87 : memref<3200x32xf32, #tpu.memory_space<vmem_shared>>) dst(%dma_wait3A_85 : memref<3200x32xf32, #tpu.memory_space<hbm>>)
      tpu.yield
    }) : () -> ()
    return
  }
}

#map = affine_map<(d0, d1) -> (0, 0)>
#map1 = affine_map<(d0, d1) -> (0)>
module attributes {stable_mosaic.version = 14 : i64} {
  func.func @_prep_body(%arg0: i32, %arg1: i32, %arg2: memref<100000x64xf32, #tpu.memory_space<hbm>>, %arg3: memref<50000xi32, #tpu.memory_space<hbm>>, %arg4: memref<2x800000xi32, #tpu.memory_space<hbm>>, %arg5: memref<2x800000xi32, #tpu.memory_space<hbm>>, %arg6: memref<50000x64xf32, #tpu.memory_space<hbm>>, %arg7: memref<2x51200xf32, #tpu.memory_space<hbm>>, %arg8: memref<400xi32, #tpu.memory_space<vmem>>, %arg9: memref<400x64xf32, #tpu.memory_space<vmem>>, %arg10: memref<2000xi32, #tpu.memory_space<vmem>>, %arg11: memref<2000xf32, #tpu.memory_space<vmem>>, %arg12: memref<2000xf32, #tpu.memory_space<vmem>>, %arg13: memref<51200xf32, #tpu.memory_space<vmem_shared>>, %arg14: memref<!tpu.dma_semaphore, #tpu.memory_space<semaphore_mem>>) attributes {dimension_semantics = [#tpu.dimension_semantics<core_parallel>, #tpu.dimension_semantics<subcore_parallel>], iteration_bounds = array<i64: 2, 16>, scalar_prefetch = 0 : i64, scratch_operands = 7 : i64, tpu.core_type = #tpu.core_type<sc_vector_subcore>, window_params = [{transform_indices = #map}, {transform_indices = #map1}, {transform_indices = #map}, {transform_indices = #map}, {transform_indices = #map}, {transform_indices = #map}]} {
    %mul3A = arith.constant 3200 : i32
    %mul3A_0 = arith.muli %arg1, %mul3A : i32
    %scan3A = arith.constant 0 : i32
    %scan3A_1 = arith.constant 0 : i32
    %scan3A_2 = arith.constant 125 : i32
    %scan3A_3 = arith.addi %scan3A_1, %scan3A_2 : i32
    %scan3A_4 = arith.constant 1 : i32
    scf.for %scan3A_36 = %scan3A_1 to %scan3A_3 step %scan3A_4  : i32 {
      %broadcast_in_dim3A = arith.constant 1.000000e+00 : f32
      %broadcast_in_dim3A_37 = vector.broadcast %broadcast_in_dim3A : f32 to vector<16xf32>
      %mul3A_38 = arith.constant 16 : i32
      %mul3A_39 = arith.muli %scan3A_36, %mul3A_38 : i32
      %swap3A = arith.index_cast %mul3A_39 : i32 to index
      %swap3A_40 = tpu.vector_load %arg11[%swap3A] {strides = array<i32>} : memref<2000xf32, #tpu.memory_space<vmem>>, vector<16xf32>,
      %swap3A_41 = vector.shape_cast %swap3A_40 : vector<16xf32> to vector<16xf32>
      %swap3A_42 = vector.shape_cast %broadcast_in_dim3A_37 : vector<16xf32> to vector<16xf32>
      tpu.vector_store %arg11[%swap3A], %swap3A_42 {strides = array<i32>} : memref<2000xf32, #tpu.memory_space<vmem>>, vector<16xf32>,
      %broadcast_in_dim3A_43 = arith.constant 0.000000e+00 : f32
      %broadcast_in_dim3A_44 = vector.broadcast %broadcast_in_dim3A_43 : f32 to vector<16xf32>
      %mul3A_45 = arith.constant 16 : i32
      %mul3A_46 = arith.muli %scan3A_36, %mul3A_45 : i32
      %swap3A_47 = arith.index_cast %mul3A_46 : i32 to index
      %swap3A_48 = tpu.vector_load %arg12[%swap3A_47] {strides = array<i32>} : memref<2000xf32, #tpu.memory_space<vmem>>, vector<16xf32>,
      %swap3A_49 = vector.shape_cast %swap3A_48 : vector<16xf32> to vector<16xf32>
      %swap3A_50 = vector.shape_cast %broadcast_in_dim3A_44 : vector<16xf32> to vector<16xf32>
      tpu.vector_store %arg12[%swap3A_47], %swap3A_50 {strides = array<i32>} : memref<2000xf32, #tpu.memory_space<vmem>>, vector<16xf32>,
    }
    %scan3A_5 = arith.constant 125 : i32
    %add3A = arith.constant 0 : i32
    %add3A_6 = arith.addi %mul3A_0, %add3A : i32
    "tpu.region"() ({
      %run_scoped3A = tpu.sem_alloc : memref<!tpu.dma_semaphore, #tpu.memory_space<semaphore_mem>>
      %dma_start3A = tpu.memref_slice %arg13[%add3A_6] : memref<51200xf32, #tpu.memory_space<vmem_shared>> -> memref<2000xf32, #tpu.memory_space<vmem_shared>>
      %dma_start3A_36 = tpu.memref_slice %arg13[%add3A_6] : memref<51200xf32, #tpu.memory_space<vmem_shared>> -> memref<2000xf32, #tpu.memory_space<vmem_shared>>
      tpu.enqueue_dma source(%arg12 : memref<2000xf32, #tpu.memory_space<vmem>>) target(%dma_start3A_36 : memref<2000xf32, #tpu.memory_space<vmem_shared>>) target_semaphore(%run_scoped3A : memref<!tpu.dma_semaphore, #tpu.memory_space<semaphore_mem>>)
      %dma_wait3A = tpu.memref_slice %arg13[%add3A_6] : memref<51200xf32, #tpu.memory_space<vmem_shared>> -> memref<2000xf32, #tpu.memory_space<vmem_shared>>
      %dma_wait3A_37 = tpu.memref_slice %arg13[%add3A_6] : memref<51200xf32, #tpu.memory_space<vmem_shared>> -> memref<2000xf32, #tpu.memory_space<vmem_shared>>
      tpu.wait_dma2 semaphore(%run_scoped3A : memref<!tpu.dma_semaphore, #tpu.memory_space<semaphore_mem>>) src(%arg12 : memref<2000xf32, #tpu.memory_space<vmem>>) dst(%dma_wait3A_37 : memref<2000xf32, #tpu.memory_space<vmem_shared>>)
      tpu.yield
    }) : () -> ()
    %add3A_7 = arith.constant 2000 : i32
    %add3A_8 = arith.addi %mul3A_0, %add3A_7 : i32
    "tpu.region"() ({
      %run_scoped3A = tpu.sem_alloc : memref<!tpu.dma_semaphore, #tpu.memory_space<semaphore_mem>>
      %dma_start3A = arith.constant 0 : i32
      %dma_start3A_36 = tpu.memref_slice %arg12[%dma_start3A] : memref<2000xf32, #tpu.memory_space<vmem>> -> memref<1200xf32, #tpu.memory_space<vmem>>
      %dma_start3A_37 = tpu.memref_slice %arg13[%add3A_8] : memref<51200xf32, #tpu.memory_space<vmem_shared>> -> memref<1200xf32, #tpu.memory_space<vmem_shared>>
      %dma_start3A_38 = tpu.memref_slice %arg13[%add3A_8] : memref<51200xf32, #tpu.memory_space<vmem_shared>> -> memref<1200xf32, #tpu.memory_space<vmem_shared>>
      %dma_start3A_39 = arith.constant 0 : i32
      %dma_start3A_40 = tpu.memref_slice %arg12[%dma_start3A_39] : memref<2000xf32, #tpu.memory_space<vmem>> -> memref<1200xf32, #tpu.memory_space<vmem>>
      tpu.enqueue_dma source(%dma_start3A_40 : memref<1200xf32, #tpu.memory_space<vmem>>) target(%dma_start3A_38 : memref<1200xf32, #tpu.memory_space<vmem_shared>>) target_semaphore(%run_scoped3A : memref<!tpu.dma_semaphore, #tpu.memory_space<semaphore_mem>>)
      %dma_wait3A = arith.constant 0 : i32
      %dma_wait3A_41 = tpu.memref_slice %arg12[%dma_wait3A] : memref<2000xf32, #tpu.memory_space<vmem>> -> memref<1200xf32, #tpu.memory_space<vmem>>
      %dma_wait3A_42 = tpu.memref_slice %arg13[%add3A_8] : memref<51200xf32, #tpu.memory_space<vmem_shared>> -> memref<1200xf32, #tpu.memory_space<vmem_shared>>
      %dma_wait3A_43 = tpu.memref_slice %arg13[%add3A_8] : memref<51200xf32, #tpu.memory_space<vmem_shared>> -> memref<1200xf32, #tpu.memory_space<vmem_shared>>
      %dma_wait3A_44 = arith.constant 0 : i32
      %dma_wait3A_45 = tpu.memref_slice %arg12[%dma_wait3A_44] : memref<2000xf32, #tpu.memory_space<vmem>> -> memref<1200xf32, #tpu.memory_space<vmem>>
      tpu.wait_dma2 semaphore(%run_scoped3A : memref<!tpu.dma_semaphore, #tpu.memory_space<semaphore_mem>>) src(%dma_wait3A_45 : memref<1200xf32, #tpu.memory_space<vmem>>) dst(%dma_wait3A_43 : memref<1200xf32, #tpu.memory_space<vmem_shared>>)
      tpu.yield
    }) : () -> ()
    %mul3A_9 = arith.constant 2 : i32
    %mul3A_10 = arith.muli %arg1, %mul3A_9 : i32
    %add3A_11 = arith.addi %mul3A_10, %arg0 : i32
    %mul3A_12 = arith.constant 1600 : i32
    %mul3A_13 = arith.muli %add3A_11, %mul3A_12 : i32
    %eq3A = arith.constant 31 : i32
    %eq3A_14 = arith.cmpi eq, %add3A_11, %eq3A : i32
    %jit3A = arith.constant 1 : i32
    %jit3A_15 = arith.constant 4 : i32
    %select_n3A = arith.select %eq3A_14, %jit3A, %jit3A_15 : i32
    %barrier3A = arith.constant 0 : index
    tpu.barrier barrier_id(%barrier3A)
    %while3A = arith.constant 0 : i32
    %while3A_16 = arith.constant 0 : i32
    %while3A_17 = arith.subi %select_n3A, %while3A_16 : i32
    %while3A_18 = arith.addi %while3A_16, %while3A_17 : i32
    %while3A_19 = arith.constant 1 : i32
    %while3A_20 = arith.divsi %while3A_17, %while3A_19 : i32
    %while3A_21 = arith.muli %while3A_20, %while3A_19 : i32
    %while3A_22 = arith.addi %while3A_16, %while3A_21 : i32
    %while3A_23 = arith.constant 1 : i32
    scf.for %while3A_36 = %while3A_16 to %while3A_22 step %while3A_23  : i32 {
      %mul3A_37 = arith.constant 400 : i32
      %mul3A_38 = arith.muli %while3A_36, %mul3A_37 : i32
      %add3A_39 = arith.addi %mul3A_13, %mul3A_38 : i32
      "tpu.region"() ({
        %run_scoped3A = tpu.sem_alloc : memref<!tpu.dma_semaphore, #tpu.memory_space<semaphore_mem>>
        %dma_start3A_44 = tpu.memref_slice %arg3[%add3A_39] : memref<50000xi32, #tpu.memory_space<hbm>> -> memref<400xi32, #tpu.memory_space<hbm>>
        %dma_start3A_45 = tpu.memref_slice %arg3[%add3A_39] : memref<50000xi32, #tpu.memory_space<hbm>> -> memref<400xi32, #tpu.memory_space<hbm>>
        tpu.enqueue_dma source(%dma_start3A_45 : memref<400xi32, #tpu.memory_space<hbm>>) target(%arg8 : memref<400xi32, #tpu.memory_space<vmem>>) target_semaphore(%run_scoped3A : memref<!tpu.dma_semaphore, #tpu.memory_space<semaphore_mem>>)
        %dma_wait3A_46 = tpu.memref_slice %arg3[%add3A_39] : memref<50000xi32, #tpu.memory_space<hbm>> -> memref<400xi32, #tpu.memory_space<hbm>>
        %dma_wait3A_47 = tpu.memref_slice %arg3[%add3A_39] : memref<50000xi32, #tpu.memory_space<hbm>> -> memref<400xi32, #tpu.memory_space<hbm>>
        tpu.wait_dma2 semaphore(%run_scoped3A : memref<!tpu.dma_semaphore, #tpu.memory_space<semaphore_mem>>) src(%dma_wait3A_47 : memref<400xi32, #tpu.memory_space<hbm>>) dst(%arg8 : memref<400xi32, #tpu.memory_space<vmem>>)
        tpu.yield
      }) : () -> ()
      %dma_start3A = arith.constant 0 : i32
      %dma_start3A_40 = arith.constant 0 : i32
      %dma_start3A_41 = tpu.memref_slice %arg2[%dma_start3A, %dma_start3A_40] : memref<100000x64xf32, #tpu.memory_space<hbm>> -> memref<100000x64xf32, #tpu.memory_space<hbm>>
      tpu.enqueue_indirect_dma source(%dma_start3A_41 : memref<100000x64xf32, #tpu.memory_space<hbm>>) target(%arg9 : memref<400x64xf32, #tpu.memory_space<vmem>>) offsets(%arg8 : memref<400xi32, #tpu.memory_space<vmem>>) semaphore(%arg14 : memref<!tpu.dma_semaphore, #tpu.memory_space<semaphore_mem>>)
      %dma_wait3A = arith.constant 0 : i32
      %dma_wait3A_42 = arith.constant 0 : i32
      %dma_wait3A_43 = tpu.memref_slice %arg2[%dma_wait3A, %dma_wait3A_42] : memref<100000x64xf32, #tpu.memory_space<hbm>> -> memref<100000x64xf32, #tpu.memory_space<hbm>>
      tpu.wait_indirect_dma semaphore(%arg14 : memref<!tpu.dma_semaphore, #tpu.memory_space<semaphore_mem>>) src(%dma_wait3A_43 : memref<100000x64xf32, #tpu.memory_space<hbm>>) dst(%arg9 : memref<400x64xf32, #tpu.memory_space<vmem>>)
      "tpu.region"() ({
        %run_scoped3A = tpu.sem_alloc : memref<!tpu.dma_semaphore, #tpu.memory_space<semaphore_mem>>
        %dma_start3A_44 = arith.constant 0 : i32
        %dma_start3A_45 = tpu.memref_slice %arg6[%add3A_39, %dma_start3A_44] : memref<50000x64xf32, #tpu.memory_space<hbm>> -> memref<400x64xf32, #tpu.memory_space<hbm>>
        %dma_start3A_46 = arith.constant 0 : i32
        %dma_start3A_47 = tpu.memref_slice %arg6[%add3A_39, %dma_start3A_46] : memref<50000x64xf32, #tpu.memory_space<hbm>> -> memref<400x64xf32, #tpu.memory_space<hbm>>
        tpu.enqueue_dma source(%arg9 : memref<400x64xf32, #tpu.memory_space<vmem>>) target(%dma_start3A_47 : memref<400x64xf32, #tpu.memory_space<hbm>>) target_semaphore(%run_scoped3A : memref<!tpu.dma_semaphore, #tpu.memory_space<semaphore_mem>>)
        %dma_wait3A_48 = arith.constant 0 : i32
        %dma_wait3A_49 = tpu.memref_slice %arg6[%add3A_39, %dma_wait3A_48] : memref<50000x64xf32, #tpu.memory_space<hbm>> -> memref<400x64xf32, #tpu.memory_space<hbm>>
        %dma_wait3A_50 = arith.constant 0 : i32
        %dma_wait3A_51 = tpu.memref_slice %arg6[%add3A_39, %dma_wait3A_50] : memref<50000x64xf32, #tpu.memory_space<hbm>> -> memref<400x64xf32, #tpu.memory_space<hbm>>
        tpu.wait_dma2 semaphore(%run_scoped3A : memref<!tpu.dma_semaphore, #tpu.memory_space<semaphore_mem>>) src(%arg9 : memref<400x64xf32, #tpu.memory_space<vmem>>) dst(%dma_wait3A_51 : memref<400x64xf32, #tpu.memory_space<hbm>>)
        tpu.yield
      }) : () -> ()
    }
    %while3A_24 = arith.constant 1 : i32
    scf.for %while3A_36 = %while3A_22 to %while3A_18 step %while3A_24  : i32 {
      %mul3A_37 = arith.constant 400 : i32
      %mul3A_38 = arith.muli %while3A_36, %mul3A_37 : i32
      %add3A_39 = arith.addi %mul3A_13, %mul3A_38 : i32
      "tpu.region"() ({
        %run_scoped3A = tpu.sem_alloc : memref<!tpu.dma_semaphore, #tpu.memory_space<semaphore_mem>>
        %dma_start3A_44 = tpu.memref_slice %arg3[%add3A_39] : memref<50000xi32, #tpu.memory_space<hbm>> -> memref<400xi32, #tpu.memory_space<hbm>>
        %dma_start3A_45 = tpu.memref_slice %arg3[%add3A_39] : memref<50000xi32, #tpu.memory_space<hbm>> -> memref<400xi32, #tpu.memory_space<hbm>>
        tpu.enqueue_dma source(%dma_start3A_45 : memref<400xi32, #tpu.memory_space<hbm>>) target(%arg8 : memref<400xi32, #tpu.memory_space<vmem>>) target_semaphore(%run_scoped3A : memref<!tpu.dma_semaphore, #tpu.memory_space<semaphore_mem>>)
        %dma_wait3A_46 = tpu.memref_slice %arg3[%add3A_39] : memref<50000xi32, #tpu.memory_space<hbm>> -> memref<400xi32, #tpu.memory_space<hbm>>
        %dma_wait3A_47 = tpu.memref_slice %arg3[%add3A_39] : memref<50000xi32, #tpu.memory_space<hbm>> -> memref<400xi32, #tpu.memory_space<hbm>>
        tpu.wait_dma2 semaphore(%run_scoped3A : memref<!tpu.dma_semaphore, #tpu.memory_space<semaphore_mem>>) src(%dma_wait3A_47 : memref<400xi32, #tpu.memory_space<hbm>>) dst(%arg8 : memref<400xi32, #tpu.memory_space<vmem>>)
        tpu.yield
      }) : () -> ()
      %dma_start3A = arith.constant 0 : i32
      %dma_start3A_40 = arith.constant 0 : i32
      %dma_start3A_41 = tpu.memref_slice %arg2[%dma_start3A, %dma_start3A_40] : memref<100000x64xf32, #tpu.memory_space<hbm>> -> memref<100000x64xf32, #tpu.memory_space<hbm>>
      tpu.enqueue_indirect_dma source(%dma_start3A_41 : memref<100000x64xf32, #tpu.memory_space<hbm>>) target(%arg9 : memref<400x64xf32, #tpu.memory_space<vmem>>) offsets(%arg8 : memref<400xi32, #tpu.memory_space<vmem>>) semaphore(%arg14 : memref<!tpu.dma_semaphore, #tpu.memory_space<semaphore_mem>>)
      %dma_wait3A = arith.constant 0 : i32
      %dma_wait3A_42 = arith.constant 0 : i32
      %dma_wait3A_43 = tpu.memref_slice %arg2[%dma_wait3A, %dma_wait3A_42] : memref<100000x64xf32, #tpu.memory_space<hbm>> -> memref<100000x64xf32, #tpu.memory_space<hbm>>
      tpu.wait_indirect_dma semaphore(%arg14 : memref<!tpu.dma_semaphore, #tpu.memory_space<semaphore_mem>>) src(%dma_wait3A_43 : memref<100000x64xf32, #tpu.memory_space<hbm>>) dst(%arg9 : memref<400x64xf32, #tpu.memory_space<vmem>>)
      "tpu.region"() ({
        %run_scoped3A = tpu.sem_alloc : memref<!tpu.dma_semaphore, #tpu.memory_space<semaphore_mem>>
        %dma_start3A_44 = arith.constant 0 : i32
        %dma_start3A_45 = tpu.memref_slice %arg6[%add3A_39, %dma_start3A_44] : memref<50000x64xf32, #tpu.memory_space<hbm>> -> memref<400x64xf32, #tpu.memory_space<hbm>>
        %dma_start3A_46 = arith.constant 0 : i32
        %dma_start3A_47 = tpu.memref_slice %arg6[%add3A_39, %dma_start3A_46] : memref<50000x64xf32, #tpu.memory_space<hbm>> -> memref<400x64xf32, #tpu.memory_space<hbm>>
        tpu.enqueue_dma source(%arg9 : memref<400x64xf32, #tpu.memory_space<vmem>>) target(%dma_start3A_47 : memref<400x64xf32, #tpu.memory_space<hbm>>) target_semaphore(%run_scoped3A : memref<!tpu.dma_semaphore, #tpu.memory_space<semaphore_mem>>)
        %dma_wait3A_48 = arith.constant 0 : i32
        %dma_wait3A_49 = tpu.memref_slice %arg6[%add3A_39, %dma_wait3A_48] : memref<50000x64xf32, #tpu.memory_space<hbm>> -> memref<400x64xf32, #tpu.memory_space<hbm>>
        %dma_wait3A_50 = arith.constant 0 : i32
        %dma_wait3A_51 = tpu.memref_slice %arg6[%add3A_39, %dma_wait3A_50] : memref<50000x64xf32, #tpu.memory_space<hbm>> -> memref<400x64xf32, #tpu.memory_space<hbm>>
        tpu.wait_dma2 semaphore(%run_scoped3A : memref<!tpu.dma_semaphore, #tpu.memory_space<semaphore_mem>>) src(%arg9 : memref<400x64xf32, #tpu.memory_space<vmem>>) dst(%dma_wait3A_51 : memref<400x64xf32, #tpu.memory_space<hbm>>)
        tpu.yield
      }) : () -> ()
    }
    %mul3A_25 = arith.constant 50000 : i32
    %mul3A_26 = arith.muli %arg1, %mul3A_25 : i32
    %eq3A_27 = arith.constant 0 : i32
    %eq3A_28 = arith.cmpi eq, %arg0, %eq3A_27 : i32
    %convert_element_type3A = arith.extui %eq3A_28 : i1 to i32
    %cond3A = arith.constant 0 : i32
    %cond3A_29 = arith.cmpi ne, %convert_element_type3A, %cond3A : i32
    scf.if %cond3A_29 {
      %scan3A_36 = arith.constant 0 : i32
      %scan3A_37 = arith.constant 0 : i32
      %scan3A_38 = arith.constant 25 : i32
      %scan3A_39 = arith.addi %scan3A_37, %scan3A_38 : i32
      %scan3A_40 = arith.constant 1 : i32
      scf.for %scan3A_42 = %scan3A_37 to %scan3A_39 step %scan3A_40  : i32 {
        %mul3A_43 = arith.constant 2000 : i32
        %mul3A_44 = arith.muli %scan3A_42, %mul3A_43 : i32
        %add3A_45 = arith.addi %mul3A_26, %mul3A_44 : i32
        %run_scoped3A = arith.constant 1 : i32
        "tpu.region"() ({
          %run_scoped3A_46 = tpu.sem_alloc : memref<!tpu.dma_semaphore, #tpu.memory_space<semaphore_mem>>
          %dma_start3A = arith.constant 0 : i32
          %dma_start3A_47 = tpu.memref_slice %arg4[%run_scoped3A, %dma_start3A] : memref<2x800000xi32, #tpu.memory_space<hbm>> -> memref<1x800000xi32, #tpu.memory_space<hbm>>
          %dma_start3A_48 = tpu.memref_squeeze %dma_start3A_47 : memref<1x800000xi32, #tpu.memory_space<hbm>> -> memref<800000xi32, #tpu.memory_space<hbm>>
          %dma_start3A_49 = tpu.memref_slice %dma_start3A_48[%add3A_45] : memref<800000xi32, #tpu.memory_space<hbm>> -> memref<2000xi32, #tpu.memory_space<hbm>>
          %dma_start3A_50 = arith.constant 0 : i32
          %dma_start3A_51 = tpu.memref_slice %arg4[%run_scoped3A, %dma_start3A_50] : memref<2x800000xi32, #tpu.memory_space<hbm>> -> memref<1x800000xi32, #tpu.memory_space<hbm>>
          %dma_start3A_52 = tpu.memref_squeeze %dma_start3A_51 : memref<1x800000xi32, #tpu.memory_space<hbm>> -> memref<800000xi32, #tpu.memory_space<hbm>>
          %dma_start3A_53 = tpu.memref_slice %dma_start3A_52[%add3A_45] : memref<800000xi32, #tpu.memory_space<hbm>> -> memref<2000xi32, #tpu.memory_space<hbm>>
          tpu.enqueue_dma source(%dma_start3A_53 : memref<2000xi32, #tpu.memory_space<hbm>>) target(%arg10 : memref<2000xi32, #tpu.memory_space<vmem>>) target_semaphore(%run_scoped3A_46 : memref<!tpu.dma_semaphore, #tpu.memory_space<semaphore_mem>>)
          %dma_wait3A = arith.constant 0 : i32
          %dma_wait3A_54 = tpu.memref_slice %arg4[%run_scoped3A, %dma_wait3A] : memref<2x800000xi32, #tpu.memory_space<hbm>> -> memref<1x800000xi32, #tpu.memory_space<hbm>>
          %dma_wait3A_55 = tpu.memref_squeeze %dma_wait3A_54 : memref<1x800000xi32, #tpu.memory_space<hbm>> -> memref<800000xi32, #tpu.memory_space<hbm>>
          %dma_wait3A_56 = tpu.memref_slice %dma_wait3A_55[%add3A_45] : memref<800000xi32, #tpu.memory_space<hbm>> -> memref<2000xi32, #tpu.memory_space<hbm>>
          %dma_wait3A_57 = arith.constant 0 : i32
          %dma_wait3A_58 = tpu.memref_slice %arg4[%run_scoped3A, %dma_wait3A_57] : memref<2x800000xi32, #tpu.memory_space<hbm>> -> memref<1x800000xi32, #tpu.memory_space<hbm>>
          %dma_wait3A_59 = tpu.memref_squeeze %dma_wait3A_58 : memref<1x800000xi32, #tpu.memory_space<hbm>> -> memref<800000xi32, #tpu.memory_space<hbm>>
          %dma_wait3A_60 = tpu.memref_slice %dma_wait3A_59[%add3A_45] : memref<800000xi32, #tpu.memory_space<hbm>> -> memref<2000xi32, #tpu.memory_space<hbm>>
          tpu.wait_dma2 semaphore(%run_scoped3A_46 : memref<!tpu.dma_semaphore, #tpu.memory_space<semaphore_mem>>) src(%dma_wait3A_60 : memref<2000xi32, #tpu.memory_space<hbm>>) dst(%arg10 : memref<2000xi32, #tpu.memory_space<vmem>>)
          tpu.yield
        }) : () -> ()
        "tpu.region"() ({
          %run_scoped3A_46 = tpu.sem_alloc : memref<!tpu.dma_semaphore, #tpu.memory_space<semaphore_mem>>
          %dma_start3A = arith.constant 0 : i32
          %dma_start3A_47 = tpu.memref_slice %arg13[%dma_start3A] : memref<51200xf32, #tpu.memory_space<vmem_shared>> -> memref<51200xf32, #tpu.memory_space<vmem_shared>>
          tpu.enqueue_indirect_dma source(%arg11 : memref<2000xf32, #tpu.memory_space<vmem>>) target(%dma_start3A_47 : memref<51200xf32, #tpu.memory_space<vmem_shared>>) offsets(%arg10 : memref<2000xi32, #tpu.memory_space<vmem>>) semaphore(%run_scoped3A_46 : memref<!tpu.dma_semaphore, #tpu.memory_space<semaphore_mem>>) {add = true}
          %dma_wait3A = arith.constant 0 : i32
          %dma_wait3A_48 = tpu.memref_slice %arg13[%dma_wait3A] : memref<51200xf32, #tpu.memory_space<vmem_shared>> -> memref<51200xf32, #tpu.memory_space<vmem_shared>>
          tpu.wait_indirect_dma semaphore(%run_scoped3A_46 : memref<!tpu.dma_semaphore, #tpu.memory_space<semaphore_mem>>) src(%arg11 : memref<2000xf32, #tpu.memory_space<vmem>>) dst(%dma_wait3A_48 : memref<51200xf32, #tpu.memory_space<vmem_shared>>)
          tpu.yield
        }) : () -> ()
      }
      %scan3A_41 = arith.constant 25 : i32
    } else {
    }
    %eq3A_30 = arith.constant 1 : i32
    %eq3A_31 = arith.cmpi eq, %arg0, %eq3A_30 : i32
    %convert_element_type3A_32 = arith.extui %eq3A_31 : i1 to i32
    %cond3A_33 = arith.constant 0 : i32
    %cond3A_34 = arith.cmpi ne, %convert_element_type3A_32, %cond3A_33 : i32
    scf.if %cond3A_34 {
      %scan3A_36 = arith.constant 0 : i32
      %scan3A_37 = arith.constant 0 : i32
      %scan3A_38 = arith.constant 25 : i32
      %scan3A_39 = arith.addi %scan3A_37, %scan3A_38 : i32
      %scan3A_40 = arith.constant 1 : i32
      scf.for %scan3A_42 = %scan3A_37 to %scan3A_39 step %scan3A_40  : i32 {
        %mul3A_43 = arith.constant 2000 : i32
        %mul3A_44 = arith.muli %scan3A_42, %mul3A_43 : i32
        %add3A_45 = arith.addi %mul3A_26, %mul3A_44 : i32
        %run_scoped3A = arith.constant 1 : i32
        "tpu.region"() ({
          %run_scoped3A_46 = tpu.sem_alloc : memref<!tpu.dma_semaphore, #tpu.memory_space<semaphore_mem>>
          %dma_start3A = arith.constant 0 : i32
          %dma_start3A_47 = tpu.memref_slice %arg5[%run_scoped3A, %dma_start3A] : memref<2x800000xi32, #tpu.memory_space<hbm>> -> memref<1x800000xi32, #tpu.memory_space<hbm>>
          %dma_start3A_48 = tpu.memref_squeeze %dma_start3A_47 : memref<1x800000xi32, #tpu.memory_space<hbm>> -> memref<800000xi32, #tpu.memory_space<hbm>>
          %dma_start3A_49 = tpu.memref_slice %dma_start3A_48[%add3A_45] : memref<800000xi32, #tpu.memory_space<hbm>> -> memref<2000xi32, #tpu.memory_space<hbm>>
          %dma_start3A_50 = arith.constant 0 : i32
          %dma_start3A_51 = tpu.memref_slice %arg5[%run_scoped3A, %dma_start3A_50] : memref<2x800000xi32, #tpu.memory_space<hbm>> -> memref<1x800000xi32, #tpu.memory_space<hbm>>
          %dma_start3A_52 = tpu.memref_squeeze %dma_start3A_51 : memref<1x800000xi32, #tpu.memory_space<hbm>> -> memref<800000xi32, #tpu.memory_space<hbm>>
          %dma_start3A_53 = tpu.memref_slice %dma_start3A_52[%add3A_45] : memref<800000xi32, #tpu.memory_space<hbm>> -> memref<2000xi32, #tpu.memory_space<hbm>>
          tpu.enqueue_dma source(%dma_start3A_53 : memref<2000xi32, #tpu.memory_space<hbm>>) target(%arg10 : memref<2000xi32, #tpu.memory_space<vmem>>) target_semaphore(%run_scoped3A_46 : memref<!tpu.dma_semaphore, #tpu.memory_space<semaphore_mem>>)
          %dma_wait3A = arith.constant 0 : i32
          %dma_wait3A_54 = tpu.memref_slice %arg5[%run_scoped3A, %dma_wait3A] : memref<2x800000xi32, #tpu.memory_space<hbm>> -> memref<1x800000xi32, #tpu.memory_space<hbm>>
          %dma_wait3A_55 = tpu.memref_squeeze %dma_wait3A_54 : memref<1x800000xi32, #tpu.memory_space<hbm>> -> memref<800000xi32, #tpu.memory_space<hbm>>
          %dma_wait3A_56 = tpu.memref_slice %dma_wait3A_55[%add3A_45] : memref<800000xi32, #tpu.memory_space<hbm>> -> memref<2000xi32, #tpu.memory_space<hbm>>
          %dma_wait3A_57 = arith.constant 0 : i32
          %dma_wait3A_58 = tpu.memref_slice %arg5[%run_scoped3A, %dma_wait3A_57] : memref<2x800000xi32, #tpu.memory_space<hbm>> -> memref<1x800000xi32, #tpu.memory_space<hbm>>
          %dma_wait3A_59 = tpu.memref_squeeze %dma_wait3A_58 : memref<1x800000xi32, #tpu.memory_space<hbm>> -> memref<800000xi32, #tpu.memory_space<hbm>>
          %dma_wait3A_60 = tpu.memref_slice %dma_wait3A_59[%add3A_45] : memref<800000xi32, #tpu.memory_space<hbm>> -> memref<2000xi32, #tpu.memory_space<hbm>>
          tpu.wait_dma2 semaphore(%run_scoped3A_46 : memref<!tpu.dma_semaphore, #tpu.memory_space<semaphore_mem>>) src(%dma_wait3A_60 : memref<2000xi32, #tpu.memory_space<hbm>>) dst(%arg10 : memref<2000xi32, #tpu.memory_space<vmem>>)
          tpu.yield
        }) : () -> ()
        "tpu.region"() ({
          %run_scoped3A_46 = tpu.sem_alloc : memref<!tpu.dma_semaphore, #tpu.memory_space<semaphore_mem>>
          %dma_start3A = arith.constant 0 : i32
          %dma_start3A_47 = tpu.memref_slice %arg13[%dma_start3A] : memref<51200xf32, #tpu.memory_space<vmem_shared>> -> memref<51200xf32, #tpu.memory_space<vmem_shared>>
          tpu.enqueue_indirect_dma source(%arg11 : memref<2000xf32, #tpu.memory_space<vmem>>) target(%dma_start3A_47 : memref<51200xf32, #tpu.memory_space<vmem_shared>>) offsets(%arg10 : memref<2000xi32, #tpu.memory_space<vmem>>) semaphore(%run_scoped3A_46 : memref<!tpu.dma_semaphore, #tpu.memory_space<semaphore_mem>>) {add = true}
          %dma_wait3A = arith.constant 0 : i32
          %dma_wait3A_48 = tpu.memref_slice %arg13[%dma_wait3A] : memref<51200xf32, #tpu.memory_space<vmem_shared>> -> memref<51200xf32, #tpu.memory_space<vmem_shared>>
          tpu.wait_indirect_dma semaphore(%run_scoped3A_46 : memref<!tpu.dma_semaphore, #tpu.memory_space<semaphore_mem>>) src(%arg11 : memref<2000xf32, #tpu.memory_space<vmem>>) dst(%dma_wait3A_48 : memref<51200xf32, #tpu.memory_space<vmem_shared>>)
          tpu.yield
        }) : () -> ()
      }
      %scan3A_41 = arith.constant 25 : i32
    } else {
    }
    %barrier3A_35 = arith.constant 0 : index
    tpu.barrier barrier_id(%barrier3A_35)
    "tpu.region"() ({
      %run_scoped3A = tpu.sem_alloc : memref<!tpu.dma_semaphore, #tpu.memory_space<semaphore_mem>>
      %dma_start3A = arith.constant 0 : i32
      %dma_start3A_36 = tpu.memref_slice %arg7[%arg0, %dma_start3A] : memref<2x51200xf32, #tpu.memory_space<hbm>> -> memref<1x51200xf32, #tpu.memory_space<hbm>>
      %dma_start3A_37 = tpu.memref_squeeze %dma_start3A_36 : memref<1x51200xf32, #tpu.memory_space<hbm>> -> memref<51200xf32, #tpu.memory_space<hbm>>
      %dma_start3A_38 = tpu.memref_slice %dma_start3A_37[%mul3A_0] : memref<51200xf32, #tpu.memory_space<hbm>> -> memref<3200xf32, #tpu.memory_space<hbm>>
      %dma_start3A_39 = tpu.memref_slice %arg13[%mul3A_0] : memref<51200xf32, #tpu.memory_space<vmem_shared>> -> memref<3200xf32, #tpu.memory_space<vmem_shared>>
      tpu.enqueue_dma source(%dma_start3A_39 : memref<3200xf32, #tpu.memory_space<vmem_shared>>) target(%dma_start3A_38 : memref<3200xf32, #tpu.memory_space<hbm>>) target_semaphore(%run_scoped3A : memref<!tpu.dma_semaphore, #tpu.memory_space<semaphore_mem>>)
      %dma_wait3A = arith.constant 0 : i32
      %dma_wait3A_40 = tpu.memref_slice %arg7[%arg0, %dma_wait3A] : memref<2x51200xf32, #tpu.memory_space<hbm>> -> memref<1x51200xf32, #tpu.memory_space<hbm>>
      %dma_wait3A_41 = tpu.memref_squeeze %dma_wait3A_40 : memref<1x51200xf32, #tpu.memory_space<hbm>> -> memref<51200xf32, #tpu.memory_space<hbm>>
      %dma_wait3A_42 = tpu.memref_slice %dma_wait3A_41[%mul3A_0] : memref<51200xf32, #tpu.memory_space<hbm>> -> memref<3200xf32, #tpu.memory_space<hbm>>
      %dma_wait3A_43 = tpu.memref_slice %arg13[%mul3A_0] : memref<51200xf32, #tpu.memory_space<vmem_shared>> -> memref<3200xf32, #tpu.memory_space<vmem_shared>>
      tpu.wait_dma2 semaphore(%run_scoped3A : memref<!tpu.dma_semaphore, #tpu.memory_space<semaphore_mem>>) src(%dma_wait3A_43 : memref<3200xf32, #tpu.memory_space<vmem_shared>>) dst(%dma_wait3A_42 : memref<3200xf32, #tpu.memory_space<hbm>>)
      tpu.yield
    }) : () -> ()
    return
  }
}

#map = affine_map<(d0, d1) -> (0, 0)>
#map1 = affine_map<(d0, d1) -> (0, 0, 0)>
module attributes {stable_mosaic.version = 14 : i64} {
  func.func @_conv_body(%arg0: i32, %arg1: i32, %arg2: memref<2x51200xf32, #tpu.memory_space<hbm>>, %arg3: memref<2x50000x32xf32, #tpu.memory_space<hbm>>, %arg4: memref<2x800000xi32, #tpu.memory_space<hbm>>, %arg5: memref<2x51200x32xf32, #tpu.memory_space<hbm>>, %arg6: memref<400xi32, #tpu.memory_space<vmem>>, %arg7: memref<400xi32, #tpu.memory_space<vmem>>, %arg8: memref<400xi32, #tpu.memory_space<vmem>>, %arg9: memref<400xi32, #tpu.memory_space<vmem>>, %arg10: memref<400x32xf32, #tpu.memory_space<vmem>>, %arg11: memref<400x32xf32, #tpu.memory_space<vmem>>, %arg12: memref<51200x32xf32, #tpu.memory_space<vmem_shared>>, %arg13: memref<!tpu.dma_semaphore, #tpu.memory_space<semaphore_mem>>, %arg14: memref<!tpu.dma_semaphore, #tpu.memory_space<semaphore_mem>>, %arg15: memref<!tpu.dma_semaphore, #tpu.memory_space<semaphore_mem>>) attributes {dimension_semantics = [#tpu.dimension_semantics<core_parallel>, #tpu.dimension_semantics<subcore_parallel>], iteration_bounds = array<i64: 2, 16>, scalar_prefetch = 0 : i64, scratch_operands = 10 : i64, tpu.core_type = #tpu.core_type<sc_vector_subcore>, window_params = [{transform_indices = #map}, {transform_indices = #map1}, {transform_indices = #map}, {transform_indices = #map1}]} {
    %mul3A = arith.constant 3200 : i32
    %mul3A_0 = arith.muli %arg1, %mul3A : i32
    %scan3A = arith.constant 0 : i32
    %scan3A_1 = arith.constant 0 : i32
    %scan3A_2 = arith.constant 400 : i32
    %scan3A_3 = arith.addi %scan3A_1, %scan3A_2 : i32
    %scan3A_4 = arith.constant 1 : i32
    scf.for %scan3A_71 = %scan3A_1 to %scan3A_3 step %scan3A_4  : i32 {
      %broadcast_in_dim3A = arith.constant 0.000000e+00 : f32
      %broadcast_in_dim3A_72 = vector.broadcast %broadcast_in_dim3A : f32 to vector<16xf32>
      %swap3A = arith.index_cast %scan3A_71 : i32 to index
      %swap3A_73 = arith.constant 0 : index
      %swap3A_74 = tpu.vector_load %arg10[%swap3A, %swap3A_73] {strides = array<i32>} : memref<400x32xf32, #tpu.memory_space<vmem>>, vector<1x16xf32>,
      %swap3A_75 = vector.shape_cast %swap3A_74 : vector<1x16xf32> to vector<16xf32>
      %swap3A_76 = vector.shape_cast %broadcast_in_dim3A_72 : vector<16xf32> to vector<1x16xf32>
      tpu.vector_store %arg10[%swap3A, %swap3A_73], %swap3A_76 {strides = array<i32>} : memref<400x32xf32, #tpu.memory_space<vmem>>, vector<1x16xf32>,
      %swap3A_77 = arith.index_cast %scan3A_71 : i32 to index
      %swap3A_78 = arith.constant 16 : index
      %swap3A_79 = tpu.vector_load %arg10[%swap3A_77, %swap3A_78] {strides = array<i32>} : memref<400x32xf32, #tpu.memory_space<vmem>>, vector<1x16xf32>,
      %swap3A_80 = vector.shape_cast %swap3A_79 : vector<1x16xf32> to vector<16xf32>
      %swap3A_81 = vector.shape_cast %broadcast_in_dim3A_72 : vector<16xf32> to vector<1x16xf32>
      tpu.vector_store %arg10[%swap3A_77, %swap3A_78], %swap3A_81 {strides = array<i32>} : memref<400x32xf32, #tpu.memory_space<vmem>>, vector<1x16xf32>,
    }
    %scan3A_5 = arith.constant 400 : i32
    %add3A = arith.constant 0 : i32
    %add3A_6 = arith.addi %mul3A_0, %add3A : i32
    "tpu.region"() ({
      %run_scoped3A_71 = tpu.sem_alloc : memref<!tpu.dma_semaphore, #tpu.memory_space<semaphore_mem>>
      %dma_start3A_72 = arith.constant 0 : i32
      %dma_start3A_73 = tpu.memref_slice %arg12[%add3A_6, %dma_start3A_72] : memref<51200x32xf32, #tpu.memory_space<vmem_shared>> -> memref<400x32xf32, #tpu.memory_space<vmem_shared>>
      %dma_start3A_74 = arith.constant 0 : i32
      %dma_start3A_75 = tpu.memref_slice %arg12[%add3A_6, %dma_start3A_74] : memref<51200x32xf32, #tpu.memory_space<vmem_shared>> -> memref<400x32xf32, #tpu.memory_space<vmem_shared>>
      tpu.enqueue_dma source(%arg10 : memref<400x32xf32, #tpu.memory_space<vmem>>) target(%dma_start3A_75 : memref<400x32xf32, #tpu.memory_space<vmem_shared>>) target_semaphore(%run_scoped3A_71 : memref<!tpu.dma_semaphore, #tpu.memory_space<semaphore_mem>>)
      %dma_wait3A_76 = arith.constant 0 : i32
      %dma_wait3A_77 = tpu.memref_slice %arg12[%add3A_6, %dma_wait3A_76] : memref<51200x32xf32, #tpu.memory_space<vmem_shared>> -> memref<400x32xf32, #tpu.memory_space<vmem_shared>>
      %dma_wait3A_78 = arith.constant 0 : i32
      %dma_wait3A_79 = tpu.memref_slice %arg12[%add3A_6, %dma_wait3A_78] : memref<51200x32xf32, #tpu.memory_space<vmem_shared>> -> memref<400x32xf32, #tpu.memory_space<vmem_shared>>
      tpu.wait_dma2 semaphore(%run_scoped3A_71 : memref<!tpu.dma_semaphore, #tpu.memory_space<semaphore_mem>>) src(%arg10 : memref<400x32xf32, #tpu.memory_space<vmem>>) dst(%dma_wait3A_79 : memref<400x32xf32, #tpu.memory_space<vmem_shared>>)
      tpu.yield
    }) : () -> ()
    %add3A_7 = arith.constant 400 : i32
    %add3A_8 = arith.addi %mul3A_0, %add3A_7 : i32
    "tpu.region"() ({
      %run_scoped3A_71 = tpu.sem_alloc : memref<!tpu.dma_semaphore, #tpu.memory_space<semaphore_mem>>
      %dma_start3A_72 = arith.constant 0 : i32
      %dma_start3A_73 = tpu.memref_slice %arg12[%add3A_8, %dma_start3A_72] : memref<51200x32xf32, #tpu.memory_space<vmem_shared>> -> memref<400x32xf32, #tpu.memory_space<vmem_shared>>
      %dma_start3A_74 = arith.constant 0 : i32
      %dma_start3A_75 = tpu.memref_slice %arg12[%add3A_8, %dma_start3A_74] : memref<51200x32xf32, #tpu.memory_space<vmem_shared>> -> memref<400x32xf32, #tpu.memory_space<vmem_shared>>
      tpu.enqueue_dma source(%arg10 : memref<400x32xf32, #tpu.memory_space<vmem>>) target(%dma_start3A_75 : memref<400x32xf32, #tpu.memory_space<vmem_shared>>) target_semaphore(%run_scoped3A_71 : memref<!tpu.dma_semaphore, #tpu.memory_space<semaphore_mem>>)
      %dma_wait3A_76 = arith.constant 0 : i32
      %dma_wait3A_77 = tpu.memref_slice %arg12[%add3A_8, %dma_wait3A_76] : memref<51200x32xf32, #tpu.memory_space<vmem_shared>> -> memref<400x32xf32, #tpu.memory_space<vmem_shared>>
      %dma_wait3A_78 = arith.constant 0 : i32
      %dma_wait3A_79 = tpu.memref_slice %arg12[%add3A_8, %dma_wait3A_78] : memref<51200x32xf32, #tpu.memory_space<vmem_shared>> -> memref<400x32xf32, #tpu.memory_space<vmem_shared>>
      tpu.wait_dma2 semaphore(%run_scoped3A_71 : memref<!tpu.dma_semaphore, #tpu.memory_space<semaphore_mem>>) src(%arg10 : memref<400x32xf32, #tpu.memory_space<vmem>>) dst(%dma_wait3A_79 : memref<400x32xf32, #tpu.memory_space<vmem_shared>>)
      tpu.yield
    }) : () -> ()
    %add3A_9 = arith.constant 800 : i32
    %add3A_10 = arith.addi %mul3A_0, %add3A_9 : i32
    "tpu.region"() ({
      %run_scoped3A_71 = tpu.sem_alloc : memref<!tpu.dma_semaphore, #tpu.memory_space<semaphore_mem>>
      %dma_start3A_72 = arith.constant 0 : i32
      %dma_start3A_73 = tpu.memref_slice %arg12[%add3A_10, %dma_start3A_72] : memref<51200x32xf32, #tpu.memory_space<vmem_shared>> -> memref<400x32xf32, #tpu.memory_space<vmem_shared>>
      %dma_start3A_74 = arith.constant 0 : i32
      %dma_start3A_75 = tpu.memref_slice %arg12[%add3A_10, %dma_start3A_74] : memref<51200x32xf32, #tpu.memory_space<vmem_shared>> -> memref<400x32xf32, #tpu.memory_space<vmem_shared>>
      tpu.enqueue_dma source(%arg10 : memref<400x32xf32, #tpu.memory_space<vmem>>) target(%dma_start3A_75 : memref<400x32xf32, #tpu.memory_space<vmem_shared>>) target_semaphore(%run_scoped3A_71 : memref<!tpu.dma_semaphore, #tpu.memory_space<semaphore_mem>>)
      %dma_wait3A_76 = arith.constant 0 : i32
      %dma_wait3A_77 = tpu.memref_slice %arg12[%add3A_10, %dma_wait3A_76] : memref<51200x32xf32, #tpu.memory_space<vmem_shared>> -> memref<400x32xf32, #tpu.memory_space<vmem_shared>>
      %dma_wait3A_78 = arith.constant 0 : i32
      %dma_wait3A_79 = tpu.memref_slice %arg12[%add3A_10, %dma_wait3A_78] : memref<51200x32xf32, #tpu.memory_space<vmem_shared>> -> memref<400x32xf32, #tpu.memory_space<vmem_shared>>
      tpu.wait_dma2 semaphore(%run_scoped3A_71 : memref<!tpu.dma_semaphore, #tpu.memory_space<semaphore_mem>>) src(%arg10 : memref<400x32xf32, #tpu.memory_space<vmem>>) dst(%dma_wait3A_79 : memref<400x32xf32, #tpu.memory_space<vmem_shared>>)
      tpu.yield
    }) : () -> ()
    %add3A_11 = arith.constant 1200 : i32
    %add3A_12 = arith.addi %mul3A_0, %add3A_11 : i32
    "tpu.region"() ({
      %run_scoped3A_71 = tpu.sem_alloc : memref<!tpu.dma_semaphore, #tpu.memory_space<semaphore_mem>>
      %dma_start3A_72 = arith.constant 0 : i32
      %dma_start3A_73 = tpu.memref_slice %arg12[%add3A_12, %dma_start3A_72] : memref<51200x32xf32, #tpu.memory_space<vmem_shared>> -> memref<400x32xf32, #tpu.memory_space<vmem_shared>>
      %dma_start3A_74 = arith.constant 0 : i32
      %dma_start3A_75 = tpu.memref_slice %arg12[%add3A_12, %dma_start3A_74] : memref<51200x32xf32, #tpu.memory_space<vmem_shared>> -> memref<400x32xf32, #tpu.memory_space<vmem_shared>>
      tpu.enqueue_dma source(%arg10 : memref<400x32xf32, #tpu.memory_space<vmem>>) target(%dma_start3A_75 : memref<400x32xf32, #tpu.memory_space<vmem_shared>>) target_semaphore(%run_scoped3A_71 : memref<!tpu.dma_semaphore, #tpu.memory_space<semaphore_mem>>)
      %dma_wait3A_76 = arith.constant 0 : i32
      %dma_wait3A_77 = tpu.memref_slice %arg12[%add3A_12, %dma_wait3A_76] : memref<51200x32xf32, #tpu.memory_space<vmem_shared>> -> memref<400x32xf32, #tpu.memory_space<vmem_shared>>
      %dma_wait3A_78 = arith.constant 0 : i32
      %dma_wait3A_79 = tpu.memref_slice %arg12[%add3A_12, %dma_wait3A_78] : memref<51200x32xf32, #tpu.memory_space<vmem_shared>> -> memref<400x32xf32, #tpu.memory_space<vmem_shared>>
      tpu.wait_dma2 semaphore(%run_scoped3A_71 : memref<!tpu.dma_semaphore, #tpu.memory_space<semaphore_mem>>) src(%arg10 : memref<400x32xf32, #tpu.memory_space<vmem>>) dst(%dma_wait3A_79 : memref<400x32xf32, #tpu.memory_space<vmem_shared>>)
      tpu.yield
    }) : () -> ()
    %add3A_13 = arith.constant 1600 : i32
    %add3A_14 = arith.addi %mul3A_0, %add3A_13 : i32
    "tpu.region"() ({
      %run_scoped3A_71 = tpu.sem_alloc : memref<!tpu.dma_semaphore, #tpu.memory_space<semaphore_mem>>
      %dma_start3A_72 = arith.constant 0 : i32
      %dma_start3A_73 = tpu.memref_slice %arg12[%add3A_14, %dma_start3A_72] : memref<51200x32xf32, #tpu.memory_space<vmem_shared>> -> memref<400x32xf32, #tpu.memory_space<vmem_shared>>
      %dma_start3A_74 = arith.constant 0 : i32
      %dma_start3A_75 = tpu.memref_slice %arg12[%add3A_14, %dma_start3A_74] : memref<51200x32xf32, #tpu.memory_space<vmem_shared>> -> memref<400x32xf32, #tpu.memory_space<vmem_shared>>
      tpu.enqueue_dma source(%arg10 : memref<400x32xf32, #tpu.memory_space<vmem>>) target(%dma_start3A_75 : memref<400x32xf32, #tpu.memory_space<vmem_shared>>) target_semaphore(%run_scoped3A_71 : memref<!tpu.dma_semaphore, #tpu.memory_space<semaphore_mem>>)
      %dma_wait3A_76 = arith.constant 0 : i32
      %dma_wait3A_77 = tpu.memref_slice %arg12[%add3A_14, %dma_wait3A_76] : memref<51200x32xf32, #tpu.memory_space<vmem_shared>> -> memref<400x32xf32, #tpu.memory_space<vmem_shared>>
      %dma_wait3A_78 = arith.constant 0 : i32
      %dma_wait3A_79 = tpu.memref_slice %arg12[%add3A_14, %dma_wait3A_78] : memref<51200x32xf32, #tpu.memory_space<vmem_shared>> -> memref<400x32xf32, #tpu.memory_space<vmem_shared>>
      tpu.wait_dma2 semaphore(%run_scoped3A_71 : memref<!tpu.dma_semaphore, #tpu.memory_space<semaphore_mem>>) src(%arg10 : memref<400x32xf32, #tpu.memory_space<vmem>>) dst(%dma_wait3A_79 : memref<400x32xf32, #tpu.memory_space<vmem_shared>>)
      tpu.yield
    }) : () -> ()
    %add3A_15 = arith.constant 2000 : i32
    %add3A_16 = arith.addi %mul3A_0, %add3A_15 : i32
    "tpu.region"() ({
      %run_scoped3A_71 = tpu.sem_alloc : memref<!tpu.dma_semaphore, #tpu.memory_space<semaphore_mem>>
      %dma_start3A_72 = arith.constant 0 : i32
      %dma_start3A_73 = tpu.memref_slice %arg12[%add3A_16, %dma_start3A_72] : memref<51200x32xf32, #tpu.memory_space<vmem_shared>> -> memref<400x32xf32, #tpu.memory_space<vmem_shared>>
      %dma_start3A_74 = arith.constant 0 : i32
      %dma_start3A_75 = tpu.memref_slice %arg12[%add3A_16, %dma_start3A_74] : memref<51200x32xf32, #tpu.memory_space<vmem_shared>> -> memref<400x32xf32, #tpu.memory_space<vmem_shared>>
      tpu.enqueue_dma source(%arg10 : memref<400x32xf32, #tpu.memory_space<vmem>>) target(%dma_start3A_75 : memref<400x32xf32, #tpu.memory_space<vmem_shared>>) target_semaphore(%run_scoped3A_71 : memref<!tpu.dma_semaphore, #tpu.memory_space<semaphore_mem>>)
      %dma_wait3A_76 = arith.constant 0 : i32
      %dma_wait3A_77 = tpu.memref_slice %arg12[%add3A_16, %dma_wait3A_76] : memref<51200x32xf32, #tpu.memory_space<vmem_shared>> -> memref<400x32xf32, #tpu.memory_space<vmem_shared>>
      %dma_wait3A_78 = arith.constant 0 : i32
      %dma_wait3A_79 = tpu.memref_slice %arg12[%add3A_16, %dma_wait3A_78] : memref<51200x32xf32, #tpu.memory_space<vmem_shared>> -> memref<400x32xf32, #tpu.memory_space<vmem_shared>>
      tpu.wait_dma2 semaphore(%run_scoped3A_71 : memref<!tpu.dma_semaphore, #tpu.memory_space<semaphore_mem>>) src(%arg10 : memref<400x32xf32, #tpu.memory_space<vmem>>) dst(%dma_wait3A_79 : memref<400x32xf32, #tpu.memory_space<vmem_shared>>)
      tpu.yield
    }) : () -> ()
    %add3A_17 = arith.constant 2400 : i32
    %add3A_18 = arith.addi %mul3A_0, %add3A_17 : i32
    "tpu.region"() ({
      %run_scoped3A_71 = tpu.sem_alloc : memref<!tpu.dma_semaphore, #tpu.memory_space<semaphore_mem>>
      %dma_start3A_72 = arith.constant 0 : i32
      %dma_start3A_73 = tpu.memref_slice %arg12[%add3A_18, %dma_start3A_72] : memref<51200x32xf32, #tpu.memory_space<vmem_shared>> -> memref<400x32xf32, #tpu.memory_space<vmem_shared>>
      %dma_start3A_74 = arith.constant 0 : i32
      %dma_start3A_75 = tpu.memref_slice %arg12[%add3A_18, %dma_start3A_74] : memref<51200x32xf32, #tpu.memory_space<vmem_shared>> -> memref<400x32xf32, #tpu.memory_space<vmem_shared>>
      tpu.enqueue_dma source(%arg10 : memref<400x32xf32, #tpu.memory_space<vmem>>) target(%dma_start3A_75 : memref<400x32xf32, #tpu.memory_space<vmem_shared>>) target_semaphore(%run_scoped3A_71 : memref<!tpu.dma_semaphore, #tpu.memory_space<semaphore_mem>>)
      %dma_wait3A_76 = arith.constant 0 : i32
      %dma_wait3A_77 = tpu.memref_slice %arg12[%add3A_18, %dma_wait3A_76] : memref<51200x32xf32, #tpu.memory_space<vmem_shared>> -> memref<400x32xf32, #tpu.memory_space<vmem_shared>>
      %dma_wait3A_78 = arith.constant 0 : i32
      %dma_wait3A_79 = tpu.memref_slice %arg12[%add3A_18, %dma_wait3A_78] : memref<51200x32xf32, #tpu.memory_space<vmem_shared>> -> memref<400x32xf32, #tpu.memory_space<vmem_shared>>
      tpu.wait_dma2 semaphore(%run_scoped3A_71 : memref<!tpu.dma_semaphore, #tpu.memory_space<semaphore_mem>>) src(%arg10 : memref<400x32xf32, #tpu.memory_space<vmem>>) dst(%dma_wait3A_79 : memref<400x32xf32, #tpu.memory_space<vmem_shared>>)
      tpu.yield
    }) : () -> ()
    %add3A_19 = arith.constant 2800 : i32
    %add3A_20 = arith.addi %mul3A_0, %add3A_19 : i32
    "tpu.region"() ({
      %run_scoped3A_71 = tpu.sem_alloc : memref<!tpu.dma_semaphore, #tpu.memory_space<semaphore_mem>>
      %dma_start3A_72 = arith.constant 0 : i32
      %dma_start3A_73 = tpu.memref_slice %arg12[%add3A_20, %dma_start3A_72] : memref<51200x32xf32, #tpu.memory_space<vmem_shared>> -> memref<400x32xf32, #tpu.memory_space<vmem_shared>>
      %dma_start3A_74 = arith.constant 0 : i32
      %dma_start3A_75 = tpu.memref_slice %arg12[%add3A_20, %dma_start3A_74] : memref<51200x32xf32, #tpu.memory_space<vmem_shared>> -> memref<400x32xf32, #tpu.memory_space<vmem_shared>>
      tpu.enqueue_dma source(%arg10 : memref<400x32xf32, #tpu.memory_space<vmem>>) target(%dma_start3A_75 : memref<400x32xf32, #tpu.memory_space<vmem_shared>>) target_semaphore(%run_scoped3A_71 : memref<!tpu.dma_semaphore, #tpu.memory_space<semaphore_mem>>)
      %dma_wait3A_76 = arith.constant 0 : i32
      %dma_wait3A_77 = tpu.memref_slice %arg12[%add3A_20, %dma_wait3A_76] : memref<51200x32xf32, #tpu.memory_space<vmem_shared>> -> memref<400x32xf32, #tpu.memory_space<vmem_shared>>
      %dma_wait3A_78 = arith.constant 0 : i32
      %dma_wait3A_79 = tpu.memref_slice %arg12[%add3A_20, %dma_wait3A_78] : memref<51200x32xf32, #tpu.memory_space<vmem_shared>> -> memref<400x32xf32, #tpu.memory_space<vmem_shared>>
      tpu.wait_dma2 semaphore(%run_scoped3A_71 : memref<!tpu.dma_semaphore, #tpu.memory_space<semaphore_mem>>) src(%arg10 : memref<400x32xf32, #tpu.memory_space<vmem>>) dst(%dma_wait3A_79 : memref<400x32xf32, #tpu.memory_space<vmem_shared>>)
      tpu.yield
    }) : () -> ()
    %barrier3A = arith.constant 0 : index
    tpu.barrier barrier_id(%barrier3A)
    %mul3A_21 = arith.constant 50000 : i32
    %mul3A_22 = arith.muli %arg1, %mul3A_21 : i32
    %add3A_23 = arith.constant 0 : i32
    %add3A_24 = arith.addi %mul3A_22, %add3A_23 : i32
    %run_scoped3A = arith.constant 0 : i32
    "tpu.region"() ({
      %run_scoped3A_71 = tpu.sem_alloc : memref<!tpu.dma_semaphore, #tpu.memory_space<semaphore_mem>>
      %dma_start3A_72 = arith.constant 0 : i32
      %dma_start3A_73 = tpu.memref_slice %arg4[%run_scoped3A, %dma_start3A_72] : memref<2x800000xi32, #tpu.memory_space<hbm>> -> memref<1x800000xi32, #tpu.memory_space<hbm>>
      %dma_start3A_74 = tpu.memref_squeeze %dma_start3A_73 : memref<1x800000xi32, #tpu.memory_space<hbm>> -> memref<800000xi32, #tpu.memory_space<hbm>>
      %dma_start3A_75 = tpu.memref_slice %dma_start3A_74[%add3A_24] : memref<800000xi32, #tpu.memory_space<hbm>> -> memref<400xi32, #tpu.memory_space<hbm>>
      %dma_start3A_76 = arith.constant 0 : i32
      %dma_start3A_77 = tpu.memref_slice %arg4[%run_scoped3A, %dma_start3A_76] : memref<2x800000xi32, #tpu.memory_space<hbm>> -> memref<1x800000xi32, #tpu.memory_space<hbm>>
      %dma_start3A_78 = tpu.memref_squeeze %dma_start3A_77 : memref<1x800000xi32, #tpu.memory_space<hbm>> -> memref<800000xi32, #tpu.memory_space<hbm>>
      %dma_start3A_79 = tpu.memref_slice %dma_start3A_78[%add3A_24] : memref<800000xi32, #tpu.memory_space<hbm>> -> memref<400xi32, #tpu.memory_space<hbm>>
      tpu.enqueue_dma source(%dma_start3A_79 : memref<400xi32, #tpu.memory_space<hbm>>) target(%arg6 : memref<400xi32, #tpu.memory_space<vmem>>) target_semaphore(%run_scoped3A_71 : memref<!tpu.dma_semaphore, #tpu.memory_space<semaphore_mem>>)
      %dma_wait3A_80 = arith.constant 0 : i32
      %dma_wait3A_81 = tpu.memref_slice %arg4[%run_scoped3A, %dma_wait3A_80] : memref<2x800000xi32, #tpu.memory_space<hbm>> -> memref<1x800000xi32, #tpu.memory_space<hbm>>
      %dma_wait3A_82 = tpu.memref_squeeze %dma_wait3A_81 : memref<1x800000xi32, #tpu.memory_space<hbm>> -> memref<800000xi32, #tpu.memory_space<hbm>>
      %dma_wait3A_83 = tpu.memref_slice %dma_wait3A_82[%add3A_24] : memref<800000xi32, #tpu.memory_space<hbm>> -> memref<400xi32, #tpu.memory_space<hbm>>
      %dma_wait3A_84 = arith.constant 0 : i32
      %dma_wait3A_85 = tpu.memref_slice %arg4[%run_scoped3A, %dma_wait3A_84] : memref<2x800000xi32, #tpu.memory_space<hbm>> -> memref<1x800000xi32, #tpu.memory_space<hbm>>
      %dma_wait3A_86 = tpu.memref_squeeze %dma_wait3A_85 : memref<1x800000xi32, #tpu.memory_space<hbm>> -> memref<800000xi32, #tpu.memory_space<hbm>>
      %dma_wait3A_87 = tpu.memref_slice %dma_wait3A_86[%add3A_24] : memref<800000xi32, #tpu.memory_space<hbm>> -> memref<400xi32, #tpu.memory_space<hbm>>
      tpu.wait_dma2 semaphore(%run_scoped3A_71 : memref<!tpu.dma_semaphore, #tpu.memory_space<semaphore_mem>>) src(%dma_wait3A_87 : memref<400xi32, #tpu.memory_space<hbm>>) dst(%arg6 : memref<400xi32, #tpu.memory_space<vmem>>)
      tpu.yield
    }) : () -> ()
    %add3A_25 = arith.constant 0 : i32
    %add3A_26 = arith.addi %mul3A_22, %add3A_25 : i32
    %run_scoped3A_27 = arith.constant 1 : i32
    "tpu.region"() ({
      %run_scoped3A_71 = tpu.sem_alloc : memref<!tpu.dma_semaphore, #tpu.memory_space<semaphore_mem>>
      %dma_start3A_72 = arith.constant 0 : i32
      %dma_start3A_73 = tpu.memref_slice %arg4[%run_scoped3A_27, %dma_start3A_72] : memref<2x800000xi32, #tpu.memory_space<hbm>> -> memref<1x800000xi32, #tpu.memory_space<hbm>>
      %dma_start3A_74 = tpu.memref_squeeze %dma_start3A_73 : memref<1x800000xi32, #tpu.memory_space<hbm>> -> memref<800000xi32, #tpu.memory_space<hbm>>
      %dma_start3A_75 = tpu.memref_slice %dma_start3A_74[%add3A_26] : memref<800000xi32, #tpu.memory_space<hbm>> -> memref<400xi32, #tpu.memory_space<hbm>>
      %dma_start3A_76 = arith.constant 0 : i32
      %dma_start3A_77 = tpu.memref_slice %arg4[%run_scoped3A_27, %dma_start3A_76] : memref<2x800000xi32, #tpu.memory_space<hbm>> -> memref<1x800000xi32, #tpu.memory_space<hbm>>
      %dma_start3A_78 = tpu.memref_squeeze %dma_start3A_77 : memref<1x800000xi32, #tpu.memory_space<hbm>> -> memref<800000xi32, #tpu.memory_space<hbm>>
      %dma_start3A_79 = tpu.memref_slice %dma_start3A_78[%add3A_26] : memref<800000xi32, #tpu.memory_space<hbm>> -> memref<400xi32, #tpu.memory_space<hbm>>
      tpu.enqueue_dma source(%dma_start3A_79 : memref<400xi32, #tpu.memory_space<hbm>>) target(%arg7 : memref<400xi32, #tpu.memory_space<vmem>>) target_semaphore(%run_scoped3A_71 : memref<!tpu.dma_semaphore, #tpu.memory_space<semaphore_mem>>)
      %dma_wait3A_80 = arith.constant 0 : i32
      %dma_wait3A_81 = tpu.memref_slice %arg4[%run_scoped3A_27, %dma_wait3A_80] : memref<2x800000xi32, #tpu.memory_space<hbm>> -> memref<1x800000xi32, #tpu.memory_space<hbm>>
      %dma_wait3A_82 = tpu.memref_squeeze %dma_wait3A_81 : memref<1x800000xi32, #tpu.memory_space<hbm>> -> memref<800000xi32, #tpu.memory_space<hbm>>
      %dma_wait3A_83 = tpu.memref_slice %dma_wait3A_82[%add3A_26] : memref<800000xi32, #tpu.memory_space<hbm>> -> memref<400xi32, #tpu.memory_space<hbm>>
      %dma_wait3A_84 = arith.constant 0 : i32
      %dma_wait3A_85 = tpu.memref_slice %arg4[%run_scoped3A_27, %dma_wait3A_84] : memref<2x800000xi32, #tpu.memory_space<hbm>> -> memref<1x800000xi32, #tpu.memory_space<hbm>>
      %dma_wait3A_86 = tpu.memref_squeeze %dma_wait3A_85 : memref<1x800000xi32, #tpu.memory_space<hbm>> -> memref<800000xi32, #tpu.memory_space<hbm>>
      %dma_wait3A_87 = tpu.memref_slice %dma_wait3A_86[%add3A_26] : memref<800000xi32, #tpu.memory_space<hbm>> -> memref<400xi32, #tpu.memory_space<hbm>>
      tpu.wait_dma2 semaphore(%run_scoped3A_71 : memref<!tpu.dma_semaphore, #tpu.memory_space<semaphore_mem>>) src(%dma_wait3A_87 : memref<400xi32, #tpu.memory_space<hbm>>) dst(%arg7 : memref<400xi32, #tpu.memory_space<vmem>>)
      tpu.yield
    }) : () -> ()
    %dma_start3A = arith.constant 0 : i32
    %dma_start3A_28 = arith.constant 0 : i32
    %dma_start3A_29 = tpu.memref_slice %arg3[%arg0, %dma_start3A, %dma_start3A_28] : memref<2x50000x32xf32, #tpu.memory_space<hbm>> -> memref<1x50000x32xf32, #tpu.memory_space<hbm>>
    %dma_start3A_30 = tpu.memref_squeeze %dma_start3A_29 : memref<1x50000x32xf32, #tpu.memory_space<hbm>> -> memref<50000x32xf32, #tpu.memory_space<hbm>>
    %dma_start3A_31 = arith.constant 0 : i32
    %dma_start3A_32 = arith.constant 0 : i32
    %dma_start3A_33 = tpu.memref_slice %dma_start3A_30[%dma_start3A_31, %dma_start3A_32] : memref<50000x32xf32, #tpu.memory_space<hbm>> -> memref<50000x32xf32, #tpu.memory_space<hbm>>
    tpu.enqueue_indirect_dma source(%dma_start3A_33 : memref<50000x32xf32, #tpu.memory_space<hbm>>) target(%arg10 : memref<400x32xf32, #tpu.memory_space<vmem>>) offsets(%arg6 : memref<400xi32, #tpu.memory_space<vmem>>) semaphore(%arg13 : memref<!tpu.dma_semaphore, #tpu.memory_space<semaphore_mem>>)
    %add3A_34 = arith.constant 400 : i32
    %add3A_35 = arith.addi %mul3A_22, %add3A_34 : i32
    %dma_start3A_36 = arith.constant 0 : i32
    %dma_start3A_37 = arith.constant 0 : i32
    %dma_start3A_38 = tpu.memref_slice %arg4[%dma_start3A_36, %dma_start3A_37] : memref<2x800000xi32, #tpu.memory_space<hbm>> -> memref<1x800000xi32, #tpu.memory_space<hbm>>
    %dma_start3A_39 = tpu.memref_squeeze %dma_start3A_38 : memref<1x800000xi32, #tpu.memory_space<hbm>> -> memref<800000xi32, #tpu.memory_space<hbm>>
    %dma_start3A_40 = tpu.memref_slice %dma_start3A_39[%add3A_35] : memref<800000xi32, #tpu.memory_space<hbm>> -> memref<400xi32, #tpu.memory_space<hbm>>
    %dma_start3A_41 = arith.constant 0 : i32
    %dma_start3A_42 = tpu.memref_slice %arg4[%dma_start3A_36, %dma_start3A_41] : memref<2x800000xi32, #tpu.memory_space<hbm>> -> memref<1x800000xi32, #tpu.memory_space<hbm>>
    %dma_start3A_43 = tpu.memref_squeeze %dma_start3A_42 : memref<1x800000xi32, #tpu.memory_space<hbm>> -> memref<800000xi32, #tpu.memory_space<hbm>>
    %dma_start3A_44 = tpu.memref_slice %dma_start3A_43[%add3A_35] : memref<800000xi32, #tpu.memory_space<hbm>> -> memref<400xi32, #tpu.memory_space<hbm>>
    tpu.enqueue_dma source(%dma_start3A_44 : memref<400xi32, #tpu.memory_space<hbm>>) target(%arg8 : memref<400xi32, #tpu.memory_space<vmem>>) target_semaphore(%arg15 : memref<!tpu.dma_semaphore, #tpu.memory_space<semaphore_mem>>)
    %add3A_45 = arith.constant 400 : i32
    %add3A_46 = arith.addi %mul3A_22, %add3A_45 : i32
    %dma_start3A_47 = arith.constant 1 : i32
    %dma_start3A_48 = arith.constant 0 : i32
    %dma_start3A_49 = tpu.memref_slice %arg4[%dma_start3A_47, %dma_start3A_48] : memref<2x800000xi32, #tpu.memory_space<hbm>> -> memref<1x800000xi32, #tpu.memory_space<hbm>>
    %dma_start3A_50 = tpu.memref_squeeze %dma_start3A_49 : memref<1x800000xi32, #tpu.memory_space<hbm>> -> memref<800000xi32, #tpu.memory_space<hbm>>
    %dma_start3A_51 = tpu.memref_slice %dma_start3A_50[%add3A_46] : memref<800000xi32, #tpu.memory_space<hbm>> -> memref<400xi32, #tpu.memory_space<hbm>>
    %dma_start3A_52 = arith.constant 0 : i32
    %dma_start3A_53 = tpu.memref_slice %arg4[%dma_start3A_47, %dma_start3A_52] : memref<2x800000xi32, #tpu.memory_space<hbm>> -> memref<1x800000xi32, #tpu.memory_space<hbm>>
    %dma_start3A_54 = tpu.memref_squeeze %dma_start3A_53 : memref<1x800000xi32, #tpu.memory_space<hbm>> -> memref<800000xi32, #tpu.memory_space<hbm>>
    %dma_start3A_55 = tpu.memref_slice %dma_start3A_54[%add3A_46] : memref<800000xi32, #tpu.memory_space<hbm>> -> memref<400xi32, #tpu.memory_space<hbm>>
    tpu.enqueue_dma source(%dma_start3A_55 : memref<400xi32, #tpu.memory_space<hbm>>) target(%arg9 : memref<400xi32, #tpu.memory_space<vmem>>) target_semaphore(%arg15 : memref<!tpu.dma_semaphore, #tpu.memory_space<semaphore_mem>>)
    %scan3A_56 = arith.constant 0 : i32
    %scan3A_57 = arith.constant 0 : i32
    %scan3A_58 = arith.constant 1 : i32
    %scan3A_59 = arith.constant 0 : i32
    %scan3A_60 = arith.constant 62 : i32
    %scan3A_61 = arith.addi %scan3A_59, %scan3A_60 : i32
    %scan3A_62 = arith.constant 1 : i32
    scf.for %scan3A_71 = %scan3A_59 to %scan3A_61 step %scan3A_62  : i32 {
      %mul3A_72 = arith.constant 2 : i32
      %mul3A_73 = arith.muli %mul3A_72, %scan3A_71 : i32
      %add3A_74 = arith.constant 1 : i32
      %add3A_75 = arith.addi %mul3A_73, %add3A_74 : i32
      %mul3A_76 = arith.constant 2 : i32
      %mul3A_77 = arith.muli %mul3A_76, %scan3A_71 : i32
      %add3A_78 = arith.constant 2 : i32
      %add3A_79 = arith.addi %mul3A_77, %add3A_78 : i32
      %mul3A_80 = arith.constant 2 : i32
      %mul3A_81 = arith.muli %mul3A_80, %scan3A_71 : i32
      %add3A_82 = arith.constant 3 : i32
      %add3A_83 = arith.addi %mul3A_81, %add3A_82 : i32
      %mul3A_84 = arith.constant 400 : i32
      %mul3A_85 = arith.muli %add3A_75, %mul3A_84 : i32
      %add3A_86 = arith.addi %mul3A_22, %mul3A_85 : i32
      %dma_wait3A_87 = arith.constant 0 : i32
      %dma_wait3A_88 = tpu.memref_slice %arg4[%scan3A_57, %dma_wait3A_87] : memref<2x800000xi32, #tpu.memory_space<hbm>> -> memref<1x800000xi32, #tpu.memory_space<hbm>>
      %dma_wait3A_89 = tpu.memref_squeeze %dma_wait3A_88 : memref<1x800000xi32, #tpu.memory_space<hbm>> -> memref<800000xi32, #tpu.memory_space<hbm>>
      %dma_wait3A_90 = tpu.memref_slice %dma_wait3A_89[%add3A_86] : memref<800000xi32, #tpu.memory_space<hbm>> -> memref<400xi32, #tpu.memory_space<hbm>>
      %dma_wait3A_91 = arith.constant 0 : i32
      %dma_wait3A_92 = tpu.memref_slice %arg4[%scan3A_57, %dma_wait3A_91] : memref<2x800000xi32, #tpu.memory_space<hbm>> -> memref<1x800000xi32, #tpu.memory_space<hbm>>
      %dma_wait3A_93 = tpu.memref_squeeze %dma_wait3A_92 : memref<1x800000xi32, #tpu.memory_space<hbm>> -> memref<800000xi32, #tpu.memory_space<hbm>>
      %dma_wait3A_94 = tpu.memref_slice %dma_wait3A_93[%add3A_86] : memref<800000xi32, #tpu.memory_space<hbm>> -> memref<400xi32, #tpu.memory_space<hbm>>
      tpu.wait_dma2 semaphore(%arg15 : memref<!tpu.dma_semaphore, #tpu.memory_space<semaphore_mem>>) src(%dma_wait3A_94 : memref<400xi32, #tpu.memory_space<hbm>>) dst(%arg8 : memref<400xi32, #tpu.memory_space<vmem>>)
      %mul3A_95 = arith.constant 400 : i32
      %mul3A_96 = arith.muli %add3A_75, %mul3A_95 : i32
      %add3A_97 = arith.addi %mul3A_22, %mul3A_96 : i32
      %dma_wait3A_98 = arith.constant 0 : i32
      %dma_wait3A_99 = tpu.memref_slice %arg4[%scan3A_58, %dma_wait3A_98] : memref<2x800000xi32, #tpu.memory_space<hbm>> -> memref<1x800000xi32, #tpu.memory_space<hbm>>
      %dma_wait3A_100 = tpu.memref_squeeze %dma_wait3A_99 : memref<1x800000xi32, #tpu.memory_space<hbm>> -> memref<800000xi32, #tpu.memory_space<hbm>>
      %dma_wait3A_101 = tpu.memref_slice %dma_wait3A_100[%add3A_97] : memref<800000xi32, #tpu.memory_space<hbm>> -> memref<400xi32, #tpu.memory_space<hbm>>
      %dma_wait3A_102 = arith.constant 0 : i32
      %dma_wait3A_103 = tpu.memref_slice %arg4[%scan3A_58, %dma_wait3A_102] : memref<2x800000xi32, #tpu.memory_space<hbm>> -> memref<1x800000xi32, #tpu.memory_space<hbm>>
      %dma_wait3A_104 = tpu.memref_squeeze %dma_wait3A_103 : memref<1x800000xi32, #tpu.memory_space<hbm>> -> memref<800000xi32, #tpu.memory_space<hbm>>
      %dma_wait3A_105 = tpu.memref_slice %dma_wait3A_104[%add3A_97] : memref<800000xi32, #tpu.memory_space<hbm>> -> memref<400xi32, #tpu.memory_space<hbm>>
      tpu.wait_dma2 semaphore(%arg15 : memref<!tpu.dma_semaphore, #tpu.memory_space<semaphore_mem>>) src(%dma_wait3A_105 : memref<400xi32, #tpu.memory_space<hbm>>) dst(%arg9 : memref<400xi32, #tpu.memory_space<vmem>>)
      %dma_start3A_106 = arith.constant 0 : i32
      %dma_start3A_107 = arith.constant 0 : i32
      %dma_start3A_108 = tpu.memref_slice %arg3[%arg0, %dma_start3A_106, %dma_start3A_107] : memref<2x50000x32xf32, #tpu.memory_space<hbm>> -> memref<1x50000x32xf32, #tpu.memory_space<hbm>>
      %dma_start3A_109 = tpu.memref_squeeze %dma_start3A_108 : memref<1x50000x32xf32, #tpu.memory_space<hbm>> -> memref<50000x32xf32, #tpu.memory_space<hbm>>
      %dma_start3A_110 = arith.constant 0 : i32
      %dma_start3A_111 = arith.constant 0 : i32
      %dma_start3A_112 = tpu.memref_slice %dma_start3A_109[%dma_start3A_110, %dma_start3A_111] : memref<50000x32xf32, #tpu.memory_space<hbm>> -> memref<50000x32xf32, #tpu.memory_space<hbm>>
      tpu.enqueue_indirect_dma source(%dma_start3A_112 : memref<50000x32xf32, #tpu.memory_space<hbm>>) target(%arg11 : memref<400x32xf32, #tpu.memory_space<vmem>>) offsets(%arg8 : memref<400xi32, #tpu.memory_space<vmem>>) semaphore(%arg14 : memref<!tpu.dma_semaphore, #tpu.memory_space<semaphore_mem>>)
      %dma_wait3A_113 = arith.constant 0 : i32
      %dma_wait3A_114 = arith.constant 0 : i32
      %dma_wait3A_115 = tpu.memref_slice %arg3[%arg0, %dma_wait3A_113, %dma_wait3A_114] : memref<2x50000x32xf32, #tpu.memory_space<hbm>> -> memref<1x50000x32xf32, #tpu.memory_space<hbm>>
      %dma_wait3A_116 = tpu.memref_squeeze %dma_wait3A_115 : memref<1x50000x32xf32, #tpu.memory_space<hbm>> -> memref<50000x32xf32, #tpu.memory_space<hbm>>
      %dma_wait3A_117 = arith.constant 0 : i32
      %dma_wait3A_118 = arith.constant 0 : i32
      %dma_wait3A_119 = tpu.memref_slice %dma_wait3A_116[%dma_wait3A_117, %dma_wait3A_118] : memref<50000x32xf32, #tpu.memory_space<hbm>> -> memref<50000x32xf32, #tpu.memory_space<hbm>>
      tpu.wait_indirect_dma semaphore(%arg13 : memref<!tpu.dma_semaphore, #tpu.memory_space<semaphore_mem>>) src(%dma_wait3A_119 : memref<50000x32xf32, #tpu.memory_space<hbm>>) dst(%arg10 : memref<400x32xf32, #tpu.memory_space<vmem>>)
      "tpu.region"() ({
        %run_scoped3A_142 = tpu.sem_alloc : memref<!tpu.dma_semaphore, #tpu.memory_space<semaphore_mem>>
        %dma_start3A_143 = arith.constant 0 : i32
        %dma_start3A_144 = arith.constant 0 : i32
        %dma_start3A_145 = tpu.memref_slice %arg12[%dma_start3A_143, %dma_start3A_144] : memref<51200x32xf32, #tpu.memory_space<vmem_shared>> -> memref<51200x32xf32, #tpu.memory_space<vmem_shared>>
        tpu.enqueue_indirect_dma source(%arg10 : memref<400x32xf32, #tpu.memory_space<vmem>>) target(%dma_start3A_145 : memref<51200x32xf32, #tpu.memory_space<vmem_shared>>) offsets(%arg7 : memref<400xi32, #tpu.memory_space<vmem>>) semaphore(%run_scoped3A_142 : memref<!tpu.dma_semaphore, #tpu.memory_space<semaphore_mem>>) {add = true}
        %dma_wait3A_146 = arith.constant 0 : i32
        %dma_wait3A_147 = arith.constant 0 : i32
        %dma_wait3A_148 = tpu.memref_slice %arg12[%dma_wait3A_146, %dma_wait3A_147] : memref<51200x32xf32, #tpu.memory_space<vmem_shared>> -> memref<51200x32xf32, #tpu.memory_space<vmem_shared>>
        tpu.wait_indirect_dma semaphore(%run_scoped3A_142 : memref<!tpu.dma_semaphore, #tpu.memory_space<semaphore_mem>>) src(%arg10 : memref<400x32xf32, #tpu.memory_space<vmem>>) dst(%dma_wait3A_148 : memref<51200x32xf32, #tpu.memory_space<vmem_shared>>)
        tpu.yield
      }) : () -> ()
      %mul3A_120 = arith.constant 400 : i32
      %mul3A_121 = arith.muli %add3A_79, %mul3A_120 : i32
      %add3A_122 = arith.addi %mul3A_22, %mul3A_121 : i32
      "tpu.region"() ({
        %run_scoped3A_142 = tpu.sem_alloc : memref<!tpu.dma_semaphore, #tpu.memory_space<semaphore_mem>>
        %dma_start3A_143 = arith.constant 0 : i32
        %dma_start3A_144 = tpu.memref_slice %arg4[%scan3A_57, %dma_start3A_143] : memref<2x800000xi32, #tpu.memory_space<hbm>> -> memref<1x800000xi32, #tpu.memory_space<hbm>>
        %dma_start3A_145 = tpu.memref_squeeze %dma_start3A_144 : memref<1x800000xi32, #tpu.memory_space<hbm>> -> memref<800000xi32, #tpu.memory_space<hbm>>
        %dma_start3A_146 = tpu.memref_slice %dma_start3A_145[%add3A_122] : memref<800000xi32, #tpu.memory_space<hbm>> -> memref<400xi32, #tpu.memory_space<hbm>>
        %dma_start3A_147 = arith.constant 0 : i32
        %dma_start3A_148 = tpu.memref_slice %arg4[%scan3A_57, %dma_start3A_147] : memref<2x800000xi32, #tpu.memory_space<hbm>> -> memref<1x800000xi32, #tpu.memory_space<hbm>>
        %dma_start3A_149 = tpu.memref_squeeze %dma_start3A_148 : memref<1x800000xi32, #tpu.memory_space<hbm>> -> memref<800000xi32, #tpu.memory_space<hbm>>
        %dma_start3A_150 = tpu.memref_slice %dma_start3A_149[%add3A_122] : memref<800000xi32, #tpu.memory_space<hbm>> -> memref<400xi32, #tpu.memory_space<hbm>>
        tpu.enqueue_dma source(%dma_start3A_150 : memref<400xi32, #tpu.memory_space<hbm>>) target(%arg6 : memref<400xi32, #tpu.memory_space<vmem>>) target_semaphore(%run_scoped3A_142 : memref<!tpu.dma_semaphore, #tpu.memory_space<semaphore_mem>>)
        %dma_wait3A_151 = arith.constant 0 : i32
        %dma_wait3A_152 = tpu.memref_slice %arg4[%scan3A_57, %dma_wait3A_151] : memref<2x800000xi32, #tpu.memory_space<hbm>> -> memref<1x800000xi32, #tpu.memory_space<hbm>>
        %dma_wait3A_153 = tpu.memref_squeeze %dma_wait3A_152 : memref<1x800000xi32, #tpu.memory_space<hbm>> -> memref<800000xi32, #tpu.memory_space<hbm>>
        %dma_wait3A_154 = tpu.memref_slice %dma_wait3A_153[%add3A_122] : memref<800000xi32, #tpu.memory_space<hbm>> -> memref<400xi32, #tpu.memory_space<hbm>>
        %dma_wait3A_155 = arith.constant 0 : i32
        %dma_wait3A_156 = tpu.memref_slice %arg4[%scan3A_57, %dma_wait3A_155] : memref<2x800000xi32, #tpu.memory_space<hbm>> -> memref<1x800000xi32, #tpu.memory_space<hbm>>
        %dma_wait3A_157 = tpu.memref_squeeze %dma_wait3A_156 : memref<1x800000xi32, #tpu.memory_space<hbm>> -> memref<800000xi32, #tpu.memory_space<hbm>>
        %dma_wait3A_158 = tpu.memref_slice %dma_wait3A_157[%add3A_122] : memref<800000xi32, #tpu.memory_space<hbm>> -> memref<400xi32, #tpu.memory_space<hbm>>
        tpu.wait_dma2 semaphore(%run_scoped3A_142 : memref<!tpu.dma_semaphore, #tpu.memory_space<semaphore_mem>>) src(%dma_wait3A_158 : memref<400xi32, #tpu.memory_space<hbm>>) dst(%arg6 : memref<400xi32, #tpu.memory_space<vmem>>)
        tpu.yield
      }) : () -> ()
      %mul3A_123 = arith.constant 400 : i32
      %mul3A_124 = arith.muli %add3A_79, %mul3A_123 : i32
      %add3A_125 = arith.addi %mul3A_22, %mul3A_124 : i32
      "tpu.region"() ({
        %run_scoped3A_142 = tpu.sem_alloc : memref<!tpu.dma_semaphore, #tpu.memory_space<semaphore_mem>>
        %dma_start3A_143 = arith.constant 0 : i32
        %dma_start3A_144 = tpu.memref_slice %arg4[%scan3A_58, %dma_start3A_143] : memref<2x800000xi32, #tpu.memory_space<hbm>> -> memref<1x800000xi32, #tpu.memory_space<hbm>>
        %dma_start3A_145 = tpu.memref_squeeze %dma_start3A_144 : memref<1x800000xi32, #tpu.memory_space<hbm>> -> memref<800000xi32, #tpu.memory_space<hbm>>
        %dma_start3A_146 = tpu.memref_slice %dma_start3A_145[%add3A_125] : memref<800000xi32, #tpu.memory_space<hbm>> -> memref<400xi32, #tpu.memory_space<hbm>>
        %dma_start3A_147 = arith.constant 0 : i32
        %dma_start3A_148 = tpu.memref_slice %arg4[%scan3A_58, %dma_start3A_147] : memref<2x800000xi32, #tpu.memory_space<hbm>> -> memref<1x800000xi32, #tpu.memory_space<hbm>>
        %dma_start3A_149 = tpu.memref_squeeze %dma_start3A_148 : memref<1x800000xi32, #tpu.memory_space<hbm>> -> memref<800000xi32, #tpu.memory_space<hbm>>
        %dma_start3A_150 = tpu.memref_slice %dma_start3A_149[%add3A_125] : memref<800000xi32, #tpu.memory_space<hbm>> -> memref<400xi32, #tpu.memory_space<hbm>>
        tpu.enqueue_dma source(%dma_start3A_150 : memref<400xi32, #tpu.memory_space<hbm>>) target(%arg7 : memref<400xi32, #tpu.memory_space<vmem>>) target_semaphore(%run_scoped3A_142 : memref<!tpu.dma_semaphore, #tpu.memory_space<semaphore_mem>>)
        %dma_wait3A_151 = arith.constant 0 : i32
        %dma_wait3A_152 = tpu.memref_slice %arg4[%scan3A_58, %dma_wait3A_151] : memref<2x800000xi32, #tpu.memory_space<hbm>> -> memref<1x800000xi32, #tpu.memory_space<hbm>>
        %dma_wait3A_153 = tpu.memref_squeeze %dma_wait3A_152 : memref<1x800000xi32, #tpu.memory_space<hbm>> -> memref<800000xi32, #tpu.memory_space<hbm>>
        %dma_wait3A_154 = tpu.memref_slice %dma_wait3A_153[%add3A_125] : memref<800000xi32, #tpu.memory_space<hbm>> -> memref<400xi32, #tpu.memory_space<hbm>>
        %dma_wait3A_155 = arith.constant 0 : i32
        %dma_wait3A_156 = tpu.memref_slice %arg4[%scan3A_58, %dma_wait3A_155] : memref<2x800000xi32, #tpu.memory_space<hbm>> -> memref<1x800000xi32, #tpu.memory_space<hbm>>
        %dma_wait3A_157 = tpu.memref_squeeze %dma_wait3A_156 : memref<1x800000xi32, #tpu.memory_space<hbm>> -> memref<800000xi32, #tpu.memory_space<hbm>>
        %dma_wait3A_158 = tpu.memref_slice %dma_wait3A_157[%add3A_125] : memref<800000xi32, #tpu.memory_space<hbm>> -> memref<400xi32, #tpu.memory_space<hbm>>
        tpu.wait_dma2 semaphore(%run_scoped3A_142 : memref<!tpu.dma_semaphore, #tpu.memory_space<semaphore_mem>>) src(%dma_wait3A_158 : memref<400xi32, #tpu.memory_space<hbm>>) dst(%arg7 : memref<400xi32, #tpu.memory_space<vmem>>)
        tpu.yield
      }) : () -> ()
      %dma_start3A_126 = arith.constant 0 : i32
      %dma_start3A_127 = arith.constant 0 : i32
      %dma_start3A_128 = tpu.memref_slice %arg3[%arg0, %dma_start3A_126, %dma_start3A_127] : memref<2x50000x32xf32, #tpu.memory_space<hbm>> -> memref<1x50000x32xf32, #tpu.memory_space<hbm>>
      %dma_start3A_129 = tpu.memref_squeeze %dma_start3A_128 : memref<1x50000x32xf32, #tpu.memory_space<hbm>> -> memref<50000x32xf32, #tpu.memory_space<hbm>>
      %dma_start3A_130 = arith.constant 0 : i32
      %dma_start3A_131 = arith.constant 0 : i32
      %dma_start3A_132 = tpu.memref_slice %dma_start3A_129[%dma_start3A_130, %dma_start3A_131] : memref<50000x32xf32, #tpu.memory_space<hbm>> -> memref<50000x32xf32, #tpu.memory_space<hbm>>
      tpu.enqueue_indirect_dma source(%dma_start3A_132 : memref<50000x32xf32, #tpu.memory_space<hbm>>) target(%arg10 : memref<400x32xf32, #tpu.memory_space<vmem>>) offsets(%arg6 : memref<400xi32, #tpu.memory_space<vmem>>) semaphore(%arg13 : memref<!tpu.dma_semaphore, #tpu.memory_space<semaphore_mem>>)
      %dma_wait3A_133 = arith.constant 0 : i32
      %dma_wait3A_134 = arith.constant 0 : i32
      %dma_wait3A_135 = tpu.memref_slice %arg3[%arg0, %dma_wait3A_133, %dma_wait3A_134] : memref<2x50000x32xf32, #tpu.memory_space<hbm>> -> memref<1x50000x32xf32, #tpu.memory_space<hbm>>
      %dma_wait3A_136 = tpu.memref_squeeze %dma_wait3A_135 : memref<1x50000x32xf32, #tpu.memory_space<hbm>> -> memref<50000x32xf32, #tpu.memory_space<hbm>>
      %dma_wait3A_137 = arith.constant 0 : i32
      %dma_wait3A_138 = arith.constant 0 : i32
      %dma_wait3A_139 = tpu.memref_slice %dma_wait3A_136[%dma_wait3A_137, %dma_wait3A_138] : memref<50000x32xf32, #tpu.memory_space<hbm>> -> memref<50000x32xf32, #tpu.memory_space<hbm>>
      tpu.wait_indirect_dma semaphore(%arg14 : memref<!tpu.dma_semaphore, #tpu.memory_space<semaphore_mem>>) src(%dma_wait3A_139 : memref<50000x32xf32, #tpu.memory_space<hbm>>) dst(%arg11 : memref<400x32xf32, #tpu.memory_space<vmem>>)
      "tpu.region"() ({
        %run_scoped3A_142 = tpu.sem_alloc : memref<!tpu.dma_semaphore, #tpu.memory_space<semaphore_mem>>
        %dma_start3A_143 = arith.constant 0 : i32
        %dma_start3A_144 = arith.constant 0 : i32
        %dma_start3A_145 = tpu.memref_slice %arg12[%dma_start3A_143, %dma_start3A_144] : memref<51200x32xf32, #tpu.memory_space<vmem_shared>> -> memref<51200x32xf32, #tpu.memory_space<vmem_shared>>
        tpu.enqueue_indirect_dma source(%arg11 : memref<400x32xf32, #tpu.memory_space<vmem>>) target(%dma_start3A_145 : memref<51200x32xf32, #tpu.memory_space<vmem_shared>>) offsets(%arg9 : memref<400xi32, #tpu.memory_space<vmem>>) semaphore(%run_scoped3A_142 : memref<!tpu.dma_semaphore, #tpu.memory_space<semaphore_mem>>) {add = true}
        %dma_wait3A_146 = arith.constant 0 : i32
        %dma_wait3A_147 = arith.constant 0 : i32
        %dma_wait3A_148 = tpu.memref_slice %arg12[%dma_wait3A_146, %dma_wait3A_147] : memref<51200x32xf32, #tpu.memory_space<vmem_shared>> -> memref<51200x32xf32, #tpu.memory_space<vmem_shared>>
        tpu.wait_indirect_dma semaphore(%run_scoped3A_142 : memref<!tpu.dma_semaphore, #tpu.memory_space<semaphore_mem>>) src(%arg11 : memref<400x32xf32, #tpu.memory_space<vmem>>) dst(%dma_wait3A_148 : memref<51200x32xf32, #tpu.memory_space<vmem_shared>>)
        tpu.yield
      }) : () -> ()
      %lt3A = arith.constant 125 : i32
      %lt3A_140 = arith.cmpi slt, %add3A_83, %lt3A : i32
      %convert_element_type3A = arith.extui %lt3A_140 : i1 to i32
      %cond3A = arith.constant 0 : i32
      %cond3A_141 = arith.cmpi ne, %convert_element_type3A, %cond3A : i32
      scf.if %cond3A_141 {
        %mul3A_142 = arith.constant 400 : i32
        %mul3A_143 = arith.muli %add3A_83, %mul3A_142 : i32
        %add3A_144 = arith.addi %mul3A_22, %mul3A_143 : i32
        %dma_start3A_145 = arith.constant 0 : i32
        %dma_start3A_146 = tpu.memref_slice %arg4[%scan3A_57, %dma_start3A_145] : memref<2x800000xi32, #tpu.memory_space<hbm>> -> memref<1x800000xi32, #tpu.memory_space<hbm>>
        %dma_start3A_147 = tpu.memref_squeeze %dma_start3A_146 : memref<1x800000xi32, #tpu.memory_space<hbm>> -> memref<800000xi32, #tpu.memory_space<hbm>>
        %dma_start3A_148 = tpu.memref_slice %dma_start3A_147[%add3A_144] : memref<800000xi32, #tpu.memory_space<hbm>> -> memref<400xi32, #tpu.memory_space<hbm>>
        %dma_start3A_149 = arith.constant 0 : i32
        %dma_start3A_150 = tpu.memref_slice %arg4[%scan3A_57, %dma_start3A_149] : memref<2x800000xi32, #tpu.memory_space<hbm>> -> memref<1x800000xi32, #tpu.memory_space<hbm>>
        %dma_start3A_151 = tpu.memref_squeeze %dma_start3A_150 : memref<1x800000xi32, #tpu.memory_space<hbm>> -> memref<800000xi32, #tpu.memory_space<hbm>>
        %dma_start3A_152 = tpu.memref_slice %dma_start3A_151[%add3A_144] : memref<800000xi32, #tpu.memory_space<hbm>> -> memref<400xi32, #tpu.memory_space<hbm>>
        tpu.enqueue_dma source(%dma_start3A_152 : memref<400xi32, #tpu.memory_space<hbm>>) target(%arg8 : memref<400xi32, #tpu.memory_space<vmem>>) target_semaphore(%arg15 : memref<!tpu.dma_semaphore, #tpu.memory_space<semaphore_mem>>)
        %mul3A_153 = arith.constant 400 : i32
        %mul3A_154 = arith.muli %add3A_83, %mul3A_153 : i32
        %add3A_155 = arith.addi %mul3A_22, %mul3A_154 : i32
        %dma_start3A_156 = arith.constant 0 : i32
        %dma_start3A_157 = tpu.memref_slice %arg4[%scan3A_58, %dma_start3A_156] : memref<2x800000xi32, #tpu.memory_space<hbm>> -> memref<1x800000xi32, #tpu.memory_space<hbm>>
        %dma_start3A_158 = tpu.memref_squeeze %dma_start3A_157 : memref<1x800000xi32, #tpu.memory_space<hbm>> -> memref<800000xi32, #tpu.memory_space<hbm>>
        %dma_start3A_159 = tpu.memref_slice %dma_start3A_158[%add3A_155] : memref<800000xi32, #tpu.memory_space<hbm>> -> memref<400xi32, #tpu.memory_space<hbm>>
        %dma_start3A_160 = arith.constant 0 : i32
        %dma_start3A_161 = tpu.memref_slice %arg4[%scan3A_58, %dma_start3A_160] : memref<2x800000xi32, #tpu.memory_space<hbm>> -> memref<1x800000xi32, #tpu.memory_space<hbm>>
        %dma_start3A_162 = tpu.memref_squeeze %dma_start3A_161 : memref<1x800000xi32, #tpu.memory_space<hbm>> -> memref<800000xi32, #tpu.memory_space<hbm>>
        %dma_start3A_163 = tpu.memref_slice %dma_start3A_162[%add3A_155] : memref<800000xi32, #tpu.memory_space<hbm>> -> memref<400xi32, #tpu.memory_space<hbm>>
        tpu.enqueue_dma source(%dma_start3A_163 : memref<400xi32, #tpu.memory_space<hbm>>) target(%arg9 : memref<400xi32, #tpu.memory_space<vmem>>) target_semaphore(%arg15 : memref<!tpu.dma_semaphore, #tpu.memory_space<semaphore_mem>>)
      } else {
      }
    }
    %scan3A_63 = arith.constant 62 : i32
    %dma_wait3A = arith.constant 0 : i32
    %dma_wait3A_64 = arith.constant 0 : i32
    %dma_wait3A_65 = tpu.memref_slice %arg3[%arg0, %dma_wait3A, %dma_wait3A_64] : memref<2x50000x32xf32, #tpu.memory_space<hbm>> -> memref<1x50000x32xf32, #tpu.memory_space<hbm>>
    %dma_wait3A_66 = tpu.memref_squeeze %dma_wait3A_65 : memref<1x50000x32xf32, #tpu.memory_space<hbm>> -> memref<50000x32xf32, #tpu.memory_space<hbm>>
    %dma_wait3A_67 = arith.constant 0 : i32
    %dma_wait3A_68 = arith.constant 0 : i32
    %dma_wait3A_69 = tpu.memref_slice %dma_wait3A_66[%dma_wait3A_67, %dma_wait3A_68] : memref<50000x32xf32, #tpu.memory_space<hbm>> -> memref<50000x32xf32, #tpu.memory_space<hbm>>
    tpu.wait_indirect_dma semaphore(%arg13 : memref<!tpu.dma_semaphore, #tpu.memory_space<semaphore_mem>>) src(%dma_wait3A_69 : memref<50000x32xf32, #tpu.memory_space<hbm>>) dst(%arg10 : memref<400x32xf32, #tpu.memory_space<vmem>>)
    "tpu.region"() ({
      %run_scoped3A_71 = tpu.sem_alloc : memref<!tpu.dma_semaphore, #tpu.memory_space<semaphore_mem>>
      %dma_start3A_72 = arith.constant 0 : i32
      %dma_start3A_73 = arith.constant 0 : i32
      %dma_start3A_74 = tpu.memref_slice %arg12[%dma_start3A_72, %dma_start3A_73] : memref<51200x32xf32, #tpu.memory_space<vmem_shared>> -> memref<51200x32xf32, #tpu.memory_space<vmem_shared>>
      tpu.enqueue_indirect_dma source(%arg10 : memref<400x32xf32, #tpu.memory_space<vmem>>) target(%dma_start3A_74 : memref<51200x32xf32, #tpu.memory_space<vmem_shared>>) offsets(%arg7 : memref<400xi32, #tpu.memory_space<vmem>>) semaphore(%run_scoped3A_71 : memref<!tpu.dma_semaphore, #tpu.memory_space<semaphore_mem>>) {add = true}
      %dma_wait3A_75 = arith.constant 0 : i32
      %dma_wait3A_76 = arith.constant 0 : i32
      %dma_wait3A_77 = tpu.memref_slice %arg12[%dma_wait3A_75, %dma_wait3A_76] : memref<51200x32xf32, #tpu.memory_space<vmem_shared>> -> memref<51200x32xf32, #tpu.memory_space<vmem_shared>>
      tpu.wait_indirect_dma semaphore(%run_scoped3A_71 : memref<!tpu.dma_semaphore, #tpu.memory_space<semaphore_mem>>) src(%arg10 : memref<400x32xf32, #tpu.memory_space<vmem>>) dst(%dma_wait3A_77 : memref<51200x32xf32, #tpu.memory_space<vmem_shared>>)
      tpu.yield
    }) : () -> ()
    %barrier3A_70 = arith.constant 0 : index
    tpu.barrier barrier_id(%barrier3A_70)
    "tpu.region"() ({
      %run_scoped3A_71 = tpu.sem_alloc : memref<!tpu.dma_semaphore, #tpu.memory_space<semaphore_mem>>
      %dma_start3A_72 = arith.constant 0 : i32
      %dma_start3A_73 = arith.constant 0 : i32
      %dma_start3A_74 = tpu.memref_slice %arg5[%arg0, %dma_start3A_72, %dma_start3A_73] : memref<2x51200x32xf32, #tpu.memory_space<hbm>> -> memref<1x51200x32xf32, #tpu.memory_space<hbm>>
      %dma_start3A_75 = tpu.memref_squeeze %dma_start3A_74 : memref<1x51200x32xf32, #tpu.memory_space<hbm>> -> memref<51200x32xf32, #tpu.memory_space<hbm>>
      %dma_start3A_76 = arith.constant 0 : i32
      %dma_start3A_77 = tpu.memref_slice %dma_start3A_75[%mul3A_0, %dma_start3A_76] : memref<51200x32xf32, #tpu.memory_space<hbm>> -> memref<3200x32xf32, #tpu.memory_space<hbm>>
      %dma_start3A_78 = arith.constant 0 : i32
      %dma_start3A_79 = tpu.memref_slice %arg12[%mul3A_0, %dma_start3A_78] : memref<51200x32xf32, #tpu.memory_space<vmem_shared>> -> memref<3200x32xf32, #tpu.memory_space<vmem_shared>>
      tpu.enqueue_dma source(%dma_start3A_79 : memref<3200x32xf32, #tpu.memory_space<vmem_shared>>) target(%dma_start3A_77 : memref<3200x32xf32, #tpu.memory_space<hbm>>) target_semaphore(%run_scoped3A_71 : memref<!tpu.dma_semaphore, #tpu.memory_space<semaphore_mem>>)
      %dma_wait3A_80 = arith.constant 0 : i32
      %dma_wait3A_81 = arith.constant 0 : i32
      %dma_wait3A_82 = tpu.memref_slice %arg5[%arg0, %dma_wait3A_80, %dma_wait3A_81] : memref<2x51200x32xf32, #tpu.memory_space<hbm>> -> memref<1x51200x32xf32, #tpu.memory_space<hbm>>
      %dma_wait3A_83 = tpu.memref_squeeze %dma_wait3A_82 : memref<1x51200x32xf32, #tpu.memory_space<hbm>> -> memref<51200x32xf32, #tpu.memory_space<hbm>>
      %dma_wait3A_84 = arith.constant 0 : i32
      %dma_wait3A_85 = tpu.memref_slice %dma_wait3A_83[%mul3A_0, %dma_wait3A_84] : memref<51200x32xf32, #tpu.memory_space<hbm>> -> memref<3200x32xf32, #tpu.memory_space<hbm>>
      %dma_wait3A_86 = arith.constant 0 : i32
      %dma_wait3A_87 = tpu.memref_slice %arg12[%mul3A_0, %dma_wait3A_86] : memref<51200x32xf32, #tpu.memory_space<vmem_shared>> -> memref<3200x32xf32, #tpu.memory_space<vmem_shared>>
      tpu.wait_dma2 semaphore(%run_scoped3A_71 : memref<!tpu.dma_semaphore, #tpu.memory_space<semaphore_mem>>) src(%dma_wait3A_87 : memref<3200x32xf32, #tpu.memory_space<vmem_shared>>) dst(%dma_wait3A_85 : memref<3200x32xf32, #tpu.memory_space<hbm>>)
      tpu.yield
    }) : () -> ()
    return
  }
}

module attributes {stable_mosaic.version = 14 : i64} {
  func.func @_tc1_body(%arg0: i32, %arg1: memref<1000x128xf32, #tpu.memory_space<vmem>>, %arg2: memref<128x64xf32, #tpu.memory_space<vmem>>, %arg3: memref<1x64xf32, #tpu.memory_space<vmem>>, %arg4: memref<64x64xf32, #tpu.memory_space<vmem>>, %arg5: memref<1000x64xf32, #tpu.memory_space<vmem>>, %arg6: memref<2x1000x32xf32, #tpu.memory_space<vmem>>) attributes {dimension_semantics = [#tpu.dimension_semantics<arbitrary>], iteration_bounds = array<i64: 50>, scalar_prefetch = 0 : i64, scratch_operands = 0 : i64, tpu.core_type = #tpu.core_type<tc>, window_params = [{transform_indices = @transform_0, window_bounds = array<i64: 1000, 128>}, {pipeline_mode = #tpu.pipeline_mode<synchronous>, transform_indices = @transform_1, window_bounds = array<i64: 128, 64>}, {pipeline_mode = #tpu.pipeline_mode<synchronous>, transform_indices = @transform_2, window_bounds = array<i64: 1, 64>}, {pipeline_mode = #tpu.pipeline_mode<synchronous>, transform_indices = @transform_3, window_bounds = array<i64: 64, 64>}, {transform_indices = @transform_4, window_bounds = array<i64: 1000, 64>}, {transform_indices = @transform_5, window_bounds = array<i64: 2, 1000, 32>}]} {
    %get3A = arith.constant 0 : index
    %get3A_0 = arith.constant 0 : index
    %get3A_1 = vector.load %arg1[%get3A, %get3A_0] : memref<1000x128xf32, #tpu.memory_space<vmem>>, vector<1000x128xf32>
    %get3A_2 = arith.constant 0 : index
    %get3A_3 = arith.constant 0 : index
    %get3A_4 = vector.load %arg2[%get3A_2, %get3A_3] : memref<128x64xf32, #tpu.memory_space<vmem>>, vector<128x64xf32>
    %dot_general3A = arith.constant dense<0.000000e+00> : vector<1000x64xf32>
    %dot_general3A_5 = tpu.matmul %get3A_1, %get3A_4, %dot_general3A {dimension_numbers = #tpu.dot_dimension_numbers<[1], [0], [0], [1], [0, 0, 1, 1], [], []>, transpose_lhs_hint = false} : vector<1000x128xf32>, vector<128x64xf32>, vector<1000x64xf32> -> vector<1000x64xf32>
    %get3A_6 = arith.constant 0 : index
    %get3A_7 = arith.constant 0 : index
    %get3A_8 = vector.load %arg3[%get3A_6, %get3A_7] : memref<1x64xf32, #tpu.memory_space<vmem>>, vector<1x64xf32>
    %add3A = vector.broadcast %get3A_8 : vector<1x64xf32> to vector<1000x64xf32>
    %add3A_9 = arith.addf %dot_general3A_5, %add3A : vector<1000x64xf32>
    %get3A_10 = arith.constant 0 : index
    %get3A_11 = arith.constant 0 : index
    %get3A_12 = vector.load %arg4[%get3A_10, %get3A_11] : memref<64x64xf32, #tpu.memory_space<vmem>>, vector<64x64xf32>
    %dot_general3A_13 = arith.constant dense<0.000000e+00> : vector<1000x64xf32>
    %dot_general3A_14 = tpu.matmul %add3A_9, %get3A_12, %dot_general3A_13 {dimension_numbers = #tpu.dot_dimension_numbers<[1], [0], [0], [1], [0, 0, 1, 1], [], []>, transpose_lhs_hint = false} : vector<1000x64xf32>, vector<64x64xf32>, vector<1000x64xf32> -> vector<1000x64xf32>
    %swap3A = arith.constant 0 : index
    %swap3A_15 = arith.constant 0 : index
    %swap3A_16 = vector.load %arg5[%swap3A, %swap3A_15] : memref<1000x64xf32, #tpu.memory_space<vmem>>, vector<1000x64xf32>
    tpu.vector_store %arg5[%swap3A, %swap3A_15], %add3A_9 {strides = array<i32>} : memref<1000x64xf32, #tpu.memory_space<vmem>>, vector<1000x64xf32>,
    %slice3A = vector.extract_strided_slice %dot_general3A_14 {offsets = [0, 0], sizes = [1000, 32], strides = [1, 1]} : vector<1000x64xf32> to vector<1000x32xf32>
    %swap3A_17 = arith.constant 0 : index
    %swap3A_18 = arith.constant 0 : index
    %swap3A_19 = arith.constant 0 : index
    %swap3A_20 = vector.load %arg6[%swap3A_17, %swap3A_18, %swap3A_19] : memref<2x1000x32xf32, #tpu.memory_space<vmem>>, vector<1x1000x32xf32>
    %swap3A_21 = vector.shape_cast %swap3A_20 : vector<1x1000x32xf32> to vector<1000x32xf32>
    %swap3A_22 = vector.shape_cast %slice3A : vector<1000x32xf32> to vector<1x1000x32xf32>
    tpu.vector_store %arg6[%swap3A_17, %swap3A_18, %swap3A_19], %swap3A_22 {strides = array<i32>} : memref<2x1000x32xf32, #tpu.memory_space<vmem>>, vector<1x1000x32xf32>,
    %slice3A_23 = vector.extract_strided_slice %dot_general3A_14 {offsets = [0, 32], sizes = [1000, 32], strides = [1, 1]} : vector<1000x64xf32> to vector<1000x32xf32>
    %swap3A_24 = arith.constant 1 : index
    %swap3A_25 = arith.constant 0 : index
    %swap3A_26 = arith.constant 0 : index
    %swap3A_27 = vector.load %arg6[%swap3A_24, %swap3A_25, %swap3A_26] : memref<2x1000x32xf32, #tpu.memory_space<vmem>>, vector<1x1000x32xf32>
    %swap3A_28 = vector.shape_cast %swap3A_27 : vector<1x1000x32xf32> to vector<1000x32xf32>
    %swap3A_29 = vector.shape_cast %slice3A_23 : vector<1000x32xf32> to vector<1x1000x32xf32>
    tpu.vector_store %arg6[%swap3A_24, %swap3A_25, %swap3A_26], %swap3A_29 {strides = array<i32>} : memref<2x1000x32xf32, #tpu.memory_space<vmem>>, vector<1x1000x32xf32>,
    return
  }
  func.func @transform_0(%arg0: i32) -> (i32, i32) {
    %c0_i32 = arith.constant 0 : i32
    %c0_i32_0 = arith.constant 0 : i32
    return %arg0, %c0_i32 : i32, i32
  }
  func.func @transform_1(%arg0: i32) -> (i32, i32) {
    %c0_i32 = arith.constant 0 : i32
    %c0_i32_0 = arith.constant 0 : i32
    %c0_i32_1 = arith.constant 0 : i32
    return %c0_i32, %c0_i32_0 : i32, i32
  }
  func.func @transform_2(%arg0: i32) -> (i32, i32) {
    %c0_i32 = arith.constant 0 : i32
    %c0_i32_0 = arith.constant 0 : i32
    %c0_i32_1 = arith.constant 0 : i32
    return %c0_i32, %c0_i32_0 : i32, i32
  }
  func.func @transform_3(%arg0: i32) -> (i32, i32) {
    %c0_i32 = arith.constant 0 : i32
    %c0_i32_0 = arith.constant 0 : i32
    %c0_i32_1 = arith.constant 0 : i32
    return %c0_i32, %c0_i32_0 : i32, i32
  }
  func.func @transform_4(%arg0: i32) -> (i32, i32) {
    %c0_i32 = arith.constant 0 : i32
    %c0_i32_0 = arith.constant 0 : i32
    return %arg0, %c0_i32 : i32, i32
  }
  func.func @transform_5(%arg0: i32) -> (i32, i32, i32) {
    %c0_i32 = arith.constant 0 : i32
    %c0_i32_0 = arith.constant 0 : i32
    %c0_i32_1 = arith.constant 0 : i32
    return %c0_i32, %arg0, %c0_i32_0 : i32, i32, i32
  }
}

module attributes {stable_mosaic.version = 14 : i64} {
  func.func @_tc2_body(%arg0: i32, %arg1: memref<1000x64xf32, #tpu.memory_space<vmem>>, %arg2: memref<64x64xf32, #tpu.memory_space<vmem>>, %arg3: memref<64x64xf32, #tpu.memory_space<vmem>>, %arg4: memref<1x64xf32, #tpu.memory_space<vmem>>, %arg5: memref<2x1000x32xf32, #tpu.memory_space<vmem>>, %arg6: memref<1000x64xf32, #tpu.memory_space<vmem>>) attributes {dimension_semantics = [#tpu.dimension_semantics<arbitrary>], iteration_bounds = array<i64: 50>, scalar_prefetch = 0 : i64, scratch_operands = 0 : i64, tpu.core_type = #tpu.core_type<tc>, window_params = [{transform_indices = @transform_0, window_bounds = array<i64: 1000, 64>}, {pipeline_mode = #tpu.pipeline_mode<synchronous>, transform_indices = @transform_1, window_bounds = array<i64: 64, 64>}, {pipeline_mode = #tpu.pipeline_mode<synchronous>, transform_indices = @transform_2, window_bounds = array<i64: 64, 64>}, {pipeline_mode = #tpu.pipeline_mode<synchronous>, transform_indices = @transform_3, window_bounds = array<i64: 1, 64>}, {transform_indices = @transform_4, window_bounds = array<i64: 2, 1000, 32>}, {transform_indices = @transform_5, window_bounds = array<i64: 1000, 64>}]} {
    %get3A = arith.constant 0 : index
    %get3A_0 = arith.constant 0 : index
    %get3A_1 = vector.load %arg1[%get3A, %get3A_0] : memref<1000x64xf32, #tpu.memory_space<vmem>>, vector<1000x64xf32>
    %get3A_2 = arith.constant 0 : index
    %get3A_3 = arith.constant 0 : index
    %get3A_4 = vector.load %arg2[%get3A_2, %get3A_3] : memref<64x64xf32, #tpu.memory_space<vmem>>, vector<64x64xf32>
    %dot_general3A = arith.constant dense<0.000000e+00> : vector<1000x64xf32>
    %dot_general3A_5 = tpu.matmul %get3A_1, %get3A_4, %dot_general3A {dimension_numbers = #tpu.dot_dimension_numbers<[1], [0], [0], [1], [0, 0, 1, 1], [], []>, transpose_lhs_hint = false} : vector<1000x64xf32>, vector<64x64xf32>, vector<1000x64xf32> -> vector<1000x64xf32>
    %slice3A = vector.extract_strided_slice %dot_general3A_5 {offsets = [0, 0], sizes = [1000, 32], strides = [1, 1]} : vector<1000x64xf32> to vector<1000x32xf32>
    %swap3A = arith.constant 0 : index
    %swap3A_6 = arith.constant 0 : index
    %swap3A_7 = arith.constant 0 : index
    %swap3A_8 = vector.load %arg5[%swap3A, %swap3A_6, %swap3A_7] : memref<2x1000x32xf32, #tpu.memory_space<vmem>>, vector<1x1000x32xf32>
    %swap3A_9 = vector.shape_cast %swap3A_8 : vector<1x1000x32xf32> to vector<1000x32xf32>
    %swap3A_10 = vector.shape_cast %slice3A : vector<1000x32xf32> to vector<1x1000x32xf32>
    tpu.vector_store %arg5[%swap3A, %swap3A_6, %swap3A_7], %swap3A_10 {strides = array<i32>} : memref<2x1000x32xf32, #tpu.memory_space<vmem>>, vector<1x1000x32xf32>,
    %slice3A_11 = vector.extract_strided_slice %dot_general3A_5 {offsets = [0, 32], sizes = [1000, 32], strides = [1, 1]} : vector<1000x64xf32> to vector<1000x32xf32>
    %swap3A_12 = arith.constant 1 : index
    %swap3A_13 = arith.constant 0 : index
    %swap3A_14 = arith.constant 0 : index
    %swap3A_15 = vector.load %arg5[%swap3A_12, %swap3A_13, %swap3A_14] : memref<2x1000x32xf32, #tpu.memory_space<vmem>>, vector<1x1000x32xf32>
    %swap3A_16 = vector.shape_cast %swap3A_15 : vector<1x1000x32xf32> to vector<1000x32xf32>
    %swap3A_17 = vector.shape_cast %slice3A_11 : vector<1000x32xf32> to vector<1x1000x32xf32>
    tpu.vector_store %arg5[%swap3A_12, %swap3A_13, %swap3A_14], %swap3A_17 {strides = array<i32>} : memref<2x1000x32xf32, #tpu.memory_space<vmem>>, vector<1x1000x32xf32>,
    %get3A_18 = arith.constant 0 : index
    %get3A_19 = arith.constant 0 : index
    %get3A_20 = vector.load %arg3[%get3A_18, %get3A_19] : memref<64x64xf32, #tpu.memory_space<vmem>>, vector<64x64xf32>
    %dot_general3A_21 = arith.constant dense<0.000000e+00> : vector<1000x64xf32>
    %dot_general3A_22 = tpu.matmul %get3A_1, %get3A_20, %dot_general3A_21 {dimension_numbers = #tpu.dot_dimension_numbers<[1], [0], [0], [1], [0, 0, 1, 1], [], []>, transpose_lhs_hint = false} : vector<1000x64xf32>, vector<64x64xf32>, vector<1000x64xf32> -> vector<1000x64xf32>
    %get3A_23 = arith.constant 0 : index
    %get3A_24 = arith.constant 0 : index
    %get3A_25 = vector.load %arg4[%get3A_23, %get3A_24] : memref<1x64xf32, #tpu.memory_space<vmem>>, vector<1x64xf32>
    %add3A = vector.broadcast %get3A_25 : vector<1x64xf32> to vector<1000x64xf32>
    %add3A_26 = arith.addf %dot_general3A_22, %add3A : vector<1000x64xf32>
    %swap3A_27 = arith.constant 0 : index
    %swap3A_28 = arith.constant 0 : index
    %swap3A_29 = vector.load %arg6[%swap3A_27, %swap3A_28] : memref<1000x64xf32, #tpu.memory_space<vmem>>, vector<1000x64xf32>
    tpu.vector_store %arg6[%swap3A_27, %swap3A_28], %add3A_26 {strides = array<i32>} : memref<1000x64xf32, #tpu.memory_space<vmem>>, vector<1000x64xf32>,
    return
  }
  func.func @transform_0(%arg0: i32) -> (i32, i32) {
    %c0_i32 = arith.constant 0 : i32
    %c0_i32_0 = arith.constant 0 : i32
    return %arg0, %c0_i32 : i32, i32
  }
  func.func @transform_1(%arg0: i32) -> (i32, i32) {
    %c0_i32 = arith.constant 0 : i32
    %c0_i32_0 = arith.constant 0 : i32
    %c0_i32_1 = arith.constant 0 : i32
    return %c0_i32, %c0_i32_0 : i32, i32
  }
  func.func @transform_2(%arg0: i32) -> (i32, i32) {
    %c0_i32 = arith.constant 0 : i32
    %c0_i32_0 = arith.constant 0 : i32
    %c0_i32_1 = arith.constant 0 : i32
    return %c0_i32, %c0_i32_0 : i32, i32
  }
  func.func @transform_3(%arg0: i32) -> (i32, i32) {
    %c0_i32 = arith.constant 0 : i32
    %c0_i32_0 = arith.constant 0 : i32
    %c0_i32_1 = arith.constant 0 : i32
    return %c0_i32, %c0_i32_0 : i32, i32
  }
  func.func @transform_4(%arg0: i32) -> (i32, i32, i32) {
    %c0_i32 = arith.constant 0 : i32
    %c0_i32_0 = arith.constant 0 : i32
    %c0_i32_1 = arith.constant 0 : i32
    return %c0_i32, %arg0, %c0_i32_0 : i32, i32, i32
  }
  func.func @transform_5(%arg0: i32) -> (i32, i32) {
    %c0_i32 = arith.constant 0 : i32
    %c0_i32_0 = arith.constant 0 : i32
    return %arg0, %c0_i32 : i32, i32
  }
}

module attributes {stable_mosaic.version = 14 : i64} {
  func.func @_tc3a_body(%arg0: i32, %arg1: memref<2x1000x32xf32, #tpu.memory_space<vmem>>, %arg2: memref<1000x1xf32, #tpu.memory_space<vmem>>, %arg3: memref<1000x64xf32, #tpu.memory_space<vmem>>, %arg4: memref<64x64xf32, #tpu.memory_space<vmem>>, %arg5: memref<2x1000x32xf32, #tpu.memory_space<vmem>>) attributes {dimension_semantics = [#tpu.dimension_semantics<arbitrary>], iteration_bounds = array<i64: 50>, scalar_prefetch = 0 : i64, scratch_operands = 0 : i64, tpu.core_type = #tpu.core_type<tc>, window_params = [{transform_indices = @transform_0, window_bounds = array<i64: 2, 1000, 32>}, {transform_indices = @transform_1, window_bounds = array<i64: 1000, 1>}, {transform_indices = @transform_2, window_bounds = array<i64: 1000, 64>}, {pipeline_mode = #tpu.pipeline_mode<synchronous>, transform_indices = @transform_3, window_bounds = array<i64: 64, 64>}, {transform_indices = @transform_4, window_bounds = array<i64: 2, 1000, 32>}]} {
    %get3A = arith.constant 0 : index
    %get3A_0 = arith.constant 0 : index
    %get3A_1 = arith.constant 0 : index
    %get3A_2 = vector.load %arg1[%get3A, %get3A_0, %get3A_1] : memref<2x1000x32xf32, #tpu.memory_space<vmem>>, vector<1x1000x32xf32>
    %get3A_3 = vector.shape_cast %get3A_2 : vector<1x1000x32xf32> to vector<1000x32xf32>
    %get3A_4 = arith.constant 1 : index
    %get3A_5 = arith.constant 0 : index
    %get3A_6 = arith.constant 0 : index
    %get3A_7 = vector.load %arg1[%get3A_4, %get3A_5, %get3A_6] : memref<2x1000x32xf32, #tpu.memory_space<vmem>>, vector<1x1000x32xf32>
    %get3A_8 = vector.shape_cast %get3A_7 : vector<1x1000x32xf32> to vector<1000x32xf32>
    %concatenate3A = tpu.concatenate %get3A_3, %get3A_8 in 1 : vector<1000x32xf32>, vector<1000x32xf32> -> vector<1000x64xf32>
    %get3A_9 = arith.constant 0 : index
    %get3A_10 = arith.constant 0 : index
    %get3A_11 = vector.load %arg2[%get3A_9, %get3A_10] : memref<1000x1xf32, #tpu.memory_space<vmem>>, vector<1000x1xf32>
    %max3A = arith.constant 1.000000e+00 : f32
    %max3A_12 = vector.broadcast %max3A : f32 to vector<1000x1xf32>
    %max3A_13 = arith.maximumf %get3A_11, %max3A_12 : vector<1000x1xf32>
    %div3A = vector.broadcast %max3A_13 : vector<1000x1xf32> to vector<1000x64xf32>
    %div3A_14 = arith.divf %concatenate3A, %div3A : vector<1000x64xf32>
    %get3A_15 = arith.constant 0 : index
    %get3A_16 = arith.constant 0 : index
    %get3A_17 = vector.load %arg3[%get3A_15, %get3A_16] : memref<1000x64xf32, #tpu.memory_space<vmem>>, vector<1000x64xf32>
    %add3A = arith.addf %div3A_14, %get3A_17 : vector<1000x64xf32>
    %max3A_18 = arith.constant 0.000000e+00 : f32
    %max3A_19 = vector.broadcast %max3A_18 : f32 to vector<1000x64xf32>
    %max3A_20 = arith.maximumf %add3A, %max3A_19 : vector<1000x64xf32>
    %get3A_21 = arith.constant 0 : index
    %get3A_22 = arith.constant 0 : index
    %get3A_23 = vector.load %arg4[%get3A_21, %get3A_22] : memref<64x64xf32, #tpu.memory_space<vmem>>, vector<64x64xf32>
    %dot_general3A = arith.constant dense<0.000000e+00> : vector<1000x64xf32>
    %dot_general3A_24 = tpu.matmul %max3A_20, %get3A_23, %dot_general3A {dimension_numbers = #tpu.dot_dimension_numbers<[1], [0], [0], [1], [0, 0, 1, 1], [], []>, transpose_lhs_hint = false} : vector<1000x64xf32>, vector<64x64xf32>, vector<1000x64xf32> -> vector<1000x64xf32>
    %slice3A = vector.extract_strided_slice %dot_general3A_24 {offsets = [0, 0], sizes = [1000, 32], strides = [1, 1]} : vector<1000x64xf32> to vector<1000x32xf32>
    %swap3A = arith.constant 0 : index
    %swap3A_25 = arith.constant 0 : index
    %swap3A_26 = arith.constant 0 : index
    %swap3A_27 = vector.load %arg5[%swap3A, %swap3A_25, %swap3A_26] : memref<2x1000x32xf32, #tpu.memory_space<vmem>>, vector<1x1000x32xf32>
    %swap3A_28 = vector.shape_cast %swap3A_27 : vector<1x1000x32xf32> to vector<1000x32xf32>
    %swap3A_29 = vector.shape_cast %slice3A : vector<1000x32xf32> to vector<1x1000x32xf32>
    tpu.vector_store %arg5[%swap3A, %swap3A_25, %swap3A_26], %swap3A_29 {strides = array<i32>} : memref<2x1000x32xf32, #tpu.memory_space<vmem>>, vector<1x1000x32xf32>,
    %slice3A_30 = vector.extract_strided_slice %dot_general3A_24 {offsets = [0, 32], sizes = [1000, 32], strides = [1, 1]} : vector<1000x64xf32> to vector<1000x32xf32>
    %swap3A_31 = arith.constant 1 : index
    %swap3A_32 = arith.constant 0 : index
    %swap3A_33 = arith.constant 0 : index
    %swap3A_34 = vector.load %arg5[%swap3A_31, %swap3A_32, %swap3A_33] : memref<2x1000x32xf32, #tpu.memory_space<vmem>>, vector<1x1000x32xf32>
    %swap3A_35 = vector.shape_cast %swap3A_34 : vector<1x1000x32xf32> to vector<1000x32xf32>
    %swap3A_36 = vector.shape_cast %slice3A_30 : vector<1000x32xf32> to vector<1x1000x32xf32>
    tpu.vector_store %arg5[%swap3A_31, %swap3A_32, %swap3A_33], %swap3A_36 {strides = array<i32>} : memref<2x1000x32xf32, #tpu.memory_space<vmem>>, vector<1x1000x32xf32>,
    return
  }
  func.func @transform_0(%arg0: i32) -> (i32, i32, i32) {
    %c0_i32 = arith.constant 0 : i32
    %c0_i32_0 = arith.constant 0 : i32
    %c0_i32_1 = arith.constant 0 : i32
    return %c0_i32, %arg0, %c0_i32_0 : i32, i32, i32
  }
  func.func @transform_1(%arg0: i32) -> (i32, i32) {
    %c0_i32 = arith.constant 0 : i32
    %c0_i32_0 = arith.constant 0 : i32
    return %arg0, %c0_i32 : i32, i32
  }
  func.func @transform_2(%arg0: i32) -> (i32, i32) {
    %c0_i32 = arith.constant 0 : i32
    %c0_i32_0 = arith.constant 0 : i32
    return %arg0, %c0_i32 : i32, i32
  }
  func.func @transform_3(%arg0: i32) -> (i32, i32) {
    %c0_i32 = arith.constant 0 : i32
    %c0_i32_0 = arith.constant 0 : i32
    %c0_i32_1 = arith.constant 0 : i32
    return %c0_i32, %c0_i32_0 : i32, i32
  }
  func.func @transform_4(%arg0: i32) -> (i32, i32, i32) {
    %c0_i32 = arith.constant 0 : i32
    %c0_i32_0 = arith.constant 0 : i32
    %c0_i32_1 = arith.constant 0 : i32
    return %c0_i32, %arg0, %c0_i32_0 : i32, i32, i32
  }
}

module attributes {stable_mosaic.version = 14 : i64} {
  func.func @_tc4_body(%arg0: i32, %arg1: memref<2x1000x32xf32, #tpu.memory_space<vmem>>, %arg2: memref<2x1000x32xf32, #tpu.memory_space<vmem>>, %arg3: memref<1000x1xf32, #tpu.memory_space<vmem>>, %arg4: memref<1000x64xf32, #tpu.memory_space<vmem>>, %arg5: memref<64x64xf32, #tpu.memory_space<vmem>>, %arg6: memref<1x64xf32, #tpu.memory_space<vmem>>, %arg7: memref<64x64xf32, #tpu.memory_space<vmem>>, %arg8: memref<1x64xf32, #tpu.memory_space<vmem>>, %arg9: memref<64x128xf32, #tpu.memory_space<vmem>>, %arg10: memref<1x2xf32, #tpu.memory_space<vmem>>, %arg11: memref<1000x2xf32, #tpu.memory_space<vmem>>) attributes {dimension_semantics = [#tpu.dimension_semantics<arbitrary>], iteration_bounds = array<i64: 50>, scalar_prefetch = 0 : i64, scratch_operands = 0 : i64, tpu.core_type = #tpu.core_type<tc>, window_params = [{transform_indices = @transform_0, window_bounds = array<i64: 2, 1000, 32>}, {transform_indices = @transform_1, window_bounds = array<i64: 2, 1000, 32>}, {transform_indices = @transform_2, window_bounds = array<i64: 1000, 1>}, {transform_indices = @transform_3, window_bounds = array<i64: 1000, 64>}, {pipeline_mode = #tpu.pipeline_mode<synchronous>, transform_indices = @transform_4, window_bounds = array<i64: 64, 64>}, {pipeline_mode = #tpu.pipeline_mode<synchronous>, transform_indices = @transform_5, window_bounds = array<i64: 1, 64>}, {pipeline_mode = #tpu.pipeline_mode<synchronous>, transform_indices = @transform_6, window_bounds = array<i64: 64, 64>}, {pipeline_mode = #tpu.pipeline_mode<synchronous>, transform_indices = @transform_7, window_bounds = array<i64: 1, 64>}, {pipeline_mode = #tpu.pipeline_mode<synchronous>, transform_indices = @transform_8, window_bounds = array<i64: 64, 128>}, {pipeline_mode = #tpu.pipeline_mode<synchronous>, transform_indices = @transform_9, window_bounds = array<i64: 1, 2>}, {transform_indices = @transform_10, window_bounds = array<i64: 1000, 2>}]} {
    %get3A = arith.constant 0 : index
    %get3A_0 = arith.constant 0 : index
    %get3A_1 = arith.constant 0 : index
    %get3A_2 = vector.load %arg2[%get3A, %get3A_0, %get3A_1] : memref<2x1000x32xf32, #tpu.memory_space<vmem>>, vector<1x1000x32xf32>
    %get3A_3 = vector.shape_cast %get3A_2 : vector<1x1000x32xf32> to vector<1000x32xf32>
    %get3A_4 = arith.constant 1 : index
    %get3A_5 = arith.constant 0 : index
    %get3A_6 = arith.constant 0 : index
    %get3A_7 = vector.load %arg2[%get3A_4, %get3A_5, %get3A_6] : memref<2x1000x32xf32, #tpu.memory_space<vmem>>, vector<1x1000x32xf32>
    %get3A_8 = vector.shape_cast %get3A_7 : vector<1x1000x32xf32> to vector<1000x32xf32>
    %concatenate3A = tpu.concatenate %get3A_3, %get3A_8 in 1 : vector<1000x32xf32>, vector<1000x32xf32> -> vector<1000x64xf32>
    %get3A_9 = arith.constant 0 : index
    %get3A_10 = arith.constant 0 : index
    %get3A_11 = vector.load %arg3[%get3A_9, %get3A_10] : memref<1000x1xf32, #tpu.memory_space<vmem>>, vector<1000x1xf32>
    %max3A = arith.constant 1.000000e+00 : f32
    %max3A_12 = vector.broadcast %max3A : f32 to vector<1000x1xf32>
    %max3A_13 = arith.maximumf %get3A_11, %max3A_12 : vector<1000x1xf32>
    %div3A = vector.broadcast %max3A_13 : vector<1000x1xf32> to vector<1000x64xf32>
    %div3A_14 = arith.divf %concatenate3A, %div3A : vector<1000x64xf32>
    %get3A_15 = arith.constant 0 : index
    %get3A_16 = arith.constant 0 : index
    %get3A_17 = vector.load %arg4[%get3A_15, %get3A_16] : memref<1000x64xf32, #tpu.memory_space<vmem>>, vector<1000x64xf32>
    %get3A_18 = arith.constant 0 : index
    %get3A_19 = arith.constant 0 : index
    %get3A_20 = vector.load %arg5[%get3A_18, %get3A_19] : memref<64x64xf32, #tpu.memory_space<vmem>>, vector<64x64xf32>
    %dot_general3A = arith.constant dense<0.000000e+00> : vector<1000x64xf32>
    %dot_general3A_21 = tpu.matmul %get3A_17, %get3A_20, %dot_general3A {dimension_numbers = #tpu.dot_dimension_numbers<[1], [0], [0], [1], [0, 0, 1, 1], [], []>, transpose_lhs_hint = false} : vector<1000x64xf32>, vector<64x64xf32>, vector<1000x64xf32> -> vector<1000x64xf32>
    %add3A = arith.addf %div3A_14, %dot_general3A_21 : vector<1000x64xf32>
    %get3A_22 = arith.constant 0 : index
    %get3A_23 = arith.constant 0 : index
    %get3A_24 = vector.load %arg6[%get3A_22, %get3A_23] : memref<1x64xf32, #tpu.memory_space<vmem>>, vector<1x64xf32>
    %add3A_25 = vector.broadcast %get3A_24 : vector<1x64xf32> to vector<1000x64xf32>
    %add3A_26 = arith.addf %add3A, %add3A_25 : vector<1000x64xf32>
    %max3A_27 = arith.constant 0.000000e+00 : f32
    %max3A_28 = vector.broadcast %max3A_27 : f32 to vector<1000x64xf32>
    %max3A_29 = arith.maximumf %add3A_26, %max3A_28 : vector<1000x64xf32>
    %get3A_30 = arith.constant 0 : index
    %get3A_31 = arith.constant 0 : index
    %get3A_32 = vector.load %arg7[%get3A_30, %get3A_31] : memref<64x64xf32, #tpu.memory_space<vmem>>, vector<64x64xf32>
    %dot_general3A_33 = arith.constant dense<0.000000e+00> : vector<1000x64xf32>
    %dot_general3A_34 = tpu.matmul %max3A_29, %get3A_32, %dot_general3A_33 {dimension_numbers = #tpu.dot_dimension_numbers<[1], [0], [0], [1], [0, 0, 1, 1], [], []>, transpose_lhs_hint = false} : vector<1000x64xf32>, vector<64x64xf32>, vector<1000x64xf32> -> vector<1000x64xf32>
    %get3A_35 = arith.constant 0 : index
    %get3A_36 = arith.constant 0 : index
    %get3A_37 = vector.load %arg8[%get3A_35, %get3A_36] : memref<1x64xf32, #tpu.memory_space<vmem>>, vector<1x64xf32>
    %add3A_38 = vector.broadcast %get3A_37 : vector<1x64xf32> to vector<1000x64xf32>
    %add3A_39 = arith.addf %dot_general3A_34, %add3A_38 : vector<1000x64xf32>
    %get3A_40 = arith.constant 0 : index
    %get3A_41 = arith.constant 0 : index
    %get3A_42 = arith.constant 0 : index
    %get3A_43 = vector.load %arg1[%get3A_40, %get3A_41, %get3A_42] : memref<2x1000x32xf32, #tpu.memory_space<vmem>>, vector<1x1000x32xf32>
    %get3A_44 = vector.shape_cast %get3A_43 : vector<1x1000x32xf32> to vector<1000x32xf32>
    %get3A_45 = arith.constant 1 : index
    %get3A_46 = arith.constant 0 : index
    %get3A_47 = arith.constant 0 : index
    %get3A_48 = vector.load %arg1[%get3A_45, %get3A_46, %get3A_47] : memref<2x1000x32xf32, #tpu.memory_space<vmem>>, vector<1x1000x32xf32>
    %get3A_49 = vector.shape_cast %get3A_48 : vector<1x1000x32xf32> to vector<1000x32xf32>
    %concatenate3A_50 = tpu.concatenate %get3A_44, %get3A_49 in 1 : vector<1000x32xf32>, vector<1000x32xf32> -> vector<1000x64xf32>
    %get3A_51 = arith.constant 0 : index
    %get3A_52 = arith.constant 0 : index
    %get3A_53 = vector.load %arg3[%get3A_51, %get3A_52] : memref<1000x1xf32, #tpu.memory_space<vmem>>, vector<1000x1xf32>
    %max3A_54 = arith.constant 1.000000e+00 : f32
    %max3A_55 = vector.broadcast %max3A_54 : f32 to vector<1000x1xf32>
    %max3A_56 = arith.maximumf %get3A_53, %max3A_55 : vector<1000x1xf32>
    %div3A_57 = vector.broadcast %max3A_56 : vector<1000x1xf32> to vector<1000x64xf32>
    %div3A_58 = arith.divf %concatenate3A_50, %div3A_57 : vector<1000x64xf32>
    %add3A_59 = arith.addf %div3A_58, %add3A_39 : vector<1000x64xf32>
    %max3A_60 = arith.constant 0.000000e+00 : f32
    %max3A_61 = vector.broadcast %max3A_60 : f32 to vector<1000x64xf32>
    %max3A_62 = arith.maximumf %add3A_59, %max3A_61 : vector<1000x64xf32>
    %get3A_63 = arith.constant 0 : index
    %get3A_64 = arith.constant 0 : index
    %get3A_65 = vector.load %arg9[%get3A_63, %get3A_64] : memref<64x128xf32, #tpu.memory_space<vmem>>, vector<64x128xf32>
    %dot_general3A_66 = arith.constant dense<0.000000e+00> : vector<1000x128xf32>
    %dot_general3A_67 = tpu.matmul %max3A_62, %get3A_65, %dot_general3A_66 {dimension_numbers = #tpu.dot_dimension_numbers<[1], [0], [0], [1], [0, 0, 1, 1], [], []>, transpose_lhs_hint = false} : vector<1000x64xf32>, vector<64x128xf32>, vector<1000x128xf32> -> vector<1000x128xf32>
    %slice3A = vector.extract_strided_slice %dot_general3A_67 {offsets = [0, 0], sizes = [1000, 2], strides = [1, 1]} : vector<1000x128xf32> to vector<1000x2xf32>
    %get3A_68 = arith.constant 0 : index
    %get3A_69 = arith.constant 0 : index
    %get3A_70 = vector.load %arg10[%get3A_68, %get3A_69] : memref<1x2xf32, #tpu.memory_space<vmem>>, vector<1x2xf32>
    %add3A_71 = vector.broadcast %get3A_70 : vector<1x2xf32> to vector<1000x2xf32>
    %add3A_72 = arith.addf %slice3A, %add3A_71 : vector<1000x2xf32>
    %swap3A = arith.constant 0 : index
    %swap3A_73 = arith.constant 0 : index
    %swap3A_74 = vector.load %arg11[%swap3A, %swap3A_73] : memref<1000x2xf32, #tpu.memory_space<vmem>>, vector<1000x2xf32>
    tpu.vector_store %arg11[%swap3A, %swap3A_73], %add3A_72 {strides = array<i32>} : memref<1000x2xf32, #tpu.memory_space<vmem>>, vector<1000x2xf32>,
    return
  }
  func.func @transform_0(%arg0: i32) -> (i32, i32, i32) {
    %c0_i32 = arith.constant 0 : i32
    %c0_i32_0 = arith.constant 0 : i32
    %c0_i32_1 = arith.constant 0 : i32
    return %c0_i32, %arg0, %c0_i32_0 : i32, i32, i32
  }
  func.func @transform_1(%arg0: i32) -> (i32, i32, i32) {
    %c0_i32 = arith.constant 0 : i32
    %c0_i32_0 = arith.constant 0 : i32
    %c0_i32_1 = arith.constant 0 : i32
    return %c0_i32, %arg0, %c0_i32_0 : i32, i32, i32
  }
  func.func @transform_2(%arg0: i32) -> (i32, i32) {
    %c0_i32 = arith.constant 0 : i32
    %c0_i32_0 = arith.constant 0 : i32
    return %arg0, %c0_i32 : i32, i32
  }
  func.func @transform_3(%arg0: i32) -> (i32, i32) {
    %c0_i32 = arith.constant 0 : i32
    %c0_i32_0 = arith.constant 0 : i32
    return %arg0, %c0_i32 : i32, i32
  }
  func.func @transform_4(%arg0: i32) -> (i32, i32) {
    %c0_i32 = arith.constant 0 : i32
    %c0_i32_0 = arith.constant 0 : i32
    %c0_i32_1 = arith.constant 0 : i32
    return %c0_i32, %c0_i32_0 : i32, i32
  }
  func.func @transform_5(%arg0: i32) -> (i32, i32) {
    %c0_i32 = arith.constant 0 : i32
    %c0_i32_0 = arith.constant 0 : i32
    %c0_i32_1 = arith.constant 0 : i32
    return %c0_i32, %c0_i32_0 : i32, i32
  }
  func.func @transform_6(%arg0: i32) -> (i32, i32) {
    %c0_i32 = arith.constant 0 : i32
    %c0_i32_0 = arith.constant 0 : i32
    %c0_i32_1 = arith.constant 0 : i32
    return %c0_i32, %c0_i32_0 : i32, i32
  }
  func.func @transform_7(%arg0: i32) -> (i32, i32) {
    %c0_i32 = arith.constant 0 : i32
    %c0_i32_0 = arith.constant 0 : i32
    %c0_i32_1 = arith.constant 0 : i32
    return %c0_i32, %c0_i32_0 : i32, i32
  }
  func.func @transform_8(%arg0: i32) -> (i32, i32) {
    %c0_i32 = arith.constant 0 : i32
    %c0_i32_0 = arith.constant 0 : i32
    %c0_i32_1 = arith.constant 0 : i32
    return %c0_i32, %c0_i32_0 : i32, i32
  }
  func.func @transform_9(%arg0: i32) -> (i32, i32) {
    %c0_i32 = arith.constant 0 : i32
    %c0_i32_0 = arith.constant 0 : i32
    %c0_i32_1 = arith.constant 0 : i32
    return %c0_i32, %c0_i32_0 : i32, i32
  }
  func.func @transform_10(%arg0: i32) -> (i32, i32) {
    %c0_i32 = arith.constant 0 : i32
    %c0_i32_0 = arith.constant 0 : i32
    return %arg0, %c0_i32 : i32, i32
  }
}

</mosaic_0001>

<sc_bundles>
// kernel: kernel.10.cloned.1.call-start
scs
__scs_entry_jumppad:
0x0: {  	(pc) =	sbr.rel $0x88, $3  }
0x1: {  	(tag) =	ssettag $0x0;
	lr =	simm.s32 $0x1  }
0x2: {  	[smem:$0x3F8F] =	sst lr;
	_ =	strace $0xD0000000  }
0x3: {  	_ = 	snop  }
0x4: {  	_ = 	snop  }
0x5: {  	_ = 	snop  }
0x6: {  	_ = 	snop  }
0x7: {  	_ = 	snop  }
__scs_overlays_trampoline_lowered:
0x8: {  	[smem:$0x3F9E] =	sst s0  }
0x9: {  	[smem:$0x3F9F] =	sst s1  }
0xa: {  	[smem:$0x3FA0] =	sst s2  }
0xb: {  	[smem:$0x3FA1] =	sst s3  }
0xc: {  	[smem:$0x3FA2] =	sst s4  }
0xd: {  	[smem:$0x3FA3] =	sst s5  }
0xe: {  	[smem:$0x3FA4] =	sst s6  }
0xf: {  	[smem:$0x3FA5] =	sst s7  }
0x10: {  	[smem:$0x3FA6] =	sst s8  }
0x11: {  	[smem:$0x3FA7] =	sst s9;
	s0 =	simm.s32 @!p0 $0x0  }
0x12: {  	s1 =	sld [smem:$0x3F8D];
	s0 =	simm.s32 @p0 $0x1  }
0x13: {  	[smem:$0x3FA8] =	sst s0;
	s0 =	simm.s32 @!p1 $0x0  }
0x14: {  	s2 =	sld [smem:$0x3F8C];
	s0 =	simm.s32 @p1 $0x1  }
0x15: {  	[smem:$0x3FA9] =	sst s0;
	s0 =	simm.s32 @!p2 $0x0  }
0x16: {  	s3 =	sld [smem:$0x3FDB];
	s0 =	simm.s32 @p2 $0x1  }
0x17: {  	s4 =	simm.s32 $0x1BF5;
	[smem:$0x3FAB] =	sst s0  }
0x18: {  	s0 =	sld [smem:$0x3F8E];
	_ =	swait.ge [sflag:s4], $0x0  }
0x19: {  	s7 =	sld [smem:$0x3F8F]  }
0x1a: {  	s8 =	sadd.s32 $0xFFFFE003, lr  }
0x1b: {  	s9 =	sadd.s32 $0xFFFFFEF7, lr;
	s5 =	simm.s32 $0xFFFFFFFF;
	p2 =	slt.u32 s8, $0xFFFFF086  }
0x1c: {  	p1 =	slt.u32 s9, $0xF7A;
	s5 =	simm.s32 @!p2 $0x0  }
0x1d: {  	s5 =	simm.s32 @p1 $0x1;
	p0 =	seq.s32 s7, s2  }
0x1e: {  	s7 =	smul.u32 @!p0 $0xF7A, s2;
	p2 =	seq.s32 @!p0 s5, $0x0  }
0x1f: {  	s9 =	smul.u32 $0xF7A, s1;
	s8 =	simm.s32 @!p0 $0x1BF5;
	p2 =	por !p2, p0  }
0x20: {  	[sflag:s8] =	ssyncset.s32 @!p0 $0xFFFFF086;
	s6 =	sadd.s32 @!p0 s3, s7;
	s7 =	simm.s32 @!p0 $0x108  }
0x21: {  	s3 =	sadd.s32 s3, s9;
	s6 =	sadd.s32 @!p0 $0x88, s6;
	s7 =	simm.s32 @p2 $0x1082  }
0x22: {  	[simem:s7], [sflag:s8] =	dma.local @!p0 [hbm:s6], $0xF7A  }
0x23: {  	s9 =	sor.u32 $0xD0000000, s2;
	s6 =	simm.s32 $0x108;
	_ =	swait.ge @!p0 [sflag:s8], $0x0  }
0x24: {  	s3 =	sadd.s32 $0x88, s3;
	s6 =	simm.s32 @!p1 $0x1082;
	[sflag:s4] =	ssyncset.s32 $0xFFFFF086  }
0x25: {  	[simem:s6], [sflag:s4] =	dma.local [hbm:s3], $0xF7A  }
0x26: {  	[smem:$0x3F8F] =	sst s1;
	(tag) =	ssettag s2;
	_ =	strace s9  }
0x27: {  	s1 =	sld [smem:$0x3F9F]  }
0x28: {  	s2 =	sld [smem:$0x3FA0]  }
0x29: {  	s4 =	sld [smem:$0x3FA2]  }
0x2a: {  	p0 =	seq.s32 s5, $0x0;
	s5 =	sld [smem:$0x3FA3]  }
0x2b: {  	s6 =	sld [smem:$0x3FA4]  }
0x2c: {  	s7 =	sld [smem:$0x3FA5]  }
0x2d: {  	s3 =	simm.s32 $0x108;
	s8 =	sld [smem:$0x3FA6]  }
0x2e: {  	s3 =	simm.s32 @!p0 $0x1082;
	s9 =	sld [smem:$0x3FA7]  }
0x2f: {  	lr =	sadd.s32 s0, s3;
	s0 =	sld [smem:$0x3F9E]  }
0x30: {  	s3 =	sld [smem:$0x3FA1]  }
0x31: {  	[smem:$0x3FAA] =	sst s10  }
0x32: {  	s10 =	sld [smem:$0x3FA8];
	_ =	sdelay $0x3  }
0x33: {  	p0 =	seq.s32 s10, $0x1;
	s10 =	sld [smem:$0x3FAA];
	_ =	sdelay $0x3  }
0x34: {  	[smem:$0x3FAA] =	sst s10  }
0x35: {  	s10 =	sld [smem:$0x3FA9];
	_ =	sdelay $0x3  }
0x36: {  	p1 =	seq.s32 s10, $0x1;
	s10 =	sld [smem:$0x3FAA];
	_ =	sdelay $0x3  }
0x37: {  	[smem:$0x3FAA] =	sst s10  }
0x38: {  	s10 =	sld [smem:$0x3FAB]  }
0x39: {  	_ = 	snop;
	(pc) =	sbr.ind lr, $3  }
0x3a: {  	_ = 	snop  }
0x3b: {  	_ = 	snop  }
0x3c: {  	p2 =	seq.s32 s10, $0x1;
	s10 =	sld [smem:$0x3FAA]  }
0x3d: {  	_ =	shalt  }
0x3e: {  	_ =	shalt  }
0x3f: {  	_ =	shalt  }
0x40: {  	_ =	shalt  }
0x41: {  	_ =	shalt  }
0x42: {  	_ =	shalt  }
0x43: {  	_ =	shalt  }
0x44: {  	_ =	shalt  }
0x45: {  	_ =	shalt  }
0x46: {  	_ =	shalt  }
0x47: {  	_ =	shalt  }
0x48: {  	_ =	shalt  }
0x49: {  	_ =	shalt  }
0x4a: {  	_ =	shalt  }
0x4b: {  	_ =	shalt  }
0x4c: {  	_ =	shalt  }
0x4d: {  	_ =	shalt  }
0x4e: {  	_ =	shalt  }
0x4f: {  	_ =	shalt  }
0x50: {  	_ =	shalt  }
0x51: {  	_ =	shalt  }
0x52: {  	_ =	shalt  }
0x53: {  	_ =	shalt  }
0x54: {  	_ =	shalt  }
0x55: {  	_ =	shalt  }
0x56: {  	_ =	shalt  }
0x57: {  	_ =	shalt  }
0x58: {  	_ =	shalt  }
0x59: {  	_ =	shalt  }
0x5a: {  	_ =	shalt  }
0x5b: {  	_ =	shalt  }
0x5c: {  	_ =	shalt  }
0x5d: {  	_ =	shalt  }
0x5e: {  	_ =	shalt  }
0x5f: {  	_ =	shalt  }
0x60: {  	_ =	shalt  }
0x61: {  	_ =	shalt  }
0x62: {  	_ =	shalt  }
0x63: {  	_ =	shalt  }
0x64: {  	_ =	shalt  }
0x65: {  	_ =	shalt  }
0x66: {  	_ =	shalt  }
0x67: {  	_ =	shalt  }
0x68: {  	_ =	shalt  }
0x69: {  	_ =	shalt  }
0x6a: {  	_ =	shalt  }
0x6b: {  	_ =	shalt  }
0x6c: {  	_ =	shalt  }
0x6d: {  	_ =	shalt  }
0x6e: {  	_ =	shalt  }
0x6f: {  	_ =	shalt  }
0x70: {  	_ =	shalt  }
0x71: {  	_ =	shalt  }
0x72: {  	_ =	shalt  }
0x73: {  	_ =	shalt  }
0x74: {  	_ =	shalt  }
0x75: {  	_ =	shalt  }
0x76: {  	_ =	shalt  }
0x77: {  	_ =	shalt  }
0x78: {  	_ =	shalt  }
0x79: {  	_ =	shalt  }
0x7a: {  	_ =	shalt  }
0x7b: {  	_ =	shalt  }
0x7c: {  	_ =	shalt  }
0x7d: {  	_ =	shalt  }
0x7e: {  	_ =	shalt  }
0x7f: {  	_ =	shalt  }
0x80: {  	_ =	shalt  }
0x81: {  	_ =	shalt  }
0x82: {  	_ =	shalt  }
0x83: {  	_ =	shalt  }
0x84: {  	_ =	shalt  }
0x85: {  	_ =	shalt  }
0x86: {  	_ =	shalt  }
0x87: {  	_ =	shalt  }
.Lfunc_end0:
.L_simem_size_0:
called_computation_lowered:
.L_overlay_start_0:
0x88: {  	s2 =	sld [smem:$0x3FD9]  }
0x89: {  	s3 =	sld [smem:$0x3FFE];
	_ =	sdelay $0x1  }
0x8a: {  	s1 =	srdreg.scid  }
0x8b: {  	s0 =	sand.u32 $0x1, s1  }
0x8c: {  	s17 =	sshll.u32 s0, $0xA;
	s2 =	sadd.s32 s3, s2  }
0x8d: {  	s2 =	sadd.s32 s2, s17  }
0x8e: {  	[smem:$0x3FB6] =	sst s2  }
0x8f: {  	_ = 	snop  }
0x90: {  	s2 =	sld [smem:$0x3FC8];
	(tm) =	ssettm $0x1  }
0x91: {  	s18 =	sld [smem:$0x3FFB];
	_ =	sdelay $0x3  }
0x92: {  	_ =	strace s18  }
0x93: {  	s3 =	sld [smem:$0x3FFC];
	_ =	sdelay $0x3  }
0x94: {  	_ =	strace s3  }
0x95: {  	s3 =	sld [smem:$0x3FFD];
	_ =	sdelay $0x3  }
0x96: {  	_ =	strace s3  }
0x97: {  	_ =	strace $0x8FFFFFFF  }
0x98: {  	s19 =	sld [smem:$0x3FDB];
	_ =	sdelay $0x1  }
0x99: {  	s4 =	simm.s32 $_scs_section_size  }
0x9a: {  	s5 =	simm.s32 $_size__tile_overlayer_lowered;
	s6 =	simm.s32 $_tile_overlayer_lowered  }
0x9b: {  	s22 =	simm.s32 $0x1BFF;
	s21 =	sshll.u32 s6, $0x1;
	s3 =	sadd.s32 s4, s19  }
0x9c: {  	s7 =	simm.s32 $0x0;
	s20 =	sshll.u32 s5, $0x1;
	s5 =	sadd.s32 s21, s3  }
0x9d: {  	[timem:s7], [sflag:s22] =	dma.local [hbm:s5], s20  }
0x9e: {  	_ =	swait.ge [sflag:s22], s20  }
0x9f: {  	s4 =	ssub.s32 $0x0, s20;
	[sflag:s22] =	ssyncset.done $0x0  }
0xa0: {  	[sflag:s22] =	ssyncadd.s32 s4;
	_ =	sdelay $0x1  }
0xa1: {  	s23 =	simm.s32 $0x1B8B  }
0xa2: {  	_ =	swait.ge [sflag:s23], $0x1  }
0xa3: {  	[sflag:s23] =	ssyncset.done $0x0  }
0xa4: {  	s25 =	simm.s32 $0x1B8E;
	s24 =	sld [smem:$0x3FFE];
	[sflag:s23] =	ssyncadd.s32 $0xFFFFFFFF  }
0xa5: {  	s26 =	simm.s32 $execute0_lowered;
	[smem:$0x3FD2] =	sst s25  }
0xa6: {  	s5 =	sshll.u32 s26, $0x1;
	_ =	strace $0x80000046;
	[dreg:$0x1] =	wrdreg $0xFFFFFFFF  }
0xa7: {  	s28 =	simm.s32 $_size_execute0_lowered;
	s3 =	sadd.s32 s3, s5;
	[dreg:$0x0] =	wrdreg $0x0  }
0xa8: {  	s5 =	sshll.u32 s28, $0x1;
	[dreg:$0x2] =	wrdreg s3  }
0xa9: {  	[dreg:$0x3] =	wrdreg s5  }
0xaa: {  	[dreg:$0x4] =	wrdreg $0xC0  }
0xab: {  	_ =	task [dreg:s7], $0x5FFFF  }
0xac: {  	[dreg:$0x1] =	wrdreg $0xFFFFFFFF  }
0xad: {  	[dreg:$0x0] =	wrdreg $0x60  }
0xae: {  	[dreg:$0x2] =	wrdreg s24  }
0xaf: {  	[dreg:$0x3] =	wrdreg s2  }
0xb0: {  	[dreg:$0x4] =	wrdreg $0x7D000  }
0xb1: {  	[dreg:$0x5] =	wrdreg $0x9  }
0xb2: {  	_ =	task.clear_ibuf [dreg:s7], $0x6FFFF;
	_ =	strace $0x90000046  }
0xb3: {  	s29 =	simm.s32 $0x9;
	_ =	strace $0x80000048  }
0xb4: {  	_ =	swait.ge [sflag:s29], $0x1  }
0xb5: {  	[sflag:s29] =	ssyncadd.s32 $0xFFFFFFFF  }
0xb6: {  	_ =	strace $0x90000048  }
0xb7: {  	_ =	sfence  }
0xb8: {  	s30 =	sld [smem:$0x0];
	_ =	sdelay $0x2  }
0xb9: {  	s31 =	sshll.u32 s1, $0xD;
	s1 =	sshrl.u32 s1, $0x2  }
0xba: {  	s3 =	sand.u32 $0x4000, s31;
	s1 =	sadd.s32 s1, s30  }
0xbb: {  	s0 =	sor.u32 s3, s0;
	s1 =	sshll.u32 s1, $0x11  }
0xbc: {  	s0 =	sor.u32 s1, s0  }
0xbd: {  	s0 =	sadd.s32 $0x8F2B, s0  }
0xbe: {  	[sflag:s0] =	ssyncadd.remote.s32 $0x1  }
0xbf: {  	_ =	sfence.sel $0xFFFF  }
0xc0: {  	[dreg:$0x0] =	wrdreg $0xFFFFFFFF;
	(pc) =	sbr.abs _section_cstart, $3  }
0xc1: {  	[dreg:$0x1] =	wrdreg $0xFFFFFFFF  }
0xc2: {  	_ =	task.clear_ibuf [dreg:s7], $0x2FFFF;
	_ =	strace $0x9FFFFFFF  }
0xc3: {  	(tm) =	ssettm $0x7FFFFFFF  }
tec
execute0_lowered:
.L_overlay_start_1:
0x0: {  	(tag) =	ssettag $0x1  }
0x1: {  	s7 =	rddreg [dreg:$0x0]  }
0x2: {  	s9 =	rddreg [dreg:$0x1]  }
0x3: {  	s2 =	rddreg [dreg:$0x2]  }
0x4: {  	s0 =	rddreg [dreg:$0x3];
	s1 =	stileid.u32  }
0x5: {  	s4 =	srdreg.scid;
	s3 =	simm.s32 $0x0;
	s17 =	simm.s32 $0x6D60  }
0x6: {  	s5 =	smul.u32 $0x6400, s1;
	s8 =	sand.u32 $0x1, s4;
	[smem:$0x7FF] =	sst s3  }
0x7: {  	s10 =	smul.u32 $0xC80, s1;
	s4 =	sadd.s32 $0x1EBE00, s7;
	s14 =	sshll.u32 s1, $0x1  }
0x8: {  	s19 =	sadd.s32 $0x4CCA0, s7;
	s16 =	sadd.s32 $0x1BEA0, s7;
	s21 =	smul.u32 $0x186A, s1  }
0x9: {  	s6 =	smul.u32 $0x1900, s8;
	_ =	strace $0x80000047;
	s12 =	ssub.s32 $0x2, s8  }
0xa: {  	s14 =	sor.u32 s8, s14;
	p0 =	seq.s32 s8, $0x1;
	s15 =	smul.u32 $0x640, s8  }
0xb: {  	s8 =	smul.u32 $0x3200, s8;
	s11 =	sadd.s32 s5, s7;
	s31 =	sshrl.u32 s12, $0x1  }
0xc: {  	s5 =	sadd.s32 s10, s2;
	s20 =	sshrl.u32 s10, $0x3;
	p1 =	seq.s32 s14, $0x1F  }
0xd: {  	s14 =	sadd.s32 s16, s21;
	s16 =	simm.s32 $0x7D0;
	s19 =	sadd.s32 s19, s21  }
0xe: {  	s13 =	sadd.s32 s6, s7;
	s12 =	ssub.s32 s12, s31;
	s6 =	sadd.s32 $0x7D0, s5  }
.Ltmp0:
0xf: {  	s10 =	sadd.s32 s15, s10;
	s8 =	sadd.s32 s8, s11;
	(pc) =	sbr.rel .LBB2_1-.Ltmp0, $4  }
0x10: {  	s11 =	simm.s32 $0x2;
	s15 =	simm.s32 $0x6590;
	s18 =	sadd.s32 $0xC7000, s13  }
0x11: {  	s7 =	smax.u32 s12, $0x1;
	s10 =	sshrl.u32 s10, $0x3;
	s8 =	sadd.s32 $0x65400, s8  }
0x12: {  	s12 =	simm.s32 $0x190;
	s13 =	simm.s32 $0x1;
	s9 =	sadd.s32 s10, s9  }
0x13: {  	v0 =	vimm.f32 $1.000000000e+00;
	v1 =	vimm.f32 $0.0e+00;
	s10 =	simm.s32 $0x7530;
	s18 =	sadd.s32 s20, s18;
	s20 =	simm.s32 $0x0  }
.LBB2_8:
0x14: {  	s21 =	sadd.s32 s21, s19;
	[sflag:s11] =	ssyncadd.s32 $0xFFFFF830  }
0x15: {  	[tilespmem:s15], [sflag:$0x2] =	stream.linear.gather [hbm4b:s21+s3], $0x7D0, $0x38;
	[tilespmem:$0x8980] =	vst v63  }
0x16: {  	_ =	swait.ge [sflag:s11], $0x7D0  }
0x17: {  	[sflag:s11] =	ssyncset.done $0x0  }
0x18: {  	[sflag:s11] =	ssyncadd.s32 $0xFFFFF830  }
0x19: {  	[spmem:s2] =	stream.indirect.scatter.add.f32 [tilespmem:s17], [sflag:$0x2], $0x1, s15, s16, $0xb8;
	[tilespmem:$0x8980] =	vst v63  }
0x1a: {  	_ =	swait.ge [sflag:s11], $0x7D0  }
0x1b: {  	[sflag:s11] =	ssyncset.done $0x0  }
0x1c: {  	[sflag:s11] =	ssyncadd.s32 $0xFFFFF830  }
.LBB2_12:
0x1d: {  	s20 =	sadd.s32 $0x1, s20  }
0x1e: {  	s21 =	sshll.u32 s1, $0x6;
	[bflag:$0x0] =	sbarrier.arrive $0xFFFF;
	p2 =	sne.s32 s20, s7  }
.Ltmp1:
0x1f: {  	s22 =	sshrl.u32 s5, $0x3;
	s21 =	sor.u32 $0x1C02, s21;
	(pc) =	sbr.rel @!p2 .LBB2_13-.Ltmp1, $4  }
0x20: {  	[hbm:s18], [sflag:s21] =	dma.local [spmem:s22], $0x190  }
0x21: {  	_ =	swait.ge [sflag:s11], $0x190  }
0x22: {  	[sflag:s11] =	ssyncset.done $0x0  }
0x23: {  	[sflag:s11] =	ssyncadd.s32 $0xFFFFFE70  }
.LBB2_1:
0x24: {  	s21 =	simm.s32 $0x40;
	s22 =	simm.s32 $0x0  }
.LBB2_2:
0x25: {  	p2 =	sne.s32 s21, $0x1F00;
	[tilespmem:s22+$0x6D60] =	vst v0;
	s23 =	smov.u32 s21;
	s21 =	sadd.s32 $0x40, s21  }
.Ltmp2:
0x26: {  	[tilespmem:s22+$0x7530] =	vst v1;
	(pc) =	sbr.rel @p2 .LBB2_2-.Ltmp2, $2  }
0x27: {  	_ =	sdelay $0x2  }
0x28: {  	s22 =	sshra.s32 s23, $0x2  }
0x29: {  	[tilespmem:s22+$0x6D60] =	vst v0  }
0x2a: {  	[tilespmem:s22+$0x7530] =	vst v1  }
0x2b: {  	[spmem:s5] =	stream.linear.scatter [tilespmem:s10], [sflag:$0x2], $0x7D0, $0x38;
	[tilespmem:$0x8980] =	vst v63  }
0x2c: {  	_ =	swait.ge [sflag:s11], $0x7D0  }
0x2d: {  	[sflag:s11] =	ssyncset.done $0x0  }
0x2e: {  	[sflag:s11] =	ssyncadd.s32 $0xFFFFF830  }
0x2f: {  	[spmem:s6] =	stream.linear.scatter [tilespmem:s10], [sflag:$0x2], $0x4B0, $0x38;
	[tilespmem:$0x8980] =	vst v63  }
0x30: {  	_ =	swait.ge [sflag:s11], $0x4B0  }
0x31: {  	[sflag:s11] =	ssyncset.done $0x0  }
0x32: {  	s23 =	simm.s32 $0x0;
	[sflag:s11] =	ssyncadd.s32 $0xFFFFFB50  }
0x33: {  	s21 =	smov.u32 s9;
	s22 =	smov.u32 s8;
	[bflag:$0x0] =	sbarrier.arrive $0xFFFF  }
.LBB2_4:
0x34: {  	[tilespmem:s3], [sflag:$0x2] =	stream.linear.gather [hbm4b:s21+s3], $0x190, $0x38;
	[tilespmem:$0x8980] =	vst v63  }
0x35: {  	_ =	swait.ge [sflag:s11], $0x190  }
0x36: {  	[sflag:s11] =	ssyncset.done $0x0  }
0x37: {  	[sflag:s11] =	ssyncadd.s32 $0xFFFFFE70  }
0x38: {  	[tilespmem:s12], [sflag:$0x1] =	stream.indirect.gather [hbm4b:s4+s12], $0x40, s3, s12, $0xb8;
	[tilespmem:$0x8980] =	vst v63  }
0x39: {  	p2 =	slt.u32 @!p1 s23, $0x3;
	_ =	swait.ge [sflag:s13], $0x6400  }
0x3a: {  	p2 =	por p1, !p2;
	[sflag:s13] =	ssyncset.done $0x0  }
.Ltmp3:
0x3b: {  	[sflag:s13] =	ssyncadd.s32 $0xFFFF9C00;
	(pc) =	sbr.rel @!p2 .LBB2_4-.Ltmp3, $4  }
0x3c: {  	[hbm4b:s22+s3] =	stream.linear.scatter [tilespmem:s12], [sflag:$0x2], $0x6400, $0x38;
	[tilespmem:$0x8980] =	vst v63  }
0x3d: {  	_ =	swait.ge [sflag:s11], $0x6400  }
0x3e: {  	s23 =	sadd.s32 $0x1, s23;
	[sflag:s11] =	ssyncset.done $0x0  }
0x3f: {  	s21 =	sadd.s32 $0x32, s21;
	s22 =	sadd.s32 $0xC80, s22;
	[sflag:s11] =	ssyncadd.s32 $0xFFFF9C00  }
.Ltmp4:
0x40: {  	(pc) =	sbr.rel @!p0 .LBB2_6-.Ltmp4, $1  }
0x41: {  	_ =	sdelay $0x3  }
0x42: {  	s21 =	sadd.s32 $0x0, s14  }
0x43: {  	[tilespmem:s15], [sflag:$0x2] =	stream.linear.gather [hbm4b:s21+s3], $0x7D0, $0x38;
	[tilespmem:$0x8980] =	vst v63  }
0x44: {  	_ =	swait.ge [sflag:s11], $0x7D0  }
0x45: {  	[sflag:s11] =	ssyncset.done $0x0  }
0x46: {  	[sflag:s11] =	ssyncadd.s32 $0xFFFFF830  }
0x47: {  	[spmem:s2] =	stream.indirect.scatter.add.f32 [tilespmem:s17], [sflag:$0x2], $0x1, s15, s16, $0xb8;
	[tilespmem:$0x8980] =	vst v63  }
0x48: {  	_ =	swait.ge [sflag:s11], $0x7D0  }
0x49: {  	s22 =	simm.s32 $0x1F4;
	s21 =	simm.s32 $0xFA;
	[sflag:s11] =	ssyncset.done $0x0  }
.LBB2_10:
0x4a: {  	s23 =	sadd.s32 s21, s14  }
0x4b: {  	[sflag:s11] =	ssyncadd.s32 $0xFFFFF830;
	s21 =	smov.u32 s22;
	s24 =	sadd.s32 $0xFA, s22  }
0x4c: {  	[tilespmem:s15], [sflag:$0x2] =	stream.linear.gather [hbm4b:s23+s3], $0x7D0, $0x38;
	[tilespmem:$0x8980] =	vst v63  }
0x4d: {  	p2 =	sne.s32 s22, $0x1770;
	_ =	swait.ge [sflag:s11], $0x7D0  }
.Ltmp5:
0x4e: {  	[sflag:s11] =	ssyncset.done $0x0;
	(pc) =	sbr.rel @p2 .LBB2_10-.Ltmp5, $4  }
0x4f: {  	[sflag:s11] =	ssyncadd.s32 $0xFFFFF830  }
0x50: {  	[spmem:s2] =	stream.indirect.scatter.add.f32 [tilespmem:s17], [sflag:$0x2], $0x1, s15, s16, $0xb8;
	[tilespmem:$0x8980] =	vst v63  }
0x51: {  	_ =	swait.ge [sflag:s11], $0x7D0  }
0x52: {  	s22 =	smov.u32 s24;
	[sflag:s11] =	ssyncset.done $0x0  }
0x53: {  	s21 =	sadd.s32 s21, s14;
	[sflag:s11] =	ssyncadd.s32 $0xFFFFF830  }
0x54: {  	[tilespmem:s15], [sflag:$0x2] =	stream.linear.gather [hbm4b:s21+s3], $0x7D0, $0x38;
	[tilespmem:$0x8980] =	vst v63  }
0x55: {  	_ =	swait.ge [sflag:s11], $0x7D0  }
0x56: {  	[sflag:s11] =	ssyncset.done $0x0  }
.Ltmp6:
0x57: {  	[sflag:s11] =	ssyncadd.s32 $0xFFFFF830;
	(pc) =	sbr.rel .LBB2_12-.Ltmp6, $4  }
0x58: {  	[spmem:s2] =	stream.indirect.scatter.add.f32 [tilespmem:s17], [sflag:$0x2], $0x1, s15, s16, $0xb8;
	[tilespmem:$0x8980] =	vst v63  }
0x59: {  	_ =	swait.ge [sflag:s11], $0x7D0  }
0x5a: {  	[sflag:s11] =	ssyncset.done $0x0  }
0x5b: {  	[sflag:s11] =	ssyncadd.s32 $0xFFFFF830  }
.LBB2_6:
0x5c: {  	s21 =	sadd.s32 $0x0, s19  }
0x5d: {  	[tilespmem:s15], [sflag:$0x2] =	stream.linear.gather [hbm4b:s21+s3], $0x7D0, $0x38;
	[tilespmem:$0x8980] =	vst v63  }
0x5e: {  	_ =	swait.ge [sflag:s11], $0x7D0  }
0x5f: {  	[sflag:s11] =	ssyncset.done $0x0  }
0x60: {  	[sflag:s11] =	ssyncadd.s32 $0xFFFFF830  }
0x61: {  	[spmem:s2] =	stream.indirect.scatter.add.f32 [tilespmem:s17], [sflag:$0x2], $0x1, s15, s16, $0xb8;
	[tilespmem:$0x8980] =	vst v63  }
0x62: {  	_ =	swait.ge [sflag:s11], $0x7D0  }
0x63: {  	s22 =	simm.s32 $0x1F4;
	s21 =	simm.s32 $0xFA;
	[sflag:s11] =	ssyncset.done $0x0  }
.LBB2_7:
0x64: {  	s23 =	sadd.s32 s21, s19  }
0x65: {  	[sflag:s11] =	ssyncadd.s32 $0xFFFFF830;
	s21 =	smov.u32 s22;
	s24 =	sadd.s32 $0xFA, s22  }
0x66: {  	[tilespmem:s15], [sflag:$0x2] =	stream.linear.gather [hbm4b:s23+s3], $0x7D0, $0x38;
	[tilespmem:$0x8980] =	vst v63  }
0x67: {  	p2 =	seq.s32 s22, $0x1770;
	_ =	swait.ge [sflag:s11], $0x7D0  }
.Ltmp7:
0x68: {  	[sflag:s11] =	ssyncset.done $0x0;
	(pc) =	sbr.rel @!p2 .LBB2_7-.Ltmp7, $4  }
0x69: {  	[sflag:s11] =	ssyncadd.s32 $0xFFFFF830  }
0x6a: {  	[spmem:s2] =	stream.indirect.scatter.add.f32 [tilespmem:s17], [sflag:$0x2], $0x1, s15, s16, $0xb8;
	[tilespmem:$0x8980] =	vst v63  }
0x6b: {  	_ =	swait.ge [sflag:s11], $0x7D0  }
0x6c: {  	s22 =	smov.u32 s24;
	[sflag:s11] =	ssyncset.done $0x0  }
.Ltmp8:
0x6d: {  	_ = 	snop;
	(pc) =	sbr.rel .LBB2_8-.Ltmp8, $1  }
0x6e: {  	_ =	sdelay $0x3  }
.LBB2_13:
0x6f: {  	_ =	sfence.sel $0x180000  }
0x70: {  	[bflag:$0x0] =	sbarrier.arrive $0xFFFF  }
0x71: {  	p0 =	sne.s32 s1, $0x0;
	_ =	strace $0x90000047  }
0x72: {  	s0 =	sadd.s32 @!p0 $0x100000, s0;
	[bflag:$0x2] =	sbarrier.arrive $0xFFFF  }
0x73: {  	[sflag:s0] =	ssyncadd.tile.s32 @!p0 $0x1;
	_ =	shalt  }
.Lfunc_end2:
_tile_overlayer_lowered:
.L_overlay_start_2:
0x74: {  	(tag) =	ssettag $0x2  }
0x75: {  	s0 =	rddreg [dreg:$0x0];
	s2 =	stileid.u32  }
0x76: {  	s1 =	rddreg [dreg:$0x1];
	p0 =	sne.s32 s2, $0x0  }
0x77: {  	s3 =	rddreg [dreg:$0x2];
	[bflag:$0x3] =	sbarrier.arrive $0xFFFF;
	s2 =	simm.s32 @!p0 $0x1C02  }
0x78: {  	[timem:s3], [sflag:s2] =	dma.local @!p0 [hbm:s0], s1  }
0x79: {  	s0 =	simm.s32 @!p0 $0x2  }
0x7a: {  	_ =	swait.ge @!p0 [sflag:s0], s1  }
0x7b: {  	s1 =	ssub.s32 @!p0 $0x0, s1;
	[sflag:s0] =	ssyncset.done @!p0 $0x0  }
0x7c: {  	[sflag:s0] =	ssyncadd.s32 @!p0 s1  }
0x7d: {  	[bflag:$0x3] =	sbarrier.arrive $0xFFFF  }
0x7e: {  	_ =	shalt  }

// kernel: kernel.13.cloned.1.call-start
scs
__scs_entry_jumppad:
0x0: {  	(pc) =	sbr.rel $0x88, $3  }
0x1: {  	(tag) =	ssettag $0x0;
	lr =	simm.s32 $0x1  }
0x2: {  	[smem:$0x3F8F] =	sst lr;
	_ =	strace $0xD0000000  }
0x3: {  	_ = 	snop  }
0x4: {  	_ = 	snop  }
0x5: {  	_ = 	snop  }
0x6: {  	_ = 	snop  }
0x7: {  	_ = 	snop  }
__scs_overlays_trampoline_lowered:
0x8: {  	[smem:$0x3F9E] =	sst s0  }
0x9: {  	[smem:$0x3F9F] =	sst s1  }
0xa: {  	[smem:$0x3FA0] =	sst s2  }
0xb: {  	[smem:$0x3FA1] =	sst s3  }
0xc: {  	[smem:$0x3FA2] =	sst s4  }
0xd: {  	[smem:$0x3FA3] =	sst s5  }
0xe: {  	[smem:$0x3FA4] =	sst s6  }
0xf: {  	[smem:$0x3FA5] =	sst s7  }
0x10: {  	[smem:$0x3FA6] =	sst s8  }
0x11: {  	[smem:$0x3FA7] =	sst s9;
	s0 =	simm.s32 @!p0 $0x0  }
0x12: {  	s1 =	sld [smem:$0x3F8D];
	s0 =	simm.s32 @p0 $0x1  }
0x13: {  	[smem:$0x3FA8] =	sst s0;
	s0 =	simm.s32 @!p1 $0x0  }
0x14: {  	s2 =	sld [smem:$0x3F8C];
	s0 =	simm.s32 @p1 $0x1  }
0x15: {  	[smem:$0x3FA9] =	sst s0;
	s0 =	simm.s32 @!p2 $0x0  }
0x16: {  	s3 =	sld [smem:$0x3FDB];
	s0 =	simm.s32 @p2 $0x1  }
0x17: {  	s4 =	simm.s32 $0x1BF5;
	[smem:$0x3FAB] =	sst s0  }
0x18: {  	s0 =	sld [smem:$0x3F8E];
	_ =	swait.ge [sflag:s4], $0x0  }
0x19: {  	s7 =	sld [smem:$0x3F8F]  }
0x1a: {  	s8 =	sadd.s32 $0xFFFFE003, lr  }
0x1b: {  	s9 =	sadd.s32 $0xFFFFFEF7, lr;
	s5 =	simm.s32 $0xFFFFFFFF;
	p2 =	slt.u32 s8, $0xFFFFF086  }
0x1c: {  	p1 =	slt.u32 s9, $0xF7A;
	s5 =	simm.s32 @!p2 $0x0  }
0x1d: {  	s5 =	simm.s32 @p1 $0x1;
	p0 =	seq.s32 s7, s2  }
0x1e: {  	s7 =	smul.u32 @!p0 $0xF7A, s2;
	p2 =	seq.s32 @!p0 s5, $0x0  }
0x1f: {  	s9 =	smul.u32 $0xF7A, s1;
	s8 =	simm.s32 @!p0 $0x1BF5;
	p2 =	por !p2, p0  }
0x20: {  	[sflag:s8] =	ssyncset.s32 @!p0 $0xFFFFF086;
	s6 =	sadd.s32 @!p0 s3, s7;
	s7 =	simm.s32 @!p0 $0x108  }
0x21: {  	s3 =	sadd.s32 s3, s9;
	s6 =	sadd.s32 @!p0 $0x88, s6;
	s7 =	simm.s32 @p2 $0x1082  }
0x22: {  	[simem:s7], [sflag:s8] =	dma.local @!p0 [hbm:s6], $0xF7A  }
0x23: {  	s9 =	sor.u32 $0xD0000000, s2;
	s6 =	simm.s32 $0x108;
	_ =	swait.ge @!p0 [sflag:s8], $0x0  }
0x24: {  	s3 =	sadd.s32 $0x88, s3;
	s6 =	simm.s32 @!p1 $0x1082;
	[sflag:s4] =	ssyncset.s32 $0xFFFFF086  }
0x25: {  	[simem:s6], [sflag:s4] =	dma.local [hbm:s3], $0xF7A  }
0x26: {  	[smem:$0x3F8F] =	sst s1;
	(tag) =	ssettag s2;
	_ =	strace s9  }
0x27: {  	s1 =	sld [smem:$0x3F9F]  }
0x28: {  	s2 =	sld [smem:$0x3FA0]  }
0x29: {  	s4 =	sld [smem:$0x3FA2]  }
0x2a: {  	p0 =	seq.s32 s5, $0x0;
	s5 =	sld [smem:$0x3FA3]  }
0x2b: {  	s6 =	sld [smem:$0x3FA4]  }
0x2c: {  	s7 =	sld [smem:$0x3FA5]  }
0x2d: {  	s3 =	simm.s32 $0x108;
	s8 =	sld [smem:$0x3FA6]  }
0x2e: {  	s3 =	simm.s32 @!p0 $0x1082;
	s9 =	sld [smem:$0x3FA7]  }
0x2f: {  	lr =	sadd.s32 s0, s3;
	s0 =	sld [smem:$0x3F9E]  }
0x30: {  	s3 =	sld [smem:$0x3FA1]  }
0x31: {  	[smem:$0x3FAA] =	sst s10  }
0x32: {  	s10 =	sld [smem:$0x3FA8];
	_ =	sdelay $0x3  }
0x33: {  	p0 =	seq.s32 s10, $0x1;
	s10 =	sld [smem:$0x3FAA];
	_ =	sdelay $0x3  }
0x34: {  	[smem:$0x3FAA] =	sst s10  }
0x35: {  	s10 =	sld [smem:$0x3FA9];
	_ =	sdelay $0x3  }
0x36: {  	p1 =	seq.s32 s10, $0x1;
	s10 =	sld [smem:$0x3FAA];
	_ =	sdelay $0x3  }
0x37: {  	[smem:$0x3FAA] =	sst s10  }
0x38: {  	s10 =	sld [smem:$0x3FAB]  }
0x39: {  	_ = 	snop;
	(pc) =	sbr.ind lr, $3  }
0x3a: {  	_ = 	snop  }
0x3b: {  	_ = 	snop  }
0x3c: {  	p2 =	seq.s32 s10, $0x1;
	s10 =	sld [smem:$0x3FAA]  }
0x3d: {  	_ =	shalt  }
0x3e: {  	_ =	shalt  }
0x3f: {  	_ =	shalt  }
0x40: {  	_ =	shalt  }
0x41: {  	_ =	shalt  }
0x42: {  	_ =	shalt  }
0x43: {  	_ =	shalt  }
0x44: {  	_ =	shalt  }
0x45: {  	_ =	shalt  }
0x46: {  	_ =	shalt  }
0x47: {  	_ =	shalt  }
0x48: {  	_ =	shalt  }
0x49: {  	_ =	shalt  }
0x4a: {  	_ =	shalt  }
0x4b: {  	_ =	shalt  }
0x4c: {  	_ =	shalt  }
0x4d: {  	_ =	shalt  }
0x4e: {  	_ =	shalt  }
0x4f: {  	_ =	shalt  }
0x50: {  	_ =	shalt  }
0x51: {  	_ =	shalt  }
0x52: {  	_ =	shalt  }
0x53: {  	_ =	shalt  }
0x54: {  	_ =	shalt  }
0x55: {  	_ =	shalt  }
0x56: {  	_ =	shalt  }
0x57: {  	_ =	shalt  }
0x58: {  	_ =	shalt  }
0x59: {  	_ =	shalt  }
0x5a: {  	_ =	shalt  }
0x5b: {  	_ =	shalt  }
0x5c: {  	_ =	shalt  }
0x5d: {  	_ =	shalt  }
0x5e: {  	_ =	shalt  }
0x5f: {  	_ =	shalt  }
0x60: {  	_ =	shalt  }
0x61: {  	_ =	shalt  }
0x62: {  	_ =	shalt  }
0x63: {  	_ =	shalt  }
0x64: {  	_ =	shalt  }
0x65: {  	_ =	shalt  }
0x66: {  	_ =	shalt  }
0x67: {  	_ =	shalt  }
0x68: {  	_ =	shalt  }
0x69: {  	_ =	shalt  }
0x6a: {  	_ =	shalt  }
0x6b: {  	_ =	shalt  }
0x6c: {  	_ =	shalt  }
0x6d: {  	_ =	shalt  }
0x6e: {  	_ =	shalt  }
0x6f: {  	_ =	shalt  }
0x70: {  	_ =	shalt  }
0x71: {  	_ =	shalt  }
0x72: {  	_ =	shalt  }
0x73: {  	_ =	shalt  }
0x74: {  	_ =	shalt  }
0x75: {  	_ =	shalt  }
0x76: {  	_ =	shalt  }
0x77: {  	_ =	shalt  }
0x78: {  	_ =	shalt  }
0x79: {  	_ =	shalt  }
0x7a: {  	_ =	shalt  }
0x7b: {  	_ =	shalt  }
0x7c: {  	_ =	shalt  }
0x7d: {  	_ =	shalt  }
0x7e: {  	_ =	shalt  }
0x7f: {  	_ =	shalt  }
0x80: {  	_ =	shalt  }
0x81: {  	_ =	shalt  }
0x82: {  	_ =	shalt  }
0x83: {  	_ =	shalt  }
0x84: {  	_ =	shalt  }
0x85: {  	_ =	shalt  }
0x86: {  	_ =	shalt  }
0x87: {  	_ =	shalt  }
.Lfunc_end0:
.L_simem_size_0:
called_computation.1_lowered:
.L_overlay_start_0:
0x88: {  	s2 =	sld [smem:$0x3FD9]  }
0x89: {  	s3 =	sld [smem:$0x3FFE];
	_ =	sdelay $0x1  }
0x8a: {  	s1 =	srdreg.scid  }
0x8b: {  	s0 =	sand.u32 $0x1, s1  }
0x8c: {  	s16 =	sshll.u32 s0, $0xA;
	s2 =	sadd.s32 s3, s2  }
0x8d: {  	s2 =	sadd.s32 s2, s16  }
0x8e: {  	[smem:$0x3FB6] =	sst s2  }
0x8f: {  	_ = 	snop  }
0x90: {  	(tm) =	ssettm $0x1  }
0x91: {  	s17 =	sld [smem:$0x3FFB];
	_ =	sdelay $0x3  }
0x92: {  	_ =	strace s17  }
0x93: {  	s2 =	sld [smem:$0x3FFC];
	_ =	sdelay $0x3  }
0x94: {  	_ =	strace s2  }
0x95: {  	s2 =	sld [smem:$0x3FFD];
	_ =	sdelay $0x3  }
0x96: {  	_ =	strace s2  }
0x97: {  	_ =	strace $0x8FFFFFFF  }
0x98: {  	s18 =	sld [smem:$0x3FDB];
	_ =	sdelay $0x1  }
0x99: {  	s19 =	simm.s32 $_scs_section_size  }
0x9a: {  	s4 =	simm.s32 $_size__tile_overlayer_lowered;
	s5 =	simm.s32 $_tile_overlayer_lowered  }
0x9b: {  	s22 =	simm.s32 $0x1BFF;
	s21 =	sshll.u32 s5, $0x1;
	s2 =	sadd.s32 s19, s18  }
0x9c: {  	s6 =	simm.s32 $0x0;
	s20 =	sshll.u32 s4, $0x1;
	s4 =	sadd.s32 s21, s2  }
0x9d: {  	[timem:s6], [sflag:s22] =	dma.local [hbm:s4], s20  }
0x9e: {  	_ =	swait.ge [sflag:s22], s20  }
0x9f: {  	s3 =	ssub.s32 $0x0, s20;
	[sflag:s22] =	ssyncset.done $0x0  }
0xa0: {  	[sflag:s22] =	ssyncadd.s32 s3;
	_ =	sdelay $0x1  }
0xa1: {  	s23 =	simm.s32 $0x1B8B  }
0xa2: {  	_ =	swait.ge [sflag:s23], $0x1  }
0xa3: {  	[sflag:s23] =	ssyncset.done $0x0  }
0xa4: {  	s25 =	simm.s32 $0x1B8E;
	s24 =	sld [smem:$0x3FFE];
	[sflag:s23] =	ssyncadd.s32 $0xFFFFFFFF  }
0xa5: {  	s26 =	simm.s32 $execute0_lowered;
	[smem:$0x3FD2] =	sst s25  }
0xa6: {  	s4 =	sshll.u32 s26, $0x1;
	_ =	strace $0x80000049;
	[dreg:$0x1] =	wrdreg $0xFFFFFFFF  }
0xa7: {  	s28 =	simm.s32 $_size_execute0_lowered;
	s2 =	sadd.s32 s2, s4;
	[dreg:$0x0] =	wrdreg $0x0  }
0xa8: {  	s4 =	sshll.u32 s28, $0x1;
	[dreg:$0x2] =	wrdreg s2  }
0xa9: {  	[dreg:$0x3] =	wrdreg s4  }
0xaa: {  	[dreg:$0x4] =	wrdreg $0xC0  }
0xab: {  	_ =	task [dreg:s6], $0x5FFFF  }
0xac: {  	[dreg:$0x1] =	wrdreg $0xFFFFFFFF  }
0xad: {  	[dreg:$0x0] =	wrdreg $0x60  }
0xae: {  	[dreg:$0x2] =	wrdreg s24  }
0xaf: {  	[dreg:$0x3] =	wrdreg $0x6A400  }
0xb0: {  	[dreg:$0x4] =	wrdreg $0xA  }
0xb1: {  	_ =	task.clear_ibuf [dreg:s6], $0x5FFFF;
	_ =	strace $0x90000049  }
0xb2: {  	s29 =	simm.s32 $0xA;
	_ =	strace $0x8000004B  }
0xb3: {  	_ =	swait.ge [sflag:s29], $0x1  }
0xb4: {  	[sflag:s29] =	ssyncadd.s32 $0xFFFFFFFF  }
0xb5: {  	_ =	strace $0x9000004B  }
0xb6: {  	_ =	sfence  }
0xb7: {  	s30 =	sld [smem:$0x0];
	_ =	sdelay $0x2  }
0xb8: {  	s31 =	sshll.u32 s1, $0xD;
	s1 =	sshrl.u32 s1, $0x2  }
0xb9: {  	s3 =	sand.u32 $0x4000, s31;
	s1 =	sadd.s32 s1, s30  }
0xba: {  	s0 =	sor.u32 s3, s0;
	s1 =	sshll.u32 s1, $0x11  }
0xbb: {  	s0 =	sor.u32 s1, s0  }
0xbc: {  	s0 =	sadd.s32 $0x8F2B, s0  }
0xbd: {  	[sflag:s0] =	ssyncadd.remote.s32 $0x1  }
0xbe: {  	_ =	sfence.sel $0xFFFF  }
0xbf: {  	[dreg:$0x0] =	wrdreg $0xFFFFFFFF;
	(pc) =	sbr.abs _section_cstart, $3  }
0xc0: {  	[dreg:$0x1] =	wrdreg $0xFFFFFFFF  }
0xc1: {  	_ =	task.clear_ibuf [dreg:s6], $0x2FFFF;
	_ =	strace $0x9FFFFFFF  }
0xc2: {  	(tm) =	ssettm $0x7FFFFFFF  }
0xc3: {  	_ =	shalt  }
tec
execute0_lowered:
.L_overlay_start_1:
0x0: {  	(tag) =	ssettag $0x1  }
0x1: {  	s0 =	rddreg [dreg:$0x0];
	s2 =	srdreg.scid  }
0x2: {  	s1 =	rddreg [dreg:$0x1];
	s3 =	simm.s32 $0x0;
	s9 =	stileid.u32  }
0x3: {  	s28 =	simm.s32 $0x320;
	s29 =	simm.s32 $0x4B0;
	s17 =	smul.u32 $0x64000, s9  }
0x4: {  	s30 =	simm.s32 $0x3;
	s31 =	simm.s32 $0x3840;
	s20 =	smul.u32 $0x19000, s9  }
0x5: {  	s2 =	sand.u32 $0x1, s2;
	[smem:$0x7FF] =	sst s3;
	s11 =	smul.u32 $0xC350, s9  }
0x6: {  	s6 =	sadd.s32 $0x34600, s0;
	s15 =	sadd.s32 $0x4CCA0, s0;
	s4 =	smul.u32 $0x30D40, s2  }
0x7: {  	_ =	strace $0x8000004A;
	s7 =	smul.u32 $0x32000, s2;
	s2 =	ssub.s32 $0x2, s2  }
0x8: {  	s8 =	sshrl.u32 s2, $0x1;
	s11 =	sshrl.u32 s11, $0x3;
	s26 =	sshrl.u32 s20, $0x3  }
0x9: {  	s5 =	sadd.s32 s4, s0;
	s4 =	sshrl.u32 s17, $0x2;
	s7 =	sadd.s32 s7, s0  }
0xa: {  	s2 =	ssub.s32 s2, s8;
	s13 =	sadd.s32 s6, s11;
	s14 =	sadd.s32 $0x32, s11  }
0xb: {  	s0 =	simm.s32 $0x1;
	s18 =	sadd.s32 s4, s1;
	s4 =	sadd.s32 s20, s1  }
0xc: {  	s16 =	sadd.s32 $0x435E00, s5;
	s17 =	sadd.s32 s6, s14;
	s10 =	sadd.s32 $0x3200, s18  }
0xd: {  	s25 =	sadd.s32 $0x18D800, s7;
	s19 =	sadd.s32 $0x6400, s18;
	[dreg:$0x3] =	wrdreg s10  }
0xe: {  	s20 =	smax.u32 s2, $0x1;
	s21 =	sadd.s32 $0x9600, s18;
	[dreg:$0x4] =	wrdreg s19  }
0xf: {  	s2 =	simm.s32 $0x2;
	s22 =	sadd.s32 $0xC800, s18;
	[dreg:$0x5] =	wrdreg s21  }
0x10: {  	s5 =	simm.s32 $0x0;
	s23 =	sadd.s32 $0xFA00, s18;
	[dreg:$0x6] =	wrdreg s22  }
0x11: {  	s24 =	sadd.s32 $0x12C00, s18;
	s12 =	sadd.s32 $0x15E00, s18;
	[dreg:$0x7] =	wrdreg s23  }
0x12: {  	s18 =	sadd.s32 $0x1838, s11;
	[dreg:$0x8] =	wrdreg s24;
	s19 =	smul.u32 $0x186A, s9  }
0x13: {  	s21 =	sadd.s32 s6, s18;
	s23 =	simm.s32 $0x640;
	s24 =	sadd.s32 s26, s25  }
0x14: {  	v0 =	vimm.f32 $0.0e+00;
	s25 =	simm.s32 $0x4;
	s26 =	simm.s32 $0x190;
	s22 =	sadd.s32 s19, s6  }
.LBB2_1:
0x15: {  	s6 =	simm.s32 $0x80;
	s7 =	simm.s32 $0x0  }
.LBB2_2:
0x16: {  	p0 =	sne.s32 s6, $0xC780;
	[tilespmem:s7+$0x640] =	vst v0;
	s8 =	smov.u32 s6;
	s6 =	sadd.s32 $0x80, s6  }
.Ltmp0:
0x17: {  	[tilespmem:s7+$0x650] =	vst v0;
	(pc) =	sbr.rel @p0 .LBB2_2-.Ltmp0, $2  }
0x18: {  	_ =	sdelay $0x2  }
0x19: {  	s7 =	sshra.s32 s8, $0x2  }
0x1a: {  	[tilespmem:s7+$0x640] =	vst v0  }
0x1b: {  	[tilespmem:s7+$0x650] =	vst v0  }
0x1c: {  	[spmem:s4] =	stream.linear.scatter [tilespmem:s23], [sflag:$0x4], $0x3200, $0x38;
	[tilespmem:$0x1FA40] =	vst v63  }
0x1d: {  	_ =	swait.ge [sflag:s25], $0x3200  }
0x1e: {  	[sflag:s25] =	ssyncset.done $0x0  }
0x1f: {  	s6 =	rddreg [dreg:$0x3];
	[sflag:s25] =	ssyncadd.s32 $0xFFFFCE00  }
0x20: {  	[spmem:s6] =	stream.linear.scatter [tilespmem:s23], [sflag:$0x4], $0x3200, $0x38;
	[tilespmem:$0x1FA40] =	vst v63  }
0x21: {  	_ =	swait.ge [sflag:s25], $0x3200  }
0x22: {  	[sflag:s25] =	ssyncset.done $0x0  }
0x23: {  	s7 =	rddreg [dreg:$0x4];
	[sflag:s25] =	ssyncadd.s32 $0xFFFFCE00  }
0x24: {  	[spmem:s7] =	stream.linear.scatter [tilespmem:s23], [sflag:$0x4], $0x3200, $0x38;
	[tilespmem:$0x1FA40] =	vst v63  }
0x25: {  	_ =	swait.ge [sflag:s25], $0x3200  }
0x26: {  	[sflag:s25] =	ssyncset.done $0x0  }
0x27: {  	s8 =	rddreg [dreg:$0x5];
	[sflag:s25] =	ssyncadd.s32 $0xFFFFCE00  }
0x28: {  	[spmem:s8] =	stream.linear.scatter [tilespmem:s23], [sflag:$0x4], $0x3200, $0x38;
	[tilespmem:$0x1FA40] =	vst v63  }
0x29: {  	_ =	swait.ge [sflag:s25], $0x3200  }
0x2a: {  	[sflag:s25] =	ssyncset.done $0x0  }
0x2b: {  	s9 =	rddreg [dreg:$0x6];
	[sflag:s25] =	ssyncadd.s32 $0xFFFFCE00  }
0x2c: {  	[spmem:s9] =	stream.linear.scatter [tilespmem:s23], [sflag:$0x4], $0x3200, $0x38;
	[tilespmem:$0x1FA40] =	vst v63  }
0x2d: {  	_ =	swait.ge [sflag:s25], $0x3200  }
0x2e: {  	[sflag:s25] =	ssyncset.done $0x0  }
0x2f: {  	s10 =	rddreg [dreg:$0x7];
	[sflag:s25] =	ssyncadd.s32 $0xFFFFCE00  }
0x30: {  	[spmem:s10] =	stream.linear.scatter [tilespmem:s23], [sflag:$0x4], $0x3200, $0x38;
	[tilespmem:$0x1FA40] =	vst v63  }
0x31: {  	_ =	swait.ge [sflag:s25], $0x3200  }
0x32: {  	[sflag:s25] =	ssyncset.done $0x0  }
0x33: {  	s7 =	rddreg [dreg:$0x8];
	[sflag:s25] =	ssyncadd.s32 $0xFFFFCE00  }
0x34: {  	[spmem:s7] =	stream.linear.scatter [tilespmem:s23], [sflag:$0x4], $0x3200, $0x38;
	[tilespmem:$0x1FA40] =	vst v63  }
0x35: {  	_ =	swait.ge [sflag:s25], $0x3200  }
0x36: {  	[sflag:s25] =	ssyncset.done $0x0  }
0x37: {  	[sflag:s25] =	ssyncadd.s32 $0xFFFFCE00  }
0x38: {  	[spmem:s12] =	stream.linear.scatter [tilespmem:s23], [sflag:$0x4], $0x3200, $0x38;
	[tilespmem:$0x1FA40] =	vst v63  }
0x39: {  	_ =	swait.ge [sflag:s25], $0x3200  }
0x3a: {  	[sflag:s25] =	ssyncset.done $0x0  }
0x3b: {  	[sflag:s25] =	ssyncadd.s32 $0xFFFFCE00  }
0x3c: {  	[bflag:$0x0] =	sbarrier.arrive $0xFFFF  }
0x3d: {  	[tilespmem:s3], [sflag:$0x4] =	stream.linear.gather [hbm4b:s13+s3], $0x190, $0x38;
	[tilespmem:$0x1FA40] =	vst v63  }
0x3e: {  	_ =	swait.ge [sflag:s25], $0x190  }
0x3f: {  	[sflag:s25] =	ssyncset.done $0x0  }
0x40: {  	s8 =	sadd.s32 s11, s15;
	[sflag:s25] =	ssyncadd.s32 $0xFFFFFE70  }
0x41: {  	[tilespmem:s26], [sflag:$0x4] =	stream.linear.gather [hbm4b:s8+s3], $0x190, $0x38;
	[tilespmem:$0x1FA40] =	vst v63  }
0x42: {  	_ =	swait.ge [sflag:s25], $0x190  }
0x43: {  	[sflag:s25] =	ssyncset.done $0x0  }
0x44: {  	[sflag:s25] =	ssyncadd.s32 $0xFFFFFE70  }
0x45: {  	[tilespmem:s23], [sflag:$0x1] =	stream.indirect.gather [hbm4b:s16+s26], $0x20, s3, s26, $0xb8;
	[tilespmem:$0x1FA40] =	vst v63  }
0x46: {  	_ = 	snop  }
0x47: {  	[tilespmem:s28], [sflag:$0x3] =	stream.linear.gather [hbm4b:s17+s3], $0x190, $0x38;
	[tilespmem:$0x1FA40] =	vst v63  }
0x48: {  	s9 =	sadd.s32 s14, s15  }
0x49: {  	[tilespmem:s29], [sflag:$0x3] =	stream.linear.gather [hbm4b:s9+s3], $0x190, $0x38;
	[tilespmem:$0x1FA40] =	vst v63  }
0x4a: {  	_ =	swait.ge [sflag:s30], $0x190  }
0x4b: {  	[sflag:s30] =	ssyncset.done $0x0  }
0x4c: {  	[sflag:s30] =	ssyncadd.s32 $0xFFFFFE70  }
0x4d: {  	_ =	swait.ge [sflag:s30], $0x190  }
0x4e: {  	[sflag:s30] =	ssyncset.done $0x0  }
0x4f: {  	[sflag:s30] =	ssyncadd.s32 $0xFFFFFE70  }
0x50: {  	[tilespmem:s31], [sflag:$0x2] =	stream.indirect.gather [hbm4b:s16+s26], $0x20, s28, s26, $0xb8;
	[tilespmem:$0x1FA40] =	vst v63  }
0x51: {  	_ =	swait.ge [sflag:s0], $0x3200  }
0x52: {  	[sflag:s0] =	ssyncset.done $0x0  }
0x53: {  	[sflag:s0] =	ssyncadd.s32 $0xFFFFCE00  }
0x54: {  	[spmem:s1] =	stream.indirect.scatter.add.f32 [tilespmem:s23], [sflag:$0x4], $0x20, s26, s26, $0xb8;
	[tilespmem:$0x1FA40] =	vst v63  }
0x55: {  	_ =	swait.ge [sflag:s25], $0x3200  }
0x56: {  	s7 =	sadd.s32 $0xFFFFE82C, s22;
	[sflag:s25] =	ssyncset.done $0x0  }
0x57: {  	s10 =	sadd.s32 $0x1838, s7;
	[sflag:s25] =	ssyncadd.s32 $0xFFFFCE00  }
0x58: {  	[tilespmem:s3], [sflag:$0x4] =	stream.linear.gather [hbm4b:s10+s3], $0x190, $0x38;
	[tilespmem:$0x1FA40] =	vst v63  }
0x59: {  	s6 =	sadd.s32 s15, s19;
	_ =	swait.ge [sflag:s25], $0x190  }
0x5a: {  	s8 =	sadd.s32 $0xFFFFE82C, s6;
	[sflag:s25] =	ssyncset.done $0x0  }
0x5b: {  	s9 =	sadd.s32 $0x1838, s8;
	[sflag:s25] =	ssyncadd.s32 $0xFFFFFE70  }
0x5c: {  	[tilespmem:s26], [sflag:$0x4] =	stream.linear.gather [hbm4b:s9+s3], $0x190, $0x38;
	[tilespmem:$0x1FA40] =	vst v63  }
0x5d: {  	_ =	swait.ge [sflag:s25], $0x190  }
0x5e: {  	[sflag:s25] =	ssyncset.done $0x0  }
0x5f: {  	[sflag:s25] =	ssyncadd.s32 $0xFFFFFE70  }
0x60: {  	[tilespmem:s23], [sflag:$0x1] =	stream.indirect.gather [hbm4b:s16+s26], $0x20, s3, s26, $0xb8;
	[tilespmem:$0x1FA40] =	vst v63  }
0x61: {  	_ =	swait.ge [sflag:s2], $0x3200  }
0x62: {  	[sflag:s2] =	ssyncset.done $0x0  }
0x63: {  	[sflag:s2] =	ssyncadd.s32 $0xFFFFCE00  }
0x64: {  	[spmem:s1] =	stream.indirect.scatter.add.f32 [tilespmem:s31], [sflag:$0x4], $0x20, s29, s26, $0xb8;
	[tilespmem:$0x1FA40] =	vst v63  }
0x65: {  	_ =	swait.ge [sflag:s25], $0x3200  }
0x66: {  	[sflag:s25] =	ssyncset.done $0x0  }
0x67: {  	s7 =	sadd.s32 $0x186A, s7;
	[sflag:s25] =	ssyncadd.s32 $0xFFFFCE00  }
0x68: {  	[tilespmem:s28], [sflag:$0x3] =	stream.linear.gather [hbm4b:s7+s3], $0x190, $0x38;
	[tilespmem:$0x1FA40] =	vst v63  }
0x69: {  	s8 =	sadd.s32 $0x186A, s8;
	s7 =	simm.s32 $0xFFFFE890  }
.LBB2_4:
0x6a: {  	[tilespmem:s29], [sflag:$0x3] =	stream.linear.gather [hbm4b:s8+s3], $0x190, $0x38;
	[tilespmem:$0x1FA40] =	vst v63  }
0x6b: {  	s8 =	smov.u32 s7  }
0x6c: {  	p0 =	sne.s32 s7, $0xFFFFFF9C;
	s7 =	sadd.s32 $0x64, s7;
	_ =	swait.ge [sflag:s30], $0x190  }
0x6d: {  	[sflag:s30] =	ssyncset.done $0x0  }
0x6e: {  	[sflag:s30] =	ssyncadd.s32 $0xFFFFFE70  }
0x6f: {  	_ =	swait.ge [sflag:s30], $0x190  }
0x70: {  	[sflag:s30] =	ssyncset.done $0x0  }
0x71: {  	[sflag:s30] =	ssyncadd.s32 $0xFFFFFE70  }
0x72: {  	[tilespmem:s31], [sflag:$0x2] =	stream.indirect.gather [hbm4b:s16+s26], $0x20, s28, s26, $0xb8;
	[tilespmem:$0x1FA40] =	vst v63  }
0x73: {  	_ =	swait.ge [sflag:s0], $0x3200  }
0x74: {  	[sflag:s0] =	ssyncset.done $0x0  }
0x75: {  	[sflag:s0] =	ssyncadd.s32 $0xFFFFCE00  }
0x76: {  	[spmem:s1] =	stream.indirect.scatter.add.f32 [tilespmem:s23], [sflag:$0x4], $0x20, s26, s26, $0xb8;
	[tilespmem:$0x1FA40] =	vst v63  }
0x77: {  	_ =	swait.ge [sflag:s25], $0x3200  }
0x78: {  	s9 =	sadd.s32 s8, s22;
	[sflag:s25] =	ssyncset.done $0x0  }
0x79: {  	s10 =	sadd.s32 $0x1838, s9;
	[sflag:s25] =	ssyncadd.s32 $0xFFFFCE00  }
0x7a: {  	[tilespmem:s3], [sflag:$0x4] =	stream.linear.gather [hbm4b:s10+s3], $0x190, $0x38;
	[tilespmem:$0x1FA40] =	vst v63  }
0x7b: {  	_ =	swait.ge [sflag:s25], $0x190  }
0x7c: {  	s8 =	sadd.s32 s8, s6;
	[sflag:s25] =	ssyncset.done $0x0  }
0x7d: {  	s10 =	sadd.s32 $0x1838, s8;
	[sflag:s25] =	ssyncadd.s32 $0xFFFFFE70  }
0x7e: {  	[tilespmem:s26], [sflag:$0x4] =	stream.linear.gather [hbm4b:s10+s3], $0x190, $0x38;
	[tilespmem:$0x1FA40] =	vst v63  }
0x7f: {  	_ =	swait.ge [sflag:s25], $0x190  }
0x80: {  	[sflag:s25] =	ssyncset.done $0x0  }
0x81: {  	[sflag:s25] =	ssyncadd.s32 $0xFFFFFE70  }
0x82: {  	[tilespmem:s23], [sflag:$0x1] =	stream.indirect.gather [hbm4b:s16+s26], $0x20, s3, s26, $0xb8;
	[tilespmem:$0x1FA40] =	vst v63  }
0x83: {  	_ =	swait.ge [sflag:s2], $0x3200  }
0x84: {  	[sflag:s2] =	ssyncset.done $0x0  }
0x85: {  	[sflag:s2] =	ssyncadd.s32 $0xFFFFCE00  }
0x86: {  	[spmem:s1] =	stream.indirect.scatter.add.f32 [tilespmem:s31], [sflag:$0x4], $0x20, s29, s26, $0xb8;
	[tilespmem:$0x1FA40] =	vst v63  }
.Ltmp1:
0x87: {  	_ =	swait.ge [sflag:s25], $0x3200;
	(pc) =	sbr.rel @p0 .LBB2_4-.Ltmp1, $4  }
0x88: {  	[sflag:s25] =	ssyncset.done $0x0  }
0x89: {  	s9 =	sadd.s32 $0x186A, s9;
	[sflag:s25] =	ssyncadd.s32 $0xFFFFCE00  }
0x8a: {  	[tilespmem:s28], [sflag:$0x3] =	stream.linear.gather [hbm4b:s9+s3], $0x190, $0x38;
	[tilespmem:$0x1FA40] =	vst v63  }
0x8b: {  	s8 =	sadd.s32 $0x186A, s8  }
0x8c: {  	[tilespmem:s29], [sflag:$0x3] =	stream.linear.gather [hbm4b:s8+s3], $0x190, $0x38;
	[tilespmem:$0x1FA40] =	vst v63  }
0x8d: {  	_ =	swait.ge [sflag:s30], $0x190  }
0x8e: {  	[sflag:s30] =	ssyncset.done $0x0  }
0x8f: {  	[sflag:s30] =	ssyncadd.s32 $0xFFFFFE70  }
0x90: {  	_ =	swait.ge [sflag:s30], $0x190  }
0x91: {  	[sflag:s30] =	ssyncset.done $0x0  }
0x92: {  	[sflag:s30] =	ssyncadd.s32 $0xFFFFFE70  }
0x93: {  	[tilespmem:s31], [sflag:$0x2] =	stream.indirect.gather [hbm4b:s16+s26], $0x20, s28, s26, $0xb8;
	[tilespmem:$0x1FA40] =	vst v63  }
0x94: {  	_ =	swait.ge [sflag:s0], $0x3200  }
0x95: {  	[sflag:s0] =	ssyncset.done $0x0  }
0x96: {  	[sflag:s0] =	ssyncadd.s32 $0xFFFFCE00  }
0x97: {  	[spmem:s1] =	stream.indirect.scatter.add.f32 [tilespmem:s23], [sflag:$0x4], $0x20, s26, s26, $0xb8;
	[tilespmem:$0x1FA40] =	vst v63  }
0x98: {  	_ =	swait.ge [sflag:s25], $0x3200  }
0x99: {  	[sflag:s25] =	ssyncset.done $0x0  }
0x9a: {  	[sflag:s25] =	ssyncadd.s32 $0xFFFFCE00  }
0x9b: {  	[tilespmem:s3], [sflag:$0x4] =	stream.linear.gather [hbm4b:s21+s3], $0x190, $0x38;
	[tilespmem:$0x1FA40] =	vst v63  }
0x9c: {  	_ =	swait.ge [sflag:s25], $0x190  }
0x9d: {  	[sflag:s25] =	ssyncset.done $0x0  }
0x9e: {  	s6 =	sadd.s32 s15, s18;
	[sflag:s25] =	ssyncadd.s32 $0xFFFFFE70  }
0x9f: {  	[tilespmem:s26], [sflag:$0x4] =	stream.linear.gather [hbm4b:s6+s3], $0x190, $0x38;
	[tilespmem:$0x1FA40] =	vst v63  }
0xa0: {  	_ =	swait.ge [sflag:s25], $0x190  }
0xa1: {  	[sflag:s25] =	ssyncset.done $0x0  }
0xa2: {  	[sflag:s25] =	ssyncadd.s32 $0xFFFFFE70  }
0xa3: {  	[tilespmem:s23], [sflag:$0x1] =	stream.indirect.gather [hbm4b:s16+s26], $0x20, s3, s26, $0xb8;
	[tilespmem:$0x1FA40] =	vst v63  }
0xa4: {  	_ =	swait.ge [sflag:s2], $0x3200  }
0xa5: {  	[sflag:s2] =	ssyncset.done $0x0  }
0xa6: {  	[sflag:s2] =	ssyncadd.s32 $0xFFFFCE00  }
0xa7: {  	[spmem:s1] =	stream.indirect.scatter.add.f32 [tilespmem:s31], [sflag:$0x4], $0x20, s29, s26, $0xb8;
	[tilespmem:$0x1FA40] =	vst v63  }
0xa8: {  	_ =	swait.ge [sflag:s25], $0x3200  }
0xa9: {  	[sflag:s25] =	ssyncset.done $0x0  }
0xaa: {  	[sflag:s25] =	ssyncadd.s32 $0xFFFFCE00  }
0xab: {  	_ =	swait.ge [sflag:s0], $0x3200  }
0xac: {  	[sflag:s0] =	ssyncset.done $0x0  }
0xad: {  	[sflag:s0] =	ssyncadd.s32 $0xFFFFCE00  }
0xae: {  	[spmem:s1] =	stream.indirect.scatter.add.f32 [tilespmem:s23], [sflag:$0x4], $0x20, s26, s26, $0xb8;
	[tilespmem:$0x1FA40] =	vst v63  }
0xaf: {  	s10 =	stileid.u32;
	_ =	swait.ge [sflag:s25], $0x3200  }
0xb0: {  	s7 =	sshrl.u32 s4, $0x3;
	s5 =	sadd.s32 $0x1, s5;
	[sflag:s25] =	ssyncset.done $0x0  }
0xb1: {  	p0 =	sne.s32 s5, s20;
	s6 =	sshll.u32 s10, $0x6;
	[sflag:s25] =	ssyncadd.s32 $0xFFFFCE00  }
.Ltmp2:
0xb2: {  	s6 =	sor.u32 $0x1C04, s6;
	[bflag:$0x0] =	sbarrier.arrive $0xFFFF;
	(pc) =	sbr.rel @p0 .LBB2_1-.Ltmp2, $4  }
0xb3: {  	[hbm:s24], [sflag:s6] =	dma.local [spmem:s7], $0x3200  }
0xb4: {  	_ =	swait.ge [sflag:s25], $0x3200  }
0xb5: {  	[sflag:s25] =	ssyncset.done $0x0  }
0xb6: {  	[sflag:s25] =	ssyncadd.s32 $0xFFFFCE00  }
0xb7: {  	_ =	sfence.sel $0x180000  }
0xb8: {  	[bflag:$0x0] =	sbarrier.arrive $0xFFFF  }
0xb9: {  	_ =	strace $0x9000004A  }
0xba: {  	s0 =	stileid.u32;
	[bflag:$0x2] =	sbarrier.arrive $0xFFFF  }
0xbb: {  	p0 =	sne.s32 s0, $0x0;
	s0 =	rddreg [dreg:$0x2]  }
0xbc: {  	s0 =	sadd.s32 @!p0 $0x100000, s0  }
0xbd: {  	[sflag:s0] =	ssyncadd.tile.s32 @!p0 $0x1;
	_ =	shalt  }
.Lfunc_end2:
_tile_overlayer_lowered:
.L_overlay_start_2:
0xbe: {  	(tag) =	ssettag $0x2  }
0xbf: {  	s0 =	rddreg [dreg:$0x0];
	s2 =	stileid.u32  }
0xc0: {  	s1 =	rddreg [dreg:$0x1];
	p0 =	sne.s32 s2, $0x0  }
0xc1: {  	s3 =	rddreg [dreg:$0x2];
	[bflag:$0x3] =	sbarrier.arrive $0xFFFF;
	s2 =	simm.s32 @!p0 $0x1C04  }
0xc2: {  	[timem:s3], [sflag:s2] =	dma.local @!p0 [hbm:s0], s1  }
0xc3: {  	s0 =	simm.s32 @!p0 $0x4  }
0xc4: {  	_ =	swait.ge @!p0 [sflag:s0], s1  }
0xc5: {  	s1 =	ssub.s32 @!p0 $0x0, s1;
	[sflag:s0] =	ssyncset.done @!p0 $0x0  }
0xc6: {  	[sflag:s0] =	ssyncadd.s32 @!p0 s1  }
0xc7: {  	[bflag:$0x3] =	sbarrier.arrive $0xFFFF  }
0xc8: {  	_ =	shalt  }

// kernel: kernel.16.cloned.1.call-start
scs
__scs_entry_jumppad:
0x0: {  	(pc) =	sbr.rel $0x88, $3  }
0x1: {  	(tag) =	ssettag $0x0;
	lr =	simm.s32 $0x1  }
0x2: {  	[smem:$0x3F8F] =	sst lr;
	_ =	strace $0xD0000000  }
0x3: {  	_ = 	snop  }
0x4: {  	_ = 	snop  }
0x5: {  	_ = 	snop  }
0x6: {  	_ = 	snop  }
0x7: {  	_ = 	snop  }
__scs_overlays_trampoline_lowered:
0x8: {  	[smem:$0x3F9E] =	sst s0  }
0x9: {  	[smem:$0x3F9F] =	sst s1  }
0xa: {  	[smem:$0x3FA0] =	sst s2  }
0xb: {  	[smem:$0x3FA1] =	sst s3  }
0xc: {  	[smem:$0x3FA2] =	sst s4  }
0xd: {  	[smem:$0x3FA3] =	sst s5  }
0xe: {  	[smem:$0x3FA4] =	sst s6  }
0xf: {  	[smem:$0x3FA5] =	sst s7  }
0x10: {  	[smem:$0x3FA6] =	sst s8  }
0x11: {  	[smem:$0x3FA7] =	sst s9;
	s0 =	simm.s32 @!p0 $0x0  }
0x12: {  	s1 =	sld [smem:$0x3F8D];
	s0 =	simm.s32 @p0 $0x1  }
0x13: {  	[smem:$0x3FA8] =	sst s0;
	s0 =	simm.s32 @!p1 $0x0  }
0x14: {  	s2 =	sld [smem:$0x3F8C];
	s0 =	simm.s32 @p1 $0x1  }
0x15: {  	[smem:$0x3FA9] =	sst s0;
	s0 =	simm.s32 @!p2 $0x0  }
0x16: {  	s3 =	sld [smem:$0x3FDB];
	s0 =	simm.s32 @p2 $0x1  }
0x17: {  	s4 =	simm.s32 $0x1BF5;
	[smem:$0x3FAB] =	sst s0  }
0x18: {  	s0 =	sld [smem:$0x3F8E];
	_ =	swait.ge [sflag:s4], $0x0  }
0x19: {  	s7 =	sld [smem:$0x3F8F]  }
0x1a: {  	s8 =	sadd.s32 $0xFFFFE003, lr  }
0x1b: {  	s9 =	sadd.s32 $0xFFFFFEF7, lr;
	s5 =	simm.s32 $0xFFFFFFFF;
	p2 =	slt.u32 s8, $0xFFFFF086  }
0x1c: {  	p1 =	slt.u32 s9, $0xF7A;
	s5 =	simm.s32 @!p2 $0x0  }
0x1d: {  	s5 =	simm.s32 @p1 $0x1;
	p0 =	seq.s32 s7, s2  }
0x1e: {  	s7 =	smul.u32 @!p0 $0xF7A, s2;
	p2 =	seq.s32 @!p0 s5, $0x0  }
0x1f: {  	s9 =	smul.u32 $0xF7A, s1;
	s8 =	simm.s32 @!p0 $0x1BF5;
	p2 =	por !p2, p0  }
0x20: {  	[sflag:s8] =	ssyncset.s32 @!p0 $0xFFFFF086;
	s6 =	sadd.s32 @!p0 s3, s7;
	s7 =	simm.s32 @!p0 $0x108  }
0x21: {  	s3 =	sadd.s32 s3, s9;
	s6 =	sadd.s32 @!p0 $0x88, s6;
	s7 =	simm.s32 @p2 $0x1082  }
0x22: {  	[simem:s7], [sflag:s8] =	dma.local @!p0 [hbm:s6], $0xF7A  }
0x23: {  	s9 =	sor.u32 $0xD0000000, s2;
	s6 =	simm.s32 $0x108;
	_ =	swait.ge @!p0 [sflag:s8], $0x0  }
0x24: {  	s3 =	sadd.s32 $0x88, s3;
	s6 =	simm.s32 @!p1 $0x1082;
	[sflag:s4] =	ssyncset.s32 $0xFFFFF086  }
0x25: {  	[simem:s6], [sflag:s4] =	dma.local [hbm:s3], $0xF7A  }
0x26: {  	[smem:$0x3F8F] =	sst s1;
	(tag) =	ssettag s2;
	_ =	strace s9  }
0x27: {  	s1 =	sld [smem:$0x3F9F]  }
0x28: {  	s2 =	sld [smem:$0x3FA0]  }
0x29: {  	s4 =	sld [smem:$0x3FA2]  }
0x2a: {  	p0 =	seq.s32 s5, $0x0;
	s5 =	sld [smem:$0x3FA3]  }
0x2b: {  	s6 =	sld [smem:$0x3FA4]  }
0x2c: {  	s7 =	sld [smem:$0x3FA5]  }
0x2d: {  	s3 =	simm.s32 $0x108;
	s8 =	sld [smem:$0x3FA6]  }
0x2e: {  	s3 =	simm.s32 @!p0 $0x1082;
	s9 =	sld [smem:$0x3FA7]  }
0x2f: {  	lr =	sadd.s32 s0, s3;
	s0 =	sld [smem:$0x3F9E]  }
0x30: {  	s3 =	sld [smem:$0x3FA1]  }
0x31: {  	[smem:$0x3FAA] =	sst s10  }
0x32: {  	s10 =	sld [smem:$0x3FA8];
	_ =	sdelay $0x3  }
0x33: {  	p0 =	seq.s32 s10, $0x1;
	s10 =	sld [smem:$0x3FAA];
	_ =	sdelay $0x3  }
0x34: {  	[smem:$0x3FAA] =	sst s10  }
0x35: {  	s10 =	sld [smem:$0x3FA9];
	_ =	sdelay $0x3  }
0x36: {  	p1 =	seq.s32 s10, $0x1;
	s10 =	sld [smem:$0x3FAA];
	_ =	sdelay $0x3  }
0x37: {  	[smem:$0x3FAA] =	sst s10  }
0x38: {  	s10 =	sld [smem:$0x3FAB]  }
0x39: {  	_ = 	snop;
	(pc) =	sbr.ind lr, $3  }
0x3a: {  	_ = 	snop  }
0x3b: {  	_ = 	snop  }
0x3c: {  	p2 =	seq.s32 s10, $0x1;
	s10 =	sld [smem:$0x3FAA]  }
0x3d: {  	_ =	shalt  }
0x3e: {  	_ =	shalt  }
0x3f: {  	_ =	shalt  }
0x40: {  	_ =	shalt  }
0x41: {  	_ =	shalt  }
0x42: {  	_ =	shalt  }
0x43: {  	_ =	shalt  }
0x44: {  	_ =	shalt  }
0x45: {  	_ =	shalt  }
0x46: {  	_ =	shalt  }
0x47: {  	_ =	shalt  }
0x48: {  	_ =	shalt  }
0x49: {  	_ =	shalt  }
0x4a: {  	_ =	shalt  }
0x4b: {  	_ =	shalt  }
0x4c: {  	_ =	shalt  }
0x4d: {  	_ =	shalt  }
0x4e: {  	_ =	shalt  }
0x4f: {  	_ =	shalt  }
0x50: {  	_ =	shalt  }
0x51: {  	_ =	shalt  }
0x52: {  	_ =	shalt  }
0x53: {  	_ =	shalt  }
0x54: {  	_ =	shalt  }
0x55: {  	_ =	shalt  }
0x56: {  	_ =	shalt  }
0x57: {  	_ =	shalt  }
0x58: {  	_ =	shalt  }
0x59: {  	_ =	shalt  }
0x5a: {  	_ =	shalt  }
0x5b: {  	_ =	shalt  }
0x5c: {  	_ =	shalt  }
0x5d: {  	_ =	shalt  }
0x5e: {  	_ =	shalt  }
0x5f: {  	_ =	shalt  }
0x60: {  	_ =	shalt  }
0x61: {  	_ =	shalt  }
0x62: {  	_ =	shalt  }
0x63: {  	_ =	shalt  }
0x64: {  	_ =	shalt  }
0x65: {  	_ =	shalt  }
0x66: {  	_ =	shalt  }
0x67: {  	_ =	shalt  }
0x68: {  	_ =	shalt  }
0x69: {  	_ =	shalt  }
0x6a: {  	_ =	shalt  }
0x6b: {  	_ =	shalt  }
0x6c: {  	_ =	shalt  }
0x6d: {  	_ =	shalt  }
0x6e: {  	_ =	shalt  }
0x6f: {  	_ =	shalt  }
0x70: {  	_ =	shalt  }
0x71: {  	_ =	shalt  }
0x72: {  	_ =	shalt  }
0x73: {  	_ =	shalt  }
0x74: {  	_ =	shalt  }
0x75: {  	_ =	shalt  }
0x76: {  	_ =	shalt  }
0x77: {  	_ =	shalt  }
0x78: {  	_ =	shalt  }
0x79: {  	_ =	shalt  }
0x7a: {  	_ =	shalt  }
0x7b: {  	_ =	shalt  }
0x7c: {  	_ =	shalt  }
0x7d: {  	_ =	shalt  }
0x7e: {  	_ =	shalt  }
0x7f: {  	_ =	shalt  }
0x80: {  	_ =	shalt  }
0x81: {  	_ =	shalt  }
0x82: {  	_ =	shalt  }
0x83: {  	_ =	shalt  }
0x84: {  	_ =	shalt  }
0x85: {  	_ =	shalt  }
0x86: {  	_ =	shalt  }
0x87: {  	_ =	shalt  }
.Lfunc_end0:
.L_simem_size_0:
called_computation.2_lowered:
.L_overlay_start_0:
0x88: {  	s2 =	sld [smem:$0x3FD9]  }
0x89: {  	s3 =	sld [smem:$0x3FFE];
	_ =	sdelay $0x1  }
0x8a: {  	s1 =	srdreg.scid  }
0x8b: {  	s0 =	sand.u32 $0x1, s1  }
0x8c: {  	s17 =	sshll.u32 s0, $0xA;
	s2 =	sadd.s32 s3, s2  }
0x8d: {  	s2 =	sadd.s32 s2, s17  }
0x8e: {  	[smem:$0x3FB6] =	sst s2  }
0x8f: {  	_ = 	snop  }
0x90: {  	(tm) =	ssettm $0x1  }
0x91: {  	s18 =	sld [smem:$0x3FFB];
	_ =	sdelay $0x3  }
0x92: {  	_ =	strace s18  }
0x93: {  	s2 =	sld [smem:$0x3FFC];
	_ =	sdelay $0x3  }
0x94: {  	_ =	strace s2  }
0x95: {  	s2 =	sld [smem:$0x3FFD];
	_ =	sdelay $0x3  }
0x96: {  	_ =	strace s2  }
0x97: {  	_ =	strace $0x8FFFFFFF  }
0x98: {  	s19 =	sld [smem:$0x3FDB];
	_ =	sdelay $0x1  }
0x99: {  	s20 =	simm.s32 $_scs_section_size  }
0x9a: {  	s4 =	simm.s32 $_size__tile_overlayer_lowered;
	s5 =	simm.s32 $_tile_overlayer_lowered  }
0x9b: {  	s6 =	simm.s32 $0x1BFF;
	s21 =	sshll.u32 s5, $0x1;
	s3 =	sadd.s32 s20, s19  }
0x9c: {  	s22 =	simm.s32 $0x0;
	s4 =	sshll.u32 s4, $0x1;
	s5 =	sadd.s32 s21, s3  }
0x9d: {  	[timem:s22], [sflag:s6] =	dma.local [hbm:s5], s4  }
0x9e: {  	_ =	swait.ge [sflag:s6], s4  }
0x9f: {  	s4 =	ssub.s32 $0x0, s4;
	[sflag:s6] =	ssyncset.done $0x0  }
0xa0: {  	[sflag:s6] =	ssyncadd.s32 s4;
	_ =	sdelay $0x1  }
0xa1: {  	s23 =	simm.s32 $0x1B8B  }
0xa2: {  	_ =	swait.ge [sflag:s23], $0x1  }
0xa3: {  	[sflag:s23] =	ssyncset.done $0x0  }
0xa4: {  	[sflag:s23] =	ssyncadd.s32 $0xFFFFFFFF  }
0xa5: {  	s4 =	sld [smem:$0x0]  }
0xa6: {  	s5 =	sand.u32 $0xFFFFFFFE, s1  }
0xa7: {  	p0 =	sne.s32 s1, s5  }
0xa8: {  	s5 =	sshll.u32 @p0 s5, $0xE  }
0xa9: {  	s5 =	sadd.s32 @p0 $0x11B8D, s5;
	s6 =	sshll.u32 @p0 s4, $0x11  }
0xaa: {  	s5 =	sor.u32 @p0 s6, s5  }
0xab: {  	[sflag:s5] =	ssyncadd.remote.s32 @p0 $0x1;
	_ =	sdelay $0x1  }
0xac: {  	s5 =	simm.s32 @p0 $0x1B8D  }
0xad: {  	_ =	swait.eq @p0 [sflag:s5], $0x1  }
0xae: {  	[sflag:s5] =	ssyncadd.s32 @p0 $0xFFFFFFFF  }
0xaf: {  	s6 =	sshll.u32 @!p0 s1, $0xE  }
0xb0: {  	s6 =	sor.u32 @!p0 $0x4000, s6;
	s5 =	simm.s32 @!p0 $0x1B8D  }
0xb1: {  	s4 =	sshll.u32 @!p0 s4, $0x11;
	s6 =	sadd.s32 @!p0 $0x11B8D, s6;
	_ =	swait.eq @!p0 [sflag:s5], $0x1  }
0xb2: {  	s4 =	sor.u32 @!p0 s4, s6;
	[sflag:s5] =	ssyncadd.s32 @!p0 $0xFFFFFFFF  }
0xb3: {  	s25 =	simm.s32 $0x1B8E;
	s24 =	sld [smem:$0x3FFE];
	[sflag:s4] =	ssyncadd.remote.s32 @!p0 $0x1  }
0xb4: {  	s26 =	simm.s32 $execute0_lowered;
	[smem:$0x3FD2] =	sst s25  }
0xb5: {  	s5 =	sshll.u32 s26, $0x1;
	_ =	strace $0x8000004C;
	[dreg:$0x1] =	wrdreg $0xFFFFFFFF  }
0xb6: {  	s28 =	simm.s32 $_size_execute0_lowered;
	s3 =	sadd.s32 s3, s5;
	[dreg:$0x0] =	wrdreg $0x0  }
0xb7: {  	s5 =	sshll.u32 s28, $0x1;
	[dreg:$0x2] =	wrdreg s3  }
0xb8: {  	[dreg:$0x3] =	wrdreg s5  }
0xb9: {  	[dreg:$0x4] =	wrdreg $0xC0  }
0xba: {  	_ =	task [dreg:s22], $0x5FFFF  }
0xbb: {  	[dreg:$0x1] =	wrdreg $0xFFFFFFFF  }
0xbc: {  	[dreg:$0x0] =	wrdreg $0x60  }
0xbd: {  	[dreg:$0x2] =	wrdreg s24  }
0xbe: {  	[dreg:$0x3] =	wrdreg $0x6A400  }
0xbf: {  	[dreg:$0x4] =	wrdreg $0x9  }
0xc0: {  	_ =	task.clear_ibuf [dreg:s22], $0x5FFFF;
	_ =	strace $0x9000004C  }
0xc1: {  	s29 =	simm.s32 $0x9;
	_ =	strace $0x8000004E  }
0xc2: {  	_ =	swait.ge [sflag:s29], $0x1  }
0xc3: {  	[sflag:s29] =	ssyncadd.s32 $0xFFFFFFFF  }
0xc4: {  	_ =	strace $0x9000004E  }
0xc5: {  	_ =	sfence  }
0xc6: {  	s30 =	sld [smem:$0x0];
	_ =	sdelay $0x2  }
0xc7: {  	s31 =	sshll.u32 s1, $0xD;
	s1 =	sshrl.u32 s1, $0x2  }
0xc8: {  	s4 =	sand.u32 $0x4000, s31;
	s1 =	sadd.s32 s1, s30  }
0xc9: {  	s0 =	sor.u32 s4, s0;
	s1 =	sshll.u32 s1, $0x11  }
0xca: {  	s0 =	sor.u32 s1, s0  }
0xcb: {  	s0 =	sadd.s32 $0x8F2B, s0  }
0xcc: {  	[sflag:s0] =	ssyncadd.remote.s32 $0x1  }
0xcd: {  	_ =	sfence.sel $0xFFFF  }
0xce: {  	[dreg:$0x0] =	wrdreg $0xFFFFFFFF;
	(pc) =	sbr.abs _section_cstart, $3  }
0xcf: {  	[dreg:$0x1] =	wrdreg $0xFFFFFFFF  }
0xd0: {  	_ =	task.clear_ibuf [dreg:s22], $0x2FFFF;
	_ =	strace $0x9FFFFFFF  }
0xd1: {  	(tm) =	ssettm $0x7FFFFFFF  }
tec
execute0_lowered:
.L_overlay_start_1:
0x0: {  	(tag) =	ssettag $0x1  }
0x1: {  	s0 =	rddreg [dreg:$0x0];
	s2 =	srdreg.scid  }
0x2: {  	s1 =	rddreg [dreg:$0x1];
	s3 =	simm.s32 $0x0;
	s9 =	stileid.u32  }
0x3: {  	s28 =	simm.s32 $0x320;
	s29 =	simm.s32 $0x4B0;
	s17 =	smul.u32 $0x64000, s9  }
0x4: {  	s30 =	simm.s32 $0x3;
	s31 =	simm.s32 $0x3840;
	s20 =	smul.u32 $0x19000, s9  }
0x5: {  	s2 =	sand.u32 $0x1, s2;
	[smem:$0x7FF] =	sst s3;
	s11 =	smul.u32 $0xC350, s9  }
0x6: {  	s6 =	sadd.s32 $0x3800, s0;
	s15 =	sadd.s32 $0x1BEA0, s0;
	s4 =	smul.u32 $0x30D40, s2  }
0x7: {  	_ =	strace $0x8000004D;
	s7 =	smul.u32 $0x32000, s2;
	s2 =	ssub.s32 $0x2, s2  }
0x8: {  	s8 =	sshrl.u32 s2, $0x1;
	s11 =	sshrl.u32 s11, $0x3;
	s26 =	sshrl.u32 s20, $0x3  }
0x9: {  	s5 =	sadd.s32 s4, s0;
	s4 =	sshrl.u32 s17, $0x2;
	s7 =	sadd.s32 s7, s0  }
0xa: {  	s2 =	ssub.s32 s2, s8;
	s13 =	sadd.s32 s6, s11;
	s14 =	sadd.s32 $0x32, s11  }
0xb: {  	s0 =	simm.s32 $0x1;
	s18 =	sadd.s32 s4, s1;
	s4 =	sadd.s32 s20, s1  }
0xc: {  	s16 =	sadd.s32 $0x65400, s5;
	s17 =	sadd.s32 s6, s14;
	s10 =	sadd.s32 $0x3200, s18  }
0xd: {  	s25 =	sadd.s32 $0x378400, s7;
	s19 =	sadd.s32 $0x6400, s18;
	[dreg:$0x3] =	wrdreg s10  }
0xe: {  	s20 =	smax.u32 s2, $0x1;
	s21 =	sadd.s32 $0x9600, s18;
	[dreg:$0x4] =	wrdreg s19  }
0xf: {  	s2 =	simm.s32 $0x2;
	s22 =	sadd.s32 $0xC800, s18;
	[dreg:$0x5] =	wrdreg s21  }
0x10: {  	s5 =	simm.s32 $0x0;
	s23 =	sadd.s32 $0xFA00, s18;
	[dreg:$0x6] =	wrdreg s22  }
0x11: {  	s24 =	sadd.s32 $0x12C00, s18;
	s12 =	sadd.s32 $0x15E00, s18;
	[dreg:$0x7] =	wrdreg s23  }
0x12: {  	s18 =	sadd.s32 $0x1838, s11;
	[dreg:$0x8] =	wrdreg s24;
	s19 =	smul.u32 $0x186A, s9  }
0x13: {  	s21 =	sadd.s32 s6, s18;
	s23 =	simm.s32 $0x640;
	s24 =	sadd.s32 s26, s25  }
0x14: {  	v0 =	vimm.f32 $0.0e+00;
	s25 =	simm.s32 $0x4;
	s26 =	simm.s32 $0x190;
	s22 =	sadd.s32 s19, s6  }
.LBB2_1:
0x15: {  	s6 =	simm.s32 $0x80;
	s7 =	simm.s32 $0x0  }
.LBB2_2:
0x16: {  	p0 =	sne.s32 s6, $0xC780;
	[tilespmem:s7+$0x640] =	vst v0;
	s8 =	smov.u32 s6;
	s6 =	sadd.s32 $0x80, s6  }
.Ltmp0:
0x17: {  	[tilespmem:s7+$0x650] =	vst v0;
	(pc) =	sbr.rel @p0 .LBB2_2-.Ltmp0, $2  }
0x18: {  	_ =	sdelay $0x2  }
0x19: {  	s7 =	sshra.s32 s8, $0x2  }
0x1a: {  	[tilespmem:s7+$0x640] =	vst v0  }
0x1b: {  	[tilespmem:s7+$0x650] =	vst v0  }
0x1c: {  	[spmem:s4] =	stream.linear.scatter [tilespmem:s23], [sflag:$0x4], $0x3200, $0x38;
	[tilespmem:$0x1FA40] =	vst v63  }
0x1d: {  	_ =	swait.ge [sflag:s25], $0x3200  }
0x1e: {  	[sflag:s25] =	ssyncset.done $0x0  }
0x1f: {  	s6 =	rddreg [dreg:$0x3];
	[sflag:s25] =	ssyncadd.s32 $0xFFFFCE00  }
0x20: {  	[spmem:s6] =	stream.linear.scatter [tilespmem:s23], [sflag:$0x4], $0x3200, $0x38;
	[tilespmem:$0x1FA40] =	vst v63  }
0x21: {  	_ =	swait.ge [sflag:s25], $0x3200  }
0x22: {  	[sflag:s25] =	ssyncset.done $0x0  }
0x23: {  	s7 =	rddreg [dreg:$0x4];
	[sflag:s25] =	ssyncadd.s32 $0xFFFFCE00  }
0x24: {  	[spmem:s7] =	stream.linear.scatter [tilespmem:s23], [sflag:$0x4], $0x3200, $0x38;
	[tilespmem:$0x1FA40] =	vst v63  }
0x25: {  	_ =	swait.ge [sflag:s25], $0x3200  }
0x26: {  	[sflag:s25] =	ssyncset.done $0x0  }
0x27: {  	s8 =	rddreg [dreg:$0x5];
	[sflag:s25] =	ssyncadd.s32 $0xFFFFCE00  }
0x28: {  	[spmem:s8] =	stream.linear.scatter [tilespmem:s23], [sflag:$0x4], $0x3200, $0x38;
	[tilespmem:$0x1FA40] =	vst v63  }
0x29: {  	_ =	swait.ge [sflag:s25], $0x3200  }
0x2a: {  	[sflag:s25] =	ssyncset.done $0x0  }
0x2b: {  	s9 =	rddreg [dreg:$0x6];
	[sflag:s25] =	ssyncadd.s32 $0xFFFFCE00  }
0x2c: {  	[spmem:s9] =	stream.linear.scatter [tilespmem:s23], [sflag:$0x4], $0x3200, $0x38;
	[tilespmem:$0x1FA40] =	vst v63  }
0x2d: {  	_ =	swait.ge [sflag:s25], $0x3200  }
0x2e: {  	[sflag:s25] =	ssyncset.done $0x0  }
0x2f: {  	s10 =	rddreg [dreg:$0x7];
	[sflag:s25] =	ssyncadd.s32 $0xFFFFCE00  }
0x30: {  	[spmem:s10] =	stream.linear.scatter [tilespmem:s23], [sflag:$0x4], $0x3200, $0x38;
	[tilespmem:$0x1FA40] =	vst v63  }
0x31: {  	_ =	swait.ge [sflag:s25], $0x3200  }
0x32: {  	[sflag:s25] =	ssyncset.done $0x0  }
0x33: {  	s7 =	rddreg [dreg:$0x8];
	[sflag:s25] =	ssyncadd.s32 $0xFFFFCE00  }
0x34: {  	[spmem:s7] =	stream.linear.scatter [tilespmem:s23], [sflag:$0x4], $0x3200, $0x38;
	[tilespmem:$0x1FA40] =	vst v63  }
0x35: {  	_ =	swait.ge [sflag:s25], $0x3200  }
0x36: {  	[sflag:s25] =	ssyncset.done $0x0  }
0x37: {  	[sflag:s25] =	ssyncadd.s32 $0xFFFFCE00  }
0x38: {  	[spmem:s12] =	stream.linear.scatter [tilespmem:s23], [sflag:$0x4], $0x3200, $0x38;
	[tilespmem:$0x1FA40] =	vst v63  }
0x39: {  	_ =	swait.ge [sflag:s25], $0x3200  }
0x3a: {  	[sflag:s25] =	ssyncset.done $0x0  }
0x3b: {  	[sflag:s25] =	ssyncadd.s32 $0xFFFFCE00  }
0x3c: {  	[bflag:$0x0] =	sbarrier.arrive $0xFFFF  }
0x3d: {  	[tilespmem:s3], [sflag:$0x4] =	stream.linear.gather [hbm4b:s13+s3], $0x190, $0x38;
	[tilespmem:$0x1FA40] =	vst v63  }
0x3e: {  	_ =	swait.ge [sflag:s25], $0x190  }
0x3f: {  	[sflag:s25] =	ssyncset.done $0x0  }
0x40: {  	s8 =	sadd.s32 s11, s15;
	[sflag:s25] =	ssyncadd.s32 $0xFFFFFE70  }
0x41: {  	[tilespmem:s26], [sflag:$0x4] =	stream.linear.gather [hbm4b:s8+s3], $0x190, $0x38;
	[tilespmem:$0x1FA40] =	vst v63  }
0x42: {  	_ =	swait.ge [sflag:s25], $0x190  }
0x43: {  	[sflag:s25] =	ssyncset.done $0x0  }
0x44: {  	[sflag:s25] =	ssyncadd.s32 $0xFFFFFE70  }
0x45: {  	[tilespmem:s23], [sflag:$0x1] =	stream.indirect.gather [hbm4b:s16+s26], $0x20, s3, s26, $0xb8;
	[tilespmem:$0x1FA40] =	vst v63  }
0x46: {  	_ = 	snop  }
0x47: {  	[tilespmem:s28], [sflag:$0x3] =	stream.linear.gather [hbm4b:s17+s3], $0x190, $0x38;
	[tilespmem:$0x1FA40] =	vst v63  }
0x48: {  	s9 =	sadd.s32 s14, s15  }
0x49: {  	[tilespmem:s29], [sflag:$0x3] =	stream.linear.gather [hbm4b:s9+s3], $0x190, $0x38;
	[tilespmem:$0x1FA40] =	vst v63  }
0x4a: {  	_ =	swait.ge [sflag:s30], $0x190  }
0x4b: {  	[sflag:s30] =	ssyncset.done $0x0  }
0x4c: {  	[sflag:s30] =	ssyncadd.s32 $0xFFFFFE70  }
0x4d: {  	_ =	swait.ge [sflag:s30], $0x190  }
0x4e: {  	[sflag:s30] =	ssyncset.done $0x0  }
0x4f: {  	[sflag:s30] =	ssyncadd.s32 $0xFFFFFE70  }
0x50: {  	[tilespmem:s31], [sflag:$0x2] =	stream.indirect.gather [hbm4b:s16+s26], $0x20, s28, s26, $0xb8;
	[tilespmem:$0x1FA40] =	vst v63  }
0x51: {  	_ =	swait.ge [sflag:s0], $0x3200  }
0x52: {  	[sflag:s0] =	ssyncset.done $0x0  }
0x53: {  	[sflag:s0] =	ssyncadd.s32 $0xFFFFCE00  }
0x54: {  	[spmem:s1] =	stream.indirect.scatter.add.f32 [tilespmem:s23], [sflag:$0x4], $0x20, s26, s26, $0xb8;
	[tilespmem:$0x1FA40] =	vst v63  }
0x55: {  	_ =	swait.ge [sflag:s25], $0x3200  }
0x56: {  	s7 =	sadd.s32 $0xFFFFE82C, s22;
	[sflag:s25] =	ssyncset.done $0x0  }
0x57: {  	s10 =	sadd.s32 $0x1838, s7;
	[sflag:s25] =	ssyncadd.s32 $0xFFFFCE00  }
0x58: {  	[tilespmem:s3], [sflag:$0x4] =	stream.linear.gather [hbm4b:s10+s3], $0x190, $0x38;
	[tilespmem:$0x1FA40] =	vst v63  }
0x59: {  	s6 =	sadd.s32 s15, s19;
	_ =	swait.ge [sflag:s25], $0x190  }
0x5a: {  	s8 =	sadd.s32 $0xFFFFE82C, s6;
	[sflag:s25] =	ssyncset.done $0x0  }
0x5b: {  	s9 =	sadd.s32 $0x1838, s8;
	[sflag:s25] =	ssyncadd.s32 $0xFFFFFE70  }
0x5c: {  	[tilespmem:s26], [sflag:$0x4] =	stream.linear.gather [hbm4b:s9+s3], $0x190, $0x38;
	[tilespmem:$0x1FA40] =	vst v63  }
0x5d: {  	_ =	swait.ge [sflag:s25], $0x190  }
0x5e: {  	[sflag:s25] =	ssyncset.done $0x0  }
0x5f: {  	[sflag:s25] =	ssyncadd.s32 $0xFFFFFE70  }
0x60: {  	[tilespmem:s23], [sflag:$0x1] =	stream.indirect.gather [hbm4b:s16+s26], $0x20, s3, s26, $0xb8;
	[tilespmem:$0x1FA40] =	vst v63  }
0x61: {  	_ =	swait.ge [sflag:s2], $0x3200  }
0x62: {  	[sflag:s2] =	ssyncset.done $0x0  }
0x63: {  	[sflag:s2] =	ssyncadd.s32 $0xFFFFCE00  }
0x64: {  	[spmem:s1] =	stream.indirect.scatter.add.f32 [tilespmem:s31], [sflag:$0x4], $0x20, s29, s26, $0xb8;
	[tilespmem:$0x1FA40] =	vst v63  }
0x65: {  	_ =	swait.ge [sflag:s25], $0x3200  }
0x66: {  	[sflag:s25] =	ssyncset.done $0x0  }
0x67: {  	s7 =	sadd.s32 $0x186A, s7;
	[sflag:s25] =	ssyncadd.s32 $0xFFFFCE00  }
0x68: {  	[tilespmem:s28], [sflag:$0x3] =	stream.linear.gather [hbm4b:s7+s3], $0x190, $0x38;
	[tilespmem:$0x1FA40] =	vst v63  }
0x69: {  	s8 =	sadd.s32 $0x186A, s8;
	s7 =	simm.s32 $0xFFFFE890  }
.LBB2_4:
0x6a: {  	[tilespmem:s29], [sflag:$0x3] =	stream.linear.gather [hbm4b:s8+s3], $0x190, $0x38;
	[tilespmem:$0x1FA40] =	vst v63  }
0x6b: {  	s8 =	smov.u32 s7  }
0x6c: {  	p0 =	sne.s32 s7, $0xFFFFFF9C;
	s7 =	sadd.s32 $0x64, s7;
	_ =	swait.ge [sflag:s30], $0x190  }
0x6d: {  	[sflag:s30] =	ssyncset.done $0x0  }
0x6e: {  	[sflag:s30] =	ssyncadd.s32 $0xFFFFFE70  }
0x6f: {  	_ =	swait.ge [sflag:s30], $0x190  }
0x70: {  	[sflag:s30] =	ssyncset.done $0x0  }
0x71: {  	[sflag:s30] =	ssyncadd.s32 $0xFFFFFE70  }
0x72: {  	[tilespmem:s31], [sflag:$0x2] =	stream.indirect.gather [hbm4b:s16+s26], $0x20, s28, s26, $0xb8;
	[tilespmem:$0x1FA40] =	vst v63  }
0x73: {  	_ =	swait.ge [sflag:s0], $0x3200  }
0x74: {  	[sflag:s0] =	ssyncset.done $0x0  }
0x75: {  	[sflag:s0] =	ssyncadd.s32 $0xFFFFCE00  }
0x76: {  	[spmem:s1] =	stream.indirect.scatter.add.f32 [tilespmem:s23], [sflag:$0x4], $0x20, s26, s26, $0xb8;
	[tilespmem:$0x1FA40] =	vst v63  }
0x77: {  	_ =	swait.ge [sflag:s25], $0x3200  }
0x78: {  	s9 =	sadd.s32 s8, s22;
	[sflag:s25] =	ssyncset.done $0x0  }
0x79: {  	s10 =	sadd.s32 $0x1838, s9;
	[sflag:s25] =	ssyncadd.s32 $0xFFFFCE00  }
0x7a: {  	[tilespmem:s3], [sflag:$0x4] =	stream.linear.gather [hbm4b:s10+s3], $0x190, $0x38;
	[tilespmem:$0x1FA40] =	vst v63  }
0x7b: {  	_ =	swait.ge [sflag:s25], $0x190  }
0x7c: {  	s8 =	sadd.s32 s8, s6;
	[sflag:s25] =	ssyncset.done $0x0  }
0x7d: {  	s10 =	sadd.s32 $0x1838, s8;
	[sflag:s25] =	ssyncadd.s32 $0xFFFFFE70  }
0x7e: {  	[tilespmem:s26], [sflag:$0x4] =	stream.linear.gather [hbm4b:s10+s3], $0x190, $0x38;
	[tilespmem:$0x1FA40] =	vst v63  }
0x7f: {  	_ =	swait.ge [sflag:s25], $0x190  }
0x80: {  	[sflag:s25] =	ssyncset.done $0x0  }
0x81: {  	[sflag:s25] =	ssyncadd.s32 $0xFFFFFE70  }
0x82: {  	[tilespmem:s23], [sflag:$0x1] =	stream.indirect.gather [hbm4b:s16+s26], $0x20, s3, s26, $0xb8;
	[tilespmem:$0x1FA40] =	vst v63  }
0x83: {  	_ =	swait.ge [sflag:s2], $0x3200  }
0x84: {  	[sflag:s2] =	ssyncset.done $0x0  }
0x85: {  	[sflag:s2] =	ssyncadd.s32 $0xFFFFCE00  }
0x86: {  	[spmem:s1] =	stream.indirect.scatter.add.f32 [tilespmem:s31], [sflag:$0x4], $0x20, s29, s26, $0xb8;
	[tilespmem:$0x1FA40] =	vst v63  }
.Ltmp1:
0x87: {  	_ =	swait.ge [sflag:s25], $0x3200;
	(pc) =	sbr.rel @p0 .LBB2_4-.Ltmp1, $4  }
0x88: {  	[sflag:s25] =	ssyncset.done $0x0  }
0x89: {  	s9 =	sadd.s32 $0x186A, s9;
	[sflag:s25] =	ssyncadd.s32 $0xFFFFCE00  }
0x8a: {  	[tilespmem:s28], [sflag:$0x3] =	stream.linear.gather [hbm4b:s9+s3], $0x190, $0x38;
	[tilespmem:$0x1FA40] =	vst v63  }
0x8b: {  	s8 =	sadd.s32 $0x186A, s8  }
0x8c: {  	[tilespmem:s29], [sflag:$0x3] =	stream.linear.gather [hbm4b:s8+s3], $0x190, $0x38;
	[tilespmem:$0x1FA40] =	vst v63  }
0x8d: {  	_ =	swait.ge [sflag:s30], $0x190  }
0x8e: {  	[sflag:s30] =	ssyncset.done $0x0  }
0x8f: {  	[sflag:s30] =	ssyncadd.s32 $0xFFFFFE70  }
0x90: {  	_ =	swait.ge [sflag:s30], $0x190  }
0x91: {  	[sflag:s30] =	ssyncset.done $0x0  }
0x92: {  	[sflag:s30] =	ssyncadd.s32 $0xFFFFFE70  }
0x93: {  	[tilespmem:s31], [sflag:$0x2] =	stream.indirect.gather [hbm4b:s16+s26], $0x20, s28, s26, $0xb8;
	[tilespmem:$0x1FA40] =	vst v63  }
0x94: {  	_ =	swait.ge [sflag:s0], $0x3200  }
0x95: {  	[sflag:s0] =	ssyncset.done $0x0  }
0x96: {  	[sflag:s0] =	ssyncadd.s32 $0xFFFFCE00  }
0x97: {  	[spmem:s1] =	stream.indirect.scatter.add.f32 [tilespmem:s23], [sflag:$0x4], $0x20, s26, s26, $0xb8;
	[tilespmem:$0x1FA40] =	vst v63  }
0x98: {  	_ =	swait.ge [sflag:s25], $0x3200  }
0x99: {  	[sflag:s25] =	ssyncset.done $0x0  }
0x9a: {  	[sflag:s25] =	ssyncadd.s32 $0xFFFFCE00  }
0x9b: {  	[tilespmem:s3], [sflag:$0x4] =	stream.linear.gather [hbm4b:s21+s3], $0x190, $0x38;
	[tilespmem:$0x1FA40] =	vst v63  }
0x9c: {  	_ =	swait.ge [sflag:s25], $0x190  }
0x9d: {  	[sflag:s25] =	ssyncset.done $0x0  }
0x9e: {  	s6 =	sadd.s32 s15, s18;
	[sflag:s25] =	ssyncadd.s32 $0xFFFFFE70  }
0x9f: {  	[tilespmem:s26], [sflag:$0x4] =	stream.linear.gather [hbm4b:s6+s3], $0x190, $0x38;
	[tilespmem:$0x1FA40] =	vst v63  }
0xa0: {  	_ =	swait.ge [sflag:s25], $0x190  }
0xa1: {  	[sflag:s25] =	ssyncset.done $0x0  }
0xa2: {  	[sflag:s25] =	ssyncadd.s32 $0xFFFFFE70  }
0xa3: {  	[tilespmem:s23], [sflag:$0x1] =	stream.indirect.gather [hbm4b:s16+s26], $0x20, s3, s26, $0xb8;
	[tilespmem:$0x1FA40] =	vst v63  }
0xa4: {  	_ =	swait.ge [sflag:s2], $0x3200  }
0xa5: {  	[sflag:s2] =	ssyncset.done $0x0  }
0xa6: {  	[sflag:s2] =	ssyncadd.s32 $0xFFFFCE00  }
0xa7: {  	[spmem:s1] =	stream.indirect.scatter.add.f32 [tilespmem:s31], [sflag:$0x4], $0x20, s29, s26, $0xb8;
	[tilespmem:$0x1FA40] =	vst v63  }
0xa8: {  	_ =	swait.ge [sflag:s25], $0x3200  }
0xa9: {  	[sflag:s25] =	ssyncset.done $0x0  }
0xaa: {  	[sflag:s25] =	ssyncadd.s32 $0xFFFFCE00  }
0xab: {  	_ =	swait.ge [sflag:s0], $0x3200  }
0xac: {  	[sflag:s0] =	ssyncset.done $0x0  }
0xad: {  	[sflag:s0] =	ssyncadd.s32 $0xFFFFCE00  }
0xae: {  	[spmem:s1] =	stream.indirect.scatter.add.f32 [tilespmem:s23], [sflag:$0x4], $0x20, s26, s26, $0xb8;
	[tilespmem:$0x1FA40] =	vst v63  }
0xaf: {  	s10 =	stileid.u32;
	_ =	swait.ge [sflag:s25], $0x3200  }
0xb0: {  	s7 =	sshrl.u32 s4, $0x3;
	s5 =	sadd.s32 $0x1, s5;
	[sflag:s25] =	ssyncset.done $0x0  }
0xb1: {  	p0 =	sne.s32 s5, s20;
	s6 =	sshll.u32 s10, $0x6;
	[sflag:s25] =	ssyncadd.s32 $0xFFFFCE00  }
.Ltmp2:
0xb2: {  	s6 =	sor.u32 $0x1C04, s6;
	[bflag:$0x0] =	sbarrier.arrive $0xFFFF;
	(pc) =	sbr.rel @p0 .LBB2_1-.Ltmp2, $4  }
0xb3: {  	[hbm:s24], [sflag:s6] =	dma.local [spmem:s7], $0x3200  }
0xb4: {  	_ =	swait.ge [sflag:s25], $0x3200  }
0xb5: {  	[sflag:s25] =	ssyncset.done $0x0  }
0xb6: {  	[sflag:s25] =	ssyncadd.s32 $0xFFFFCE00  }
0xb7: {  	_ =	sfence.sel $0x180000  }
0xb8: {  	[bflag:$0x0] =	sbarrier.arrive $0xFFFF  }
0xb9: {  	_ =	strace $0x9000004D  }
0xba: {  	s0 =	stileid.u32;
	[bflag:$0x2] =	sbarrier.arrive $0xFFFF  }
0xbb: {  	p0 =	sne.s32 s0, $0x0;
	s0 =	rddreg [dreg:$0x2]  }
0xbc: {  	s0 =	sadd.s32 @!p0 $0x100000, s0  }
0xbd: {  	[sflag:s0] =	ssyncadd.tile.s32 @!p0 $0x1;
	_ =	shalt  }
.Lfunc_end2:
_tile_overlayer_lowered:
.L_overlay_start_2:
0xbe: {  	(tag) =	ssettag $0x2  }
0xbf: {  	s0 =	rddreg [dreg:$0x0];
	s2 =	stileid.u32  }
0xc0: {  	s1 =	rddreg [dreg:$0x1];
	p0 =	sne.s32 s2, $0x0  }
0xc1: {  	s3 =	rddreg [dreg:$0x2];
	[bflag:$0x3] =	sbarrier.arrive $0xFFFF;
	s2 =	simm.s32 @!p0 $0x1C04  }
0xc2: {  	[timem:s3], [sflag:s2] =	dma.local @!p0 [hbm:s0], s1  }
0xc3: {  	s0 =	simm.s32 @!p0 $0x4  }
0xc4: {  	_ =	swait.ge @!p0 [sflag:s0], s1  }
0xc5: {  	s1 =	ssub.s32 @!p0 $0x0, s1;
	[sflag:s0] =	ssyncset.done @!p0 $0x0  }
0xc6: {  	[sflag:s0] =	ssyncadd.s32 @!p0 s1  }
0xc7: {  	[bflag:$0x3] =	sbarrier.arrive $0xFFFF  }
0xc8: {  	_ =	shalt  }

// kernel: kernel.19.cloned.1.call-start
scs
__scs_entry_jumppad:
0x0: {  	(pc) =	sbr.rel $0x88, $3  }
0x1: {  	(tag) =	ssettag $0x0;
	lr =	simm.s32 $0x1  }
0x2: {  	[smem:$0x3F8F] =	sst lr;
	_ =	strace $0xD0000000  }
0x3: {  	_ = 	snop  }
0x4: {  	_ = 	snop  }
0x5: {  	_ = 	snop  }
0x6: {  	_ = 	snop  }
0x7: {  	_ = 	snop  }
__scs_overlays_trampoline_lowered:
0x8: {  	[smem:$0x3F9E] =	sst s0  }
0x9: {  	[smem:$0x3F9F] =	sst s1  }
0xa: {  	[smem:$0x3FA0] =	sst s2  }
0xb: {  	[smem:$0x3FA1] =	sst s3  }
0xc: {  	[smem:$0x3FA2] =	sst s4  }
0xd: {  	[smem:$0x3FA3] =	sst s5  }
0xe: {  	[smem:$0x3FA4] =	sst s6  }
0xf: {  	[smem:$0x3FA5] =	sst s7  }
0x10: {  	[smem:$0x3FA6] =	sst s8  }
0x11: {  	[smem:$0x3FA7] =	sst s9;
	s0 =	simm.s32 @!p0 $0x0  }
0x12: {  	s1 =	sld [smem:$0x3F8D];
	s0 =	simm.s32 @p0 $0x1  }
0x13: {  	[smem:$0x3FA8] =	sst s0;
	s0 =	simm.s32 @!p1 $0x0  }
0x14: {  	s2 =	sld [smem:$0x3F8C];
	s0 =	simm.s32 @p1 $0x1  }
0x15: {  	[smem:$0x3FA9] =	sst s0;
	s0 =	simm.s32 @!p2 $0x0  }
0x16: {  	s3 =	sld [smem:$0x3FDB];
	s0 =	simm.s32 @p2 $0x1  }
0x17: {  	s4 =	simm.s32 $0x1BF5;
	[smem:$0x3FAB] =	sst s0  }
0x18: {  	s0 =	sld [smem:$0x3F8E];
	_ =	swait.ge [sflag:s4], $0x0  }
0x19: {  	s7 =	sld [smem:$0x3F8F]  }
0x1a: {  	s8 =	sadd.s32 $0xFFFFE003, lr  }
0x1b: {  	s9 =	sadd.s32 $0xFFFFFEF7, lr;
	s5 =	simm.s32 $0xFFFFFFFF;
	p2 =	slt.u32 s8, $0xFFFFF086  }
0x1c: {  	p1 =	slt.u32 s9, $0xF7A;
	s5 =	simm.s32 @!p2 $0x0  }
0x1d: {  	s5 =	simm.s32 @p1 $0x1;
	p0 =	seq.s32 s7, s2  }
0x1e: {  	s7 =	smul.u32 @!p0 $0xF7A, s2;
	p2 =	seq.s32 @!p0 s5, $0x0  }
0x1f: {  	s9 =	smul.u32 $0xF7A, s1;
	s8 =	simm.s32 @!p0 $0x1BF5;
	p2 =	por !p2, p0  }
0x20: {  	[sflag:s8] =	ssyncset.s32 @!p0 $0xFFFFF086;
	s6 =	sadd.s32 @!p0 s3, s7;
	s7 =	simm.s32 @!p0 $0x108  }
0x21: {  	s3 =	sadd.s32 s3, s9;
	s6 =	sadd.s32 @!p0 $0x88, s6;
	s7 =	simm.s32 @p2 $0x1082  }
0x22: {  	[simem:s7], [sflag:s8] =	dma.local @!p0 [hbm:s6], $0xF7A  }
0x23: {  	s9 =	sor.u32 $0xD0000000, s2;
	s6 =	simm.s32 $0x108;
	_ =	swait.ge @!p0 [sflag:s8], $0x0  }
0x24: {  	s3 =	sadd.s32 $0x88, s3;
	s6 =	simm.s32 @!p1 $0x1082;
	[sflag:s4] =	ssyncset.s32 $0xFFFFF086  }
0x25: {  	[simem:s6], [sflag:s4] =	dma.local [hbm:s3], $0xF7A  }
0x26: {  	[smem:$0x3F8F] =	sst s1;
	(tag) =	ssettag s2;
	_ =	strace s9  }
0x27: {  	s1 =	sld [smem:$0x3F9F]  }
0x28: {  	s2 =	sld [smem:$0x3FA0]  }
0x29: {  	s4 =	sld [smem:$0x3FA2]  }
0x2a: {  	p0 =	seq.s32 s5, $0x0;
	s5 =	sld [smem:$0x3FA3]  }
0x2b: {  	s6 =	sld [smem:$0x3FA4]  }
0x2c: {  	s7 =	sld [smem:$0x3FA5]  }
0x2d: {  	s3 =	simm.s32 $0x108;
	s8 =	sld [smem:$0x3FA6]  }
0x2e: {  	s3 =	simm.s32 @!p0 $0x1082;
	s9 =	sld [smem:$0x3FA7]  }
0x2f: {  	lr =	sadd.s32 s0, s3;
	s0 =	sld [smem:$0x3F9E]  }
0x30: {  	s3 =	sld [smem:$0x3FA1]  }
0x31: {  	[smem:$0x3FAA] =	sst s10  }
0x32: {  	s10 =	sld [smem:$0x3FA8];
	_ =	sdelay $0x3  }
0x33: {  	p0 =	seq.s32 s10, $0x1;
	s10 =	sld [smem:$0x3FAA];
	_ =	sdelay $0x3  }
0x34: {  	[smem:$0x3FAA] =	sst s10  }
0x35: {  	s10 =	sld [smem:$0x3FA9];
	_ =	sdelay $0x3  }
0x36: {  	p1 =	seq.s32 s10, $0x1;
	s10 =	sld [smem:$0x3FAA];
	_ =	sdelay $0x3  }
0x37: {  	[smem:$0x3FAA] =	sst s10  }
0x38: {  	s10 =	sld [smem:$0x3FAB]  }
0x39: {  	_ = 	snop;
	(pc) =	sbr.ind lr, $3  }
0x3a: {  	_ = 	snop  }
0x3b: {  	_ = 	snop  }
0x3c: {  	p2 =	seq.s32 s10, $0x1;
	s10 =	sld [smem:$0x3FAA]  }
0x3d: {  	_ =	shalt  }
0x3e: {  	_ =	shalt  }
0x3f: {  	_ =	shalt  }
0x40: {  	_ =	shalt  }
0x41: {  	_ =	shalt  }
0x42: {  	_ =	shalt  }
0x43: {  	_ =	shalt  }
0x44: {  	_ =	shalt  }
0x45: {  	_ =	shalt  }
0x46: {  	_ =	shalt  }
0x47: {  	_ =	shalt  }
0x48: {  	_ =	shalt  }
0x49: {  	_ =	shalt  }
0x4a: {  	_ =	shalt  }
0x4b: {  	_ =	shalt  }
0x4c: {  	_ =	shalt  }
0x4d: {  	_ =	shalt  }
0x4e: {  	_ =	shalt  }
0x4f: {  	_ =	shalt  }
0x50: {  	_ =	shalt  }
0x51: {  	_ =	shalt  }
0x52: {  	_ =	shalt  }
0x53: {  	_ =	shalt  }
0x54: {  	_ =	shalt  }
0x55: {  	_ =	shalt  }
0x56: {  	_ =	shalt  }
0x57: {  	_ =	shalt  }
0x58: {  	_ =	shalt  }
0x59: {  	_ =	shalt  }
0x5a: {  	_ =	shalt  }
0x5b: {  	_ =	shalt  }
0x5c: {  	_ =	shalt  }
0x5d: {  	_ =	shalt  }
0x5e: {  	_ =	shalt  }
0x5f: {  	_ =	shalt  }
0x60: {  	_ =	shalt  }
0x61: {  	_ =	shalt  }
0x62: {  	_ =	shalt  }
0x63: {  	_ =	shalt  }
0x64: {  	_ =	shalt  }
0x65: {  	_ =	shalt  }
0x66: {  	_ =	shalt  }
0x67: {  	_ =	shalt  }
0x68: {  	_ =	shalt  }
0x69: {  	_ =	shalt  }
0x6a: {  	_ =	shalt  }
0x6b: {  	_ =	shalt  }
0x6c: {  	_ =	shalt  }
0x6d: {  	_ =	shalt  }
0x6e: {  	_ =	shalt  }
0x6f: {  	_ =	shalt  }
0x70: {  	_ =	shalt  }
0x71: {  	_ =	shalt  }
0x72: {  	_ =	shalt  }
0x73: {  	_ =	shalt  }
0x74: {  	_ =	shalt  }
0x75: {  	_ =	shalt  }
0x76: {  	_ =	shalt  }
0x77: {  	_ =	shalt  }
0x78: {  	_ =	shalt  }
0x79: {  	_ =	shalt  }
0x7a: {  	_ =	shalt  }
0x7b: {  	_ =	shalt  }
0x7c: {  	_ =	shalt  }
0x7d: {  	_ =	shalt  }
0x7e: {  	_ =	shalt  }
0x7f: {  	_ =	shalt  }
0x80: {  	_ =	shalt  }
0x81: {  	_ =	shalt  }
0x82: {  	_ =	shalt  }
0x83: {  	_ =	shalt  }
0x84: {  	_ =	shalt  }
0x85: {  	_ =	shalt  }
0x86: {  	_ =	shalt  }
0x87: {  	_ =	shalt  }
.Lfunc_end0:
.L_simem_size_0:
called_computation.3_lowered:
.L_overlay_start_0:
0x88: {  	s2 =	sld [smem:$0x3FD9]  }
0x89: {  	s3 =	sld [smem:$0x3FFE];
	_ =	sdelay $0x1  }
0x8a: {  	s1 =	srdreg.scid  }
0x8b: {  	s0 =	sand.u32 $0x1, s1  }
0x8c: {  	s17 =	sshll.u32 s0, $0xA;
	s2 =	sadd.s32 s3, s2  }
0x8d: {  	s2 =	sadd.s32 s2, s17  }
0x8e: {  	[smem:$0x3FB6] =	sst s2  }
0x8f: {  	_ = 	snop  }
0x90: {  	(tm) =	ssettm $0x1  }
0x91: {  	s18 =	sld [smem:$0x3FFB];
	_ =	sdelay $0x3  }
0x92: {  	_ =	strace s18  }
0x93: {  	s2 =	sld [smem:$0x3FFC];
	_ =	sdelay $0x3  }
0x94: {  	_ =	strace s2  }
0x95: {  	s2 =	sld [smem:$0x3FFD];
	_ =	sdelay $0x3  }
0x96: {  	_ =	strace s2  }
0x97: {  	_ =	strace $0x8FFFFFFF  }
0x98: {  	s19 =	sld [smem:$0x3FDB];
	_ =	sdelay $0x1  }
0x99: {  	s20 =	simm.s32 $_scs_section_size  }
0x9a: {  	s4 =	simm.s32 $_size__tile_overlayer_lowered;
	s5 =	simm.s32 $_tile_overlayer_lowered  }
0x9b: {  	s6 =	simm.s32 $0x1BFF;
	s21 =	sshll.u32 s5, $0x1;
	s3 =	sadd.s32 s20, s19  }
0x9c: {  	s22 =	simm.s32 $0x0;
	s4 =	sshll.u32 s4, $0x1;
	s5 =	sadd.s32 s21, s3  }
0x9d: {  	[timem:s22], [sflag:s6] =	dma.local [hbm:s5], s4  }
0x9e: {  	_ =	swait.ge [sflag:s6], s4  }
0x9f: {  	s4 =	ssub.s32 $0x0, s4;
	[sflag:s6] =	ssyncset.done $0x0  }
0xa0: {  	[sflag:s6] =	ssyncadd.s32 s4;
	_ =	sdelay $0x1  }
0xa1: {  	s23 =	simm.s32 $0x1B8B  }
0xa2: {  	_ =	swait.ge [sflag:s23], $0x1  }
0xa3: {  	[sflag:s23] =	ssyncset.done $0x0  }
0xa4: {  	[sflag:s23] =	ssyncadd.s32 $0xFFFFFFFF  }
0xa5: {  	s4 =	sld [smem:$0x0]  }
0xa6: {  	s5 =	sand.u32 $0xFFFFFFFE, s1  }
0xa7: {  	p0 =	sne.s32 s1, s5  }
0xa8: {  	s5 =	sshll.u32 @p0 s5, $0xE  }
0xa9: {  	s5 =	sadd.s32 @p0 $0x11B8D, s5;
	s6 =	sshll.u32 @p0 s4, $0x11  }
0xaa: {  	s5 =	sor.u32 @p0 s6, s5  }
0xab: {  	[sflag:s5] =	ssyncadd.remote.s32 @p0 $0x1;
	_ =	sdelay $0x1  }
0xac: {  	s5 =	simm.s32 @p0 $0x1B8D  }
0xad: {  	_ =	swait.eq @p0 [sflag:s5], $0x1  }
0xae: {  	[sflag:s5] =	ssyncadd.s32 @p0 $0xFFFFFFFF  }
0xaf: {  	s6 =	sshll.u32 @!p0 s1, $0xE  }
0xb0: {  	s6 =	sor.u32 @!p0 $0x4000, s6;
	s5 =	simm.s32 @!p0 $0x1B8D  }
0xb1: {  	s4 =	sshll.u32 @!p0 s4, $0x11;
	s6 =	sadd.s32 @!p0 $0x11B8D, s6;
	_ =	swait.eq @!p0 [sflag:s5], $0x1  }
0xb2: {  	s4 =	sor.u32 @!p0 s4, s6;
	[sflag:s5] =	ssyncadd.s32 @!p0 $0xFFFFFFFF  }
0xb3: {  	s25 =	simm.s32 $0x1B8E;
	s24 =	sld [smem:$0x3FFE];
	[sflag:s4] =	ssyncadd.remote.s32 @!p0 $0x1  }
0xb4: {  	s26 =	simm.s32 $execute0_lowered;
	[smem:$0x3FD2] =	sst s25  }
0xb5: {  	s5 =	sshll.u32 s26, $0x1;
	_ =	strace $0x8000004F;
	[dreg:$0x1] =	wrdreg $0xFFFFFFFF  }
0xb6: {  	s28 =	simm.s32 $_size_execute0_lowered;
	s3 =	sadd.s32 s3, s5;
	[dreg:$0x0] =	wrdreg $0x0  }
0xb7: {  	s5 =	sshll.u32 s28, $0x1;
	[dreg:$0x2] =	wrdreg s3  }
0xb8: {  	[dreg:$0x3] =	wrdreg s5  }
0xb9: {  	[dreg:$0x4] =	wrdreg $0xC0  }
0xba: {  	_ =	task [dreg:s22], $0x5FFFF  }
0xbb: {  	[dreg:$0x1] =	wrdreg $0xFFFFFFFF  }
0xbc: {  	[dreg:$0x0] =	wrdreg $0x60  }
0xbd: {  	[dreg:$0x2] =	wrdreg s24  }
0xbe: {  	[dreg:$0x3] =	wrdreg $0x6A400  }
0xbf: {  	[dreg:$0x4] =	wrdreg $0xA  }
0xc0: {  	_ =	task.clear_ibuf [dreg:s22], $0x5FFFF;
	_ =	strace $0x9000004F  }
0xc1: {  	s29 =	simm.s32 $0xA;
	_ =	strace $0x80000051  }
0xc2: {  	_ =	swait.ge [sflag:s29], $0x1  }
0xc3: {  	[sflag:s29] =	ssyncadd.s32 $0xFFFFFFFF  }
0xc4: {  	_ =	strace $0x90000051  }
0xc5: {  	_ =	sfence  }
0xc6: {  	s30 =	sld [smem:$0x0];
	_ =	sdelay $0x2  }
0xc7: {  	s31 =	sshll.u32 s1, $0xD;
	s1 =	sshrl.u32 s1, $0x2  }
0xc8: {  	s4 =	sand.u32 $0x4000, s31;
	s1 =	sadd.s32 s1, s30  }
0xc9: {  	s0 =	sor.u32 s4, s0;
	s1 =	sshll.u32 s1, $0x11  }
0xca: {  	s0 =	sor.u32 s1, s0  }
0xcb: {  	s0 =	sadd.s32 $0x8F2B, s0  }
0xcc: {  	[sflag:s0] =	ssyncadd.remote.s32 $0x1  }
0xcd: {  	_ =	sfence.sel $0xFFFF  }
0xce: {  	[dreg:$0x0] =	wrdreg $0xFFFFFFFF;
	(pc) =	sbr.abs _section_cstart, $3  }
0xcf: {  	[dreg:$0x1] =	wrdreg $0xFFFFFFFF  }
0xd0: {  	_ =	task.clear_ibuf [dreg:s22], $0x2FFFF;
	_ =	strace $0x9FFFFFFF  }
0xd1: {  	(tm) =	ssettm $0x7FFFFFFF  }
tec
execute0_lowered:
.L_overlay_start_1:
0x0: {  	(tag) =	ssettag $0x1  }
0x1: {  	s0 =	rddreg [dreg:$0x0];
	s2 =	srdreg.scid  }
0x2: {  	s1 =	rddreg [dreg:$0x1];
	s3 =	simm.s32 $0x0;
	s9 =	stileid.u32  }
0x3: {  	s28 =	simm.s32 $0x320;
	s29 =	simm.s32 $0x4B0;
	s17 =	smul.u32 $0x64000, s9  }
0x4: {  	s30 =	simm.s32 $0x3;
	s31 =	simm.s32 $0x3840;
	s20 =	smul.u32 $0x19000, s9  }
0x5: {  	s2 =	sand.u32 $0x1, s2;
	[smem:$0x7FF] =	sst s3;
	s11 =	smul.u32 $0xC350, s9  }
0x6: {  	s6 =	sadd.s32 $0x3800, s0;
	s15 =	sadd.s32 $0x1BEA0, s0;
	s4 =	smul.u32 $0x30D40, s2  }
0x7: {  	_ =	strace $0x80000050;
	s7 =	smul.u32 $0x32000, s2;
	s2 =	ssub.s32 $0x2, s2  }
0x8: {  	s8 =	sshrl.u32 s2, $0x1;
	s11 =	sshrl.u32 s11, $0x3;
	s26 =	sshrl.u32 s20, $0x3  }
0x9: {  	s5 =	sadd.s32 s4, s0;
	s4 =	sshrl.u32 s17, $0x2;
	s7 =	sadd.s32 s7, s0  }
0xa: {  	s2 =	ssub.s32 s2, s8;
	s13 =	sadd.s32 s6, s11;
	s14 =	sadd.s32 $0x32, s11  }
0xb: {  	s0 =	simm.s32 $0x1;
	s18 =	sadd.s32 s4, s1;
	s4 =	sadd.s32 s20, s1  }
0xc: {  	s16 =	sadd.s32 $0x18D800, s5;
	s17 =	sadd.s32 s6, s14;
	s10 =	sadd.s32 $0x3200, s18  }
0xd: {  	s25 =	sadd.s32 $0x1EF400, s7;
	s19 =	sadd.s32 $0x6400, s18;
	[dreg:$0x3] =	wrdreg s10  }
0xe: {  	s20 =	smax.u32 s2, $0x1;
	s21 =	sadd.s32 $0x9600, s18;
	[dreg:$0x4] =	wrdreg s19  }
0xf: {  	s2 =	simm.s32 $0x2;
	s22 =	sadd.s32 $0xC800, s18;
	[dreg:$0x5] =	wrdreg s21  }
0x10: {  	s5 =	simm.s32 $0x0;
	s23 =	sadd.s32 $0xFA00, s18;
	[dreg:$0x6] =	wrdreg s22  }
0x11: {  	s24 =	sadd.s32 $0x12C00, s18;
	s12 =	sadd.s32 $0x15E00, s18;
	[dreg:$0x7] =	wrdreg s23  }
0x12: {  	s18 =	sadd.s32 $0x1838, s11;
	[dreg:$0x8] =	wrdreg s24;
	s19 =	smul.u32 $0x186A, s9  }
0x13: {  	s21 =	sadd.s32 s6, s18;
	s23 =	simm.s32 $0x640;
	s24 =	sadd.s32 s26, s25  }
0x14: {  	v0 =	vimm.f32 $0.0e+00;
	s25 =	simm.s32 $0x4;
	s26 =	simm.s32 $0x190;
	s22 =	sadd.s32 s19, s6  }
.LBB2_1:
0x15: {  	s6 =	simm.s32 $0x80;
	s7 =	simm.s32 $0x0  }
.LBB2_2:
0x16: {  	p0 =	sne.s32 s6, $0xC780;
	[tilespmem:s7+$0x640] =	vst v0;
	s8 =	smov.u32 s6;
	s6 =	sadd.s32 $0x80, s6  }
.Ltmp0:
0x17: {  	[tilespmem:s7+$0x650] =	vst v0;
	(pc) =	sbr.rel @p0 .LBB2_2-.Ltmp0, $2  }
0x18: {  	_ =	sdelay $0x2  }
0x19: {  	s7 =	sshra.s32 s8, $0x2  }
0x1a: {  	[tilespmem:s7+$0x640] =	vst v0  }
0x1b: {  	[tilespmem:s7+$0x650] =	vst v0  }
0x1c: {  	[spmem:s4] =	stream.linear.scatter [tilespmem:s23], [sflag:$0x4], $0x3200, $0x38;
	[tilespmem:$0x1FA40] =	vst v63  }
0x1d: {  	_ =	swait.ge [sflag:s25], $0x3200  }
0x1e: {  	[sflag:s25] =	ssyncset.done $0x0  }
0x1f: {  	s6 =	rddreg [dreg:$0x3];
	[sflag:s25] =	ssyncadd.s32 $0xFFFFCE00  }
0x20: {  	[spmem:s6] =	stream.linear.scatter [tilespmem:s23], [sflag:$0x4], $0x3200, $0x38;
	[tilespmem:$0x1FA40] =	vst v63  }
0x21: {  	_ =	swait.ge [sflag:s25], $0x3200  }
0x22: {  	[sflag:s25] =	ssyncset.done $0x0  }
0x23: {  	s7 =	rddreg [dreg:$0x4];
	[sflag:s25] =	ssyncadd.s32 $0xFFFFCE00  }
0x24: {  	[spmem:s7] =	stream.linear.scatter [tilespmem:s23], [sflag:$0x4], $0x3200, $0x38;
	[tilespmem:$0x1FA40] =	vst v63  }
0x25: {  	_ =	swait.ge [sflag:s25], $0x3200  }
0x26: {  	[sflag:s25] =	ssyncset.done $0x0  }
0x27: {  	s8 =	rddreg [dreg:$0x5];
	[sflag:s25] =	ssyncadd.s32 $0xFFFFCE00  }
0x28: {  	[spmem:s8] =	stream.linear.scatter [tilespmem:s23], [sflag:$0x4], $0x3200, $0x38;
	[tilespmem:$0x1FA40] =	vst v63  }
0x29: {  	_ =	swait.ge [sflag:s25], $0x3200  }
0x2a: {  	[sflag:s25] =	ssyncset.done $0x0  }
0x2b: {  	s9 =	rddreg [dreg:$0x6];
	[sflag:s25] =	ssyncadd.s32 $0xFFFFCE00  }
0x2c: {  	[spmem:s9] =	stream.linear.scatter [tilespmem:s23], [sflag:$0x4], $0x3200, $0x38;
	[tilespmem:$0x1FA40] =	vst v63  }
0x2d: {  	_ =	swait.ge [sflag:s25], $0x3200  }
0x2e: {  	[sflag:s25] =	ssyncset.done $0x0  }
0x2f: {  	s10 =	rddreg [dreg:$0x7];
	[sflag:s25] =	ssyncadd.s32 $0xFFFFCE00  }
0x30: {  	[spmem:s10] =	stream.linear.scatter [tilespmem:s23], [sflag:$0x4], $0x3200, $0x38;
	[tilespmem:$0x1FA40] =	vst v63  }
0x31: {  	_ =	swait.ge [sflag:s25], $0x3200  }
0x32: {  	[sflag:s25] =	ssyncset.done $0x0  }
0x33: {  	s7 =	rddreg [dreg:$0x8];
	[sflag:s25] =	ssyncadd.s32 $0xFFFFCE00  }
0x34: {  	[spmem:s7] =	stream.linear.scatter [tilespmem:s23], [sflag:$0x4], $0x3200, $0x38;
	[tilespmem:$0x1FA40] =	vst v63  }
0x35: {  	_ =	swait.ge [sflag:s25], $0x3200  }
0x36: {  	[sflag:s25] =	ssyncset.done $0x0  }
0x37: {  	[sflag:s25] =	ssyncadd.s32 $0xFFFFCE00  }
0x38: {  	[spmem:s12] =	stream.linear.scatter [tilespmem:s23], [sflag:$0x4], $0x3200, $0x38;
	[tilespmem:$0x1FA40] =	vst v63  }
0x39: {  	_ =	swait.ge [sflag:s25], $0x3200  }
0x3a: {  	[sflag:s25] =	ssyncset.done $0x0  }
0x3b: {  	[sflag:s25] =	ssyncadd.s32 $0xFFFFCE00  }
0x3c: {  	[bflag:$0x0] =	sbarrier.arrive $0xFFFF  }
0x3d: {  	[tilespmem:s3], [sflag:$0x4] =	stream.linear.gather [hbm4b:s13+s3], $0x190, $0x38;
	[tilespmem:$0x1FA40] =	vst v63  }
0x3e: {  	_ =	swait.ge [sflag:s25], $0x190  }
0x3f: {  	[sflag:s25] =	ssyncset.done $0x0  }
0x40: {  	s8 =	sadd.s32 s11, s15;
	[sflag:s25] =	ssyncadd.s32 $0xFFFFFE70  }
0x41: {  	[tilespmem:s26], [sflag:$0x4] =	stream.linear.gather [hbm4b:s8+s3], $0x190, $0x38;
	[tilespmem:$0x1FA40] =	vst v63  }
0x42: {  	_ =	swait.ge [sflag:s25], $0x190  }
0x43: {  	[sflag:s25] =	ssyncset.done $0x0  }
0x44: {  	[sflag:s25] =	ssyncadd.s32 $0xFFFFFE70  }
0x45: {  	[tilespmem:s23], [sflag:$0x1] =	stream.indirect.gather [hbm4b:s16+s26], $0x20, s3, s26, $0xb8;
	[tilespmem:$0x1FA40] =	vst v63  }
0x46: {  	_ = 	snop  }
0x47: {  	[tilespmem:s28], [sflag:$0x3] =	stream.linear.gather [hbm4b:s17+s3], $0x190, $0x38;
	[tilespmem:$0x1FA40] =	vst v63  }
0x48: {  	s9 =	sadd.s32 s14, s15  }
0x49: {  	[tilespmem:s29], [sflag:$0x3] =	stream.linear.gather [hbm4b:s9+s3], $0x190, $0x38;
	[tilespmem:$0x1FA40] =	vst v63  }
0x4a: {  	_ =	swait.ge [sflag:s30], $0x190  }
0x4b: {  	[sflag:s30] =	ssyncset.done $0x0  }
0x4c: {  	[sflag:s30] =	ssyncadd.s32 $0xFFFFFE70  }
0x4d: {  	_ =	swait.ge [sflag:s30], $0x190  }
0x4e: {  	[sflag:s30] =	ssyncset.done $0x0  }
0x4f: {  	[sflag:s30] =	ssyncadd.s32 $0xFFFFFE70  }
0x50: {  	[tilespmem:s31], [sflag:$0x2] =	stream.indirect.gather [hbm4b:s16+s26], $0x20, s28, s26, $0xb8;
	[tilespmem:$0x1FA40] =	vst v63  }
0x51: {  	_ =	swait.ge [sflag:s0], $0x3200  }
0x52: {  	[sflag:s0] =	ssyncset.done $0x0  }
0x53: {  	[sflag:s0] =	ssyncadd.s32 $0xFFFFCE00  }
0x54: {  	[spmem:s1] =	stream.indirect.scatter.add.f32 [tilespmem:s23], [sflag:$0x4], $0x20, s26, s26, $0xb8;
	[tilespmem:$0x1FA40] =	vst v63  }
0x55: {  	_ =	swait.ge [sflag:s25], $0x3200  }
0x56: {  	s7 =	sadd.s32 $0xFFFFE82C, s22;
	[sflag:s25] =	ssyncset.done $0x0  }
0x57: {  	s10 =	sadd.s32 $0x1838, s7;
	[sflag:s25] =	ssyncadd.s32 $0xFFFFCE00  }
0x58: {  	[tilespmem:s3], [sflag:$0x4] =	stream.linear.gather [hbm4b:s10+s3], $0x190, $0x38;
	[tilespmem:$0x1FA40] =	vst v63  }
0x59: {  	s6 =	sadd.s32 s15, s19;
	_ =	swait.ge [sflag:s25], $0x190  }
0x5a: {  	s8 =	sadd.s32 $0xFFFFE82C, s6;
	[sflag:s25] =	ssyncset.done $0x0  }
0x5b: {  	s9 =	sadd.s32 $0x1838, s8;
	[sflag:s25] =	ssyncadd.s32 $0xFFFFFE70  }
0x5c: {  	[tilespmem:s26], [sflag:$0x4] =	stream.linear.gather [hbm4b:s9+s3], $0x190, $0x38;
	[tilespmem:$0x1FA40] =	vst v63  }
0x5d: {  	_ =	swait.ge [sflag:s25], $0x190  }
0x5e: {  	[sflag:s25] =	ssyncset.done $0x0  }
0x5f: {  	[sflag:s25] =	ssyncadd.s32 $0xFFFFFE70  }
0x60: {  	[tilespmem:s23], [sflag:$0x1] =	stream.indirect.gather [hbm4b:s16+s26], $0x20, s3, s26, $0xb8;
	[tilespmem:$0x1FA40] =	vst v63  }
0x61: {  	_ =	swait.ge [sflag:s2], $0x3200  }
0x62: {  	[sflag:s2] =	ssyncset.done $0x0  }
0x63: {  	[sflag:s2] =	ssyncadd.s32 $0xFFFFCE00  }
0x64: {  	[spmem:s1] =	stream.indirect.scatter.add.f32 [tilespmem:s31], [sflag:$0x4], $0x20, s29, s26, $0xb8;
	[tilespmem:$0x1FA40] =	vst v63  }
0x65: {  	_ =	swait.ge [sflag:s25], $0x3200  }
0x66: {  	[sflag:s25] =	ssyncset.done $0x0  }
0x67: {  	s7 =	sadd.s32 $0x186A, s7;
	[sflag:s25] =	ssyncadd.s32 $0xFFFFCE00  }
0x68: {  	[tilespmem:s28], [sflag:$0x3] =	stream.linear.gather [hbm4b:s7+s3], $0x190, $0x38;
	[tilespmem:$0x1FA40] =	vst v63  }
0x69: {  	s8 =	sadd.s32 $0x186A, s8;
	s7 =	simm.s32 $0xFFFFE890  }
.LBB2_4:
0x6a: {  	[tilespmem:s29], [sflag:$0x3] =	stream.linear.gather [hbm4b:s8+s3], $0x190, $0x38;
	[tilespmem:$0x1FA40] =	vst v63  }
0x6b: {  	s8 =	smov.u32 s7  }
0x6c: {  	p0 =	sne.s32 s7, $0xFFFFFF9C;
	s7 =	sadd.s32 $0x64, s7;
	_ =	swait.ge [sflag:s30], $0x190  }
0x6d: {  	[sflag:s30] =	ssyncset.done $0x0  }
0x6e: {  	[sflag:s30] =	ssyncadd.s32 $0xFFFFFE70  }
0x6f: {  	_ =	swait.ge [sflag:s30], $0x190  }
0x70: {  	[sflag:s30] =	ssyncset.done $0x0  }
0x71: {  	[sflag:s30] =	ssyncadd.s32 $0xFFFFFE70  }
0x72: {  	[tilespmem:s31], [sflag:$0x2] =	stream.indirect.gather [hbm4b:s16+s26], $0x20, s28, s26, $0xb8;
	[tilespmem:$0x1FA40] =	vst v63  }
0x73: {  	_ =	swait.ge [sflag:s0], $0x3200  }
0x74: {  	[sflag:s0] =	ssyncset.done $0x0  }
0x75: {  	[sflag:s0] =	ssyncadd.s32 $0xFFFFCE00  }
0x76: {  	[spmem:s1] =	stream.indirect.scatter.add.f32 [tilespmem:s23], [sflag:$0x4], $0x20, s26, s26, $0xb8;
	[tilespmem:$0x1FA40] =	vst v63  }
0x77: {  	_ =	swait.ge [sflag:s25], $0x3200  }
0x78: {  	s9 =	sadd.s32 s8, s22;
	[sflag:s25] =	ssyncset.done $0x0  }
0x79: {  	s10 =	sadd.s32 $0x1838, s9;
	[sflag:s25] =	ssyncadd.s32 $0xFFFFCE00  }
0x7a: {  	[tilespmem:s3], [sflag:$0x4] =	stream.linear.gather [hbm4b:s10+s3], $0x190, $0x38;
	[tilespmem:$0x1FA40] =	vst v63  }
0x7b: {  	_ =	swait.ge [sflag:s25], $0x190  }
0x7c: {  	s8 =	sadd.s32 s8, s6;
	[sflag:s25] =	ssyncset.done $0x0  }
0x7d: {  	s10 =	sadd.s32 $0x1838, s8;
	[sflag:s25] =	ssyncadd.s32 $0xFFFFFE70  }
0x7e: {  	[tilespmem:s26], [sflag:$0x4] =	stream.linear.gather [hbm4b:s10+s3], $0x190, $0x38;
	[tilespmem:$0x1FA40] =	vst v63  }
0x7f: {  	_ =	swait.ge [sflag:s25], $0x190  }
0x80: {  	[sflag:s25] =	ssyncset.done $0x0  }
0x81: {  	[sflag:s25] =	ssyncadd.s32 $0xFFFFFE70  }
0x82: {  	[tilespmem:s23], [sflag:$0x1] =	stream.indirect.gather [hbm4b:s16+s26], $0x20, s3, s26, $0xb8;
	[tilespmem:$0x1FA40] =	vst v63  }
0x83: {  	_ =	swait.ge [sflag:s2], $0x3200  }
0x84: {  	[sflag:s2] =	ssyncset.done $0x0  }
0x85: {  	[sflag:s2] =	ssyncadd.s32 $0xFFFFCE00  }
0x86: {  	[spmem:s1] =	stream.indirect.scatter.add.f32 [tilespmem:s31], [sflag:$0x4], $0x20, s29, s26, $0xb8;
	[tilespmem:$0x1FA40] =	vst v63  }
.Ltmp1:
0x87: {  	_ =	swait.ge [sflag:s25], $0x3200;
	(pc) =	sbr.rel @p0 .LBB2_4-.Ltmp1, $4  }
0x88: {  	[sflag:s25] =	ssyncset.done $0x0  }
0x89: {  	s9 =	sadd.s32 $0x186A, s9;
	[sflag:s25] =	ssyncadd.s32 $0xFFFFCE00  }
0x8a: {  	[tilespmem:s28], [sflag:$0x3] =	stream.linear.gather [hbm4b:s9+s3], $0x190, $0x38;
	[tilespmem:$0x1FA40] =	vst v63  }
0x8b: {  	s8 =	sadd.s32 $0x186A, s8  }
0x8c: {  	[tilespmem:s29], [sflag:$0x3] =	stream.linear.gather [hbm4b:s8+s3], $0x190, $0x38;
	[tilespmem:$0x1FA40] =	vst v63  }
0x8d: {  	_ =	swait.ge [sflag:s30], $0x190  }
0x8e: {  	[sflag:s30] =	ssyncset.done $0x0  }
0x8f: {  	[sflag:s30] =	ssyncadd.s32 $0xFFFFFE70  }
0x90: {  	_ =	swait.ge [sflag:s30], $0x190  }
0x91: {  	[sflag:s30] =	ssyncset.done $0x0  }
0x92: {  	[sflag:s30] =	ssyncadd.s32 $0xFFFFFE70  }
0x93: {  	[tilespmem:s31], [sflag:$0x2] =	stream.indirect.gather [hbm4b:s16+s26], $0x20, s28, s26, $0xb8;
	[tilespmem:$0x1FA40] =	vst v63  }
0x94: {  	_ =	swait.ge [sflag:s0], $0x3200  }
0x95: {  	[sflag:s0] =	ssyncset.done $0x0  }
0x96: {  	[sflag:s0] =	ssyncadd.s32 $0xFFFFCE00  }
0x97: {  	[spmem:s1] =	stream.indirect.scatter.add.f32 [tilespmem:s23], [sflag:$0x4], $0x20, s26, s26, $0xb8;
	[tilespmem:$0x1FA40] =	vst v63  }
0x98: {  	_ =	swait.ge [sflag:s25], $0x3200  }
0x99: {  	[sflag:s25] =	ssyncset.done $0x0  }
0x9a: {  	[sflag:s25] =	ssyncadd.s32 $0xFFFFCE00  }
0x9b: {  	[tilespmem:s3], [sflag:$0x4] =	stream.linear.gather [hbm4b:s21+s3], $0x190, $0x38;
	[tilespmem:$0x1FA40] =	vst v63  }
0x9c: {  	_ =	swait.ge [sflag:s25], $0x190  }
0x9d: {  	[sflag:s25] =	ssyncset.done $0x0  }
0x9e: {  	s6 =	sadd.s32 s15, s18;
	[sflag:s25] =	ssyncadd.s32 $0xFFFFFE70  }
0x9f: {  	[tilespmem:s26], [sflag:$0x4] =	stream.linear.gather [hbm4b:s6+s3], $0x190, $0x38;
	[tilespmem:$0x1FA40] =	vst v63  }
0xa0: {  	_ =	swait.ge [sflag:s25], $0x190  }
0xa1: {  	[sflag:s25] =	ssyncset.done $0x0  }
0xa2: {  	[sflag:s25] =	ssyncadd.s32 $0xFFFFFE70  }
0xa3: {  	[tilespmem:s23], [sflag:$0x1] =	stream.indirect.gather [hbm4b:s16+s26], $0x20, s3, s26, $0xb8;
	[tilespmem:$0x1FA40] =	vst v63  }
0xa4: {  	_ =	swait.ge [sflag:s2], $0x3200  }
0xa5: {  	[sflag:s2] =	ssyncset.done $0x0  }
0xa6: {  	[sflag:s2] =	ssyncadd.s32 $0xFFFFCE00  }
0xa7: {  	[spmem:s1] =	stream.indirect.scatter.add.f32 [tilespmem:s31], [sflag:$0x4], $0x20, s29, s26, $0xb8;
	[tilespmem:$0x1FA40] =	vst v63  }
0xa8: {  	_ =	swait.ge [sflag:s25], $0x3200  }
0xa9: {  	[sflag:s25] =	ssyncset.done $0x0  }
0xaa: {  	[sflag:s25] =	ssyncadd.s32 $0xFFFFCE00  }
0xab: {  	_ =	swait.ge [sflag:s0], $0x3200  }
0xac: {  	[sflag:s0] =	ssyncset.done $0x0  }
0xad: {  	[sflag:s0] =	ssyncadd.s32 $0xFFFFCE00  }
0xae: {  	[spmem:s1] =	stream.indirect.scatter.add.f32 [tilespmem:s23], [sflag:$0x4], $0x20, s26, s26, $0xb8;
	[tilespmem:$0x1FA40] =	vst v63  }
0xaf: {  	s10 =	stileid.u32;
	_ =	swait.ge [sflag:s25], $0x3200  }
0xb0: {  	s7 =	sshrl.u32 s4, $0x3;
	s5 =	sadd.s32 $0x1, s5;
	[sflag:s25] =	ssyncset.done $0x0  }
0xb1: {  	p0 =	sne.s32 s5, s20;
	s6 =	sshll.u32 s10, $0x6;
	[sflag:s25] =	ssyncadd.s32 $0xFFFFCE00  }
.Ltmp2:
0xb2: {  	s6 =	sor.u32 $0x1C04, s6;
	[bflag:$0x0] =	sbarrier.arrive $0xFFFF;
	(pc) =	sbr.rel @p0 .LBB2_1-.Ltmp2, $4  }
0xb3: {  	[hbm:s24], [sflag:s6] =	dma.local [spmem:s7], $0x3200  }
0xb4: {  	_ =	swait.ge [sflag:s25], $0x3200  }
0xb5: {  	[sflag:s25] =	ssyncset.done $0x0  }
0xb6: {  	[sflag:s25] =	ssyncadd.s32 $0xFFFFCE00  }
0xb7: {  	_ =	sfence.sel $0x180000  }
0xb8: {  	[bflag:$0x0] =	sbarrier.arrive $0xFFFF  }
0xb9: {  	_ =	strace $0x90000050  }
0xba: {  	s0 =	stileid.u32;
	[bflag:$0x2] =	sbarrier.arrive $0xFFFF  }
0xbb: {  	p0 =	sne.s32 s0, $0x0;
	s0 =	rddreg [dreg:$0x2]  }
0xbc: {  	s0 =	sadd.s32 @!p0 $0x100000, s0  }
0xbd: {  	[sflag:s0] =	ssyncadd.tile.s32 @!p0 $0x1;
	_ =	shalt  }
.Lfunc_end2:
_tile_overlayer_lowered:
.L_overlay_start_2:
0xbe: {  	(tag) =	ssettag $0x2  }
0xbf: {  	s0 =	rddreg [dreg:$0x0];
	s2 =	stileid.u32  }
0xc0: {  	s1 =	rddreg [dreg:$0x1];
	p0 =	sne.s32 s2, $0x0  }
0xc1: {  	s3 =	rddreg [dreg:$0x2];
	[bflag:$0x3] =	sbarrier.arrive $0xFFFF;
	s2 =	simm.s32 @!p0 $0x1C04  }
0xc2: {  	[timem:s3], [sflag:s2] =	dma.local @!p0 [hbm:s0], s1  }
0xc3: {  	s0 =	simm.s32 @!p0 $0x4  }
0xc4: {  	_ =	swait.ge @!p0 [sflag:s0], s1  }
0xc5: {  	s1 =	ssub.s32 @!p0 $0x0, s1;
	[sflag:s0] =	ssyncset.done @!p0 $0x0  }
0xc6: {  	[sflag:s0] =	ssyncadd.s32 @!p0 s1  }
0xc7: {  	[bflag:$0x3] =	sbarrier.arrive $0xFFFF  }
0xc8: {  	_ =	shalt  }

</sc_bundles>
